<compile_context>
chip_gen: v7x
topology: tpu7x:2x2x1
jax: 0.10.2.dev20260603
libtpu: 0.0.44.dev20260713+nightly
codegen_flags: <defaults>
</compile_context>

<pallas_src>
import functools

import jax
import jax.numpy as jnp
from jax import lax
from jax.experimental import pallas as pl
from jax.experimental.pallas import tpu as pltpu
from jax.experimental.pallas import tpu_sc as plsc


N_NODES = 10000
NP = 10240
E_EDGES = 160000
EP = 163840
PW = EP // 32
K = 128
NCH = PW // K
RPS = NP // 16
MLP_BLK = 8000
TC_BLK = 1280

_SC_MESH = plsc.VectorSubcoreMesh(core_axis_name="c", subcore_axis_name="s",
                                  num_cores=2, num_subcores=16)



def _tc_stage_body(x_ref, w_ref, asrc_ref, adst_ref,
                   h_ref, ts_ref, td_ref, wself_ref, sacc_ref):
    h = x_ref[...] @ w_ref[...]
    ts = h @ asrc_ref[...]
    td = h @ adst_ref[...]
    e = ts + td
    ws = jnp.exp(jnp.maximum(e, 0.2 * e))
    h_ref[...] = h
    ts_ref[...] = ts
    td_ref[...] = td
    wself_ref[...] = ws
    sacc_ref[...] = h * ws


def _tc_stage(x, W, a_src, a_dst):
    cin, c = W.shape
    grid = (NP // TC_BLK,)
    return pl.pallas_call(
        _tc_stage_body,
        grid=grid,
        in_specs=[
            pl.BlockSpec((TC_BLK, cin), lambda i: (i, 0)),
            pl.BlockSpec((cin, c), lambda i: (0, 0)),
            pl.BlockSpec((c, 1), lambda i: (0, 0)),
            pl.BlockSpec((c, 1), lambda i: (0, 0)),
        ],
        out_specs=[
            pl.BlockSpec((TC_BLK, c), lambda i: (i, 0)),
            pl.BlockSpec((TC_BLK, 1), lambda i: (i, 0)),
            pl.BlockSpec((TC_BLK, 1), lambda i: (i, 0)),
            pl.BlockSpec((TC_BLK, 1), lambda i: (i, 0)),
            pl.BlockSpec((TC_BLK, c), lambda i: (i, 0)),
        ],
        out_shape=[
            jax.ShapeDtypeStruct((NP, c), jnp.float32),
            jax.ShapeDtypeStruct((NP, 1), jnp.float32),
            jax.ShapeDtypeStruct((NP, 1), jnp.float32),
            jax.ShapeDtypeStruct((NP, 1), jnp.float32),
            jax.ShapeDtypeStruct((NP, c), jnp.float32),
        ],
    )(x, W, a_src.reshape(-1, 1), a_dst.reshape(-1, 1))


def _tc_combine_stage_body(al_ref, ar_ref, d_ref, b_ref,
                           w_ref, asrc_ref, adst_ref,
                           h_ref, ts_ref, td_ref, wself_ref, sacc_ref):
    acc = jnp.concatenate([al_ref[...], ar_ref[...]], axis=-1)
    x = acc / (d_ref[...] + 1e-16) + b_ref[...]
    h = x @ w_ref[...]
    ts = h @ asrc_ref[...]
    td = h @ adst_ref[...]
    e = ts + td
    ws = jnp.exp(jnp.maximum(e, 0.2 * e))
    h_ref[...] = h
    ts_ref[...] = ts
    td_ref[...] = td
    wself_ref[...] = ws
    sacc_ref[...] = h * ws


def _tc_combine_stage(acc_cat, den, b, W, a_src, a_dst):
    cin, c = W.shape
    hcin = cin // 2
    nb = NP // TC_BLK
    grid = (nb,)
    return pl.pallas_call(
        _tc_combine_stage_body,
        grid=grid,
        in_specs=[
            pl.BlockSpec((TC_BLK, hcin), lambda i: (i, 0)),
            pl.BlockSpec((TC_BLK, hcin), lambda i: (i + NP // TC_BLK, 0)),
            pl.BlockSpec((TC_BLK, 1), lambda i: (i, 0)),
            pl.BlockSpec((1, cin), lambda i: (0, 0)),
            pl.BlockSpec((cin, c), lambda i: (0, 0)),
            pl.BlockSpec((c, 1), lambda i: (0, 0)),
            pl.BlockSpec((c, 1), lambda i: (0, 0)),
        ],
        out_specs=[
            pl.BlockSpec((TC_BLK, c), lambda i: (i, 0)),
            pl.BlockSpec((TC_BLK, 1), lambda i: (i, 0)),
            pl.BlockSpec((TC_BLK, 1), lambda i: (i, 0)),
            pl.BlockSpec((TC_BLK, 1), lambda i: (i, 0)),
            pl.BlockSpec((TC_BLK, c), lambda i: (i, 0)),
        ],
        out_shape=[
            jax.ShapeDtypeStruct((NP, c), jnp.float32),
            jax.ShapeDtypeStruct((NP, 1), jnp.float32),
            jax.ShapeDtypeStruct((NP, 1), jnp.float32),
            jax.ShapeDtypeStruct((NP, 1), jnp.float32),
            jax.ShapeDtypeStruct((NP, c), jnp.float32),
        ],
    )(acc_cat, acc_cat, den.reshape(-1, 1), b.reshape(1, -1), W,
      a_src.reshape(-1, 1), a_dst.reshape(-1, 1))


def _tc_combine_body(a0_ref, a1_ref, d0_ref, d1_ref, b_ref, out_ref):
    out_ref[...] = ((a0_ref[...] + a1_ref[...])
                    / (d0_ref[...] + d1_ref[...] + 1e-16) + b_ref[...])


def _tc_combine(acc_cat, den_cat, b):
    c = acc_cat.shape[1]
    grid = (NP // TC_BLK,)
    return pl.pallas_call(
        _tc_combine_body,
        grid=grid,
        in_specs=[
            pl.BlockSpec((TC_BLK, c), lambda i: (i, 0)),
            pl.BlockSpec((TC_BLK, c), lambda i: (i + NP // TC_BLK, 0)),
            pl.BlockSpec((TC_BLK, 1), lambda i: (i, 0)),
            pl.BlockSpec((TC_BLK, 1), lambda i: (i + NP // TC_BLK, 0)),
            pl.BlockSpec((1, c), lambda i: (0, 0)),
        ],
        out_specs=pl.BlockSpec((TC_BLK, c), lambda i: (i, 0)),
        out_shape=jax.ShapeDtypeStruct((NP, c), jnp.float32),
    )(acc_cat, acc_cat, den_cat.reshape(-1, 1), den_cat.reshape(-1, 1),
      b.reshape(1, -1))



def _iota16():
    return lax.iota(jnp.int32, 16)


NCH2 = EP // 16 // K


def _make_sc_aggregate(c):
    hc = c // 2

    def body(hcat_hbm, ts_hbm, td_hbm, src_hbm, dst_hbm,
             init_hbm, wself_hbm,
             acc_out, den_out,
             ts_v, td_v, src_v, dst_v, w_v, rows0, rows1,
             acc_sh, den_sh, sem0, sem1):
        cid = lax.axis_index("c")
        sid = lax.axis_index("s")
        r0 = sid * RPS
        pltpu.sync_copy(init_hbm.at[pl.ds(cid * NP + r0, RPS)],
                        acc_sh.at[pl.ds(r0, RPS)])
        pltpu.sync_copy(wself_hbm.at[pl.ds(r0, RPS)],
                        den_sh.at[pl.ds(r0, RPS)])

        pltpu.sync_copy(ts_hbm, ts_v)
        pltpu.sync_copy(td_hbm, td_v)
        pltpu.sync_copy(src_hbm.at[pl.ds(sid * NCH2, NCH2)], src_v)
        pltpu.sync_copy(dst_hbm.at[pl.ds(sid * NCH2, NCH2)], dst_v)

        off = jnp.full((16,), cid * NP, jnp.int32)

        def wchunk(i, _):
            for j in range(K // 16):
                sl = pl.ds(j * 16, 16)
                sidx = src_v[i, sl]
                didx = dst_v[i, sl]
                e = (plsc.load_gather(ts_v, [sidx])
                     + plsc.load_gather(td_v, [didx]))
                w_v[i, sl] = jnp.exp(jnp.maximum(e, 0.2 * e))
                src_v[i, sl] = sidx + off
            return 0

        lax.fori_loop(0, NCH2, wchunk, 0)
        plsc.subcore_barrier()

        pltpu.async_copy(hcat_hbm.at[src_v.at[0]], rows0, sem0)

        def chunk(i, cur, csem, pf, nxt, nsem):
            pltpu.make_async_copy(hcat_hbm.at[src_v.at[i]], cur, csem).wait()

            @pl.when(pf < NCH2)
            def _():
                pltpu.async_copy(hcat_hbm.at[src_v.at[pf]], nxt, nsem)

            @plsc.parallel_loop(0, K, unroll=8)
            def mul_row(e2):
                wb = plsc.load_gather(
                    w_v, [jnp.full((16,), i, jnp.int32),
                          jnp.full((16,), e2, jnp.int32)])
                for jj in range(hc // 16):
                    sl2 = pl.ds(jj * 16, 16)
                    cur[e2, sl2] = cur[e2, sl2] * wb
            pltpu.sync_copy(cur, acc_sh.at[dst_v.at[i]], add=True)
            pltpu.sync_copy(w_v.at[i], den_sh.at[dst_v.at[i]], add=True)

        def pair(p, _):
            i0 = p * 2
            chunk(i0, rows0, sem0, i0 + 1, rows1, sem1)
            chunk(i0 + 1, rows1, sem1, i0 + 2, rows0, sem0)
            return 0

        lax.fori_loop(0, NCH2 // 2, pair, 0)
        plsc.subcore_barrier()
        pltpu.sync_copy(acc_sh.at[pl.ds(r0, RPS)],
                        acc_out.at[pl.ds(cid * NP + r0, RPS)])
        pltpu.sync_copy(den_sh.at[pl.ds(r0, RPS)],
                        den_out.at[pl.ds(cid * NP + r0, RPS)])

    return pl.kernel(
        body,
        out_type=[
            jax.ShapeDtypeStruct((2 * NP, hc), jnp.float32),
            jax.ShapeDtypeStruct((2 * NP,), jnp.float32),
        ],
        mesh=_SC_MESH,
        compiler_params=pltpu.CompilerParams(needs_layout_passes=False, use_tc_tiling_on_sc=False),
        scratch_types=[
            pltpu.VMEM((NP,), jnp.float32),
            pltpu.VMEM((NP,), jnp.float32),
            pltpu.VMEM((NCH2, K), jnp.int32),
            pltpu.VMEM((NCH2, K), jnp.int32),
            pltpu.VMEM((NCH2, K), jnp.float32),
            pltpu.VMEM((K, hc), jnp.float32),
            pltpu.VMEM((K, hc), jnp.float32),
            pltpu.VMEM_SHARED((NP, hc), jnp.float32),
            pltpu.VMEM_SHARED((NP,), jnp.float32),
            pltpu.SemaphoreType.DMA,
            pltpu.SemaphoreType.DMA,
        ],
    )



def _make_sc_aggregate_es(c):

    def body(h_hbm, ts_hbm, td_hbm, src_hbm, dst_hbm,
             initcat_hbm, wscat_hbm,
             acc_out, den_out,
             ts_v, td_v, src_v, dst_v, w_v, rows0, rows1,
             acc_sh, den_sh, sem0, sem1):
        cid = lax.axis_index("c")
        sid = lax.axis_index("s")
        wid = cid * 16 + sid
        r0 = sid * RPS
        pltpu.sync_copy(initcat_hbm.at[pl.ds(cid * NP + r0, RPS)],
                        acc_sh.at[pl.ds(r0, RPS)])
        pltpu.sync_copy(wscat_hbm.at[pl.ds(cid * NP + r0, RPS)],
                        den_sh.at[pl.ds(r0, RPS)])

        pltpu.sync_copy(ts_hbm, ts_v)
        pltpu.sync_copy(td_hbm, td_v)
        pltpu.sync_copy(src_hbm.at[pl.ds(wid * NCH, NCH)], src_v)
        pltpu.sync_copy(dst_hbm.at[pl.ds(wid * NCH, NCH)], dst_v)

        def wchunk(i, _):
            for j in range(K // 16):
                sl = pl.ds(j * 16, 16)
                sidx = src_v[i, sl]
                didx = dst_v[i, sl]
                e = (plsc.load_gather(ts_v, [sidx])
                     + plsc.load_gather(td_v, [didx]))
                w_v[i, sl] = jnp.exp(jnp.maximum(e, 0.2 * e))
            return 0

        lax.fori_loop(0, NCH, wchunk, 0)
        plsc.subcore_barrier()

        pltpu.async_copy(h_hbm.at[src_v.at[0]], rows0, sem0)

        def chunk(i, cur, csem, pf, nxt, nsem):
            pltpu.make_async_copy(h_hbm.at[src_v.at[i]], cur, csem).wait()

            @pl.when(pf < NCH)
            def _():
                pltpu.async_copy(h_hbm.at[src_v.at[pf]], nxt, nsem)

            @plsc.parallel_loop(0, K, unroll=8)
            def mul_row(e2):
                wb = plsc.load_gather(
                    w_v, [jnp.full((16,), i, jnp.int32),
                          jnp.full((16,), e2, jnp.int32)])
                for jj in range(c // 16):
                    sl2 = pl.ds(jj * 16, 16)
                    cur[e2, sl2] = cur[e2, sl2] * wb
            pltpu.sync_copy(cur, acc_sh.at[dst_v.at[i]], add=True)
            pltpu.sync_copy(w_v.at[i], den_sh.at[dst_v.at[i]], add=True)

        def pair(p, _):
            i0 = p * 2
            chunk(i0, rows0, sem0, i0 + 1, rows1, sem1)
            chunk(i0 + 1, rows1, sem1, i0 + 2, rows0, sem0)
            return 0

        lax.fori_loop(0, NCH // 2, pair, 0)
        plsc.subcore_barrier()
        pltpu.sync_copy(acc_sh.at[pl.ds(r0, RPS)],
                        acc_out.at[pl.ds(cid * NP + r0, RPS)])
        pltpu.sync_copy(den_sh.at[pl.ds(r0, RPS)],
                        den_out.at[pl.ds(cid * NP + r0, RPS)])

    return pl.kernel(
        body,
        out_type=[
            jax.ShapeDtypeStruct((2 * NP, c), jnp.float32),
            jax.ShapeDtypeStruct((2 * NP,), jnp.float32),
        ],
        mesh=_SC_MESH,
        compiler_params=pltpu.CompilerParams(needs_layout_passes=False, use_tc_tiling_on_sc=False),
        scratch_types=[
            pltpu.VMEM((NP,), jnp.float32),
            pltpu.VMEM((NP,), jnp.float32),
            pltpu.VMEM((NCH, K), jnp.int32),
            pltpu.VMEM((NCH, K), jnp.int32),
            pltpu.VMEM((NCH, K), jnp.float32),
            pltpu.VMEM((K, c), jnp.float32),
            pltpu.VMEM((K, c), jnp.float32),
            pltpu.VMEM_SHARED((NP, c), jnp.float32),
            pltpu.VMEM_SHARED((NP,), jnp.float32),
            pltpu.SemaphoreType.DMA,
            pltpu.SemaphoreType.DMA,
        ],
    )



def _make_sc_pair_gather():

    def body(h_hbm, src_hbm, dst_hbm, hrc_out,
             h3_v, src_v, dst_v, rbuf):
        cid = lax.axis_index("c")
        sid = lax.axis_index("s")
        wid = cid * 16 + sid
        pltpu.sync_copy(h_hbm, h3_v)
        pltpu.sync_copy(src_hbm.at[pl.ds(wid * NCH, NCH)], src_v)
        pltpu.sync_copy(dst_hbm.at[pl.ds(wid * NCH, NCH)], dst_v)

        lanes = _iota16()
        e2 = lanes >> 3
        sel = (lanes >> 2) & 1
        f4 = lanes & 3

        def chunk(i, _):
            irow = jnp.full((16,), i, jnp.int32)

            @plsc.parallel_loop(0, K // 2, unroll=4)
            def grp(g):
                eloc = g * 2 + e2
                nr = plsc.load_gather(src_v, [irow, eloc])
                nc = plsc.load_gather(dst_v, [irow, eloc])
                node = jnp.where(sel == 1, nc, nr)
                rbuf[pl.ds(g * 16, 16)] = plsc.load_gather(h3_v, [node, f4])

            base = (wid * PW + i * K) * 8
            pltpu.sync_copy(rbuf, hrc_out.at[pl.ds(base, K * 8)])
            return 0

        lax.fori_loop(0, NCH, chunk, 0)

    return pl.kernel(
        body,
        out_type=jax.ShapeDtypeStruct((EP * 8,), jnp.float32),
        mesh=_SC_MESH,
        compiler_params=pltpu.CompilerParams(needs_layout_passes=False, use_tc_tiling_on_sc=False),
        scratch_types=[
            pltpu.VMEM((NP, 4), jnp.float32),
            pltpu.VMEM((NCH, K), jnp.int32),
            pltpu.VMEM((NCH, K), jnp.int32),
            pltpu.VMEM((K * 8,), jnp.float32),
        ],
    )


_sc_agg_128 = _make_sc_aggregate(128)
_sc_agg_64 = _make_sc_aggregate(64)
_sc_agg_16 = _make_sc_aggregate_es(16)
_sc_pair = _make_sc_pair_gather()



def _mlp_body(hrc_ref, ea_ref, w1p_ref, w1e_ref, b1_ref,
              w2_ref, b2_ref, w3_ref, b3_ref, out_ref):
    z = (jnp.dot(hrc_ref[...].astype(jnp.bfloat16), w1p_ref[...],
                 preferred_element_type=jnp.float32)
         + jnp.dot(ea_ref[...].astype(jnp.bfloat16), w1e_ref[...],
                   preferred_element_type=jnp.float32) + b1_ref[...])
    z = jnp.maximum(z, 0.0)
    z = jnp.dot(z.astype(jnp.bfloat16), w2_ref[...],
                preferred_element_type=jnp.float32) + b2_ref[...]
    z = jnp.maximum(z, 0.0)
    z = jnp.dot(z.astype(jnp.bfloat16), w3_ref[...],
                preferred_element_type=jnp.float32) + b3_ref[...]
    out_ref[...] = ea_ref[...] + z


def _edge_mlp(hrc, ea, Wm1, bm1, Wm2, bm2, Wm3, bm3):
    E = ea.shape[0]
    hid = Wm1.shape[1]
    edim = Wm3.shape[1]
    grid = (E // MLP_BLK,)
    return pl.pallas_call(
        _mlp_body,
        grid=grid,
        in_specs=[
            pl.BlockSpec((MLP_BLK, 8), lambda i: (i, 0)),
            pl.BlockSpec((MLP_BLK, 16), lambda i: (i, 0)),
            pl.BlockSpec((8, hid), lambda i: (0, 0)),
            pl.BlockSpec((16, hid), lambda i: (0, 0)),
            pl.BlockSpec((1, hid), lambda i: (0, 0)),
            pl.BlockSpec((hid, hid), lambda i: (0, 0)),
            pl.BlockSpec((1, hid), lambda i: (0, 0)),
            pl.BlockSpec((hid, edim), lambda i: (0, 0)),
            pl.BlockSpec((1, edim), lambda i: (0, 0)),
        ],
        out_specs=pl.BlockSpec((MLP_BLK, edim), lambda i: (i, 0)),
        out_shape=jax.ShapeDtypeStruct((E, edim), jnp.float32),
    )(hrc, ea,
      Wm1[:8].astype(jnp.bfloat16), Wm1[8:].astype(jnp.bfloat16),
      bm1.reshape(1, -1),
      Wm2.astype(jnp.bfloat16), bm2.reshape(1, -1),
      Wm3.astype(jnp.bfloat16), bm3.reshape(1, -1))



def kernel(x, edge_index, edge_attr, W1, a_src1, a_dst1, b1, W2, a_src2, a_dst2, b2, W3, a_src3, a_dst3, b3, Wm1, bm1, Wm2, bm2, Wm3, bm3):
    N = x.shape[0]
    npad = EP - E_EDGES
    pad_i = jnp.arange(npad, dtype=jnp.int32)
    src = jnp.concatenate([edge_index[0].astype(jnp.int32), pad_i % N])
    dst = jnp.concatenate([edge_index[1].astype(jnp.int32),
                           N + (pad_i % (NP - N))])
    src2d = src.reshape(EP // K, K)
    dst2d = dst.reshape(EP // K, K)
    xp = jnp.concatenate(
        [x, jnp.zeros((NP - N, x.shape[1]), jnp.float32)], axis=0)

    zn = jnp.zeros((NP,), jnp.float32)
    flat = lambda a: a.reshape(-1)
    cat = lambda a: jnp.concatenate(
        [a[:, :a.shape[1] // 2], a[:, a.shape[1] // 2:]], axis=0)

    h, ts, td, ws, sacc = _tc_stage(xp, W1, a_src1, a_dst1)
    acc_cat, den = _sc_agg_128(cat(h), flat(ts), flat(td), src2d, dst2d,
                               cat(sacc), flat(ws))
    h, ts, td, ws, sacc = _tc_combine_stage(acc_cat, den[:NP], b1,
                                            W2, a_src2, a_dst2)
    acc_cat, den = _sc_agg_64(cat(h), flat(ts), flat(td), src2d, dst2d,
                              cat(sacc), flat(ws))
    W3p = jnp.pad(W3, ((0, 0), (0, 12)))
    a_src3p = jnp.pad(a_src3, (0, 12))
    a_dst3p = jnp.pad(a_dst3, (0, 12))
    b3p = jnp.pad(b3, (0, 12))
    h, ts, td, ws, sacc = _tc_combine_stage(acc_cat, den[:NP], b2,
                                            W3p, a_src3p, a_dst3p)
    acc_cat, den_cat = _sc_agg_16(
        h, flat(ts), flat(td), src2d, dst2d,
        jnp.concatenate([sacc, jnp.zeros((NP, 16), jnp.float32)], axis=0),
        jnp.concatenate([flat(ws), zn]))
    h3 = _tc_combine(acc_cat, den_cat, b3p)[:, :4]
    hrc = _sc_pair(h3, src2d, dst2d).reshape(EP, 8)
    return _edge_mlp(hrc[:E_EDGES], edge_attr,
                     Wm1, bm1, Wm2, bm2, Wm3, bm3)

# --- scband reference (transcript-rebuilt; emitter-appended) ---
"""Pipeline reference for scband-edge-net-738734375748 (READ-ONLY COPY).

The authoritative reference and input builder live on the scoring server;
editing this copy changes nothing except your own understanding.
"""

import jax, jax.numpy as jnp
import numpy as np


def gat_conv(x, src, dst, N, W, a_src, a_dst, b):
    # PyG GATConv, heads=1, concat=True, negative_slope=0.2, self-loops already appended to src/dst
    h = x @ W
    e = (h * a_src).sum(-1)[src] + (h * a_dst).sum(-1)[dst]
    e = jax.nn.leaky_relu(e, negative_slope=0.2)
    m = jax.ops.segment_max(e, dst, num_segments=N)
    ex = jnp.exp(e - m[dst])
    denom = jax.ops.segment_sum(ex, dst, num_segments=N)
    alpha = ex / (denom[dst] + 1e-16)
    out = jax.ops.segment_sum(alpha[:, None] * h[src], dst, num_segments=N)
    return out + b


def setup_inputs(seed: int = 0):
    key = jax.random.key(seed)
    ks = jax.random.split(key, 24)
    N, E = 10000, 160000
    in_ch, hid, edim = 128, 256, 16
    c1, c2, c3 = 128, 64, 4  # conv_out, conv_out2, conv_out3
    x = jax.random.normal(ks[0], (N, 2 * in_ch), dtype=jnp.float32)
    edge_index = jax.random.randint(ks[1], (2, E), 0, N)
    edge_attr = jax.random.normal(ks[2], (E, edim), dtype=jnp.float32)
    W1 = jax.random.normal(ks[3], (2 * in_ch, c1), dtype=jnp.float32) / np.sqrt(2 * in_ch)
    a_src1 = jax.random.normal(ks[4], (c1,), dtype=jnp.float32) * 0.1
    a_dst1 = jax.random.normal(ks[5], (c1,), dtype=jnp.float32) * 0.1
    b1 = jnp.zeros((c1,), dtype=jnp.float32)
    W2 = jax.random.normal(ks[6], (c1, c2), dtype=jnp.float32) / np.sqrt(c1)
    a_src2 = jax.random.normal(ks[7], (c2,), dtype=jnp.float32) * 0.1
    a_dst2 = jax.random.normal(ks[8], (c2,), dtype=jnp.float32) * 0.1
    b2 = jnp.zeros((c2,), dtype=jnp.float32)
    W3 = jax.random.normal(ks[9], (c2, c3), dtype=jnp.float32) / np.sqrt(c2)
    a_src3 = jax.random.normal(ks[10], (c3,), dtype=jnp.float32) * 0.1
    a_dst3 = jax.random.normal(ks[11], (c3,), dtype=jnp.float32) * 0.1
    b3 = jnp.zeros((c3,), dtype=jnp.float32)
    Wm1 = jax.random.normal(ks[12], (2 * c3 + edim, hid), dtype=jnp.float32) / np.sqrt(2 * c3 + edim)
    bm1 = jnp.zeros((hid,), dtype=jnp.float32)
    Wm2 = jax.random.normal(ks[13], (hid, hid), dtype=jnp.float32) / np.sqrt(hid)
    bm2 = jnp.zeros((hid,), dtype=jnp.float32)
    Wm3 = jax.random.normal(ks[14], (hid, edim), dtype=jnp.float32) / np.sqrt(hid)
    bm3 = jnp.zeros((edim,), dtype=jnp.float32)
    return {"x": x, "edge_index": edge_index, "edge_attr": edge_attr,
            "W1": W1, "a_src1": a_src1, "a_dst1": a_dst1, "b1": b1,
            "W2": W2, "a_src2": a_src2, "a_dst2": a_dst2, "b2": b2,
            "W3": W3, "a_src3": a_src3, "a_dst3": a_dst3, "b3": b3,
            "Wm1": Wm1, "bm1": bm1, "Wm2": Wm2, "bm2": bm2, "Wm3": Wm3, "bm3": bm3}


def reference(x, edge_index, edge_attr, W1, a_src1, a_dst1, b1, W2, a_src2, a_dst2, b2, W3, a_src3, a_dst3, b3, Wm1, bm1, Wm2, bm2, Wm3, bm3):
    N = x.shape[0]
    row, col = edge_index[0], edge_index[1]
    loop = jnp.arange(N)
    src = jnp.concatenate([row, loop])
    dst = jnp.concatenate([col, loop])
    h = gat_conv(x, src, dst, N, W1, a_src1, a_dst1, b1)
    h = gat_conv(h, src, dst, N, W2, a_src2, a_dst2, b2)
    h = gat_conv(h, src, dst, N, W3, a_src3, a_dst3, b3)
    ef = jnp.concatenate([h[row], h[col], edge_attr], axis=-1)
    z = jax.nn.relu(ef @ Wm1 + bm1)
    z = jax.nn.relu(z @ Wm2 + bm2)
    z = z @ Wm3 + bm3
    return edge_attr + z

if __name__ == "__main__":
    import jax
    _d = setup_inputs()
    print(jax.jit(kernel)(*tuple(_d.values())))

</pallas_src>

<mosaic_0001>
#map = affine_map<(d0, d1) -> (0, 0)>
#map1 = affine_map<(d0, d1) -> (0)>
module attributes {stable_mosaic.version = 14 : i64} {
  func.func @body(%arg0: i32, %arg1: i32, %arg2: memref<20480x64xf32, #tpu.memory_space<hbm>>, %arg3: memref<10240xf32, #tpu.memory_space<hbm>>, %arg4: memref<10240xf32, #tpu.memory_space<hbm>>, %arg5: memref<1280x128xi32, #tpu.memory_space<hbm>>, %arg6: memref<1280x128xi32, #tpu.memory_space<hbm>>, %arg7: memref<20480x64xf32, #tpu.memory_space<hbm>>, %arg8: memref<10240xf32, #tpu.memory_space<hbm>>, %arg9: memref<20480x64xf32, #tpu.memory_space<hbm>>, %arg10: memref<20480xf32, #tpu.memory_space<hbm>>, %arg11: memref<10240xf32, #tpu.memory_space<vmem>>, %arg12: memref<10240xf32, #tpu.memory_space<vmem>>, %arg13: memref<80x128xi32, #tpu.memory_space<vmem>>, %arg14: memref<80x128xi32, #tpu.memory_space<vmem>>, %arg15: memref<80x128xf32, #tpu.memory_space<vmem>>, %arg16: memref<128x64xf32, #tpu.memory_space<vmem>>, %arg17: memref<128x64xf32, #tpu.memory_space<vmem>>, %arg18: memref<10240x64xf32, #tpu.memory_space<vmem_shared>>, %arg19: memref<10240xf32, #tpu.memory_space<vmem_shared>>, %arg20: memref<!tpu.dma_semaphore, #tpu.memory_space<semaphore_mem>>, %arg21: memref<!tpu.dma_semaphore, #tpu.memory_space<semaphore_mem>>) attributes {dimension_semantics = [#tpu.dimension_semantics<core_parallel>, #tpu.dimension_semantics<subcore_parallel>], iteration_bounds = array<i64: 2, 16>, scalar_prefetch = 0 : i64, scratch_operands = 11 : i64, tpu.core_type = #tpu.core_type<sc_vector_subcore>, window_params = [{transform_indices = #map}, {transform_indices = #map1}, {transform_indices = #map1}, {transform_indices = #map}, {transform_indices = #map}, {transform_indices = #map}, {transform_indices = #map1}, {transform_indices = #map}, {transform_indices = #map1}]} {
    %mul3A = arith.constant 640 : i32
    %mul3A_0 = arith.muli %arg1, %mul3A : i32
    %mul3A_1 = arith.constant 10240 : i32
    %mul3A_2 = arith.muli %arg0, %mul3A_1 : i32
    %add3A = arith.addi %mul3A_2, %mul3A_0 : i32
    "tpu.region"() ({
      %run_scoped3A = tpu.sem_alloc : memref<!tpu.dma_semaphore, #tpu.memory_space<semaphore_mem>>
      %dma_start3A_35 = arith.constant 0 : i32
      %dma_start3A_36 = tpu.memref_slice %arg18[%mul3A_0, %dma_start3A_35] : memref<10240x64xf32, #tpu.memory_space<vmem_shared>> -> memref<640x64xf32, #tpu.memory_space<vmem_shared>>
      %dma_start3A_37 = arith.constant 0 : i32
      %dma_start3A_38 = tpu.memref_slice %arg7[%add3A, %dma_start3A_37] : memref<20480x64xf32, #tpu.memory_space<hbm>> -> memref<640x64xf32, #tpu.memory_space<hbm>>
      tpu.enqueue_dma source(%dma_start3A_38 : memref<640x64xf32, #tpu.memory_space<hbm>>) target(%dma_start3A_36 : memref<640x64xf32, #tpu.memory_space<vmem_shared>>) target_semaphore(%run_scoped3A : memref<!tpu.dma_semaphore, #tpu.memory_space<semaphore_mem>>)
      %dma_wait3A = arith.constant 0 : i32
      %dma_wait3A_39 = tpu.memref_slice %arg18[%mul3A_0, %dma_wait3A] : memref<10240x64xf32, #tpu.memory_space<vmem_shared>> -> memref<640x64xf32, #tpu.memory_space<vmem_shared>>
      %dma_wait3A_40 = arith.constant 0 : i32
      %dma_wait3A_41 = tpu.memref_slice %arg7[%add3A, %dma_wait3A_40] : memref<20480x64xf32, #tpu.memory_space<hbm>> -> memref<640x64xf32, #tpu.memory_space<hbm>>
      tpu.wait_dma2 semaphore(%run_scoped3A : memref<!tpu.dma_semaphore, #tpu.memory_space<semaphore_mem>>) src(%dma_wait3A_41 : memref<640x64xf32, #tpu.memory_space<hbm>>) dst(%dma_wait3A_39 : memref<640x64xf32, #tpu.memory_space<vmem_shared>>)
      tpu.yield
    }) : () -> ()
    "tpu.region"() ({
      %run_scoped3A = tpu.sem_alloc : memref<!tpu.dma_semaphore, #tpu.memory_space<semaphore_mem>>
      %dma_start3A_35 = tpu.memref_slice %arg19[%mul3A_0] : memref<10240xf32, #tpu.memory_space<vmem_shared>> -> memref<640xf32, #tpu.memory_space<vmem_shared>>
      %dma_start3A_36 = tpu.memref_slice %arg8[%mul3A_0] : memref<10240xf32, #tpu.memory_space<hbm>> -> memref<640xf32, #tpu.memory_space<hbm>>
      tpu.enqueue_dma source(%dma_start3A_36 : memref<640xf32, #tpu.memory_space<hbm>>) target(%dma_start3A_35 : memref<640xf32, #tpu.memory_space<vmem_shared>>) target_semaphore(%run_scoped3A : memref<!tpu.dma_semaphore, #tpu.memory_space<semaphore_mem>>)
      %dma_wait3A = tpu.memref_slice %arg19[%mul3A_0] : memref<10240xf32, #tpu.memory_space<vmem_shared>> -> memref<640xf32, #tpu.memory_space<vmem_shared>>
      %dma_wait3A_37 = tpu.memref_slice %arg8[%mul3A_0] : memref<10240xf32, #tpu.memory_space<hbm>> -> memref<640xf32, #tpu.memory_space<hbm>>
      tpu.wait_dma2 semaphore(%run_scoped3A : memref<!tpu.dma_semaphore, #tpu.memory_space<semaphore_mem>>) src(%dma_wait3A_37 : memref<640xf32, #tpu.memory_space<hbm>>) dst(%dma_wait3A : memref<640xf32, #tpu.memory_space<vmem_shared>>)
      tpu.yield
    }) : () -> ()
    "tpu.region"() ({
      %run_scoped3A = tpu.sem_alloc : memref<!tpu.dma_semaphore, #tpu.memory_space<semaphore_mem>>
      tpu.enqueue_dma source(%arg3 : memref<10240xf32, #tpu.memory_space<hbm>>) target(%arg11 : memref<10240xf32, #tpu.memory_space<vmem>>) target_semaphore(%run_scoped3A : memref<!tpu.dma_semaphore, #tpu.memory_space<semaphore_mem>>)
      tpu.wait_dma2 semaphore(%run_scoped3A : memref<!tpu.dma_semaphore, #tpu.memory_space<semaphore_mem>>) src(%arg3 : memref<10240xf32, #tpu.memory_space<hbm>>) dst(%arg11 : memref<10240xf32, #tpu.memory_space<vmem>>)
      tpu.yield
    }) : () -> ()
    "tpu.region"() ({
      %run_scoped3A = tpu.sem_alloc : memref<!tpu.dma_semaphore, #tpu.memory_space<semaphore_mem>>
      tpu.enqueue_dma source(%arg4 : memref<10240xf32, #tpu.memory_space<hbm>>) target(%arg12 : memref<10240xf32, #tpu.memory_space<vmem>>) target_semaphore(%run_scoped3A : memref<!tpu.dma_semaphore, #tpu.memory_space<semaphore_mem>>)
      tpu.wait_dma2 semaphore(%run_scoped3A : memref<!tpu.dma_semaphore, #tpu.memory_space<semaphore_mem>>) src(%arg4 : memref<10240xf32, #tpu.memory_space<hbm>>) dst(%arg12 : memref<10240xf32, #tpu.memory_space<vmem>>)
      tpu.yield
    }) : () -> ()
    %mul3A_3 = arith.constant 80 : i32
    %mul3A_4 = arith.muli %arg1, %mul3A_3 : i32
    "tpu.region"() ({
      %run_scoped3A = tpu.sem_alloc : memref<!tpu.dma_semaphore, #tpu.memory_space<semaphore_mem>>
      %dma_start3A_35 = arith.constant 0 : i32
      %dma_start3A_36 = tpu.memref_slice %arg5[%mul3A_4, %dma_start3A_35] : memref<1280x128xi32, #tpu.memory_space<hbm>> -> memref<80x128xi32, #tpu.memory_space<hbm>>
      %dma_start3A_37 = arith.constant 0 : i32
      %dma_start3A_38 = tpu.memref_slice %arg5[%mul3A_4, %dma_start3A_37] : memref<1280x128xi32, #tpu.memory_space<hbm>> -> memref<80x128xi32, #tpu.memory_space<hbm>>
      tpu.enqueue_dma source(%dma_start3A_38 : memref<80x128xi32, #tpu.memory_space<hbm>>) target(%arg13 : memref<80x128xi32, #tpu.memory_space<vmem>>) target_semaphore(%run_scoped3A : memref<!tpu.dma_semaphore, #tpu.memory_space<semaphore_mem>>)
      %dma_wait3A = arith.constant 0 : i32
      %dma_wait3A_39 = tpu.memref_slice %arg5[%mul3A_4, %dma_wait3A] : memref<1280x128xi32, #tpu.memory_space<hbm>> -> memref<80x128xi32, #tpu.memory_space<hbm>>
      %dma_wait3A_40 = arith.constant 0 : i32
      %dma_wait3A_41 = tpu.memref_slice %arg5[%mul3A_4, %dma_wait3A_40] : memref<1280x128xi32, #tpu.memory_space<hbm>> -> memref<80x128xi32, #tpu.memory_space<hbm>>
      tpu.wait_dma2 semaphore(%run_scoped3A : memref<!tpu.dma_semaphore, #tpu.memory_space<semaphore_mem>>) src(%dma_wait3A_41 : memref<80x128xi32, #tpu.memory_space<hbm>>) dst(%arg13 : memref<80x128xi32, #tpu.memory_space<vmem>>)
      tpu.yield
    }) : () -> ()
    %mul3A_5 = arith.constant 80 : i32
    %mul3A_6 = arith.muli %arg1, %mul3A_5 : i32
    "tpu.region"() ({
      %run_scoped3A = tpu.sem_alloc : memref<!tpu.dma_semaphore, #tpu.memory_space<semaphore_mem>>
      %dma_start3A_35 = arith.constant 0 : i32
      %dma_start3A_36 = tpu.memref_slice %arg6[%mul3A_6, %dma_start3A_35] : memref<1280x128xi32, #tpu.memory_space<hbm>> -> memref<80x128xi32, #tpu.memory_space<hbm>>
      %dma_start3A_37 = arith.constant 0 : i32
      %dma_start3A_38 = tpu.memref_slice %arg6[%mul3A_6, %dma_start3A_37] : memref<1280x128xi32, #tpu.memory_space<hbm>> -> memref<80x128xi32, #tpu.memory_space<hbm>>
      tpu.enqueue_dma source(%dma_start3A_38 : memref<80x128xi32, #tpu.memory_space<hbm>>) target(%arg14 : memref<80x128xi32, #tpu.memory_space<vmem>>) target_semaphore(%run_scoped3A : memref<!tpu.dma_semaphore, #tpu.memory_space<semaphore_mem>>)
      %dma_wait3A = arith.constant 0 : i32
      %dma_wait3A_39 = tpu.memref_slice %arg6[%mul3A_6, %dma_wait3A] : memref<1280x128xi32, #tpu.memory_space<hbm>> -> memref<80x128xi32, #tpu.memory_space<hbm>>
      %dma_wait3A_40 = arith.constant 0 : i32
      %dma_wait3A_41 = tpu.memref_slice %arg6[%mul3A_6, %dma_wait3A_40] : memref<1280x128xi32, #tpu.memory_space<hbm>> -> memref<80x128xi32, #tpu.memory_space<hbm>>
      tpu.wait_dma2 semaphore(%run_scoped3A : memref<!tpu.dma_semaphore, #tpu.memory_space<semaphore_mem>>) src(%dma_wait3A_41 : memref<80x128xi32, #tpu.memory_space<hbm>>) dst(%arg14 : memref<80x128xi32, #tpu.memory_space<vmem>>)
      tpu.yield
    }) : () -> ()
    %mul3A_7 = arith.constant 10240 : i32
    %mul3A_8 = arith.muli %arg0, %mul3A_7 : i32
    %broadcast_in_dim3A = vector.broadcast %mul3A_8 : i32 to vector<16xi32>
    %scan3A = arith.constant 0 : i32
    %scan3A_9 = arith.constant 0 : i32
    %scan3A_10 = arith.constant 80 : i32
    %scan3A_11 = arith.addi %scan3A_9, %scan3A_10 : i32
    %scan3A_12 = arith.constant 1 : i32
    %scan3A_13 = scf.for %scan3A_35 = %scan3A_9 to %scan3A_11 step %scan3A_12 iter_args(%scan3A_36 = %scan3A) -> (i32)  : i32 {
      %get3A = arith.index_cast %scan3A_35 : i32 to index
      %get3A_37 = arith.constant 0 : index
      %get3A_38 = tpu.vector_load %arg13[%get3A, %get3A_37] {strides = array<i32>} : memref<80x128xi32, #tpu.memory_space<vmem>>, vector<16xi32>,
      %get3A_39 = arith.index_cast %scan3A_35 : i32 to index
      %get3A_40 = arith.constant 0 : index
      %get3A_41 = tpu.vector_load %arg14[%get3A_39, %get3A_40] {strides = array<i32>} : memref<80x128xi32, #tpu.memory_space<vmem>>, vector<16xi32>,
      %gather3A = tpu.vector_load_idx %arg11[%get3A_38] : memref<10240xf32, #tpu.memory_space<vmem>>[vector<16xi32>], vector<16xf32>,
      %gather3A_42 = tpu.vector_load_idx %arg12[%get3A_41] : memref<10240xf32, #tpu.memory_space<vmem>>[vector<16xi32>], vector<16xf32>,
      %add3A_43 = arith.addf %gather3A, %gather3A_42 : vector<16xf32>
      %mul3A_44 = arith.constant 2.000000e-01 : f32
      %mul3A_45 = vector.broadcast %mul3A_44 : f32 to vector<16xf32>
      %mul3A_46 = arith.mulf %mul3A_45, %add3A_43 : vector<16xf32>
      %max3A = arith.maximumf %add3A_43, %mul3A_46 : vector<16xf32>
      %exp3A = math.exp %max3A : vector<16xf32>
      %swap3A = arith.index_cast %scan3A_35 : i32 to index
      %swap3A_47 = arith.constant 0 : index
      %swap3A_48 = tpu.vector_load %arg15[%swap3A, %swap3A_47] {strides = array<i32>} : memref<80x128xf32, #tpu.memory_space<vmem>>, vector<16xf32>,
      tpu.vector_store %arg15[%swap3A, %swap3A_47], %exp3A {strides = array<i32>} : memref<80x128xf32, #tpu.memory_space<vmem>>, vector<16xf32>,
      %add3A_49 = arith.addi %get3A_38, %broadcast_in_dim3A : vector<16xi32>
      %swap3A_50 = arith.index_cast %scan3A_35 : i32 to index
      %swap3A_51 = arith.constant 0 : index
      %swap3A_52 = tpu.vector_load %arg13[%swap3A_50, %swap3A_51] {strides = array<i32>} : memref<80x128xi32, #tpu.memory_space<vmem>>, vector<16xi32>,
      tpu.vector_store %arg13[%swap3A_50, %swap3A_51], %add3A_49 {strides = array<i32>} : memref<80x128xi32, #tpu.memory_space<vmem>>, vector<16xi32>,
      %get3A_53 = arith.index_cast %scan3A_35 : i32 to index
      %get3A_54 = arith.constant 16 : index
      %get3A_55 = tpu.vector_load %arg13[%get3A_53, %get3A_54] {strides = array<i32>} : memref<80x128xi32, #tpu.memory_space<vmem>>, vector<16xi32>,
      %get3A_56 = arith.index_cast %scan3A_35 : i32 to index
      %get3A_57 = arith.constant 16 : index
      %get3A_58 = tpu.vector_load %arg14[%get3A_56, %get3A_57] {strides = array<i32>} : memref<80x128xi32, #tpu.memory_space<vmem>>, vector<16xi32>,
      %gather3A_59 = tpu.vector_load_idx %arg11[%get3A_55] : memref<10240xf32, #tpu.memory_space<vmem>>[vector<16xi32>], vector<16xf32>,
      %gather3A_60 = tpu.vector_load_idx %arg12[%get3A_58] : memref<10240xf32, #tpu.memory_space<vmem>>[vector<16xi32>], vector<16xf32>,
      %add3A_61 = arith.addf %gather3A_59, %gather3A_60 : vector<16xf32>
      %mul3A_62 = arith.constant 2.000000e-01 : f32
      %mul3A_63 = vector.broadcast %mul3A_62 : f32 to vector<16xf32>
      %mul3A_64 = arith.mulf %mul3A_63, %add3A_61 : vector<16xf32>
      %max3A_65 = arith.maximumf %add3A_61, %mul3A_64 : vector<16xf32>
      %exp3A_66 = math.exp %max3A_65 : vector<16xf32>
      %swap3A_67 = arith.index_cast %scan3A_35 : i32 to index
      %swap3A_68 = arith.constant 16 : index
      %swap3A_69 = tpu.vector_load %arg15[%swap3A_67, %swap3A_68] {strides = array<i32>} : memref<80x128xf32, #tpu.memory_space<vmem>>, vector<16xf32>,
      tpu.vector_store %arg15[%swap3A_67, %swap3A_68], %exp3A_66 {strides = array<i32>} : memref<80x128xf32, #tpu.memory_space<vmem>>, vector<16xf32>,
      %add3A_70 = arith.addi %get3A_55, %broadcast_in_dim3A : vector<16xi32>
      %swap3A_71 = arith.index_cast %scan3A_35 : i32 to index
      %swap3A_72 = arith.constant 16 : index
      %swap3A_73 = tpu.vector_load %arg13[%swap3A_71, %swap3A_72] {strides = array<i32>} : memref<80x128xi32, #tpu.memory_space<vmem>>, vector<16xi32>,
      tpu.vector_store %arg13[%swap3A_71, %swap3A_72], %add3A_70 {strides = array<i32>} : memref<80x128xi32, #tpu.memory_space<vmem>>, vector<16xi32>,
      %get3A_74 = arith.index_cast %scan3A_35 : i32 to index
      %get3A_75 = arith.constant 32 : index
      %get3A_76 = tpu.vector_load %arg13[%get3A_74, %get3A_75] {strides = array<i32>} : memref<80x128xi32, #tpu.memory_space<vmem>>, vector<16xi32>,
      %get3A_77 = arith.index_cast %scan3A_35 : i32 to index
      %get3A_78 = arith.constant 32 : index
      %get3A_79 = tpu.vector_load %arg14[%get3A_77, %get3A_78] {strides = array<i32>} : memref<80x128xi32, #tpu.memory_space<vmem>>, vector<16xi32>,
      %gather3A_80 = tpu.vector_load_idx %arg11[%get3A_76] : memref<10240xf32, #tpu.memory_space<vmem>>[vector<16xi32>], vector<16xf32>,
      %gather3A_81 = tpu.vector_load_idx %arg12[%get3A_79] : memref<10240xf32, #tpu.memory_space<vmem>>[vector<16xi32>], vector<16xf32>,
      %add3A_82 = arith.addf %gather3A_80, %gather3A_81 : vector<16xf32>
      %mul3A_83 = arith.constant 2.000000e-01 : f32
      %mul3A_84 = vector.broadcast %mul3A_83 : f32 to vector<16xf32>
      %mul3A_85 = arith.mulf %mul3A_84, %add3A_82 : vector<16xf32>
      %max3A_86 = arith.maximumf %add3A_82, %mul3A_85 : vector<16xf32>
      %exp3A_87 = math.exp %max3A_86 : vector<16xf32>
      %swap3A_88 = arith.index_cast %scan3A_35 : i32 to index
      %swap3A_89 = arith.constant 32 : index
      %swap3A_90 = tpu.vector_load %arg15[%swap3A_88, %swap3A_89] {strides = array<i32>} : memref<80x128xf32, #tpu.memory_space<vmem>>, vector<16xf32>,
      tpu.vector_store %arg15[%swap3A_88, %swap3A_89], %exp3A_87 {strides = array<i32>} : memref<80x128xf32, #tpu.memory_space<vmem>>, vector<16xf32>,
      %add3A_91 = arith.addi %get3A_76, %broadcast_in_dim3A : vector<16xi32>
      %swap3A_92 = arith.index_cast %scan3A_35 : i32 to index
      %swap3A_93 = arith.constant 32 : index
      %swap3A_94 = tpu.vector_load %arg13[%swap3A_92, %swap3A_93] {strides = array<i32>} : memref<80x128xi32, #tpu.memory_space<vmem>>, vector<16xi32>,
      tpu.vector_store %arg13[%swap3A_92, %swap3A_93], %add3A_91 {strides = array<i32>} : memref<80x128xi32, #tpu.memory_space<vmem>>, vector<16xi32>,
      %get3A_95 = arith.index_cast %scan3A_35 : i32 to index
      %get3A_96 = arith.constant 48 : index
      %get3A_97 = tpu.vector_load %arg13[%get3A_95, %get3A_96] {strides = array<i32>} : memref<80x128xi32, #tpu.memory_space<vmem>>, vector<16xi32>,
      %get3A_98 = arith.index_cast %scan3A_35 : i32 to index
      %get3A_99 = arith.constant 48 : index
      %get3A_100 = tpu.vector_load %arg14[%get3A_98, %get3A_99] {strides = array<i32>} : memref<80x128xi32, #tpu.memory_space<vmem>>, vector<16xi32>,
      %gather3A_101 = tpu.vector_load_idx %arg11[%get3A_97] : memref<10240xf32, #tpu.memory_space<vmem>>[vector<16xi32>], vector<16xf32>,
      %gather3A_102 = tpu.vector_load_idx %arg12[%get3A_100] : memref<10240xf32, #tpu.memory_space<vmem>>[vector<16xi32>], vector<16xf32>,
      %add3A_103 = arith.addf %gather3A_101, %gather3A_102 : vector<16xf32>
      %mul3A_104 = arith.constant 2.000000e-01 : f32
      %mul3A_105 = vector.broadcast %mul3A_104 : f32 to vector<16xf32>
      %mul3A_106 = arith.mulf %mul3A_105, %add3A_103 : vector<16xf32>
      %max3A_107 = arith.maximumf %add3A_103, %mul3A_106 : vector<16xf32>
      %exp3A_108 = math.exp %max3A_107 : vector<16xf32>
      %swap3A_109 = arith.index_cast %scan3A_35 : i32 to index
      %swap3A_110 = arith.constant 48 : index
      %swap3A_111 = tpu.vector_load %arg15[%swap3A_109, %swap3A_110] {strides = array<i32>} : memref<80x128xf32, #tpu.memory_space<vmem>>, vector<16xf32>,
      tpu.vector_store %arg15[%swap3A_109, %swap3A_110], %exp3A_108 {strides = array<i32>} : memref<80x128xf32, #tpu.memory_space<vmem>>, vector<16xf32>,
      %add3A_112 = arith.addi %get3A_97, %broadcast_in_dim3A : vector<16xi32>
      %swap3A_113 = arith.index_cast %scan3A_35 : i32 to index
      %swap3A_114 = arith.constant 48 : index
      %swap3A_115 = tpu.vector_load %arg13[%swap3A_113, %swap3A_114] {strides = array<i32>} : memref<80x128xi32, #tpu.memory_space<vmem>>, vector<16xi32>,
      tpu.vector_store %arg13[%swap3A_113, %swap3A_114], %add3A_112 {strides = array<i32>} : memref<80x128xi32, #tpu.memory_space<vmem>>, vector<16xi32>,
      %get3A_116 = arith.index_cast %scan3A_35 : i32 to index
      %get3A_117 = arith.constant 64 : index
      %get3A_118 = tpu.vector_load %arg13[%get3A_116, %get3A_117] {strides = array<i32>} : memref<80x128xi32, #tpu.memory_space<vmem>>, vector<16xi32>,
      %get3A_119 = arith.index_cast %scan3A_35 : i32 to index
      %get3A_120 = arith.constant 64 : index
      %get3A_121 = tpu.vector_load %arg14[%get3A_119, %get3A_120] {strides = array<i32>} : memref<80x128xi32, #tpu.memory_space<vmem>>, vector<16xi32>,
      %gather3A_122 = tpu.vector_load_idx %arg11[%get3A_118] : memref<10240xf32, #tpu.memory_space<vmem>>[vector<16xi32>], vector<16xf32>,
      %gather3A_123 = tpu.vector_load_idx %arg12[%get3A_121] : memref<10240xf32, #tpu.memory_space<vmem>>[vector<16xi32>], vector<16xf32>,
      %add3A_124 = arith.addf %gather3A_122, %gather3A_123 : vector<16xf32>
      %mul3A_125 = arith.constant 2.000000e-01 : f32
      %mul3A_126 = vector.broadcast %mul3A_125 : f32 to vector<16xf32>
      %mul3A_127 = arith.mulf %mul3A_126, %add3A_124 : vector<16xf32>
      %max3A_128 = arith.maximumf %add3A_124, %mul3A_127 : vector<16xf32>
      %exp3A_129 = math.exp %max3A_128 : vector<16xf32>
      %swap3A_130 = arith.index_cast %scan3A_35 : i32 to index
      %swap3A_131 = arith.constant 64 : index
      %swap3A_132 = tpu.vector_load %arg15[%swap3A_130, %swap3A_131] {strides = array<i32>} : memref<80x128xf32, #tpu.memory_space<vmem>>, vector<16xf32>,
      tpu.vector_store %arg15[%swap3A_130, %swap3A_131], %exp3A_129 {strides = array<i32>} : memref<80x128xf32, #tpu.memory_space<vmem>>, vector<16xf32>,
      %add3A_133 = arith.addi %get3A_118, %broadcast_in_dim3A : vector<16xi32>
      %swap3A_134 = arith.index_cast %scan3A_35 : i32 to index
      %swap3A_135 = arith.constant 64 : index
      %swap3A_136 = tpu.vector_load %arg13[%swap3A_134, %swap3A_135] {strides = array<i32>} : memref<80x128xi32, #tpu.memory_space<vmem>>, vector<16xi32>,
      tpu.vector_store %arg13[%swap3A_134, %swap3A_135], %add3A_133 {strides = array<i32>} : memref<80x128xi32, #tpu.memory_space<vmem>>, vector<16xi32>,
      %get3A_137 = arith.index_cast %scan3A_35 : i32 to index
      %get3A_138 = arith.constant 80 : index
      %get3A_139 = tpu.vector_load %arg13[%get3A_137, %get3A_138] {strides = array<i32>} : memref<80x128xi32, #tpu.memory_space<vmem>>, vector<16xi32>,
      %get3A_140 = arith.index_cast %scan3A_35 : i32 to index
      %get3A_141 = arith.constant 80 : index
      %get3A_142 = tpu.vector_load %arg14[%get3A_140, %get3A_141] {strides = array<i32>} : memref<80x128xi32, #tpu.memory_space<vmem>>, vector<16xi32>,
      %gather3A_143 = tpu.vector_load_idx %arg11[%get3A_139] : memref<10240xf32, #tpu.memory_space<vmem>>[vector<16xi32>], vector<16xf32>,
      %gather3A_144 = tpu.vector_load_idx %arg12[%get3A_142] : memref<10240xf32, #tpu.memory_space<vmem>>[vector<16xi32>], vector<16xf32>,
      %add3A_145 = arith.addf %gather3A_143, %gather3A_144 : vector<16xf32>
      %mul3A_146 = arith.constant 2.000000e-01 : f32
      %mul3A_147 = vector.broadcast %mul3A_146 : f32 to vector<16xf32>
      %mul3A_148 = arith.mulf %mul3A_147, %add3A_145 : vector<16xf32>
      %max3A_149 = arith.maximumf %add3A_145, %mul3A_148 : vector<16xf32>
      %exp3A_150 = math.exp %max3A_149 : vector<16xf32>
      %swap3A_151 = arith.index_cast %scan3A_35 : i32 to index
      %swap3A_152 = arith.constant 80 : index
      %swap3A_153 = tpu.vector_load %arg15[%swap3A_151, %swap3A_152] {strides = array<i32>} : memref<80x128xf32, #tpu.memory_space<vmem>>, vector<16xf32>,
      tpu.vector_store %arg15[%swap3A_151, %swap3A_152], %exp3A_150 {strides = array<i32>} : memref<80x128xf32, #tpu.memory_space<vmem>>, vector<16xf32>,
      %add3A_154 = arith.addi %get3A_139, %broadcast_in_dim3A : vector<16xi32>
      %swap3A_155 = arith.index_cast %scan3A_35 : i32 to index
      %swap3A_156 = arith.constant 80 : index
      %swap3A_157 = tpu.vector_load %arg13[%swap3A_155, %swap3A_156] {strides = array<i32>} : memref<80x128xi32, #tpu.memory_space<vmem>>, vector<16xi32>,
      tpu.vector_store %arg13[%swap3A_155, %swap3A_156], %add3A_154 {strides = array<i32>} : memref<80x128xi32, #tpu.memory_space<vmem>>, vector<16xi32>,
      %get3A_158 = arith.index_cast %scan3A_35 : i32 to index
      %get3A_159 = arith.constant 96 : index
      %get3A_160 = tpu.vector_load %arg13[%get3A_158, %get3A_159] {strides = array<i32>} : memref<80x128xi32, #tpu.memory_space<vmem>>, vector<16xi32>,
      %get3A_161 = arith.index_cast %scan3A_35 : i32 to index
      %get3A_162 = arith.constant 96 : index
      %get3A_163 = tpu.vector_load %arg14[%get3A_161, %get3A_162] {strides = array<i32>} : memref<80x128xi32, #tpu.memory_space<vmem>>, vector<16xi32>,
      %gather3A_164 = tpu.vector_load_idx %arg11[%get3A_160] : memref<10240xf32, #tpu.memory_space<vmem>>[vector<16xi32>], vector<16xf32>,
      %gather3A_165 = tpu.vector_load_idx %arg12[%get3A_163] : memref<10240xf32, #tpu.memory_space<vmem>>[vector<16xi32>], vector<16xf32>,
      %add3A_166 = arith.addf %gather3A_164, %gather3A_165 : vector<16xf32>
      %mul3A_167 = arith.constant 2.000000e-01 : f32
      %mul3A_168 = vector.broadcast %mul3A_167 : f32 to vector<16xf32>
      %mul3A_169 = arith.mulf %mul3A_168, %add3A_166 : vector<16xf32>
      %max3A_170 = arith.maximumf %add3A_166, %mul3A_169 : vector<16xf32>
      %exp3A_171 = math.exp %max3A_170 : vector<16xf32>
      %swap3A_172 = arith.index_cast %scan3A_35 : i32 to index
      %swap3A_173 = arith.constant 96 : index
      %swap3A_174 = tpu.vector_load %arg15[%swap3A_172, %swap3A_173] {strides = array<i32>} : memref<80x128xf32, #tpu.memory_space<vmem>>, vector<16xf32>,
      tpu.vector_store %arg15[%swap3A_172, %swap3A_173], %exp3A_171 {strides = array<i32>} : memref<80x128xf32, #tpu.memory_space<vmem>>, vector<16xf32>,
      %add3A_175 = arith.addi %get3A_160, %broadcast_in_dim3A : vector<16xi32>
      %swap3A_176 = arith.index_cast %scan3A_35 : i32 to index
      %swap3A_177 = arith.constant 96 : index
      %swap3A_178 = tpu.vector_load %arg13[%swap3A_176, %swap3A_177] {strides = array<i32>} : memref<80x128xi32, #tpu.memory_space<vmem>>, vector<16xi32>,
      tpu.vector_store %arg13[%swap3A_176, %swap3A_177], %add3A_175 {strides = array<i32>} : memref<80x128xi32, #tpu.memory_space<vmem>>, vector<16xi32>,
      %get3A_179 = arith.index_cast %scan3A_35 : i32 to index
      %get3A_180 = arith.constant 112 : index
      %get3A_181 = tpu.vector_load %arg13[%get3A_179, %get3A_180] {strides = array<i32>} : memref<80x128xi32, #tpu.memory_space<vmem>>, vector<16xi32>,
      %get3A_182 = arith.index_cast %scan3A_35 : i32 to index
      %get3A_183 = arith.constant 112 : index
      %get3A_184 = tpu.vector_load %arg14[%get3A_182, %get3A_183] {strides = array<i32>} : memref<80x128xi32, #tpu.memory_space<vmem>>, vector<16xi32>,
      %gather3A_185 = tpu.vector_load_idx %arg11[%get3A_181] : memref<10240xf32, #tpu.memory_space<vmem>>[vector<16xi32>], vector<16xf32>,
      %gather3A_186 = tpu.vector_load_idx %arg12[%get3A_184] : memref<10240xf32, #tpu.memory_space<vmem>>[vector<16xi32>], vector<16xf32>,
      %add3A_187 = arith.addf %gather3A_185, %gather3A_186 : vector<16xf32>
      %mul3A_188 = arith.constant 2.000000e-01 : f32
      %mul3A_189 = vector.broadcast %mul3A_188 : f32 to vector<16xf32>
      %mul3A_190 = arith.mulf %mul3A_189, %add3A_187 : vector<16xf32>
      %max3A_191 = arith.maximumf %add3A_187, %mul3A_190 : vector<16xf32>
      %exp3A_192 = math.exp %max3A_191 : vector<16xf32>
      %swap3A_193 = arith.index_cast %scan3A_35 : i32 to index
      %swap3A_194 = arith.constant 112 : index
      %swap3A_195 = tpu.vector_load %arg15[%swap3A_193, %swap3A_194] {strides = array<i32>} : memref<80x128xf32, #tpu.memory_space<vmem>>, vector<16xf32>,
      tpu.vector_store %arg15[%swap3A_193, %swap3A_194], %exp3A_192 {strides = array<i32>} : memref<80x128xf32, #tpu.memory_space<vmem>>, vector<16xf32>,
      %add3A_196 = arith.addi %get3A_181, %broadcast_in_dim3A : vector<16xi32>
      %swap3A_197 = arith.index_cast %scan3A_35 : i32 to index
      %swap3A_198 = arith.constant 112 : index
      %swap3A_199 = tpu.vector_load %arg13[%swap3A_197, %swap3A_198] {strides = array<i32>} : memref<80x128xi32, #tpu.memory_space<vmem>>, vector<16xi32>,
      tpu.vector_store %arg13[%swap3A_197, %swap3A_198], %add3A_196 {strides = array<i32>} : memref<80x128xi32, #tpu.memory_space<vmem>>, vector<16xi32>,
      %scan3A_200 = arith.constant 0 : i32
      scf.yield %scan3A_200 : i32
    }
    %scan3A_14 = arith.constant 80 : i32
    %barrier3A = arith.constant 0 : index
    tpu.barrier barrier_id(%barrier3A)
    %dma_start3A = arith.constant 0 : i32
    %dma_start3A_15 = arith.constant 0 : i32
    %dma_start3A_16 = tpu.memref_slice %arg13[%dma_start3A, %dma_start3A_15] : memref<80x128xi32, #tpu.memory_space<vmem>> -> memref<1x128xi32, #tpu.memory_space<vmem>>
    %dma_start3A_17 = tpu.memref_squeeze %dma_start3A_16 : memref<1x128xi32, #tpu.memory_space<vmem>> -> memref<128xi32, #tpu.memory_space<vmem>>
    %dma_start3A_18 = arith.constant 0 : i32
    %dma_start3A_19 = arith.constant 0 : i32
    %dma_start3A_20 = tpu.memref_slice %arg2[%dma_start3A_18, %dma_start3A_19] : memref<20480x64xf32, #tpu.memory_space<hbm>> -> memref<20480x64xf32, #tpu.memory_space<hbm>>
    tpu.enqueue_indirect_dma source(%dma_start3A_20 : memref<20480x64xf32, #tpu.memory_space<hbm>>) target(%arg16 : memref<128x64xf32, #tpu.memory_space<vmem>>) offsets(%dma_start3A_17 : memref<128xi32, #tpu.memory_space<vmem>>) semaphore(%arg20 : memref<!tpu.dma_semaphore, #tpu.memory_space<semaphore_mem>>)
    %scan3A_21 = arith.constant 0 : i32
    %scan3A_22 = arith.constant 0 : i32
    %scan3A_23 = arith.constant 40 : i32
    %scan3A_24 = arith.addi %scan3A_22, %scan3A_23 : i32
    %scan3A_25 = arith.constant 1 : i32
    %scan3A_26 = scf.for %scan3A_35 = %scan3A_22 to %scan3A_24 step %scan3A_25 iter_args(%scan3A_36 = %scan3A_21) -> (i32)  : i32 {
      %mul3A_37 = arith.constant 2 : i32
      %mul3A_38 = arith.muli %scan3A_35, %mul3A_37 : i32
      %add3A_39 = arith.constant 1 : i32
      %add3A_40 = arith.addi %mul3A_38, %add3A_39 : i32
      %dma_wait3A = arith.constant 0 : i32
      %dma_wait3A_41 = tpu.memref_slice %arg13[%mul3A_38, %dma_wait3A] : memref<80x128xi32, #tpu.memory_space<vmem>> -> memref<1x128xi32, #tpu.memory_space<vmem>>
      %dma_wait3A_42 = tpu.memref_squeeze %dma_wait3A_41 : memref<1x128xi32, #tpu.memory_space<vmem>> -> memref<128xi32, #tpu.memory_space<vmem>>
      %dma_wait3A_43 = arith.constant 0 : i32
      %dma_wait3A_44 = arith.constant 0 : i32
      %dma_wait3A_45 = tpu.memref_slice %arg2[%dma_wait3A_43, %dma_wait3A_44] : memref<20480x64xf32, #tpu.memory_space<hbm>> -> memref<20480x64xf32, #tpu.memory_space<hbm>>
      tpu.wait_indirect_dma semaphore(%arg20 : memref<!tpu.dma_semaphore, #tpu.memory_space<semaphore_mem>>) src(%dma_wait3A_45 : memref<20480x64xf32, #tpu.memory_space<hbm>>) dst(%arg16 : memref<128x64xf32, #tpu.memory_space<vmem>>)
      %lt3A = arith.constant 80 : i32
      %lt3A_46 = arith.cmpi slt, %add3A_40, %lt3A : i32
      %convert_element_type3A = arith.extui %lt3A_46 : i1 to i32
      %cond3A = arith.constant 0 : i32
      %cond3A_47 = arith.cmpi ne, %convert_element_type3A, %cond3A : i32
      scf.if %cond3A_47 {
        %dma_start3A_69 = arith.constant 0 : i32
        %dma_start3A_70 = tpu.memref_slice %arg13[%add3A_40, %dma_start3A_69] : memref<80x128xi32, #tpu.memory_space<vmem>> -> memref<1x128xi32, #tpu.memory_space<vmem>>
        %dma_start3A_71 = tpu.memref_squeeze %dma_start3A_70 : memref<1x128xi32, #tpu.memory_space<vmem>> -> memref<128xi32, #tpu.memory_space<vmem>>
        %dma_start3A_72 = arith.constant 0 : i32
        %dma_start3A_73 = arith.constant 0 : i32
        %dma_start3A_74 = tpu.memref_slice %arg2[%dma_start3A_72, %dma_start3A_73] : memref<20480x64xf32, #tpu.memory_space<hbm>> -> memref<20480x64xf32, #tpu.memory_space<hbm>>
        tpu.enqueue_indirect_dma source(%dma_start3A_74 : memref<20480x64xf32, #tpu.memory_space<hbm>>) target(%arg17 : memref<128x64xf32, #tpu.memory_space<vmem>>) offsets(%dma_start3A_71 : memref<128xi32, #tpu.memory_space<vmem>>) semaphore(%arg21 : memref<!tpu.dma_semaphore, #tpu.memory_space<semaphore_mem>>)
      } else {
      }
      %parallel_loop3A = arith.constant 0 : i32
      %parallel_loop3A_48 = arith.constant 128 : i32
      %parallel_loop3A_49 = arith.constant 1 : i32
      scf.for %parallel_loop3A_69 = %parallel_loop3A to %parallel_loop3A_48 step %parallel_loop3A_49  : i32 {
        %parallel_loop3A_70 = vector.broadcast %mul3A_38 : i32 to vector<16xi32>
        %parallel_loop3A_71 = vector.broadcast %parallel_loop3A_69 : i32 to vector<16xi32>
        %parallel_loop3A_72 = tpu.vector_load_idx %arg15[%parallel_loop3A_70, %parallel_loop3A_71] : memref<80x128xf32, #tpu.memory_space<vmem>>[vector<16xi32>, vector<16xi32>], vector<16xf32>,
        %parallel_loop3A_73 = arith.index_cast %parallel_loop3A_69 : i32 to index
        %parallel_loop3A_74 = arith.constant 0 : index
        %parallel_loop3A_75 = tpu.vector_load %arg16[%parallel_loop3A_73, %parallel_loop3A_74] {strides = array<i32>} : memref<128x64xf32, #tpu.memory_space<vmem>>, vector<16xf32>,
        %parallel_loop3A_76 = arith.mulf %parallel_loop3A_75, %parallel_loop3A_72 : vector<16xf32>
        %parallel_loop3A_77 = arith.index_cast %parallel_loop3A_69 : i32 to index
        %parallel_loop3A_78 = arith.constant 0 : index
        %parallel_loop3A_79 = tpu.vector_load %arg16[%parallel_loop3A_77, %parallel_loop3A_78] {strides = array<i32>} : memref<128x64xf32, #tpu.memory_space<vmem>>, vector<16xf32>,
        tpu.vector_store %arg16[%parallel_loop3A_77, %parallel_loop3A_78], %parallel_loop3A_76 {strides = array<i32>} : memref<128x64xf32, #tpu.memory_space<vmem>>, vector<16xf32>,
        %parallel_loop3A_80 = arith.index_cast %parallel_loop3A_69 : i32 to index
        %parallel_loop3A_81 = arith.constant 16 : index
        %parallel_loop3A_82 = tpu.vector_load %arg16[%parallel_loop3A_80, %parallel_loop3A_81] {strides = array<i32>} : memref<128x64xf32, #tpu.memory_space<vmem>>, vector<16xf32>,
        %parallel_loop3A_83 = arith.mulf %parallel_loop3A_82, %parallel_loop3A_72 : vector<16xf32>
        %parallel_loop3A_84 = arith.index_cast %parallel_loop3A_69 : i32 to index
        %parallel_loop3A_85 = arith.constant 16 : index
        %parallel_loop3A_86 = tpu.vector_load %arg16[%parallel_loop3A_84, %parallel_loop3A_85] {strides = array<i32>} : memref<128x64xf32, #tpu.memory_space<vmem>>, vector<16xf32>,
        tpu.vector_store %arg16[%parallel_loop3A_84, %parallel_loop3A_85], %parallel_loop3A_83 {strides = array<i32>} : memref<128x64xf32, #tpu.memory_space<vmem>>, vector<16xf32>,
        %parallel_loop3A_87 = arith.index_cast %parallel_loop3A_69 : i32 to index
        %parallel_loop3A_88 = arith.constant 32 : index
        %parallel_loop3A_89 = tpu.vector_load %arg16[%parallel_loop3A_87, %parallel_loop3A_88] {strides = array<i32>} : memref<128x64xf32, #tpu.memory_space<vmem>>, vector<16xf32>,
        %parallel_loop3A_90 = arith.mulf %parallel_loop3A_89, %parallel_loop3A_72 : vector<16xf32>
        %parallel_loop3A_91 = arith.index_cast %parallel_loop3A_69 : i32 to index
        %parallel_loop3A_92 = arith.constant 32 : index
        %parallel_loop3A_93 = tpu.vector_load %arg16[%parallel_loop3A_91, %parallel_loop3A_92] {strides = array<i32>} : memref<128x64xf32, #tpu.memory_space<vmem>>, vector<16xf32>,
        tpu.vector_store %arg16[%parallel_loop3A_91, %parallel_loop3A_92], %parallel_loop3A_90 {strides = array<i32>} : memref<128x64xf32, #tpu.memory_space<vmem>>, vector<16xf32>,
        %parallel_loop3A_94 = arith.index_cast %parallel_loop3A_69 : i32 to index
        %parallel_loop3A_95 = arith.constant 48 : index
        %parallel_loop3A_96 = tpu.vector_load %arg16[%parallel_loop3A_94, %parallel_loop3A_95] {strides = array<i32>} : memref<128x64xf32, #tpu.memory_space<vmem>>, vector<16xf32>,
        %parallel_loop3A_97 = arith.mulf %parallel_loop3A_96, %parallel_loop3A_72 : vector<16xf32>
        %parallel_loop3A_98 = arith.index_cast %parallel_loop3A_69 : i32 to index
        %parallel_loop3A_99 = arith.constant 48 : index
        %parallel_loop3A_100 = tpu.vector_load %arg16[%parallel_loop3A_98, %parallel_loop3A_99] {strides = array<i32>} : memref<128x64xf32, #tpu.memory_space<vmem>>, vector<16xf32>,
        tpu.vector_store %arg16[%parallel_loop3A_98, %parallel_loop3A_99], %parallel_loop3A_97 {strides = array<i32>} : memref<128x64xf32, #tpu.memory_space<vmem>>, vector<16xf32>,
      } {sc.loop_unroll_factor = 8 : i64, sc.parallel_access}
      "tpu.region"() ({
        %run_scoped3A = tpu.sem_alloc : memref<!tpu.dma_semaphore, #tpu.memory_space<semaphore_mem>>
        %dma_start3A_69 = arith.constant 0 : i32
        %dma_start3A_70 = tpu.memref_slice %arg14[%mul3A_38, %dma_start3A_69] : memref<80x128xi32, #tpu.memory_space<vmem>> -> memref<1x128xi32, #tpu.memory_space<vmem>>
        %dma_start3A_71 = tpu.memref_squeeze %dma_start3A_70 : memref<1x128xi32, #tpu.memory_space<vmem>> -> memref<128xi32, #tpu.memory_space<vmem>>
        %dma_start3A_72 = arith.constant 0 : i32
        %dma_start3A_73 = arith.constant 0 : i32
        %dma_start3A_74 = tpu.memref_slice %arg18[%dma_start3A_72, %dma_start3A_73] : memref<10240x64xf32, #tpu.memory_space<vmem_shared>> -> memref<10240x64xf32, #tpu.memory_space<vmem_shared>>
        tpu.enqueue_indirect_dma source(%arg16 : memref<128x64xf32, #tpu.memory_space<vmem>>) target(%dma_start3A_74 : memref<10240x64xf32, #tpu.memory_space<vmem_shared>>) offsets(%dma_start3A_71 : memref<128xi32, #tpu.memory_space<vmem>>) semaphore(%run_scoped3A : memref<!tpu.dma_semaphore, #tpu.memory_space<semaphore_mem>>) {add = true}
        %dma_wait3A_75 = arith.constant 0 : i32
        %dma_wait3A_76 = tpu.memref_slice %arg14[%mul3A_38, %dma_wait3A_75] : memref<80x128xi32, #tpu.memory_space<vmem>> -> memref<1x128xi32, #tpu.memory_space<vmem>>
        %dma_wait3A_77 = tpu.memref_squeeze %dma_wait3A_76 : memref<1x128xi32, #tpu.memory_space<vmem>> -> memref<128xi32, #tpu.memory_space<vmem>>
        %dma_wait3A_78 = arith.constant 0 : i32
        %dma_wait3A_79 = arith.constant 0 : i32
        %dma_wait3A_80 = tpu.memref_slice %arg18[%dma_wait3A_78, %dma_wait3A_79] : memref<10240x64xf32, #tpu.memory_space<vmem_shared>> -> memref<10240x64xf32, #tpu.memory_space<vmem_shared>>
        tpu.wait_indirect_dma semaphore(%run_scoped3A : memref<!tpu.dma_semaphore, #tpu.memory_space<semaphore_mem>>) src(%arg16 : memref<128x64xf32, #tpu.memory_space<vmem>>) dst(%dma_wait3A_80 : memref<10240x64xf32, #tpu.memory_space<vmem_shared>>)
        tpu.yield
      }) : () -> ()
      "tpu.region"() ({
        %run_scoped3A = tpu.sem_alloc : memref<!tpu.dma_semaphore, #tpu.memory_space<semaphore_mem>>
        %dma_start3A_69 = arith.constant 0 : i32
        %dma_start3A_70 = tpu.memref_slice %arg15[%mul3A_38, %dma_start3A_69] : memref<80x128xf32, #tpu.memory_space<vmem>> -> memref<1x128xf32, #tpu.memory_space<vmem>>
        %dma_start3A_71 = tpu.memref_squeeze %dma_start3A_70 : memref<1x128xf32, #tpu.memory_space<vmem>> -> memref<128xf32, #tpu.memory_space<vmem>>
        %dma_start3A_72 = arith.constant 0 : i32
        %dma_start3A_73 = tpu.memref_slice %arg14[%mul3A_38, %dma_start3A_72] : memref<80x128xi32, #tpu.memory_space<vmem>> -> memref<1x128xi32, #tpu.memory_space<vmem>>
        %dma_start3A_74 = tpu.memref_squeeze %dma_start3A_73 : memref<1x128xi32, #tpu.memory_space<vmem>> -> memref<128xi32, #tpu.memory_space<vmem>>
        %dma_start3A_75 = arith.constant 0 : i32
        %dma_start3A_76 = tpu.memref_slice %arg19[%dma_start3A_75] : memref<10240xf32, #tpu.memory_space<vmem_shared>> -> memref<10240xf32, #tpu.memory_space<vmem_shared>>
        tpu.enqueue_indirect_dma source(%dma_start3A_71 : memref<128xf32, #tpu.memory_space<vmem>>) target(%dma_start3A_76 : memref<10240xf32, #tpu.memory_space<vmem_shared>>) offsets(%dma_start3A_74 : memref<128xi32, #tpu.memory_space<vmem>>) semaphore(%run_scoped3A : memref<!tpu.dma_semaphore, #tpu.memory_space<semaphore_mem>>) {add = true}
        %dma_wait3A_77 = arith.constant 0 : i32
        %dma_wait3A_78 = tpu.memref_slice %arg15[%mul3A_38, %dma_wait3A_77] : memref<80x128xf32, #tpu.memory_space<vmem>> -> memref<1x128xf32, #tpu.memory_space<vmem>>
        %dma_wait3A_79 = tpu.memref_squeeze %dma_wait3A_78 : memref<1x128xf32, #tpu.memory_space<vmem>> -> memref<128xf32, #tpu.memory_space<vmem>>
        %dma_wait3A_80 = arith.constant 0 : i32
        %dma_wait3A_81 = tpu.memref_slice %arg14[%mul3A_38, %dma_wait3A_80] : memref<80x128xi32, #tpu.memory_space<vmem>> -> memref<1x128xi32, #tpu.memory_space<vmem>>
        %dma_wait3A_82 = tpu.memref_squeeze %dma_wait3A_81 : memref<1x128xi32, #tpu.memory_space<vmem>> -> memref<128xi32, #tpu.memory_space<vmem>>
        %dma_wait3A_83 = arith.constant 0 : i32
        %dma_wait3A_84 = tpu.memref_slice %arg19[%dma_wait3A_83] : memref<10240xf32, #tpu.memory_space<vmem_shared>> -> memref<10240xf32, #tpu.memory_space<vmem_shared>>
        tpu.wait_indirect_dma semaphore(%run_scoped3A : memref<!tpu.dma_semaphore, #tpu.memory_space<semaphore_mem>>) src(%dma_wait3A_79 : memref<128xf32, #tpu.memory_space<vmem>>) dst(%dma_wait3A_84 : memref<10240xf32, #tpu.memory_space<vmem_shared>>)
        tpu.yield
      }) : () -> ()
      %add3A_50 = arith.constant 1 : i32
      %add3A_51 = arith.addi %mul3A_38, %add3A_50 : i32
      %add3A_52 = arith.constant 2 : i32
      %add3A_53 = arith.addi %mul3A_38, %add3A_52 : i32
      %dma_wait3A_54 = arith.constant 0 : i32
      %dma_wait3A_55 = tpu.memref_slice %arg13[%add3A_51, %dma_wait3A_54] : memref<80x128xi32, #tpu.memory_space<vmem>> -> memref<1x128xi32, #tpu.memory_space<vmem>>
      %dma_wait3A_56 = tpu.memref_squeeze %dma_wait3A_55 : memref<1x128xi32, #tpu.memory_space<vmem>> -> memref<128xi32, #tpu.memory_space<vmem>>
      %dma_wait3A_57 = arith.constant 0 : i32
      %dma_wait3A_58 = arith.constant 0 : i32
      %dma_wait3A_59 = tpu.memref_slice %arg2[%dma_wait3A_57, %dma_wait3A_58] : memref<20480x64xf32, #tpu.memory_space<hbm>> -> memref<20480x64xf32, #tpu.memory_space<hbm>>
      tpu.wait_indirect_dma semaphore(%arg21 : memref<!tpu.dma_semaphore, #tpu.memory_space<semaphore_mem>>) src(%dma_wait3A_59 : memref<20480x64xf32, #tpu.memory_space<hbm>>) dst(%arg17 : memref<128x64xf32, #tpu.memory_space<vmem>>)
      %lt3A_60 = arith.constant 80 : i32
      %lt3A_61 = arith.cmpi slt, %add3A_53, %lt3A_60 : i32
      %convert_element_type3A_62 = arith.extui %lt3A_61 : i1 to i32
      %cond3A_63 = arith.constant 0 : i32
      %cond3A_64 = arith.cmpi ne, %convert_element_type3A_62, %cond3A_63 : i32
      scf.if %cond3A_64 {
        %dma_start3A_69 = arith.constant 0 : i32
        %dma_start3A_70 = tpu.memref_slice %arg13[%add3A_53, %dma_start3A_69] : memref<80x128xi32, #tpu.memory_space<vmem>> -> memref<1x128xi32, #tpu.memory_space<vmem>>
        %dma_start3A_71 = tpu.memref_squeeze %dma_start3A_70 : memref<1x128xi32, #tpu.memory_space<vmem>> -> memref<128xi32, #tpu.memory_space<vmem>>
        %dma_start3A_72 = arith.constant 0 : i32
        %dma_start3A_73 = arith.constant 0 : i32
        %dma_start3A_74 = tpu.memref_slice %arg2[%dma_start3A_72, %dma_start3A_73] : memref<20480x64xf32, #tpu.memory_space<hbm>> -> memref<20480x64xf32, #tpu.memory_space<hbm>>
        tpu.enqueue_indirect_dma source(%dma_start3A_74 : memref<20480x64xf32, #tpu.memory_space<hbm>>) target(%arg16 : memref<128x64xf32, #tpu.memory_space<vmem>>) offsets(%dma_start3A_71 : memref<128xi32, #tpu.memory_space<vmem>>) semaphore(%arg20 : memref<!tpu.dma_semaphore, #tpu.memory_space<semaphore_mem>>)
      } else {
      }
      %parallel_loop3A_65 = arith.constant 0 : i32
      %parallel_loop3A_66 = arith.constant 128 : i32
      %parallel_loop3A_67 = arith.constant 1 : i32
      scf.for %parallel_loop3A_69 = %parallel_loop3A_65 to %parallel_loop3A_66 step %parallel_loop3A_67  : i32 {
        %parallel_loop3A_70 = vector.broadcast %add3A_51 : i32 to vector<16xi32>
        %parallel_loop3A_71 = vector.broadcast %parallel_loop3A_69 : i32 to vector<16xi32>
        %parallel_loop3A_72 = tpu.vector_load_idx %arg15[%parallel_loop3A_70, %parallel_loop3A_71] : memref<80x128xf32, #tpu.memory_space<vmem>>[vector<16xi32>, vector<16xi32>], vector<16xf32>,
        %parallel_loop3A_73 = arith.index_cast %parallel_loop3A_69 : i32 to index
        %parallel_loop3A_74 = arith.constant 0 : index
        %parallel_loop3A_75 = tpu.vector_load %arg17[%parallel_loop3A_73, %parallel_loop3A_74] {strides = array<i32>} : memref<128x64xf32, #tpu.memory_space<vmem>>, vector<16xf32>,
        %parallel_loop3A_76 = arith.mulf %parallel_loop3A_75, %parallel_loop3A_72 : vector<16xf32>
        %parallel_loop3A_77 = arith.index_cast %parallel_loop3A_69 : i32 to index
        %parallel_loop3A_78 = arith.constant 0 : index
        %parallel_loop3A_79 = tpu.vector_load %arg17[%parallel_loop3A_77, %parallel_loop3A_78] {strides = array<i32>} : memref<128x64xf32, #tpu.memory_space<vmem>>, vector<16xf32>,
        tpu.vector_store %arg17[%parallel_loop3A_77, %parallel_loop3A_78], %parallel_loop3A_76 {strides = array<i32>} : memref<128x64xf32, #tpu.memory_space<vmem>>, vector<16xf32>,
        %parallel_loop3A_80 = arith.index_cast %parallel_loop3A_69 : i32 to index
        %parallel_loop3A_81 = arith.constant 16 : index
        %parallel_loop3A_82 = tpu.vector_load %arg17[%parallel_loop3A_80, %parallel_loop3A_81] {strides = array<i32>} : memref<128x64xf32, #tpu.memory_space<vmem>>, vector<16xf32>,
        %parallel_loop3A_83 = arith.mulf %parallel_loop3A_82, %parallel_loop3A_72 : vector<16xf32>
        %parallel_loop3A_84 = arith.index_cast %parallel_loop3A_69 : i32 to index
        %parallel_loop3A_85 = arith.constant 16 : index
        %parallel_loop3A_86 = tpu.vector_load %arg17[%parallel_loop3A_84, %parallel_loop3A_85] {strides = array<i32>} : memref<128x64xf32, #tpu.memory_space<vmem>>, vector<16xf32>,
        tpu.vector_store %arg17[%parallel_loop3A_84, %parallel_loop3A_85], %parallel_loop3A_83 {strides = array<i32>} : memref<128x64xf32, #tpu.memory_space<vmem>>, vector<16xf32>,
        %parallel_loop3A_87 = arith.index_cast %parallel_loop3A_69 : i32 to index
        %parallel_loop3A_88 = arith.constant 32 : index
        %parallel_loop3A_89 = tpu.vector_load %arg17[%parallel_loop3A_87, %parallel_loop3A_88] {strides = array<i32>} : memref<128x64xf32, #tpu.memory_space<vmem>>, vector<16xf32>,
        %parallel_loop3A_90 = arith.mulf %parallel_loop3A_89, %parallel_loop3A_72 : vector<16xf32>
        %parallel_loop3A_91 = arith.index_cast %parallel_loop3A_69 : i32 to index
        %parallel_loop3A_92 = arith.constant 32 : index
        %parallel_loop3A_93 = tpu.vector_load %arg17[%parallel_loop3A_91, %parallel_loop3A_92] {strides = array<i32>} : memref<128x64xf32, #tpu.memory_space<vmem>>, vector<16xf32>,
        tpu.vector_store %arg17[%parallel_loop3A_91, %parallel_loop3A_92], %parallel_loop3A_90 {strides = array<i32>} : memref<128x64xf32, #tpu.memory_space<vmem>>, vector<16xf32>,
        %parallel_loop3A_94 = arith.index_cast %parallel_loop3A_69 : i32 to index
        %parallel_loop3A_95 = arith.constant 48 : index
        %parallel_loop3A_96 = tpu.vector_load %arg17[%parallel_loop3A_94, %parallel_loop3A_95] {strides = array<i32>} : memref<128x64xf32, #tpu.memory_space<vmem>>, vector<16xf32>,
        %parallel_loop3A_97 = arith.mulf %parallel_loop3A_96, %parallel_loop3A_72 : vector<16xf32>
        %parallel_loop3A_98 = arith.index_cast %parallel_loop3A_69 : i32 to index
        %parallel_loop3A_99 = arith.constant 48 : index
        %parallel_loop3A_100 = tpu.vector_load %arg17[%parallel_loop3A_98, %parallel_loop3A_99] {strides = array<i32>} : memref<128x64xf32, #tpu.memory_space<vmem>>, vector<16xf32>,
        tpu.vector_store %arg17[%parallel_loop3A_98, %parallel_loop3A_99], %parallel_loop3A_97 {strides = array<i32>} : memref<128x64xf32, #tpu.memory_space<vmem>>, vector<16xf32>,
      } {sc.loop_unroll_factor = 8 : i64, sc.parallel_access}
      "tpu.region"() ({
        %run_scoped3A = tpu.sem_alloc : memref<!tpu.dma_semaphore, #tpu.memory_space<semaphore_mem>>
        %dma_start3A_69 = arith.constant 0 : i32
        %dma_start3A_70 = tpu.memref_slice %arg14[%add3A_51, %dma_start3A_69] : memref<80x128xi32, #tpu.memory_space<vmem>> -> memref<1x128xi32, #tpu.memory_space<vmem>>
        %dma_start3A_71 = tpu.memref_squeeze %dma_start3A_70 : memref<1x128xi32, #tpu.memory_space<vmem>> -> memref<128xi32, #tpu.memory_space<vmem>>
        %dma_start3A_72 = arith.constant 0 : i32
        %dma_start3A_73 = arith.constant 0 : i32
        %dma_start3A_74 = tpu.memref_slice %arg18[%dma_start3A_72, %dma_start3A_73] : memref<10240x64xf32, #tpu.memory_space<vmem_shared>> -> memref<10240x64xf32, #tpu.memory_space<vmem_shared>>
        tpu.enqueue_indirect_dma source(%arg17 : memref<128x64xf32, #tpu.memory_space<vmem>>) target(%dma_start3A_74 : memref<10240x64xf32, #tpu.memory_space<vmem_shared>>) offsets(%dma_start3A_71 : memref<128xi32, #tpu.memory_space<vmem>>) semaphore(%run_scoped3A : memref<!tpu.dma_semaphore, #tpu.memory_space<semaphore_mem>>) {add = true}
        %dma_wait3A_75 = arith.constant 0 : i32
        %dma_wait3A_76 = tpu.memref_slice %arg14[%add3A_51, %dma_wait3A_75] : memref<80x128xi32, #tpu.memory_space<vmem>> -> memref<1x128xi32, #tpu.memory_space<vmem>>
        %dma_wait3A_77 = tpu.memref_squeeze %dma_wait3A_76 : memref<1x128xi32, #tpu.memory_space<vmem>> -> memref<128xi32, #tpu.memory_space<vmem>>
        %dma_wait3A_78 = arith.constant 0 : i32
        %dma_wait3A_79 = arith.constant 0 : i32
        %dma_wait3A_80 = tpu.memref_slice %arg18[%dma_wait3A_78, %dma_wait3A_79] : memref<10240x64xf32, #tpu.memory_space<vmem_shared>> -> memref<10240x64xf32, #tpu.memory_space<vmem_shared>>
        tpu.wait_indirect_dma semaphore(%run_scoped3A : memref<!tpu.dma_semaphore, #tpu.memory_space<semaphore_mem>>) src(%arg17 : memref<128x64xf32, #tpu.memory_space<vmem>>) dst(%dma_wait3A_80 : memref<10240x64xf32, #tpu.memory_space<vmem_shared>>)
        tpu.yield
      }) : () -> ()
      "tpu.region"() ({
        %run_scoped3A = tpu.sem_alloc : memref<!tpu.dma_semaphore, #tpu.memory_space<semaphore_mem>>
        %dma_start3A_69 = arith.constant 0 : i32
        %dma_start3A_70 = tpu.memref_slice %arg15[%add3A_51, %dma_start3A_69] : memref<80x128xf32, #tpu.memory_space<vmem>> -> memref<1x128xf32, #tpu.memory_space<vmem>>
        %dma_start3A_71 = tpu.memref_squeeze %dma_start3A_70 : memref<1x128xf32, #tpu.memory_space<vmem>> -> memref<128xf32, #tpu.memory_space<vmem>>
        %dma_start3A_72 = arith.constant 0 : i32
        %dma_start3A_73 = tpu.memref_slice %arg14[%add3A_51, %dma_start3A_72] : memref<80x128xi32, #tpu.memory_space<vmem>> -> memref<1x128xi32, #tpu.memory_space<vmem>>
        %dma_start3A_74 = tpu.memref_squeeze %dma_start3A_73 : memref<1x128xi32, #tpu.memory_space<vmem>> -> memref<128xi32, #tpu.memory_space<vmem>>
        %dma_start3A_75 = arith.constant 0 : i32
        %dma_start3A_76 = tpu.memref_slice %arg19[%dma_start3A_75] : memref<10240xf32, #tpu.memory_space<vmem_shared>> -> memref<10240xf32, #tpu.memory_space<vmem_shared>>
        tpu.enqueue_indirect_dma source(%dma_start3A_71 : memref<128xf32, #tpu.memory_space<vmem>>) target(%dma_start3A_76 : memref<10240xf32, #tpu.memory_space<vmem_shared>>) offsets(%dma_start3A_74 : memref<128xi32, #tpu.memory_space<vmem>>) semaphore(%run_scoped3A : memref<!tpu.dma_semaphore, #tpu.memory_space<semaphore_mem>>) {add = true}
        %dma_wait3A_77 = arith.constant 0 : i32
        %dma_wait3A_78 = tpu.memref_slice %arg15[%add3A_51, %dma_wait3A_77] : memref<80x128xf32, #tpu.memory_space<vmem>> -> memref<1x128xf32, #tpu.memory_space<vmem>>
        %dma_wait3A_79 = tpu.memref_squeeze %dma_wait3A_78 : memref<1x128xf32, #tpu.memory_space<vmem>> -> memref<128xf32, #tpu.memory_space<vmem>>
        %dma_wait3A_80 = arith.constant 0 : i32
        %dma_wait3A_81 = tpu.memref_slice %arg14[%add3A_51, %dma_wait3A_80] : memref<80x128xi32, #tpu.memory_space<vmem>> -> memref<1x128xi32, #tpu.memory_space<vmem>>
        %dma_wait3A_82 = tpu.memref_squeeze %dma_wait3A_81 : memref<1x128xi32, #tpu.memory_space<vmem>> -> memref<128xi32, #tpu.memory_space<vmem>>
        %dma_wait3A_83 = arith.constant 0 : i32
        %dma_wait3A_84 = tpu.memref_slice %arg19[%dma_wait3A_83] : memref<10240xf32, #tpu.memory_space<vmem_shared>> -> memref<10240xf32, #tpu.memory_space<vmem_shared>>
        tpu.wait_indirect_dma semaphore(%run_scoped3A : memref<!tpu.dma_semaphore, #tpu.memory_space<semaphore_mem>>) src(%dma_wait3A_79 : memref<128xf32, #tpu.memory_space<vmem>>) dst(%dma_wait3A_84 : memref<10240xf32, #tpu.memory_space<vmem_shared>>)
        tpu.yield
      }) : () -> ()
      %scan3A_68 = arith.constant 0 : i32
      scf.yield %scan3A_68 : i32
    }
    %scan3A_27 = arith.constant 40 : i32
    %barrier3A_28 = arith.constant 0 : index
    tpu.barrier barrier_id(%barrier3A_28)
    %mul3A_29 = arith.constant 10240 : i32
    %mul3A_30 = arith.muli %arg0, %mul3A_29 : i32
    %add3A_31 = arith.addi %mul3A_30, %mul3A_0 : i32
    "tpu.region"() ({
      %run_scoped3A = tpu.sem_alloc : memref<!tpu.dma_semaphore, #tpu.memory_space<semaphore_mem>>
      %dma_start3A_35 = arith.constant 0 : i32
      %dma_start3A_36 = tpu.memref_slice %arg9[%add3A_31, %dma_start3A_35] : memref<20480x64xf32, #tpu.memory_space<hbm>> -> memref<640x64xf32, #tpu.memory_space<hbm>>
      %dma_start3A_37 = arith.constant 0 : i32
      %dma_start3A_38 = tpu.memref_slice %arg18[%mul3A_0, %dma_start3A_37] : memref<10240x64xf32, #tpu.memory_space<vmem_shared>> -> memref<640x64xf32, #tpu.memory_space<vmem_shared>>
      tpu.enqueue_dma source(%dma_start3A_38 : memref<640x64xf32, #tpu.memory_space<vmem_shared>>) target(%dma_start3A_36 : memref<640x64xf32, #tpu.memory_space<hbm>>) target_semaphore(%run_scoped3A : memref<!tpu.dma_semaphore, #tpu.memory_space<semaphore_mem>>)
      %dma_wait3A = arith.constant 0 : i32
      %dma_wait3A_39 = tpu.memref_slice %arg9[%add3A_31, %dma_wait3A] : memref<20480x64xf32, #tpu.memory_space<hbm>> -> memref<640x64xf32, #tpu.memory_space<hbm>>
      %dma_wait3A_40 = arith.constant 0 : i32
      %dma_wait3A_41 = tpu.memref_slice %arg18[%mul3A_0, %dma_wait3A_40] : memref<10240x64xf32, #tpu.memory_space<vmem_shared>> -> memref<640x64xf32, #tpu.memory_space<vmem_shared>>
      tpu.wait_dma2 semaphore(%run_scoped3A : memref<!tpu.dma_semaphore, #tpu.memory_space<semaphore_mem>>) src(%dma_wait3A_41 : memref<640x64xf32, #tpu.memory_space<vmem_shared>>) dst(%dma_wait3A_39 : memref<640x64xf32, #tpu.memory_space<hbm>>)
      tpu.yield
    }) : () -> ()
    %mul3A_32 = arith.constant 10240 : i32
    %mul3A_33 = arith.muli %arg0, %mul3A_32 : i32
    %add3A_34 = arith.addi %mul3A_33, %mul3A_0 : i32
    "tpu.region"() ({
      %run_scoped3A = tpu.sem_alloc : memref<!tpu.dma_semaphore, #tpu.memory_space<semaphore_mem>>
      %dma_start3A_35 = tpu.memref_slice %arg10[%add3A_34] : memref<20480xf32, #tpu.memory_space<hbm>> -> memref<640xf32, #tpu.memory_space<hbm>>
      %dma_start3A_36 = tpu.memref_slice %arg19[%mul3A_0] : memref<10240xf32, #tpu.memory_space<vmem_shared>> -> memref<640xf32, #tpu.memory_space<vmem_shared>>
      tpu.enqueue_dma source(%dma_start3A_36 : memref<640xf32, #tpu.memory_space<vmem_shared>>) target(%dma_start3A_35 : memref<640xf32, #tpu.memory_space<hbm>>) target_semaphore(%run_scoped3A : memref<!tpu.dma_semaphore, #tpu.memory_space<semaphore_mem>>)
      %dma_wait3A = tpu.memref_slice %arg10[%add3A_34] : memref<20480xf32, #tpu.memory_space<hbm>> -> memref<640xf32, #tpu.memory_space<hbm>>
      %dma_wait3A_37 = tpu.memref_slice %arg19[%mul3A_0] : memref<10240xf32, #tpu.memory_space<vmem_shared>> -> memref<640xf32, #tpu.memory_space<vmem_shared>>
      tpu.wait_dma2 semaphore(%run_scoped3A : memref<!tpu.dma_semaphore, #tpu.memory_space<semaphore_mem>>) src(%dma_wait3A_37 : memref<640xf32, #tpu.memory_space<vmem_shared>>) dst(%dma_wait3A : memref<640xf32, #tpu.memory_space<hbm>>)
      tpu.yield
    }) : () -> ()
    return
  }
}

#map = affine_map<(d0, d1) -> (0, 0)>
#map1 = affine_map<(d0, d1) -> (0)>
module attributes {stable_mosaic.version = 14 : i64} {
  func.func @body(%arg0: i32, %arg1: i32, %arg2: memref<20480x32xf32, #tpu.memory_space<hbm>>, %arg3: memref<10240xf32, #tpu.memory_space<hbm>>, %arg4: memref<10240xf32, #tpu.memory_space<hbm>>, %arg5: memref<1280x128xi32, #tpu.memory_space<hbm>>, %arg6: memref<1280x128xi32, #tpu.memory_space<hbm>>, %arg7: memref<20480x32xf32, #tpu.memory_space<hbm>>, %arg8: memref<10240xf32, #tpu.memory_space<hbm>>, %arg9: memref<20480x32xf32, #tpu.memory_space<hbm>>, %arg10: memref<20480xf32, #tpu.memory_space<hbm>>, %arg11: memref<10240xf32, #tpu.memory_space<vmem>>, %arg12: memref<10240xf32, #tpu.memory_space<vmem>>, %arg13: memref<80x128xi32, #tpu.memory_space<vmem>>, %arg14: memref<80x128xi32, #tpu.memory_space<vmem>>, %arg15: memref<80x128xf32, #tpu.memory_space<vmem>>, %arg16: memref<128x32xf32, #tpu.memory_space<vmem>>, %arg17: memref<128x32xf32, #tpu.memory_space<vmem>>, %arg18: memref<10240x32xf32, #tpu.memory_space<vmem_shared>>, %arg19: memref<10240xf32, #tpu.memory_space<vmem_shared>>, %arg20: memref<!tpu.dma_semaphore, #tpu.memory_space<semaphore_mem>>, %arg21: memref<!tpu.dma_semaphore, #tpu.memory_space<semaphore_mem>>) attributes {dimension_semantics = [#tpu.dimension_semantics<core_parallel>, #tpu.dimension_semantics<subcore_parallel>], iteration_bounds = array<i64: 2, 16>, scalar_prefetch = 0 : i64, scratch_operands = 11 : i64, tpu.core_type = #tpu.core_type<sc_vector_subcore>, window_params = [{transform_indices = #map}, {transform_indices = #map1}, {transform_indices = #map1}, {transform_indices = #map}, {transform_indices = #map}, {transform_indices = #map}, {transform_indices = #map1}, {transform_indices = #map}, {transform_indices = #map1}]} {
    %mul3A = arith.constant 640 : i32
    %mul3A_0 = arith.muli %arg1, %mul3A : i32
    %mul3A_1 = arith.constant 10240 : i32
    %mul3A_2 = arith.muli %arg0, %mul3A_1 : i32
    %add3A = arith.addi %mul3A_2, %mul3A_0 : i32
    "tpu.region"() ({
      %run_scoped3A = tpu.sem_alloc : memref<!tpu.dma_semaphore, #tpu.memory_space<semaphore_mem>>
      %dma_start3A_35 = arith.constant 0 : i32
      %dma_start3A_36 = tpu.memref_slice %arg18[%mul3A_0, %dma_start3A_35] : memref<10240x32xf32, #tpu.memory_space<vmem_shared>> -> memref<640x32xf32, #tpu.memory_space<vmem_shared>>
      %dma_start3A_37 = arith.constant 0 : i32
      %dma_start3A_38 = tpu.memref_slice %arg7[%add3A, %dma_start3A_37] : memref<20480x32xf32, #tpu.memory_space<hbm>> -> memref<640x32xf32, #tpu.memory_space<hbm>>
      tpu.enqueue_dma source(%dma_start3A_38 : memref<640x32xf32, #tpu.memory_space<hbm>>) target(%dma_start3A_36 : memref<640x32xf32, #tpu.memory_space<vmem_shared>>) target_semaphore(%run_scoped3A : memref<!tpu.dma_semaphore, #tpu.memory_space<semaphore_mem>>)
      %dma_wait3A = arith.constant 0 : i32
      %dma_wait3A_39 = tpu.memref_slice %arg18[%mul3A_0, %dma_wait3A] : memref<10240x32xf32, #tpu.memory_space<vmem_shared>> -> memref<640x32xf32, #tpu.memory_space<vmem_shared>>
      %dma_wait3A_40 = arith.constant 0 : i32
      %dma_wait3A_41 = tpu.memref_slice %arg7[%add3A, %dma_wait3A_40] : memref<20480x32xf32, #tpu.memory_space<hbm>> -> memref<640x32xf32, #tpu.memory_space<hbm>>
      tpu.wait_dma2 semaphore(%run_scoped3A : memref<!tpu.dma_semaphore, #tpu.memory_space<semaphore_mem>>) src(%dma_wait3A_41 : memref<640x32xf32, #tpu.memory_space<hbm>>) dst(%dma_wait3A_39 : memref<640x32xf32, #tpu.memory_space<vmem_shared>>)
      tpu.yield
    }) : () -> ()
    "tpu.region"() ({
      %run_scoped3A = tpu.sem_alloc : memref<!tpu.dma_semaphore, #tpu.memory_space<semaphore_mem>>
      %dma_start3A_35 = tpu.memref_slice %arg19[%mul3A_0] : memref<10240xf32, #tpu.memory_space<vmem_shared>> -> memref<640xf32, #tpu.memory_space<vmem_shared>>
      %dma_start3A_36 = tpu.memref_slice %arg8[%mul3A_0] : memref<10240xf32, #tpu.memory_space<hbm>> -> memref<640xf32, #tpu.memory_space<hbm>>
      tpu.enqueue_dma source(%dma_start3A_36 : memref<640xf32, #tpu.memory_space<hbm>>) target(%dma_start3A_35 : memref<640xf32, #tpu.memory_space<vmem_shared>>) target_semaphore(%run_scoped3A : memref<!tpu.dma_semaphore, #tpu.memory_space<semaphore_mem>>)
      %dma_wait3A = tpu.memref_slice %arg19[%mul3A_0] : memref<10240xf32, #tpu.memory_space<vmem_shared>> -> memref<640xf32, #tpu.memory_space<vmem_shared>>
      %dma_wait3A_37 = tpu.memref_slice %arg8[%mul3A_0] : memref<10240xf32, #tpu.memory_space<hbm>> -> memref<640xf32, #tpu.memory_space<hbm>>
      tpu.wait_dma2 semaphore(%run_scoped3A : memref<!tpu.dma_semaphore, #tpu.memory_space<semaphore_mem>>) src(%dma_wait3A_37 : memref<640xf32, #tpu.memory_space<hbm>>) dst(%dma_wait3A : memref<640xf32, #tpu.memory_space<vmem_shared>>)
      tpu.yield
    }) : () -> ()
    "tpu.region"() ({
      %run_scoped3A = tpu.sem_alloc : memref<!tpu.dma_semaphore, #tpu.memory_space<semaphore_mem>>
      tpu.enqueue_dma source(%arg3 : memref<10240xf32, #tpu.memory_space<hbm>>) target(%arg11 : memref<10240xf32, #tpu.memory_space<vmem>>) target_semaphore(%run_scoped3A : memref<!tpu.dma_semaphore, #tpu.memory_space<semaphore_mem>>)
      tpu.wait_dma2 semaphore(%run_scoped3A : memref<!tpu.dma_semaphore, #tpu.memory_space<semaphore_mem>>) src(%arg3 : memref<10240xf32, #tpu.memory_space<hbm>>) dst(%arg11 : memref<10240xf32, #tpu.memory_space<vmem>>)
      tpu.yield
    }) : () -> ()
    "tpu.region"() ({
      %run_scoped3A = tpu.sem_alloc : memref<!tpu.dma_semaphore, #tpu.memory_space<semaphore_mem>>
      tpu.enqueue_dma source(%arg4 : memref<10240xf32, #tpu.memory_space<hbm>>) target(%arg12 : memref<10240xf32, #tpu.memory_space<vmem>>) target_semaphore(%run_scoped3A : memref<!tpu.dma_semaphore, #tpu.memory_space<semaphore_mem>>)
      tpu.wait_dma2 semaphore(%run_scoped3A : memref<!tpu.dma_semaphore, #tpu.memory_space<semaphore_mem>>) src(%arg4 : memref<10240xf32, #tpu.memory_space<hbm>>) dst(%arg12 : memref<10240xf32, #tpu.memory_space<vmem>>)
      tpu.yield
    }) : () -> ()
    %mul3A_3 = arith.constant 80 : i32
    %mul3A_4 = arith.muli %arg1, %mul3A_3 : i32
    "tpu.region"() ({
      %run_scoped3A = tpu.sem_alloc : memref<!tpu.dma_semaphore, #tpu.memory_space<semaphore_mem>>
      %dma_start3A_35 = arith.constant 0 : i32
      %dma_start3A_36 = tpu.memref_slice %arg5[%mul3A_4, %dma_start3A_35] : memref<1280x128xi32, #tpu.memory_space<hbm>> -> memref<80x128xi32, #tpu.memory_space<hbm>>
      %dma_start3A_37 = arith.constant 0 : i32
      %dma_start3A_38 = tpu.memref_slice %arg5[%mul3A_4, %dma_start3A_37] : memref<1280x128xi32, #tpu.memory_space<hbm>> -> memref<80x128xi32, #tpu.memory_space<hbm>>
      tpu.enqueue_dma source(%dma_start3A_38 : memref<80x128xi32, #tpu.memory_space<hbm>>) target(%arg13 : memref<80x128xi32, #tpu.memory_space<vmem>>) target_semaphore(%run_scoped3A : memref<!tpu.dma_semaphore, #tpu.memory_space<semaphore_mem>>)
      %dma_wait3A = arith.constant 0 : i32
      %dma_wait3A_39 = tpu.memref_slice %arg5[%mul3A_4, %dma_wait3A] : memref<1280x128xi32, #tpu.memory_space<hbm>> -> memref<80x128xi32, #tpu.memory_space<hbm>>
      %dma_wait3A_40 = arith.constant 0 : i32
      %dma_wait3A_41 = tpu.memref_slice %arg5[%mul3A_4, %dma_wait3A_40] : memref<1280x128xi32, #tpu.memory_space<hbm>> -> memref<80x128xi32, #tpu.memory_space<hbm>>
      tpu.wait_dma2 semaphore(%run_scoped3A : memref<!tpu.dma_semaphore, #tpu.memory_space<semaphore_mem>>) src(%dma_wait3A_41 : memref<80x128xi32, #tpu.memory_space<hbm>>) dst(%arg13 : memref<80x128xi32, #tpu.memory_space<vmem>>)
      tpu.yield
    }) : () -> ()
    %mul3A_5 = arith.constant 80 : i32
    %mul3A_6 = arith.muli %arg1, %mul3A_5 : i32
    "tpu.region"() ({
      %run_scoped3A = tpu.sem_alloc : memref<!tpu.dma_semaphore, #tpu.memory_space<semaphore_mem>>
      %dma_start3A_35 = arith.constant 0 : i32
      %dma_start3A_36 = tpu.memref_slice %arg6[%mul3A_6, %dma_start3A_35] : memref<1280x128xi32, #tpu.memory_space<hbm>> -> memref<80x128xi32, #tpu.memory_space<hbm>>
      %dma_start3A_37 = arith.constant 0 : i32
      %dma_start3A_38 = tpu.memref_slice %arg6[%mul3A_6, %dma_start3A_37] : memref<1280x128xi32, #tpu.memory_space<hbm>> -> memref<80x128xi32, #tpu.memory_space<hbm>>
      tpu.enqueue_dma source(%dma_start3A_38 : memref<80x128xi32, #tpu.memory_space<hbm>>) target(%arg14 : memref<80x128xi32, #tpu.memory_space<vmem>>) target_semaphore(%run_scoped3A : memref<!tpu.dma_semaphore, #tpu.memory_space<semaphore_mem>>)
      %dma_wait3A = arith.constant 0 : i32
      %dma_wait3A_39 = tpu.memref_slice %arg6[%mul3A_6, %dma_wait3A] : memref<1280x128xi32, #tpu.memory_space<hbm>> -> memref<80x128xi32, #tpu.memory_space<hbm>>
      %dma_wait3A_40 = arith.constant 0 : i32
      %dma_wait3A_41 = tpu.memref_slice %arg6[%mul3A_6, %dma_wait3A_40] : memref<1280x128xi32, #tpu.memory_space<hbm>> -> memref<80x128xi32, #tpu.memory_space<hbm>>
      tpu.wait_dma2 semaphore(%run_scoped3A : memref<!tpu.dma_semaphore, #tpu.memory_space<semaphore_mem>>) src(%dma_wait3A_41 : memref<80x128xi32, #tpu.memory_space<hbm>>) dst(%arg14 : memref<80x128xi32, #tpu.memory_space<vmem>>)
      tpu.yield
    }) : () -> ()
    %mul3A_7 = arith.constant 10240 : i32
    %mul3A_8 = arith.muli %arg0, %mul3A_7 : i32
    %broadcast_in_dim3A = vector.broadcast %mul3A_8 : i32 to vector<16xi32>
    %scan3A = arith.constant 0 : i32
    %scan3A_9 = arith.constant 0 : i32
    %scan3A_10 = arith.constant 80 : i32
    %scan3A_11 = arith.addi %scan3A_9, %scan3A_10 : i32
    %scan3A_12 = arith.constant 1 : i32
    %scan3A_13 = scf.for %scan3A_35 = %scan3A_9 to %scan3A_11 step %scan3A_12 iter_args(%scan3A_36 = %scan3A) -> (i32)  : i32 {
      %get3A = arith.index_cast %scan3A_35 : i32 to index
      %get3A_37 = arith.constant 0 : index
      %get3A_38 = tpu.vector_load %arg13[%get3A, %get3A_37] {strides = array<i32>} : memref<80x128xi32, #tpu.memory_space<vmem>>, vector<16xi32>,
      %get3A_39 = arith.index_cast %scan3A_35 : i32 to index
      %get3A_40 = arith.constant 0 : index
      %get3A_41 = tpu.vector_load %arg14[%get3A_39, %get3A_40] {strides = array<i32>} : memref<80x128xi32, #tpu.memory_space<vmem>>, vector<16xi32>,
      %gather3A = tpu.vector_load_idx %arg11[%get3A_38] : memref<10240xf32, #tpu.memory_space<vmem>>[vector<16xi32>], vector<16xf32>,
      %gather3A_42 = tpu.vector_load_idx %arg12[%get3A_41] : memref<10240xf32, #tpu.memory_space<vmem>>[vector<16xi32>], vector<16xf32>,
      %add3A_43 = arith.addf %gather3A, %gather3A_42 : vector<16xf32>
      %mul3A_44 = arith.constant 2.000000e-01 : f32
      %mul3A_45 = vector.broadcast %mul3A_44 : f32 to vector<16xf32>
      %mul3A_46 = arith.mulf %mul3A_45, %add3A_43 : vector<16xf32>
      %max3A = arith.maximumf %add3A_43, %mul3A_46 : vector<16xf32>
      %exp3A = math.exp %max3A : vector<16xf32>
      %swap3A = arith.index_cast %scan3A_35 : i32 to index
      %swap3A_47 = arith.constant 0 : index
      %swap3A_48 = tpu.vector_load %arg15[%swap3A, %swap3A_47] {strides = array<i32>} : memref<80x128xf32, #tpu.memory_space<vmem>>, vector<16xf32>,
      tpu.vector_store %arg15[%swap3A, %swap3A_47], %exp3A {strides = array<i32>} : memref<80x128xf32, #tpu.memory_space<vmem>>, vector<16xf32>,
      %add3A_49 = arith.addi %get3A_38, %broadcast_in_dim3A : vector<16xi32>
      %swap3A_50 = arith.index_cast %scan3A_35 : i32 to index
      %swap3A_51 = arith.constant 0 : index
      %swap3A_52 = tpu.vector_load %arg13[%swap3A_50, %swap3A_51] {strides = array<i32>} : memref<80x128xi32, #tpu.memory_space<vmem>>, vector<16xi32>,
      tpu.vector_store %arg13[%swap3A_50, %swap3A_51], %add3A_49 {strides = array<i32>} : memref<80x128xi32, #tpu.memory_space<vmem>>, vector<16xi32>,
      %get3A_53 = arith.index_cast %scan3A_35 : i32 to index
      %get3A_54 = arith.constant 16 : index
      %get3A_55 = tpu.vector_load %arg13[%get3A_53, %get3A_54] {strides = array<i32>} : memref<80x128xi32, #tpu.memory_space<vmem>>, vector<16xi32>,
      %get3A_56 = arith.index_cast %scan3A_35 : i32 to index
      %get3A_57 = arith.constant 16 : index
      %get3A_58 = tpu.vector_load %arg14[%get3A_56, %get3A_57] {strides = array<i32>} : memref<80x128xi32, #tpu.memory_space<vmem>>, vector<16xi32>,
      %gather3A_59 = tpu.vector_load_idx %arg11[%get3A_55] : memref<10240xf32, #tpu.memory_space<vmem>>[vector<16xi32>], vector<16xf32>,
      %gather3A_60 = tpu.vector_load_idx %arg12[%get3A_58] : memref<10240xf32, #tpu.memory_space<vmem>>[vector<16xi32>], vector<16xf32>,
      %add3A_61 = arith.addf %gather3A_59, %gather3A_60 : vector<16xf32>
      %mul3A_62 = arith.constant 2.000000e-01 : f32
      %mul3A_63 = vector.broadcast %mul3A_62 : f32 to vector<16xf32>
      %mul3A_64 = arith.mulf %mul3A_63, %add3A_61 : vector<16xf32>
      %max3A_65 = arith.maximumf %add3A_61, %mul3A_64 : vector<16xf32>
      %exp3A_66 = math.exp %max3A_65 : vector<16xf32>
      %swap3A_67 = arith.index_cast %scan3A_35 : i32 to index
      %swap3A_68 = arith.constant 16 : index
      %swap3A_69 = tpu.vector_load %arg15[%swap3A_67, %swap3A_68] {strides = array<i32>} : memref<80x128xf32, #tpu.memory_space<vmem>>, vector<16xf32>,
      tpu.vector_store %arg15[%swap3A_67, %swap3A_68], %exp3A_66 {strides = array<i32>} : memref<80x128xf32, #tpu.memory_space<vmem>>, vector<16xf32>,
      %add3A_70 = arith.addi %get3A_55, %broadcast_in_dim3A : vector<16xi32>
      %swap3A_71 = arith.index_cast %scan3A_35 : i32 to index
      %swap3A_72 = arith.constant 16 : index
      %swap3A_73 = tpu.vector_load %arg13[%swap3A_71, %swap3A_72] {strides = array<i32>} : memref<80x128xi32, #tpu.memory_space<vmem>>, vector<16xi32>,
      tpu.vector_store %arg13[%swap3A_71, %swap3A_72], %add3A_70 {strides = array<i32>} : memref<80x128xi32, #tpu.memory_space<vmem>>, vector<16xi32>,
      %get3A_74 = arith.index_cast %scan3A_35 : i32 to index
      %get3A_75 = arith.constant 32 : index
      %get3A_76 = tpu.vector_load %arg13[%get3A_74, %get3A_75] {strides = array<i32>} : memref<80x128xi32, #tpu.memory_space<vmem>>, vector<16xi32>,
      %get3A_77 = arith.index_cast %scan3A_35 : i32 to index
      %get3A_78 = arith.constant 32 : index
      %get3A_79 = tpu.vector_load %arg14[%get3A_77, %get3A_78] {strides = array<i32>} : memref<80x128xi32, #tpu.memory_space<vmem>>, vector<16xi32>,
      %gather3A_80 = tpu.vector_load_idx %arg11[%get3A_76] : memref<10240xf32, #tpu.memory_space<vmem>>[vector<16xi32>], vector<16xf32>,
      %gather3A_81 = tpu.vector_load_idx %arg12[%get3A_79] : memref<10240xf32, #tpu.memory_space<vmem>>[vector<16xi32>], vector<16xf32>,
      %add3A_82 = arith.addf %gather3A_80, %gather3A_81 : vector<16xf32>
      %mul3A_83 = arith.constant 2.000000e-01 : f32
      %mul3A_84 = vector.broadcast %mul3A_83 : f32 to vector<16xf32>
      %mul3A_85 = arith.mulf %mul3A_84, %add3A_82 : vector<16xf32>
      %max3A_86 = arith.maximumf %add3A_82, %mul3A_85 : vector<16xf32>
      %exp3A_87 = math.exp %max3A_86 : vector<16xf32>
      %swap3A_88 = arith.index_cast %scan3A_35 : i32 to index
      %swap3A_89 = arith.constant 32 : index
      %swap3A_90 = tpu.vector_load %arg15[%swap3A_88, %swap3A_89] {strides = array<i32>} : memref<80x128xf32, #tpu.memory_space<vmem>>, vector<16xf32>,
      tpu.vector_store %arg15[%swap3A_88, %swap3A_89], %exp3A_87 {strides = array<i32>} : memref<80x128xf32, #tpu.memory_space<vmem>>, vector<16xf32>,
      %add3A_91 = arith.addi %get3A_76, %broadcast_in_dim3A : vector<16xi32>
      %swap3A_92 = arith.index_cast %scan3A_35 : i32 to index
      %swap3A_93 = arith.constant 32 : index
      %swap3A_94 = tpu.vector_load %arg13[%swap3A_92, %swap3A_93] {strides = array<i32>} : memref<80x128xi32, #tpu.memory_space<vmem>>, vector<16xi32>,
      tpu.vector_store %arg13[%swap3A_92, %swap3A_93], %add3A_91 {strides = array<i32>} : memref<80x128xi32, #tpu.memory_space<vmem>>, vector<16xi32>,
      %get3A_95 = arith.index_cast %scan3A_35 : i32 to index
      %get3A_96 = arith.constant 48 : index
      %get3A_97 = tpu.vector_load %arg13[%get3A_95, %get3A_96] {strides = array<i32>} : memref<80x128xi32, #tpu.memory_space<vmem>>, vector<16xi32>,
      %get3A_98 = arith.index_cast %scan3A_35 : i32 to index
      %get3A_99 = arith.constant 48 : index
      %get3A_100 = tpu.vector_load %arg14[%get3A_98, %get3A_99] {strides = array<i32>} : memref<80x128xi32, #tpu.memory_space<vmem>>, vector<16xi32>,
      %gather3A_101 = tpu.vector_load_idx %arg11[%get3A_97] : memref<10240xf32, #tpu.memory_space<vmem>>[vector<16xi32>], vector<16xf32>,
      %gather3A_102 = tpu.vector_load_idx %arg12[%get3A_100] : memref<10240xf32, #tpu.memory_space<vmem>>[vector<16xi32>], vector<16xf32>,
      %add3A_103 = arith.addf %gather3A_101, %gather3A_102 : vector<16xf32>
      %mul3A_104 = arith.constant 2.000000e-01 : f32
      %mul3A_105 = vector.broadcast %mul3A_104 : f32 to vector<16xf32>
      %mul3A_106 = arith.mulf %mul3A_105, %add3A_103 : vector<16xf32>
      %max3A_107 = arith.maximumf %add3A_103, %mul3A_106 : vector<16xf32>
      %exp3A_108 = math.exp %max3A_107 : vector<16xf32>
      %swap3A_109 = arith.index_cast %scan3A_35 : i32 to index
      %swap3A_110 = arith.constant 48 : index
      %swap3A_111 = tpu.vector_load %arg15[%swap3A_109, %swap3A_110] {strides = array<i32>} : memref<80x128xf32, #tpu.memory_space<vmem>>, vector<16xf32>,
      tpu.vector_store %arg15[%swap3A_109, %swap3A_110], %exp3A_108 {strides = array<i32>} : memref<80x128xf32, #tpu.memory_space<vmem>>, vector<16xf32>,
      %add3A_112 = arith.addi %get3A_97, %broadcast_in_dim3A : vector<16xi32>
      %swap3A_113 = arith.index_cast %scan3A_35 : i32 to index
      %swap3A_114 = arith.constant 48 : index
      %swap3A_115 = tpu.vector_load %arg13[%swap3A_113, %swap3A_114] {strides = array<i32>} : memref<80x128xi32, #tpu.memory_space<vmem>>, vector<16xi32>,
      tpu.vector_store %arg13[%swap3A_113, %swap3A_114], %add3A_112 {strides = array<i32>} : memref<80x128xi32, #tpu.memory_space<vmem>>, vector<16xi32>,
      %get3A_116 = arith.index_cast %scan3A_35 : i32 to index
      %get3A_117 = arith.constant 64 : index
      %get3A_118 = tpu.vector_load %arg13[%get3A_116, %get3A_117] {strides = array<i32>} : memref<80x128xi32, #tpu.memory_space<vmem>>, vector<16xi32>,
      %get3A_119 = arith.index_cast %scan3A_35 : i32 to index
      %get3A_120 = arith.constant 64 : index
      %get3A_121 = tpu.vector_load %arg14[%get3A_119, %get3A_120] {strides = array<i32>} : memref<80x128xi32, #tpu.memory_space<vmem>>, vector<16xi32>,
      %gather3A_122 = tpu.vector_load_idx %arg11[%get3A_118] : memref<10240xf32, #tpu.memory_space<vmem>>[vector<16xi32>], vector<16xf32>,
      %gather3A_123 = tpu.vector_load_idx %arg12[%get3A_121] : memref<10240xf32, #tpu.memory_space<vmem>>[vector<16xi32>], vector<16xf32>,
      %add3A_124 = arith.addf %gather3A_122, %gather3A_123 : vector<16xf32>
      %mul3A_125 = arith.constant 2.000000e-01 : f32
      %mul3A_126 = vector.broadcast %mul3A_125 : f32 to vector<16xf32>
      %mul3A_127 = arith.mulf %mul3A_126, %add3A_124 : vector<16xf32>
      %max3A_128 = arith.maximumf %add3A_124, %mul3A_127 : vector<16xf32>
      %exp3A_129 = math.exp %max3A_128 : vector<16xf32>
      %swap3A_130 = arith.index_cast %scan3A_35 : i32 to index
      %swap3A_131 = arith.constant 64 : index
      %swap3A_132 = tpu.vector_load %arg15[%swap3A_130, %swap3A_131] {strides = array<i32>} : memref<80x128xf32, #tpu.memory_space<vmem>>, vector<16xf32>,
      tpu.vector_store %arg15[%swap3A_130, %swap3A_131], %exp3A_129 {strides = array<i32>} : memref<80x128xf32, #tpu.memory_space<vmem>>, vector<16xf32>,
      %add3A_133 = arith.addi %get3A_118, %broadcast_in_dim3A : vector<16xi32>
      %swap3A_134 = arith.index_cast %scan3A_35 : i32 to index
      %swap3A_135 = arith.constant 64 : index
      %swap3A_136 = tpu.vector_load %arg13[%swap3A_134, %swap3A_135] {strides = array<i32>} : memref<80x128xi32, #tpu.memory_space<vmem>>, vector<16xi32>,
      tpu.vector_store %arg13[%swap3A_134, %swap3A_135], %add3A_133 {strides = array<i32>} : memref<80x128xi32, #tpu.memory_space<vmem>>, vector<16xi32>,
      %get3A_137 = arith.index_cast %scan3A_35 : i32 to index
      %get3A_138 = arith.constant 80 : index
      %get3A_139 = tpu.vector_load %arg13[%get3A_137, %get3A_138] {strides = array<i32>} : memref<80x128xi32, #tpu.memory_space<vmem>>, vector<16xi32>,
      %get3A_140 = arith.index_cast %scan3A_35 : i32 to index
      %get3A_141 = arith.constant 80 : index
      %get3A_142 = tpu.vector_load %arg14[%get3A_140, %get3A_141] {strides = array<i32>} : memref<80x128xi32, #tpu.memory_space<vmem>>, vector<16xi32>,
      %gather3A_143 = tpu.vector_load_idx %arg11[%get3A_139] : memref<10240xf32, #tpu.memory_space<vmem>>[vector<16xi32>], vector<16xf32>,
      %gather3A_144 = tpu.vector_load_idx %arg12[%get3A_142] : memref<10240xf32, #tpu.memory_space<vmem>>[vector<16xi32>], vector<16xf32>,
      %add3A_145 = arith.addf %gather3A_143, %gather3A_144 : vector<16xf32>
      %mul3A_146 = arith.constant 2.000000e-01 : f32
      %mul3A_147 = vector.broadcast %mul3A_146 : f32 to vector<16xf32>
      %mul3A_148 = arith.mulf %mul3A_147, %add3A_145 : vector<16xf32>
      %max3A_149 = arith.maximumf %add3A_145, %mul3A_148 : vector<16xf32>
      %exp3A_150 = math.exp %max3A_149 : vector<16xf32>
      %swap3A_151 = arith.index_cast %scan3A_35 : i32 to index
      %swap3A_152 = arith.constant 80 : index
      %swap3A_153 = tpu.vector_load %arg15[%swap3A_151, %swap3A_152] {strides = array<i32>} : memref<80x128xf32, #tpu.memory_space<vmem>>, vector<16xf32>,
      tpu.vector_store %arg15[%swap3A_151, %swap3A_152], %exp3A_150 {strides = array<i32>} : memref<80x128xf32, #tpu.memory_space<vmem>>, vector<16xf32>,
      %add3A_154 = arith.addi %get3A_139, %broadcast_in_dim3A : vector<16xi32>
      %swap3A_155 = arith.index_cast %scan3A_35 : i32 to index
      %swap3A_156 = arith.constant 80 : index
      %swap3A_157 = tpu.vector_load %arg13[%swap3A_155, %swap3A_156] {strides = array<i32>} : memref<80x128xi32, #tpu.memory_space<vmem>>, vector<16xi32>,
      tpu.vector_store %arg13[%swap3A_155, %swap3A_156], %add3A_154 {strides = array<i32>} : memref<80x128xi32, #tpu.memory_space<vmem>>, vector<16xi32>,
      %get3A_158 = arith.index_cast %scan3A_35 : i32 to index
      %get3A_159 = arith.constant 96 : index
      %get3A_160 = tpu.vector_load %arg13[%get3A_158, %get3A_159] {strides = array<i32>} : memref<80x128xi32, #tpu.memory_space<vmem>>, vector<16xi32>,
      %get3A_161 = arith.index_cast %scan3A_35 : i32 to index
      %get3A_162 = arith.constant 96 : index
      %get3A_163 = tpu.vector_load %arg14[%get3A_161, %get3A_162] {strides = array<i32>} : memref<80x128xi32, #tpu.memory_space<vmem>>, vector<16xi32>,
      %gather3A_164 = tpu.vector_load_idx %arg11[%get3A_160] : memref<10240xf32, #tpu.memory_space<vmem>>[vector<16xi32>], vector<16xf32>,
      %gather3A_165 = tpu.vector_load_idx %arg12[%get3A_163] : memref<10240xf32, #tpu.memory_space<vmem>>[vector<16xi32>], vector<16xf32>,
      %add3A_166 = arith.addf %gather3A_164, %gather3A_165 : vector<16xf32>
      %mul3A_167 = arith.constant 2.000000e-01 : f32
      %mul3A_168 = vector.broadcast %mul3A_167 : f32 to vector<16xf32>
      %mul3A_169 = arith.mulf %mul3A_168, %add3A_166 : vector<16xf32>
      %max3A_170 = arith.maximumf %add3A_166, %mul3A_169 : vector<16xf32>
      %exp3A_171 = math.exp %max3A_170 : vector<16xf32>
      %swap3A_172 = arith.index_cast %scan3A_35 : i32 to index
      %swap3A_173 = arith.constant 96 : index
      %swap3A_174 = tpu.vector_load %arg15[%swap3A_172, %swap3A_173] {strides = array<i32>} : memref<80x128xf32, #tpu.memory_space<vmem>>, vector<16xf32>,
      tpu.vector_store %arg15[%swap3A_172, %swap3A_173], %exp3A_171 {strides = array<i32>} : memref<80x128xf32, #tpu.memory_space<vmem>>, vector<16xf32>,
      %add3A_175 = arith.addi %get3A_160, %broadcast_in_dim3A : vector<16xi32>
      %swap3A_176 = arith.index_cast %scan3A_35 : i32 to index
      %swap3A_177 = arith.constant 96 : index
      %swap3A_178 = tpu.vector_load %arg13[%swap3A_176, %swap3A_177] {strides = array<i32>} : memref<80x128xi32, #tpu.memory_space<vmem>>, vector<16xi32>,
      tpu.vector_store %arg13[%swap3A_176, %swap3A_177], %add3A_175 {strides = array<i32>} : memref<80x128xi32, #tpu.memory_space<vmem>>, vector<16xi32>,
      %get3A_179 = arith.index_cast %scan3A_35 : i32 to index
      %get3A_180 = arith.constant 112 : index
      %get3A_181 = tpu.vector_load %arg13[%get3A_179, %get3A_180] {strides = array<i32>} : memref<80x128xi32, #tpu.memory_space<vmem>>, vector<16xi32>,
      %get3A_182 = arith.index_cast %scan3A_35 : i32 to index
      %get3A_183 = arith.constant 112 : index
      %get3A_184 = tpu.vector_load %arg14[%get3A_182, %get3A_183] {strides = array<i32>} : memref<80x128xi32, #tpu.memory_space<vmem>>, vector<16xi32>,
      %gather3A_185 = tpu.vector_load_idx %arg11[%get3A_181] : memref<10240xf32, #tpu.memory_space<vmem>>[vector<16xi32>], vector<16xf32>,
      %gather3A_186 = tpu.vector_load_idx %arg12[%get3A_184] : memref<10240xf32, #tpu.memory_space<vmem>>[vector<16xi32>], vector<16xf32>,
      %add3A_187 = arith.addf %gather3A_185, %gather3A_186 : vector<16xf32>
      %mul3A_188 = arith.constant 2.000000e-01 : f32
      %mul3A_189 = vector.broadcast %mul3A_188 : f32 to vector<16xf32>
      %mul3A_190 = arith.mulf %mul3A_189, %add3A_187 : vector<16xf32>
      %max3A_191 = arith.maximumf %add3A_187, %mul3A_190 : vector<16xf32>
      %exp3A_192 = math.exp %max3A_191 : vector<16xf32>
      %swap3A_193 = arith.index_cast %scan3A_35 : i32 to index
      %swap3A_194 = arith.constant 112 : index
      %swap3A_195 = tpu.vector_load %arg15[%swap3A_193, %swap3A_194] {strides = array<i32>} : memref<80x128xf32, #tpu.memory_space<vmem>>, vector<16xf32>,
      tpu.vector_store %arg15[%swap3A_193, %swap3A_194], %exp3A_192 {strides = array<i32>} : memref<80x128xf32, #tpu.memory_space<vmem>>, vector<16xf32>,
      %add3A_196 = arith.addi %get3A_181, %broadcast_in_dim3A : vector<16xi32>
      %swap3A_197 = arith.index_cast %scan3A_35 : i32 to index
      %swap3A_198 = arith.constant 112 : index
      %swap3A_199 = tpu.vector_load %arg13[%swap3A_197, %swap3A_198] {strides = array<i32>} : memref<80x128xi32, #tpu.memory_space<vmem>>, vector<16xi32>,
      tpu.vector_store %arg13[%swap3A_197, %swap3A_198], %add3A_196 {strides = array<i32>} : memref<80x128xi32, #tpu.memory_space<vmem>>, vector<16xi32>,
      %scan3A_200 = arith.constant 0 : i32
      scf.yield %scan3A_200 : i32
    }
    %scan3A_14 = arith.constant 80 : i32
    %barrier3A = arith.constant 0 : index
    tpu.barrier barrier_id(%barrier3A)
    %dma_start3A = arith.constant 0 : i32
    %dma_start3A_15 = arith.constant 0 : i32
    %dma_start3A_16 = tpu.memref_slice %arg13[%dma_start3A, %dma_start3A_15] : memref<80x128xi32, #tpu.memory_space<vmem>> -> memref<1x128xi32, #tpu.memory_space<vmem>>
    %dma_start3A_17 = tpu.memref_squeeze %dma_start3A_16 : memref<1x128xi32, #tpu.memory_space<vmem>> -> memref<128xi32, #tpu.memory_space<vmem>>
    %dma_start3A_18 = arith.constant 0 : i32
    %dma_start3A_19 = arith.constant 0 : i32
    %dma_start3A_20 = tpu.memref_slice %arg2[%dma_start3A_18, %dma_start3A_19] : memref<20480x32xf32, #tpu.memory_space<hbm>> -> memref<20480x32xf32, #tpu.memory_space<hbm>>
    tpu.enqueue_indirect_dma source(%dma_start3A_20 : memref<20480x32xf32, #tpu.memory_space<hbm>>) target(%arg16 : memref<128x32xf32, #tpu.memory_space<vmem>>) offsets(%dma_start3A_17 : memref<128xi32, #tpu.memory_space<vmem>>) semaphore(%arg20 : memref<!tpu.dma_semaphore, #tpu.memory_space<semaphore_mem>>)
    %scan3A_21 = arith.constant 0 : i32
    %scan3A_22 = arith.constant 0 : i32
    %scan3A_23 = arith.constant 40 : i32
    %scan3A_24 = arith.addi %scan3A_22, %scan3A_23 : i32
    %scan3A_25 = arith.constant 1 : i32
    %scan3A_26 = scf.for %scan3A_35 = %scan3A_22 to %scan3A_24 step %scan3A_25 iter_args(%scan3A_36 = %scan3A_21) -> (i32)  : i32 {
      %mul3A_37 = arith.constant 2 : i32
      %mul3A_38 = arith.muli %scan3A_35, %mul3A_37 : i32
      %add3A_39 = arith.constant 1 : i32
      %add3A_40 = arith.addi %mul3A_38, %add3A_39 : i32
      %dma_wait3A = arith.constant 0 : i32
      %dma_wait3A_41 = tpu.memref_slice %arg13[%mul3A_38, %dma_wait3A] : memref<80x128xi32, #tpu.memory_space<vmem>> -> memref<1x128xi32, #tpu.memory_space<vmem>>
      %dma_wait3A_42 = tpu.memref_squeeze %dma_wait3A_41 : memref<1x128xi32, #tpu.memory_space<vmem>> -> memref<128xi32, #tpu.memory_space<vmem>>
      %dma_wait3A_43 = arith.constant 0 : i32
      %dma_wait3A_44 = arith.constant 0 : i32
      %dma_wait3A_45 = tpu.memref_slice %arg2[%dma_wait3A_43, %dma_wait3A_44] : memref<20480x32xf32, #tpu.memory_space<hbm>> -> memref<20480x32xf32, #tpu.memory_space<hbm>>
      tpu.wait_indirect_dma semaphore(%arg20 : memref<!tpu.dma_semaphore, #tpu.memory_space<semaphore_mem>>) src(%dma_wait3A_45 : memref<20480x32xf32, #tpu.memory_space<hbm>>) dst(%arg16 : memref<128x32xf32, #tpu.memory_space<vmem>>)
      %lt3A = arith.constant 80 : i32
      %lt3A_46 = arith.cmpi slt, %add3A_40, %lt3A : i32
      %convert_element_type3A = arith.extui %lt3A_46 : i1 to i32
      %cond3A = arith.constant 0 : i32
      %cond3A_47 = arith.cmpi ne, %convert_element_type3A, %cond3A : i32
      scf.if %cond3A_47 {
        %dma_start3A_69 = arith.constant 0 : i32
        %dma_start3A_70 = tpu.memref_slice %arg13[%add3A_40, %dma_start3A_69] : memref<80x128xi32, #tpu.memory_space<vmem>> -> memref<1x128xi32, #tpu.memory_space<vmem>>
        %dma_start3A_71 = tpu.memref_squeeze %dma_start3A_70 : memref<1x128xi32, #tpu.memory_space<vmem>> -> memref<128xi32, #tpu.memory_space<vmem>>
        %dma_start3A_72 = arith.constant 0 : i32
        %dma_start3A_73 = arith.constant 0 : i32
        %dma_start3A_74 = tpu.memref_slice %arg2[%dma_start3A_72, %dma_start3A_73] : memref<20480x32xf32, #tpu.memory_space<hbm>> -> memref<20480x32xf32, #tpu.memory_space<hbm>>
        tpu.enqueue_indirect_dma source(%dma_start3A_74 : memref<20480x32xf32, #tpu.memory_space<hbm>>) target(%arg17 : memref<128x32xf32, #tpu.memory_space<vmem>>) offsets(%dma_start3A_71 : memref<128xi32, #tpu.memory_space<vmem>>) semaphore(%arg21 : memref<!tpu.dma_semaphore, #tpu.memory_space<semaphore_mem>>)
      } else {
      }
      %parallel_loop3A = arith.constant 0 : i32
      %parallel_loop3A_48 = arith.constant 128 : i32
      %parallel_loop3A_49 = arith.constant 1 : i32
      scf.for %parallel_loop3A_69 = %parallel_loop3A to %parallel_loop3A_48 step %parallel_loop3A_49  : i32 {
        %parallel_loop3A_70 = vector.broadcast %mul3A_38 : i32 to vector<16xi32>
        %parallel_loop3A_71 = vector.broadcast %parallel_loop3A_69 : i32 to vector<16xi32>
        %parallel_loop3A_72 = tpu.vector_load_idx %arg15[%parallel_loop3A_70, %parallel_loop3A_71] : memref<80x128xf32, #tpu.memory_space<vmem>>[vector<16xi32>, vector<16xi32>], vector<16xf32>,
        %parallel_loop3A_73 = arith.index_cast %parallel_loop3A_69 : i32 to index
        %parallel_loop3A_74 = arith.constant 0 : index
        %parallel_loop3A_75 = tpu.vector_load %arg16[%parallel_loop3A_73, %parallel_loop3A_74] {strides = array<i32>} : memref<128x32xf32, #tpu.memory_space<vmem>>, vector<16xf32>,
        %parallel_loop3A_76 = arith.mulf %parallel_loop3A_75, %parallel_loop3A_72 : vector<16xf32>
        %parallel_loop3A_77 = arith.index_cast %parallel_loop3A_69 : i32 to index
        %parallel_loop3A_78 = arith.constant 0 : index
        %parallel_loop3A_79 = tpu.vector_load %arg16[%parallel_loop3A_77, %parallel_loop3A_78] {strides = array<i32>} : memref<128x32xf32, #tpu.memory_space<vmem>>, vector<16xf32>,
        tpu.vector_store %arg16[%parallel_loop3A_77, %parallel_loop3A_78], %parallel_loop3A_76 {strides = array<i32>} : memref<128x32xf32, #tpu.memory_space<vmem>>, vector<16xf32>,
        %parallel_loop3A_80 = arith.index_cast %parallel_loop3A_69 : i32 to index
        %parallel_loop3A_81 = arith.constant 16 : index
        %parallel_loop3A_82 = tpu.vector_load %arg16[%parallel_loop3A_80, %parallel_loop3A_81] {strides = array<i32>} : memref<128x32xf32, #tpu.memory_space<vmem>>, vector<16xf32>,
        %parallel_loop3A_83 = arith.mulf %parallel_loop3A_82, %parallel_loop3A_72 : vector<16xf32>
        %parallel_loop3A_84 = arith.index_cast %parallel_loop3A_69 : i32 to index
        %parallel_loop3A_85 = arith.constant 16 : index
        %parallel_loop3A_86 = tpu.vector_load %arg16[%parallel_loop3A_84, %parallel_loop3A_85] {strides = array<i32>} : memref<128x32xf32, #tpu.memory_space<vmem>>, vector<16xf32>,
        tpu.vector_store %arg16[%parallel_loop3A_84, %parallel_loop3A_85], %parallel_loop3A_83 {strides = array<i32>} : memref<128x32xf32, #tpu.memory_space<vmem>>, vector<16xf32>,
      } {sc.loop_unroll_factor = 8 : i64, sc.parallel_access}
      "tpu.region"() ({
        %run_scoped3A = tpu.sem_alloc : memref<!tpu.dma_semaphore, #tpu.memory_space<semaphore_mem>>
        %dma_start3A_69 = arith.constant 0 : i32
        %dma_start3A_70 = tpu.memref_slice %arg14[%mul3A_38, %dma_start3A_69] : memref<80x128xi32, #tpu.memory_space<vmem>> -> memref<1x128xi32, #tpu.memory_space<vmem>>
        %dma_start3A_71 = tpu.memref_squeeze %dma_start3A_70 : memref<1x128xi32, #tpu.memory_space<vmem>> -> memref<128xi32, #tpu.memory_space<vmem>>
        %dma_start3A_72 = arith.constant 0 : i32
        %dma_start3A_73 = arith.constant 0 : i32
        %dma_start3A_74 = tpu.memref_slice %arg18[%dma_start3A_72, %dma_start3A_73] : memref<10240x32xf32, #tpu.memory_space<vmem_shared>> -> memref<10240x32xf32, #tpu.memory_space<vmem_shared>>
        tpu.enqueue_indirect_dma source(%arg16 : memref<128x32xf32, #tpu.memory_space<vmem>>) target(%dma_start3A_74 : memref<10240x32xf32, #tpu.memory_space<vmem_shared>>) offsets(%dma_start3A_71 : memref<128xi32, #tpu.memory_space<vmem>>) semaphore(%run_scoped3A : memref<!tpu.dma_semaphore, #tpu.memory_space<semaphore_mem>>) {add = true}
        %dma_wait3A_75 = arith.constant 0 : i32
        %dma_wait3A_76 = tpu.memref_slice %arg14[%mul3A_38, %dma_wait3A_75] : memref<80x128xi32, #tpu.memory_space<vmem>> -> memref<1x128xi32, #tpu.memory_space<vmem>>
        %dma_wait3A_77 = tpu.memref_squeeze %dma_wait3A_76 : memref<1x128xi32, #tpu.memory_space<vmem>> -> memref<128xi32, #tpu.memory_space<vmem>>
        %dma_wait3A_78 = arith.constant 0 : i32
        %dma_wait3A_79 = arith.constant 0 : i32
        %dma_wait3A_80 = tpu.memref_slice %arg18[%dma_wait3A_78, %dma_wait3A_79] : memref<10240x32xf32, #tpu.memory_space<vmem_shared>> -> memref<10240x32xf32, #tpu.memory_space<vmem_shared>>
        tpu.wait_indirect_dma semaphore(%run_scoped3A : memref<!tpu.dma_semaphore, #tpu.memory_space<semaphore_mem>>) src(%arg16 : memref<128x32xf32, #tpu.memory_space<vmem>>) dst(%dma_wait3A_80 : memref<10240x32xf32, #tpu.memory_space<vmem_shared>>)
        tpu.yield
      }) : () -> ()
      "tpu.region"() ({
        %run_scoped3A = tpu.sem_alloc : memref<!tpu.dma_semaphore, #tpu.memory_space<semaphore_mem>>
        %dma_start3A_69 = arith.constant 0 : i32
        %dma_start3A_70 = tpu.memref_slice %arg15[%mul3A_38, %dma_start3A_69] : memref<80x128xf32, #tpu.memory_space<vmem>> -> memref<1x128xf32, #tpu.memory_space<vmem>>
        %dma_start3A_71 = tpu.memref_squeeze %dma_start3A_70 : memref<1x128xf32, #tpu.memory_space<vmem>> -> memref<128xf32, #tpu.memory_space<vmem>>
        %dma_start3A_72 = arith.constant 0 : i32
        %dma_start3A_73 = tpu.memref_slice %arg14[%mul3A_38, %dma_start3A_72] : memref<80x128xi32, #tpu.memory_space<vmem>> -> memref<1x128xi32, #tpu.memory_space<vmem>>
        %dma_start3A_74 = tpu.memref_squeeze %dma_start3A_73 : memref<1x128xi32, #tpu.memory_space<vmem>> -> memref<128xi32, #tpu.memory_space<vmem>>
        %dma_start3A_75 = arith.constant 0 : i32
        %dma_start3A_76 = tpu.memref_slice %arg19[%dma_start3A_75] : memref<10240xf32, #tpu.memory_space<vmem_shared>> -> memref<10240xf32, #tpu.memory_space<vmem_shared>>
        tpu.enqueue_indirect_dma source(%dma_start3A_71 : memref<128xf32, #tpu.memory_space<vmem>>) target(%dma_start3A_76 : memref<10240xf32, #tpu.memory_space<vmem_shared>>) offsets(%dma_start3A_74 : memref<128xi32, #tpu.memory_space<vmem>>) semaphore(%run_scoped3A : memref<!tpu.dma_semaphore, #tpu.memory_space<semaphore_mem>>) {add = true}
        %dma_wait3A_77 = arith.constant 0 : i32
        %dma_wait3A_78 = tpu.memref_slice %arg15[%mul3A_38, %dma_wait3A_77] : memref<80x128xf32, #tpu.memory_space<vmem>> -> memref<1x128xf32, #tpu.memory_space<vmem>>
        %dma_wait3A_79 = tpu.memref_squeeze %dma_wait3A_78 : memref<1x128xf32, #tpu.memory_space<vmem>> -> memref<128xf32, #tpu.memory_space<vmem>>
        %dma_wait3A_80 = arith.constant 0 : i32
        %dma_wait3A_81 = tpu.memref_slice %arg14[%mul3A_38, %dma_wait3A_80] : memref<80x128xi32, #tpu.memory_space<vmem>> -> memref<1x128xi32, #tpu.memory_space<vmem>>
        %dma_wait3A_82 = tpu.memref_squeeze %dma_wait3A_81 : memref<1x128xi32, #tpu.memory_space<vmem>> -> memref<128xi32, #tpu.memory_space<vmem>>
        %dma_wait3A_83 = arith.constant 0 : i32
        %dma_wait3A_84 = tpu.memref_slice %arg19[%dma_wait3A_83] : memref<10240xf32, #tpu.memory_space<vmem_shared>> -> memref<10240xf32, #tpu.memory_space<vmem_shared>>
        tpu.wait_indirect_dma semaphore(%run_scoped3A : memref<!tpu.dma_semaphore, #tpu.memory_space<semaphore_mem>>) src(%dma_wait3A_79 : memref<128xf32, #tpu.memory_space<vmem>>) dst(%dma_wait3A_84 : memref<10240xf32, #tpu.memory_space<vmem_shared>>)
        tpu.yield
      }) : () -> ()
      %add3A_50 = arith.constant 1 : i32
      %add3A_51 = arith.addi %mul3A_38, %add3A_50 : i32
      %add3A_52 = arith.constant 2 : i32
      %add3A_53 = arith.addi %mul3A_38, %add3A_52 : i32
      %dma_wait3A_54 = arith.constant 0 : i32
      %dma_wait3A_55 = tpu.memref_slice %arg13[%add3A_51, %dma_wait3A_54] : memref<80x128xi32, #tpu.memory_space<vmem>> -> memref<1x128xi32, #tpu.memory_space<vmem>>
      %dma_wait3A_56 = tpu.memref_squeeze %dma_wait3A_55 : memref<1x128xi32, #tpu.memory_space<vmem>> -> memref<128xi32, #tpu.memory_space<vmem>>
      %dma_wait3A_57 = arith.constant 0 : i32
      %dma_wait3A_58 = arith.constant 0 : i32
      %dma_wait3A_59 = tpu.memref_slice %arg2[%dma_wait3A_57, %dma_wait3A_58] : memref<20480x32xf32, #tpu.memory_space<hbm>> -> memref<20480x32xf32, #tpu.memory_space<hbm>>
      tpu.wait_indirect_dma semaphore(%arg21 : memref<!tpu.dma_semaphore, #tpu.memory_space<semaphore_mem>>) src(%dma_wait3A_59 : memref<20480x32xf32, #tpu.memory_space<hbm>>) dst(%arg17 : memref<128x32xf32, #tpu.memory_space<vmem>>)
      %lt3A_60 = arith.constant 80 : i32
      %lt3A_61 = arith.cmpi slt, %add3A_53, %lt3A_60 : i32
      %convert_element_type3A_62 = arith.extui %lt3A_61 : i1 to i32
      %cond3A_63 = arith.constant 0 : i32
      %cond3A_64 = arith.cmpi ne, %convert_element_type3A_62, %cond3A_63 : i32
      scf.if %cond3A_64 {
        %dma_start3A_69 = arith.constant 0 : i32
        %dma_start3A_70 = tpu.memref_slice %arg13[%add3A_53, %dma_start3A_69] : memref<80x128xi32, #tpu.memory_space<vmem>> -> memref<1x128xi32, #tpu.memory_space<vmem>>
        %dma_start3A_71 = tpu.memref_squeeze %dma_start3A_70 : memref<1x128xi32, #tpu.memory_space<vmem>> -> memref<128xi32, #tpu.memory_space<vmem>>
        %dma_start3A_72 = arith.constant 0 : i32
        %dma_start3A_73 = arith.constant 0 : i32
        %dma_start3A_74 = tpu.memref_slice %arg2[%dma_start3A_72, %dma_start3A_73] : memref<20480x32xf32, #tpu.memory_space<hbm>> -> memref<20480x32xf32, #tpu.memory_space<hbm>>
        tpu.enqueue_indirect_dma source(%dma_start3A_74 : memref<20480x32xf32, #tpu.memory_space<hbm>>) target(%arg16 : memref<128x32xf32, #tpu.memory_space<vmem>>) offsets(%dma_start3A_71 : memref<128xi32, #tpu.memory_space<vmem>>) semaphore(%arg20 : memref<!tpu.dma_semaphore, #tpu.memory_space<semaphore_mem>>)
      } else {
      }
      %parallel_loop3A_65 = arith.constant 0 : i32
      %parallel_loop3A_66 = arith.constant 128 : i32
      %parallel_loop3A_67 = arith.constant 1 : i32
      scf.for %parallel_loop3A_69 = %parallel_loop3A_65 to %parallel_loop3A_66 step %parallel_loop3A_67  : i32 {
        %parallel_loop3A_70 = vector.broadcast %add3A_51 : i32 to vector<16xi32>
        %parallel_loop3A_71 = vector.broadcast %parallel_loop3A_69 : i32 to vector<16xi32>
        %parallel_loop3A_72 = tpu.vector_load_idx %arg15[%parallel_loop3A_70, %parallel_loop3A_71] : memref<80x128xf32, #tpu.memory_space<vmem>>[vector<16xi32>, vector<16xi32>], vector<16xf32>,
        %parallel_loop3A_73 = arith.index_cast %parallel_loop3A_69 : i32 to index
        %parallel_loop3A_74 = arith.constant 0 : index
        %parallel_loop3A_75 = tpu.vector_load %arg17[%parallel_loop3A_73, %parallel_loop3A_74] {strides = array<i32>} : memref<128x32xf32, #tpu.memory_space<vmem>>, vector<16xf32>,
        %parallel_loop3A_76 = arith.mulf %parallel_loop3A_75, %parallel_loop3A_72 : vector<16xf32>
        %parallel_loop3A_77 = arith.index_cast %parallel_loop3A_69 : i32 to index
        %parallel_loop3A_78 = arith.constant 0 : index
        %parallel_loop3A_79 = tpu.vector_load %arg17[%parallel_loop3A_77, %parallel_loop3A_78] {strides = array<i32>} : memref<128x32xf32, #tpu.memory_space<vmem>>, vector<16xf32>,
        tpu.vector_store %arg17[%parallel_loop3A_77, %parallel_loop3A_78], %parallel_loop3A_76 {strides = array<i32>} : memref<128x32xf32, #tpu.memory_space<vmem>>, vector<16xf32>,
        %parallel_loop3A_80 = arith.index_cast %parallel_loop3A_69 : i32 to index
        %parallel_loop3A_81 = arith.constant 16 : index
        %parallel_loop3A_82 = tpu.vector_load %arg17[%parallel_loop3A_80, %parallel_loop3A_81] {strides = array<i32>} : memref<128x32xf32, #tpu.memory_space<vmem>>, vector<16xf32>,
        %parallel_loop3A_83 = arith.mulf %parallel_loop3A_82, %parallel_loop3A_72 : vector<16xf32>
        %parallel_loop3A_84 = arith.index_cast %parallel_loop3A_69 : i32 to index
        %parallel_loop3A_85 = arith.constant 16 : index
        %parallel_loop3A_86 = tpu.vector_load %arg17[%parallel_loop3A_84, %parallel_loop3A_85] {strides = array<i32>} : memref<128x32xf32, #tpu.memory_space<vmem>>, vector<16xf32>,
        tpu.vector_store %arg17[%parallel_loop3A_84, %parallel_loop3A_85], %parallel_loop3A_83 {strides = array<i32>} : memref<128x32xf32, #tpu.memory_space<vmem>>, vector<16xf32>,
      } {sc.loop_unroll_factor = 8 : i64, sc.parallel_access}
      "tpu.region"() ({
        %run_scoped3A = tpu.sem_alloc : memref<!tpu.dma_semaphore, #tpu.memory_space<semaphore_mem>>
        %dma_start3A_69 = arith.constant 0 : i32
        %dma_start3A_70 = tpu.memref_slice %arg14[%add3A_51, %dma_start3A_69] : memref<80x128xi32, #tpu.memory_space<vmem>> -> memref<1x128xi32, #tpu.memory_space<vmem>>
        %dma_start3A_71 = tpu.memref_squeeze %dma_start3A_70 : memref<1x128xi32, #tpu.memory_space<vmem>> -> memref<128xi32, #tpu.memory_space<vmem>>
        %dma_start3A_72 = arith.constant 0 : i32
        %dma_start3A_73 = arith.constant 0 : i32
        %dma_start3A_74 = tpu.memref_slice %arg18[%dma_start3A_72, %dma_start3A_73] : memref<10240x32xf32, #tpu.memory_space<vmem_shared>> -> memref<10240x32xf32, #tpu.memory_space<vmem_shared>>
        tpu.enqueue_indirect_dma source(%arg17 : memref<128x32xf32, #tpu.memory_space<vmem>>) target(%dma_start3A_74 : memref<10240x32xf32, #tpu.memory_space<vmem_shared>>) offsets(%dma_start3A_71 : memref<128xi32, #tpu.memory_space<vmem>>) semaphore(%run_scoped3A : memref<!tpu.dma_semaphore, #tpu.memory_space<semaphore_mem>>) {add = true}
        %dma_wait3A_75 = arith.constant 0 : i32
        %dma_wait3A_76 = tpu.memref_slice %arg14[%add3A_51, %dma_wait3A_75] : memref<80x128xi32, #tpu.memory_space<vmem>> -> memref<1x128xi32, #tpu.memory_space<vmem>>
        %dma_wait3A_77 = tpu.memref_squeeze %dma_wait3A_76 : memref<1x128xi32, #tpu.memory_space<vmem>> -> memref<128xi32, #tpu.memory_space<vmem>>
        %dma_wait3A_78 = arith.constant 0 : i32
        %dma_wait3A_79 = arith.constant 0 : i32
        %dma_wait3A_80 = tpu.memref_slice %arg18[%dma_wait3A_78, %dma_wait3A_79] : memref<10240x32xf32, #tpu.memory_space<vmem_shared>> -> memref<10240x32xf32, #tpu.memory_space<vmem_shared>>
        tpu.wait_indirect_dma semaphore(%run_scoped3A : memref<!tpu.dma_semaphore, #tpu.memory_space<semaphore_mem>>) src(%arg17 : memref<128x32xf32, #tpu.memory_space<vmem>>) dst(%dma_wait3A_80 : memref<10240x32xf32, #tpu.memory_space<vmem_shared>>)
        tpu.yield
      }) : () -> ()
      "tpu.region"() ({
        %run_scoped3A = tpu.sem_alloc : memref<!tpu.dma_semaphore, #tpu.memory_space<semaphore_mem>>
        %dma_start3A_69 = arith.constant 0 : i32
        %dma_start3A_70 = tpu.memref_slice %arg15[%add3A_51, %dma_start3A_69] : memref<80x128xf32, #tpu.memory_space<vmem>> -> memref<1x128xf32, #tpu.memory_space<vmem>>
        %dma_start3A_71 = tpu.memref_squeeze %dma_start3A_70 : memref<1x128xf32, #tpu.memory_space<vmem>> -> memref<128xf32, #tpu.memory_space<vmem>>
        %dma_start3A_72 = arith.constant 0 : i32
        %dma_start3A_73 = tpu.memref_slice %arg14[%add3A_51, %dma_start3A_72] : memref<80x128xi32, #tpu.memory_space<vmem>> -> memref<1x128xi32, #tpu.memory_space<vmem>>
        %dma_start3A_74 = tpu.memref_squeeze %dma_start3A_73 : memref<1x128xi32, #tpu.memory_space<vmem>> -> memref<128xi32, #tpu.memory_space<vmem>>
        %dma_start3A_75 = arith.constant 0 : i32
        %dma_start3A_76 = tpu.memref_slice %arg19[%dma_start3A_75] : memref<10240xf32, #tpu.memory_space<vmem_shared>> -> memref<10240xf32, #tpu.memory_space<vmem_shared>>
        tpu.enqueue_indirect_dma source(%dma_start3A_71 : memref<128xf32, #tpu.memory_space<vmem>>) target(%dma_start3A_76 : memref<10240xf32, #tpu.memory_space<vmem_shared>>) offsets(%dma_start3A_74 : memref<128xi32, #tpu.memory_space<vmem>>) semaphore(%run_scoped3A : memref<!tpu.dma_semaphore, #tpu.memory_space<semaphore_mem>>) {add = true}
        %dma_wait3A_77 = arith.constant 0 : i32
        %dma_wait3A_78 = tpu.memref_slice %arg15[%add3A_51, %dma_wait3A_77] : memref<80x128xf32, #tpu.memory_space<vmem>> -> memref<1x128xf32, #tpu.memory_space<vmem>>
        %dma_wait3A_79 = tpu.memref_squeeze %dma_wait3A_78 : memref<1x128xf32, #tpu.memory_space<vmem>> -> memref<128xf32, #tpu.memory_space<vmem>>
        %dma_wait3A_80 = arith.constant 0 : i32
        %dma_wait3A_81 = tpu.memref_slice %arg14[%add3A_51, %dma_wait3A_80] : memref<80x128xi32, #tpu.memory_space<vmem>> -> memref<1x128xi32, #tpu.memory_space<vmem>>
        %dma_wait3A_82 = tpu.memref_squeeze %dma_wait3A_81 : memref<1x128xi32, #tpu.memory_space<vmem>> -> memref<128xi32, #tpu.memory_space<vmem>>
        %dma_wait3A_83 = arith.constant 0 : i32
        %dma_wait3A_84 = tpu.memref_slice %arg19[%dma_wait3A_83] : memref<10240xf32, #tpu.memory_space<vmem_shared>> -> memref<10240xf32, #tpu.memory_space<vmem_shared>>
        tpu.wait_indirect_dma semaphore(%run_scoped3A : memref<!tpu.dma_semaphore, #tpu.memory_space<semaphore_mem>>) src(%dma_wait3A_79 : memref<128xf32, #tpu.memory_space<vmem>>) dst(%dma_wait3A_84 : memref<10240xf32, #tpu.memory_space<vmem_shared>>)
        tpu.yield
      }) : () -> ()
      %scan3A_68 = arith.constant 0 : i32
      scf.yield %scan3A_68 : i32
    }
    %scan3A_27 = arith.constant 40 : i32
    %barrier3A_28 = arith.constant 0 : index
    tpu.barrier barrier_id(%barrier3A_28)
    %mul3A_29 = arith.constant 10240 : i32
    %mul3A_30 = arith.muli %arg0, %mul3A_29 : i32
    %add3A_31 = arith.addi %mul3A_30, %mul3A_0 : i32
    "tpu.region"() ({
      %run_scoped3A = tpu.sem_alloc : memref<!tpu.dma_semaphore, #tpu.memory_space<semaphore_mem>>
      %dma_start3A_35 = arith.constant 0 : i32
      %dma_start3A_36 = tpu.memref_slice %arg9[%add3A_31, %dma_start3A_35] : memref<20480x32xf32, #tpu.memory_space<hbm>> -> memref<640x32xf32, #tpu.memory_space<hbm>>
      %dma_start3A_37 = arith.constant 0 : i32
      %dma_start3A_38 = tpu.memref_slice %arg18[%mul3A_0, %dma_start3A_37] : memref<10240x32xf32, #tpu.memory_space<vmem_shared>> -> memref<640x32xf32, #tpu.memory_space<vmem_shared>>
      tpu.enqueue_dma source(%dma_start3A_38 : memref<640x32xf32, #tpu.memory_space<vmem_shared>>) target(%dma_start3A_36 : memref<640x32xf32, #tpu.memory_space<hbm>>) target_semaphore(%run_scoped3A : memref<!tpu.dma_semaphore, #tpu.memory_space<semaphore_mem>>)
      %dma_wait3A = arith.constant 0 : i32
      %dma_wait3A_39 = tpu.memref_slice %arg9[%add3A_31, %dma_wait3A] : memref<20480x32xf32, #tpu.memory_space<hbm>> -> memref<640x32xf32, #tpu.memory_space<hbm>>
      %dma_wait3A_40 = arith.constant 0 : i32
      %dma_wait3A_41 = tpu.memref_slice %arg18[%mul3A_0, %dma_wait3A_40] : memref<10240x32xf32, #tpu.memory_space<vmem_shared>> -> memref<640x32xf32, #tpu.memory_space<vmem_shared>>
      tpu.wait_dma2 semaphore(%run_scoped3A : memref<!tpu.dma_semaphore, #tpu.memory_space<semaphore_mem>>) src(%dma_wait3A_41 : memref<640x32xf32, #tpu.memory_space<vmem_shared>>) dst(%dma_wait3A_39 : memref<640x32xf32, #tpu.memory_space<hbm>>)
      tpu.yield
    }) : () -> ()
    %mul3A_32 = arith.constant 10240 : i32
    %mul3A_33 = arith.muli %arg0, %mul3A_32 : i32
    %add3A_34 = arith.addi %mul3A_33, %mul3A_0 : i32
    "tpu.region"() ({
      %run_scoped3A = tpu.sem_alloc : memref<!tpu.dma_semaphore, #tpu.memory_space<semaphore_mem>>
      %dma_start3A_35 = tpu.memref_slice %arg10[%add3A_34] : memref<20480xf32, #tpu.memory_space<hbm>> -> memref<640xf32, #tpu.memory_space<hbm>>
      %dma_start3A_36 = tpu.memref_slice %arg19[%mul3A_0] : memref<10240xf32, #tpu.memory_space<vmem_shared>> -> memref<640xf32, #tpu.memory_space<vmem_shared>>
      tpu.enqueue_dma source(%dma_start3A_36 : memref<640xf32, #tpu.memory_space<vmem_shared>>) target(%dma_start3A_35 : memref<640xf32, #tpu.memory_space<hbm>>) target_semaphore(%run_scoped3A : memref<!tpu.dma_semaphore, #tpu.memory_space<semaphore_mem>>)
      %dma_wait3A = tpu.memref_slice %arg10[%add3A_34] : memref<20480xf32, #tpu.memory_space<hbm>> -> memref<640xf32, #tpu.memory_space<hbm>>
      %dma_wait3A_37 = tpu.memref_slice %arg19[%mul3A_0] : memref<10240xf32, #tpu.memory_space<vmem_shared>> -> memref<640xf32, #tpu.memory_space<vmem_shared>>
      tpu.wait_dma2 semaphore(%run_scoped3A : memref<!tpu.dma_semaphore, #tpu.memory_space<semaphore_mem>>) src(%dma_wait3A_37 : memref<640xf32, #tpu.memory_space<vmem_shared>>) dst(%dma_wait3A : memref<640xf32, #tpu.memory_space<hbm>>)
      tpu.yield
    }) : () -> ()
    return
  }
}

#map = affine_map<(d0, d1) -> (0, 0)>
#map1 = affine_map<(d0, d1) -> (0)>
module attributes {stable_mosaic.version = 14 : i64} {
  func.func @body(%arg0: i32, %arg1: i32, %arg2: memref<10240x4xf32, #tpu.memory_space<hbm>>, %arg3: memref<1280x128xi32, #tpu.memory_space<hbm>>, %arg4: memref<1280x128xi32, #tpu.memory_space<hbm>>, %arg5: memref<1310720xf32, #tpu.memory_space<hbm>>, %arg6: memref<10240x4xf32, #tpu.memory_space<vmem>>, %arg7: memref<40x128xi32, #tpu.memory_space<vmem>>, %arg8: memref<40x128xi32, #tpu.memory_space<vmem>>, %arg9: memref<1024xf32, #tpu.memory_space<vmem>>) attributes {dimension_semantics = [#tpu.dimension_semantics<core_parallel>, #tpu.dimension_semantics<subcore_parallel>], iteration_bounds = array<i64: 2, 16>, scalar_prefetch = 0 : i64, scratch_operands = 4 : i64, tpu.core_type = #tpu.core_type<sc_vector_subcore>, window_params = [{transform_indices = #map}, {transform_indices = #map}, {transform_indices = #map}, {transform_indices = #map1}]} {
    %mul3A = arith.constant 16 : i32
    %mul3A_0 = arith.muli %arg0, %mul3A : i32
    %add3A = arith.addi %mul3A_0, %arg1 : i32
    "tpu.region"() ({
      %run_scoped3A = tpu.sem_alloc : memref<!tpu.dma_semaphore, #tpu.memory_space<semaphore_mem>>
      tpu.enqueue_dma source(%arg2 : memref<10240x4xf32, #tpu.memory_space<hbm>>) target(%arg6 : memref<10240x4xf32, #tpu.memory_space<vmem>>) target_semaphore(%run_scoped3A : memref<!tpu.dma_semaphore, #tpu.memory_space<semaphore_mem>>)
      tpu.wait_dma2 semaphore(%run_scoped3A : memref<!tpu.dma_semaphore, #tpu.memory_space<semaphore_mem>>) src(%arg2 : memref<10240x4xf32, #tpu.memory_space<hbm>>) dst(%arg6 : memref<10240x4xf32, #tpu.memory_space<vmem>>)
      tpu.yield
    }) : () -> ()
    %mul3A_1 = arith.constant 40 : i32
    %mul3A_2 = arith.muli %add3A, %mul3A_1 : i32
    "tpu.region"() ({
      %run_scoped3A = tpu.sem_alloc : memref<!tpu.dma_semaphore, #tpu.memory_space<semaphore_mem>>
      %dma_start3A = arith.constant 0 : i32
      %dma_start3A_21 = tpu.memref_slice %arg3[%mul3A_2, %dma_start3A] : memref<1280x128xi32, #tpu.memory_space<hbm>> -> memref<40x128xi32, #tpu.memory_space<hbm>>
      %dma_start3A_22 = arith.constant 0 : i32
      %dma_start3A_23 = tpu.memref_slice %arg3[%mul3A_2, %dma_start3A_22] : memref<1280x128xi32, #tpu.memory_space<hbm>> -> memref<40x128xi32, #tpu.memory_space<hbm>>
      tpu.enqueue_dma source(%dma_start3A_23 : memref<40x128xi32, #tpu.memory_space<hbm>>) target(%arg7 : memref<40x128xi32, #tpu.memory_space<vmem>>) target_semaphore(%run_scoped3A : memref<!tpu.dma_semaphore, #tpu.memory_space<semaphore_mem>>)
      %dma_wait3A = arith.constant 0 : i32
      %dma_wait3A_24 = tpu.memref_slice %arg3[%mul3A_2, %dma_wait3A] : memref<1280x128xi32, #tpu.memory_space<hbm>> -> memref<40x128xi32, #tpu.memory_space<hbm>>
      %dma_wait3A_25 = arith.constant 0 : i32
      %dma_wait3A_26 = tpu.memref_slice %arg3[%mul3A_2, %dma_wait3A_25] : memref<1280x128xi32, #tpu.memory_space<hbm>> -> memref<40x128xi32, #tpu.memory_space<hbm>>
      tpu.wait_dma2 semaphore(%run_scoped3A : memref<!tpu.dma_semaphore, #tpu.memory_space<semaphore_mem>>) src(%dma_wait3A_26 : memref<40x128xi32, #tpu.memory_space<hbm>>) dst(%arg7 : memref<40x128xi32, #tpu.memory_space<vmem>>)
      tpu.yield
    }) : () -> ()
    %mul3A_3 = arith.constant 40 : i32
    %mul3A_4 = arith.muli %add3A, %mul3A_3 : i32
    "tpu.region"() ({
      %run_scoped3A = tpu.sem_alloc : memref<!tpu.dma_semaphore, #tpu.memory_space<semaphore_mem>>
      %dma_start3A = arith.constant 0 : i32
      %dma_start3A_21 = tpu.memref_slice %arg4[%mul3A_4, %dma_start3A] : memref<1280x128xi32, #tpu.memory_space<hbm>> -> memref<40x128xi32, #tpu.memory_space<hbm>>
      %dma_start3A_22 = arith.constant 0 : i32
      %dma_start3A_23 = tpu.memref_slice %arg4[%mul3A_4, %dma_start3A_22] : memref<1280x128xi32, #tpu.memory_space<hbm>> -> memref<40x128xi32, #tpu.memory_space<hbm>>
      tpu.enqueue_dma source(%dma_start3A_23 : memref<40x128xi32, #tpu.memory_space<hbm>>) target(%arg8 : memref<40x128xi32, #tpu.memory_space<vmem>>) target_semaphore(%run_scoped3A : memref<!tpu.dma_semaphore, #tpu.memory_space<semaphore_mem>>)
      %dma_wait3A = arith.constant 0 : i32
      %dma_wait3A_24 = tpu.memref_slice %arg4[%mul3A_4, %dma_wait3A] : memref<1280x128xi32, #tpu.memory_space<hbm>> -> memref<40x128xi32, #tpu.memory_space<hbm>>
      %dma_wait3A_25 = arith.constant 0 : i32
      %dma_wait3A_26 = tpu.memref_slice %arg4[%mul3A_4, %dma_wait3A_25] : memref<1280x128xi32, #tpu.memory_space<hbm>> -> memref<40x128xi32, #tpu.memory_space<hbm>>
      tpu.wait_dma2 semaphore(%run_scoped3A : memref<!tpu.dma_semaphore, #tpu.memory_space<semaphore_mem>>) src(%dma_wait3A_26 : memref<40x128xi32, #tpu.memory_space<hbm>>) dst(%arg8 : memref<40x128xi32, #tpu.memory_space<vmem>>)
      tpu.yield
    }) : () -> ()
    %iota3A = tpu.iota {dimensions = array<i32: 0>} : vector<16xi32>
    %shift_right_arithmetic3A = arith.constant 3 : i32
    %shift_right_arithmetic3A_5 = vector.broadcast %shift_right_arithmetic3A : i32 to vector<16xi32>
    %shift_right_arithmetic3A_6 = arith.shrsi %iota3A, %shift_right_arithmetic3A_5 : vector<16xi32>
    %shift_right_arithmetic3A_7 = arith.constant 2 : i32
    %shift_right_arithmetic3A_8 = vector.broadcast %shift_right_arithmetic3A_7 : i32 to vector<16xi32>
    %shift_right_arithmetic3A_9 = arith.shrsi %iota3A, %shift_right_arithmetic3A_8 : vector<16xi32>
    %and3A = arith.constant 1 : i32
    %and3A_10 = vector.broadcast %and3A : i32 to vector<16xi32>
    %and3A_11 = arith.andi %shift_right_arithmetic3A_9, %and3A_10 : vector<16xi32>
    %and3A_12 = arith.constant 3 : i32
    %and3A_13 = vector.broadcast %and3A_12 : i32 to vector<16xi32>
    %and3A_14 = arith.andi %iota3A, %and3A_13 : vector<16xi32>
    %scan3A = arith.constant 0 : i32
    %scan3A_15 = arith.constant 0 : i32
    %scan3A_16 = arith.constant 40 : i32
    %scan3A_17 = arith.addi %scan3A_15, %scan3A_16 : i32
    %scan3A_18 = arith.constant 1 : i32
    %scan3A_19 = scf.for %scan3A_21 = %scan3A_15 to %scan3A_17 step %scan3A_18 iter_args(%scan3A_22 = %scan3A) -> (i32)  : i32 {
      %broadcast_in_dim3A = vector.broadcast %scan3A_21 : i32 to vector<16xi32>
      %parallel_loop3A = arith.constant 0 : i32
      %parallel_loop3A_23 = arith.constant 64 : i32
      %parallel_loop3A_24 = arith.constant 1 : i32
      scf.for %parallel_loop3A_33 = %parallel_loop3A to %parallel_loop3A_23 step %parallel_loop3A_24  : i32 {
        %parallel_loop3A_34 = arith.constant 2 : i32
        %parallel_loop3A_35 = arith.muli %parallel_loop3A_33, %parallel_loop3A_34 : i32
        %parallel_loop3A_36 = vector.broadcast %parallel_loop3A_35 : i32 to vector<16xi32>
        %parallel_loop3A_37 = arith.addi %parallel_loop3A_36, %shift_right_arithmetic3A_6 : vector<16xi32>
        %parallel_loop3A_38 = tpu.vector_load_idx %arg7[%broadcast_in_dim3A, %parallel_loop3A_37] : memref<40x128xi32, #tpu.memory_space<vmem>>[vector<16xi32>, vector<16xi32>], vector<16xi32>,
        %parallel_loop3A_39 = tpu.vector_load_idx %arg8[%broadcast_in_dim3A, %parallel_loop3A_37] : memref<40x128xi32, #tpu.memory_space<vmem>>[vector<16xi32>, vector<16xi32>], vector<16xi32>,
        %parallel_loop3A_40 = arith.constant 1 : i32
        %parallel_loop3A_41 = vector.broadcast %parallel_loop3A_40 : i32 to vector<16xi32>
        %parallel_loop3A_42 = arith.cmpi eq, %and3A_11, %parallel_loop3A_41 : vector<16xi32>
        %parallel_loop3A_43 = arith.select %parallel_loop3A_42, %parallel_loop3A_39, %parallel_loop3A_38 : vector<16xi1>, vector<16xi32>
        %parallel_loop3A_44 = tpu.vector_load_idx %arg6[%parallel_loop3A_43, %and3A_14] : memref<10240x4xf32, #tpu.memory_space<vmem>>[vector<16xi32>, vector<16xi32>], vector<16xf32>,
        %parallel_loop3A_45 = arith.constant 16 : i32
        %parallel_loop3A_46 = arith.muli %parallel_loop3A_33, %parallel_loop3A_45 : i32
        %parallel_loop3A_47 = arith.index_cast %parallel_loop3A_46 : i32 to index
        %parallel_loop3A_48 = tpu.vector_load %arg9[%parallel_loop3A_47] {strides = array<i32>} : memref<1024xf32, #tpu.memory_space<vmem>>, vector<16xf32>,
        tpu.vector_store %arg9[%parallel_loop3A_47], %parallel_loop3A_44 {strides = array<i32>} : memref<1024xf32, #tpu.memory_space<vmem>>, vector<16xf32>,
      } {sc.loop_unroll_factor = 4 : i64, sc.parallel_access}
      %mul3A_25 = arith.constant 5120 : i32
      %mul3A_26 = arith.muli %add3A, %mul3A_25 : i32
      %mul3A_27 = arith.constant 128 : i32
      %mul3A_28 = arith.muli %scan3A_21, %mul3A_27 : i32
      %add3A_29 = arith.addi %mul3A_26, %mul3A_28 : i32
      %mul3A_30 = arith.constant 8 : i32
      %mul3A_31 = arith.muli %add3A_29, %mul3A_30 : i32
      "tpu.region"() ({
        %run_scoped3A = tpu.sem_alloc : memref<!tpu.dma_semaphore, #tpu.memory_space<semaphore_mem>>
        %dma_start3A = tpu.memref_slice %arg5[%mul3A_31] : memref<1310720xf32, #tpu.memory_space<hbm>> -> memref<1024xf32, #tpu.memory_space<hbm>>
        %dma_start3A_33 = tpu.memref_slice %arg5[%mul3A_31] : memref<1310720xf32, #tpu.memory_space<hbm>> -> memref<1024xf32, #tpu.memory_space<hbm>>
        tpu.enqueue_dma source(%arg9 : memref<1024xf32, #tpu.memory_space<vmem>>) target(%dma_start3A_33 : memref<1024xf32, #tpu.memory_space<hbm>>) target_semaphore(%run_scoped3A : memref<!tpu.dma_semaphore, #tpu.memory_space<semaphore_mem>>)
        %dma_wait3A = tpu.memref_slice %arg5[%mul3A_31] : memref<1310720xf32, #tpu.memory_space<hbm>> -> memref<1024xf32, #tpu.memory_space<hbm>>
        %dma_wait3A_34 = tpu.memref_slice %arg5[%mul3A_31] : memref<1310720xf32, #tpu.memory_space<hbm>> -> memref<1024xf32, #tpu.memory_space<hbm>>
        tpu.wait_dma2 semaphore(%run_scoped3A : memref<!tpu.dma_semaphore, #tpu.memory_space<semaphore_mem>>) src(%arg9 : memref<1024xf32, #tpu.memory_space<vmem>>) dst(%dma_wait3A_34 : memref<1024xf32, #tpu.memory_space<hbm>>)
        tpu.yield
      }) : () -> ()
      %scan3A_32 = arith.constant 0 : i32
      scf.yield %scan3A_32 : i32
    }
    %scan3A_20 = arith.constant 40 : i32
    return
  }
}

#map = affine_map<(d0, d1) -> (0, 0)>
#map1 = affine_map<(d0, d1) -> (0)>
module attributes {stable_mosaic.version = 14 : i64} {
  func.func @body(%arg0: i32, %arg1: i32, %arg2: memref<10240x16xf32, #tpu.memory_space<hbm>>, %arg3: memref<10240xf32, #tpu.memory_space<hbm>>, %arg4: memref<10240xf32, #tpu.memory_space<hbm>>, %arg5: memref<1280x128xi32, #tpu.memory_space<hbm>>, %arg6: memref<1280x128xi32, #tpu.memory_space<hbm>>, %arg7: memref<20480x16xf32, #tpu.memory_space<hbm>>, %arg8: memref<20480xf32, #tpu.memory_space<hbm>>, %arg9: memref<20480x16xf32, #tpu.memory_space<hbm>>, %arg10: memref<20480xf32, #tpu.memory_space<hbm>>, %arg11: memref<10240xf32, #tpu.memory_space<vmem>>, %arg12: memref<10240xf32, #tpu.memory_space<vmem>>, %arg13: memref<40x128xi32, #tpu.memory_space<vmem>>, %arg14: memref<40x128xi32, #tpu.memory_space<vmem>>, %arg15: memref<40x128xf32, #tpu.memory_space<vmem>>, %arg16: memref<128x16xf32, #tpu.memory_space<vmem>>, %arg17: memref<128x16xf32, #tpu.memory_space<vmem>>, %arg18: memref<10240x16xf32, #tpu.memory_space<vmem_shared>>, %arg19: memref<10240xf32, #tpu.memory_space<vmem_shared>>, %arg20: memref<!tpu.dma_semaphore, #tpu.memory_space<semaphore_mem>>, %arg21: memref<!tpu.dma_semaphore, #tpu.memory_space<semaphore_mem>>) attributes {dimension_semantics = [#tpu.dimension_semantics<core_parallel>, #tpu.dimension_semantics<subcore_parallel>], iteration_bounds = array<i64: 2, 16>, scalar_prefetch = 0 : i64, scratch_operands = 11 : i64, tpu.core_type = #tpu.core_type<sc_vector_subcore>, window_params = [{transform_indices = #map}, {transform_indices = #map1}, {transform_indices = #map1}, {transform_indices = #map}, {transform_indices = #map}, {transform_indices = #map}, {transform_indices = #map1}, {transform_indices = #map}, {transform_indices = #map1}]} {
    %mul3A = arith.constant 16 : i32
    %mul3A_0 = arith.muli %arg0, %mul3A : i32
    %add3A = arith.addi %mul3A_0, %arg1 : i32
    %mul3A_1 = arith.constant 640 : i32
    %mul3A_2 = arith.muli %arg1, %mul3A_1 : i32
    %mul3A_3 = arith.constant 10240 : i32
    %mul3A_4 = arith.muli %arg0, %mul3A_3 : i32
    %add3A_5 = arith.addi %mul3A_4, %mul3A_2 : i32
    "tpu.region"() ({
      %run_scoped3A = tpu.sem_alloc : memref<!tpu.dma_semaphore, #tpu.memory_space<semaphore_mem>>
      %dma_start3A_39 = arith.constant 0 : i32
      %dma_start3A_40 = tpu.memref_slice %arg18[%mul3A_2, %dma_start3A_39] : memref<10240x16xf32, #tpu.memory_space<vmem_shared>> -> memref<640x16xf32, #tpu.memory_space<vmem_shared>>
      %dma_start3A_41 = arith.constant 0 : i32
      %dma_start3A_42 = tpu.memref_slice %arg7[%add3A_5, %dma_start3A_41] : memref<20480x16xf32, #tpu.memory_space<hbm>> -> memref<640x16xf32, #tpu.memory_space<hbm>>
      tpu.enqueue_dma source(%dma_start3A_42 : memref<640x16xf32, #tpu.memory_space<hbm>>) target(%dma_start3A_40 : memref<640x16xf32, #tpu.memory_space<vmem_shared>>) target_semaphore(%run_scoped3A : memref<!tpu.dma_semaphore, #tpu.memory_space<semaphore_mem>>)
      %dma_wait3A = arith.constant 0 : i32
      %dma_wait3A_43 = tpu.memref_slice %arg18[%mul3A_2, %dma_wait3A] : memref<10240x16xf32, #tpu.memory_space<vmem_shared>> -> memref<640x16xf32, #tpu.memory_space<vmem_shared>>
      %dma_wait3A_44 = arith.constant 0 : i32
      %dma_wait3A_45 = tpu.memref_slice %arg7[%add3A_5, %dma_wait3A_44] : memref<20480x16xf32, #tpu.memory_space<hbm>> -> memref<640x16xf32, #tpu.memory_space<hbm>>
      tpu.wait_dma2 semaphore(%run_scoped3A : memref<!tpu.dma_semaphore, #tpu.memory_space<semaphore_mem>>) src(%dma_wait3A_45 : memref<640x16xf32, #tpu.memory_space<hbm>>) dst(%dma_wait3A_43 : memref<640x16xf32, #tpu.memory_space<vmem_shared>>)
      tpu.yield
    }) : () -> ()
    %mul3A_6 = arith.constant 10240 : i32
    %mul3A_7 = arith.muli %arg0, %mul3A_6 : i32
    %add3A_8 = arith.addi %mul3A_7, %mul3A_2 : i32
    "tpu.region"() ({
      %run_scoped3A = tpu.sem_alloc : memref<!tpu.dma_semaphore, #tpu.memory_space<semaphore_mem>>
      %dma_start3A_39 = tpu.memref_slice %arg19[%mul3A_2] : memref<10240xf32, #tpu.memory_space<vmem_shared>> -> memref<640xf32, #tpu.memory_space<vmem_shared>>
      %dma_start3A_40 = tpu.memref_slice %arg8[%add3A_8] : memref<20480xf32, #tpu.memory_space<hbm>> -> memref<640xf32, #tpu.memory_space<hbm>>
      tpu.enqueue_dma source(%dma_start3A_40 : memref<640xf32, #tpu.memory_space<hbm>>) target(%dma_start3A_39 : memref<640xf32, #tpu.memory_space<vmem_shared>>) target_semaphore(%run_scoped3A : memref<!tpu.dma_semaphore, #tpu.memory_space<semaphore_mem>>)
      %dma_wait3A = tpu.memref_slice %arg19[%mul3A_2] : memref<10240xf32, #tpu.memory_space<vmem_shared>> -> memref<640xf32, #tpu.memory_space<vmem_shared>>
      %dma_wait3A_41 = tpu.memref_slice %arg8[%add3A_8] : memref<20480xf32, #tpu.memory_space<hbm>> -> memref<640xf32, #tpu.memory_space<hbm>>
      tpu.wait_dma2 semaphore(%run_scoped3A : memref<!tpu.dma_semaphore, #tpu.memory_space<semaphore_mem>>) src(%dma_wait3A_41 : memref<640xf32, #tpu.memory_space<hbm>>) dst(%dma_wait3A : memref<640xf32, #tpu.memory_space<vmem_shared>>)
      tpu.yield
    }) : () -> ()
    "tpu.region"() ({
      %run_scoped3A = tpu.sem_alloc : memref<!tpu.dma_semaphore, #tpu.memory_space<semaphore_mem>>
      tpu.enqueue_dma source(%arg3 : memref<10240xf32, #tpu.memory_space<hbm>>) target(%arg11 : memref<10240xf32, #tpu.memory_space<vmem>>) target_semaphore(%run_scoped3A : memref<!tpu.dma_semaphore, #tpu.memory_space<semaphore_mem>>)
      tpu.wait_dma2 semaphore(%run_scoped3A : memref<!tpu.dma_semaphore, #tpu.memory_space<semaphore_mem>>) src(%arg3 : memref<10240xf32, #tpu.memory_space<hbm>>) dst(%arg11 : memref<10240xf32, #tpu.memory_space<vmem>>)
      tpu.yield
    }) : () -> ()
    "tpu.region"() ({
      %run_scoped3A = tpu.sem_alloc : memref<!tpu.dma_semaphore, #tpu.memory_space<semaphore_mem>>
      tpu.enqueue_dma source(%arg4 : memref<10240xf32, #tpu.memory_space<hbm>>) target(%arg12 : memref<10240xf32, #tpu.memory_space<vmem>>) target_semaphore(%run_scoped3A : memref<!tpu.dma_semaphore, #tpu.memory_space<semaphore_mem>>)
      tpu.wait_dma2 semaphore(%run_scoped3A : memref<!tpu.dma_semaphore, #tpu.memory_space<semaphore_mem>>) src(%arg4 : memref<10240xf32, #tpu.memory_space<hbm>>) dst(%arg12 : memref<10240xf32, #tpu.memory_space<vmem>>)
      tpu.yield
    }) : () -> ()
    %mul3A_9 = arith.constant 40 : i32
    %mul3A_10 = arith.muli %add3A, %mul3A_9 : i32
    "tpu.region"() ({
      %run_scoped3A = tpu.sem_alloc : memref<!tpu.dma_semaphore, #tpu.memory_space<semaphore_mem>>
      %dma_start3A_39 = arith.constant 0 : i32
      %dma_start3A_40 = tpu.memref_slice %arg5[%mul3A_10, %dma_start3A_39] : memref<1280x128xi32, #tpu.memory_space<hbm>> -> memref<40x128xi32, #tpu.memory_space<hbm>>
      %dma_start3A_41 = arith.constant 0 : i32
      %dma_start3A_42 = tpu.memref_slice %arg5[%mul3A_10, %dma_start3A_41] : memref<1280x128xi32, #tpu.memory_space<hbm>> -> memref<40x128xi32, #tpu.memory_space<hbm>>
      tpu.enqueue_dma source(%dma_start3A_42 : memref<40x128xi32, #tpu.memory_space<hbm>>) target(%arg13 : memref<40x128xi32, #tpu.memory_space<vmem>>) target_semaphore(%run_scoped3A : memref<!tpu.dma_semaphore, #tpu.memory_space<semaphore_mem>>)
      %dma_wait3A = arith.constant 0 : i32
      %dma_wait3A_43 = tpu.memref_slice %arg5[%mul3A_10, %dma_wait3A] : memref<1280x128xi32, #tpu.memory_space<hbm>> -> memref<40x128xi32, #tpu.memory_space<hbm>>
      %dma_wait3A_44 = arith.constant 0 : i32
      %dma_wait3A_45 = tpu.memref_slice %arg5[%mul3A_10, %dma_wait3A_44] : memref<1280x128xi32, #tpu.memory_space<hbm>> -> memref<40x128xi32, #tpu.memory_space<hbm>>
      tpu.wait_dma2 semaphore(%run_scoped3A : memref<!tpu.dma_semaphore, #tpu.memory_space<semaphore_mem>>) src(%dma_wait3A_45 : memref<40x128xi32, #tpu.memory_space<hbm>>) dst(%arg13 : memref<40x128xi32, #tpu.memory_space<vmem>>)
      tpu.yield
    }) : () -> ()
    %mul3A_11 = arith.constant 40 : i32
    %mul3A_12 = arith.muli %add3A, %mul3A_11 : i32
    "tpu.region"() ({
      %run_scoped3A = tpu.sem_alloc : memref<!tpu.dma_semaphore, #tpu.memory_space<semaphore_mem>>
      %dma_start3A_39 = arith.constant 0 : i32
      %dma_start3A_40 = tpu.memref_slice %arg6[%mul3A_12, %dma_start3A_39] : memref<1280x128xi32, #tpu.memory_space<hbm>> -> memref<40x128xi32, #tpu.memory_space<hbm>>
      %dma_start3A_41 = arith.constant 0 : i32
      %dma_start3A_42 = tpu.memref_slice %arg6[%mul3A_12, %dma_start3A_41] : memref<1280x128xi32, #tpu.memory_space<hbm>> -> memref<40x128xi32, #tpu.memory_space<hbm>>
      tpu.enqueue_dma source(%dma_start3A_42 : memref<40x128xi32, #tpu.memory_space<hbm>>) target(%arg14 : memref<40x128xi32, #tpu.memory_space<vmem>>) target_semaphore(%run_scoped3A : memref<!tpu.dma_semaphore, #tpu.memory_space<semaphore_mem>>)
      %dma_wait3A = arith.constant 0 : i32
      %dma_wait3A_43 = tpu.memref_slice %arg6[%mul3A_12, %dma_wait3A] : memref<1280x128xi32, #tpu.memory_space<hbm>> -> memref<40x128xi32, #tpu.memory_space<hbm>>
      %dma_wait3A_44 = arith.constant 0 : i32
      %dma_wait3A_45 = tpu.memref_slice %arg6[%mul3A_12, %dma_wait3A_44] : memref<1280x128xi32, #tpu.memory_space<hbm>> -> memref<40x128xi32, #tpu.memory_space<hbm>>
      tpu.wait_dma2 semaphore(%run_scoped3A : memref<!tpu.dma_semaphore, #tpu.memory_space<semaphore_mem>>) src(%dma_wait3A_45 : memref<40x128xi32, #tpu.memory_space<hbm>>) dst(%arg14 : memref<40x128xi32, #tpu.memory_space<vmem>>)
      tpu.yield
    }) : () -> ()
    %scan3A = arith.constant 0 : i32
    %scan3A_13 = arith.constant 0 : i32
    %scan3A_14 = arith.constant 40 : i32
    %scan3A_15 = arith.addi %scan3A_13, %scan3A_14 : i32
    %scan3A_16 = arith.constant 1 : i32
    %scan3A_17 = scf.for %scan3A_39 = %scan3A_13 to %scan3A_15 step %scan3A_16 iter_args(%scan3A_40 = %scan3A) -> (i32)  : i32 {
      %get3A = arith.index_cast %scan3A_39 : i32 to index
      %get3A_41 = arith.constant 0 : index
      %get3A_42 = tpu.vector_load %arg13[%get3A, %get3A_41] {strides = array<i32>} : memref<40x128xi32, #tpu.memory_space<vmem>>, vector<16xi32>,
      %get3A_43 = arith.index_cast %scan3A_39 : i32 to index
      %get3A_44 = arith.constant 0 : index
      %get3A_45 = tpu.vector_load %arg14[%get3A_43, %get3A_44] {strides = array<i32>} : memref<40x128xi32, #tpu.memory_space<vmem>>, vector<16xi32>,
      %gather3A = tpu.vector_load_idx %arg11[%get3A_42] : memref<10240xf32, #tpu.memory_space<vmem>>[vector<16xi32>], vector<16xf32>,
      %gather3A_46 = tpu.vector_load_idx %arg12[%get3A_45] : memref<10240xf32, #tpu.memory_space<vmem>>[vector<16xi32>], vector<16xf32>,
      %add3A_47 = arith.addf %gather3A, %gather3A_46 : vector<16xf32>
      %mul3A_48 = arith.constant 2.000000e-01 : f32
      %mul3A_49 = vector.broadcast %mul3A_48 : f32 to vector<16xf32>
      %mul3A_50 = arith.mulf %mul3A_49, %add3A_47 : vector<16xf32>
      %max3A = arith.maximumf %add3A_47, %mul3A_50 : vector<16xf32>
      %exp3A = math.exp %max3A : vector<16xf32>
      %swap3A = arith.index_cast %scan3A_39 : i32 to index
      %swap3A_51 = arith.constant 0 : index
      %swap3A_52 = tpu.vector_load %arg15[%swap3A, %swap3A_51] {strides = array<i32>} : memref<40x128xf32, #tpu.memory_space<vmem>>, vector<16xf32>,
      tpu.vector_store %arg15[%swap3A, %swap3A_51], %exp3A {strides = array<i32>} : memref<40x128xf32, #tpu.memory_space<vmem>>, vector<16xf32>,
      %get3A_53 = arith.index_cast %scan3A_39 : i32 to index
      %get3A_54 = arith.constant 16 : index
      %get3A_55 = tpu.vector_load %arg13[%get3A_53, %get3A_54] {strides = array<i32>} : memref<40x128xi32, #tpu.memory_space<vmem>>, vector<16xi32>,
      %get3A_56 = arith.index_cast %scan3A_39 : i32 to index
      %get3A_57 = arith.constant 16 : index
      %get3A_58 = tpu.vector_load %arg14[%get3A_56, %get3A_57] {strides = array<i32>} : memref<40x128xi32, #tpu.memory_space<vmem>>, vector<16xi32>,
      %gather3A_59 = tpu.vector_load_idx %arg11[%get3A_55] : memref<10240xf32, #tpu.memory_space<vmem>>[vector<16xi32>], vector<16xf32>,
      %gather3A_60 = tpu.vector_load_idx %arg12[%get3A_58] : memref<10240xf32, #tpu.memory_space<vmem>>[vector<16xi32>], vector<16xf32>,
      %add3A_61 = arith.addf %gather3A_59, %gather3A_60 : vector<16xf32>
      %mul3A_62 = arith.constant 2.000000e-01 : f32
      %mul3A_63 = vector.broadcast %mul3A_62 : f32 to vector<16xf32>
      %mul3A_64 = arith.mulf %mul3A_63, %add3A_61 : vector<16xf32>
      %max3A_65 = arith.maximumf %add3A_61, %mul3A_64 : vector<16xf32>
      %exp3A_66 = math.exp %max3A_65 : vector<16xf32>
      %swap3A_67 = arith.index_cast %scan3A_39 : i32 to index
      %swap3A_68 = arith.constant 16 : index
      %swap3A_69 = tpu.vector_load %arg15[%swap3A_67, %swap3A_68] {strides = array<i32>} : memref<40x128xf32, #tpu.memory_space<vmem>>, vector<16xf32>,
      tpu.vector_store %arg15[%swap3A_67, %swap3A_68], %exp3A_66 {strides = array<i32>} : memref<40x128xf32, #tpu.memory_space<vmem>>, vector<16xf32>,
      %get3A_70 = arith.index_cast %scan3A_39 : i32 to index
      %get3A_71 = arith.constant 32 : index
      %get3A_72 = tpu.vector_load %arg13[%get3A_70, %get3A_71] {strides = array<i32>} : memref<40x128xi32, #tpu.memory_space<vmem>>, vector<16xi32>,
      %get3A_73 = arith.index_cast %scan3A_39 : i32 to index
      %get3A_74 = arith.constant 32 : index
      %get3A_75 = tpu.vector_load %arg14[%get3A_73, %get3A_74] {strides = array<i32>} : memref<40x128xi32, #tpu.memory_space<vmem>>, vector<16xi32>,
      %gather3A_76 = tpu.vector_load_idx %arg11[%get3A_72] : memref<10240xf32, #tpu.memory_space<vmem>>[vector<16xi32>], vector<16xf32>,
      %gather3A_77 = tpu.vector_load_idx %arg12[%get3A_75] : memref<10240xf32, #tpu.memory_space<vmem>>[vector<16xi32>], vector<16xf32>,
      %add3A_78 = arith.addf %gather3A_76, %gather3A_77 : vector<16xf32>
      %mul3A_79 = arith.constant 2.000000e-01 : f32
      %mul3A_80 = vector.broadcast %mul3A_79 : f32 to vector<16xf32>
      %mul3A_81 = arith.mulf %mul3A_80, %add3A_78 : vector<16xf32>
      %max3A_82 = arith.maximumf %add3A_78, %mul3A_81 : vector<16xf32>
      %exp3A_83 = math.exp %max3A_82 : vector<16xf32>
      %swap3A_84 = arith.index_cast %scan3A_39 : i32 to index
      %swap3A_85 = arith.constant 32 : index
      %swap3A_86 = tpu.vector_load %arg15[%swap3A_84, %swap3A_85] {strides = array<i32>} : memref<40x128xf32, #tpu.memory_space<vmem>>, vector<16xf32>,
      tpu.vector_store %arg15[%swap3A_84, %swap3A_85], %exp3A_83 {strides = array<i32>} : memref<40x128xf32, #tpu.memory_space<vmem>>, vector<16xf32>,
      %get3A_87 = arith.index_cast %scan3A_39 : i32 to index
      %get3A_88 = arith.constant 48 : index
      %get3A_89 = tpu.vector_load %arg13[%get3A_87, %get3A_88] {strides = array<i32>} : memref<40x128xi32, #tpu.memory_space<vmem>>, vector<16xi32>,
      %get3A_90 = arith.index_cast %scan3A_39 : i32 to index
      %get3A_91 = arith.constant 48 : index
      %get3A_92 = tpu.vector_load %arg14[%get3A_90, %get3A_91] {strides = array<i32>} : memref<40x128xi32, #tpu.memory_space<vmem>>, vector<16xi32>,
      %gather3A_93 = tpu.vector_load_idx %arg11[%get3A_89] : memref<10240xf32, #tpu.memory_space<vmem>>[vector<16xi32>], vector<16xf32>,
      %gather3A_94 = tpu.vector_load_idx %arg12[%get3A_92] : memref<10240xf32, #tpu.memory_space<vmem>>[vector<16xi32>], vector<16xf32>,
      %add3A_95 = arith.addf %gather3A_93, %gather3A_94 : vector<16xf32>
      %mul3A_96 = arith.constant 2.000000e-01 : f32
      %mul3A_97 = vector.broadcast %mul3A_96 : f32 to vector<16xf32>
      %mul3A_98 = arith.mulf %mul3A_97, %add3A_95 : vector<16xf32>
      %max3A_99 = arith.maximumf %add3A_95, %mul3A_98 : vector<16xf32>
      %exp3A_100 = math.exp %max3A_99 : vector<16xf32>
      %swap3A_101 = arith.index_cast %scan3A_39 : i32 to index
      %swap3A_102 = arith.constant 48 : index
      %swap3A_103 = tpu.vector_load %arg15[%swap3A_101, %swap3A_102] {strides = array<i32>} : memref<40x128xf32, #tpu.memory_space<vmem>>, vector<16xf32>,
      tpu.vector_store %arg15[%swap3A_101, %swap3A_102], %exp3A_100 {strides = array<i32>} : memref<40x128xf32, #tpu.memory_space<vmem>>, vector<16xf32>,
      %get3A_104 = arith.index_cast %scan3A_39 : i32 to index
      %get3A_105 = arith.constant 64 : index
      %get3A_106 = tpu.vector_load %arg13[%get3A_104, %get3A_105] {strides = array<i32>} : memref<40x128xi32, #tpu.memory_space<vmem>>, vector<16xi32>,
      %get3A_107 = arith.index_cast %scan3A_39 : i32 to index
      %get3A_108 = arith.constant 64 : index
      %get3A_109 = tpu.vector_load %arg14[%get3A_107, %get3A_108] {strides = array<i32>} : memref<40x128xi32, #tpu.memory_space<vmem>>, vector<16xi32>,
      %gather3A_110 = tpu.vector_load_idx %arg11[%get3A_106] : memref<10240xf32, #tpu.memory_space<vmem>>[vector<16xi32>], vector<16xf32>,
      %gather3A_111 = tpu.vector_load_idx %arg12[%get3A_109] : memref<10240xf32, #tpu.memory_space<vmem>>[vector<16xi32>], vector<16xf32>,
      %add3A_112 = arith.addf %gather3A_110, %gather3A_111 : vector<16xf32>
      %mul3A_113 = arith.constant 2.000000e-01 : f32
      %mul3A_114 = vector.broadcast %mul3A_113 : f32 to vector<16xf32>
      %mul3A_115 = arith.mulf %mul3A_114, %add3A_112 : vector<16xf32>
      %max3A_116 = arith.maximumf %add3A_112, %mul3A_115 : vector<16xf32>
      %exp3A_117 = math.exp %max3A_116 : vector<16xf32>
      %swap3A_118 = arith.index_cast %scan3A_39 : i32 to index
      %swap3A_119 = arith.constant 64 : index
      %swap3A_120 = tpu.vector_load %arg15[%swap3A_118, %swap3A_119] {strides = array<i32>} : memref<40x128xf32, #tpu.memory_space<vmem>>, vector<16xf32>,
      tpu.vector_store %arg15[%swap3A_118, %swap3A_119], %exp3A_117 {strides = array<i32>} : memref<40x128xf32, #tpu.memory_space<vmem>>, vector<16xf32>,
      %get3A_121 = arith.index_cast %scan3A_39 : i32 to index
      %get3A_122 = arith.constant 80 : index
      %get3A_123 = tpu.vector_load %arg13[%get3A_121, %get3A_122] {strides = array<i32>} : memref<40x128xi32, #tpu.memory_space<vmem>>, vector<16xi32>,
      %get3A_124 = arith.index_cast %scan3A_39 : i32 to index
      %get3A_125 = arith.constant 80 : index
      %get3A_126 = tpu.vector_load %arg14[%get3A_124, %get3A_125] {strides = array<i32>} : memref<40x128xi32, #tpu.memory_space<vmem>>, vector<16xi32>,
      %gather3A_127 = tpu.vector_load_idx %arg11[%get3A_123] : memref<10240xf32, #tpu.memory_space<vmem>>[vector<16xi32>], vector<16xf32>,
      %gather3A_128 = tpu.vector_load_idx %arg12[%get3A_126] : memref<10240xf32, #tpu.memory_space<vmem>>[vector<16xi32>], vector<16xf32>,
      %add3A_129 = arith.addf %gather3A_127, %gather3A_128 : vector<16xf32>
      %mul3A_130 = arith.constant 2.000000e-01 : f32
      %mul3A_131 = vector.broadcast %mul3A_130 : f32 to vector<16xf32>
      %mul3A_132 = arith.mulf %mul3A_131, %add3A_129 : vector<16xf32>
      %max3A_133 = arith.maximumf %add3A_129, %mul3A_132 : vector<16xf32>
      %exp3A_134 = math.exp %max3A_133 : vector<16xf32>
      %swap3A_135 = arith.index_cast %scan3A_39 : i32 to index
      %swap3A_136 = arith.constant 80 : index
      %swap3A_137 = tpu.vector_load %arg15[%swap3A_135, %swap3A_136] {strides = array<i32>} : memref<40x128xf32, #tpu.memory_space<vmem>>, vector<16xf32>,
      tpu.vector_store %arg15[%swap3A_135, %swap3A_136], %exp3A_134 {strides = array<i32>} : memref<40x128xf32, #tpu.memory_space<vmem>>, vector<16xf32>,
      %get3A_138 = arith.index_cast %scan3A_39 : i32 to index
      %get3A_139 = arith.constant 96 : index
      %get3A_140 = tpu.vector_load %arg13[%get3A_138, %get3A_139] {strides = array<i32>} : memref<40x128xi32, #tpu.memory_space<vmem>>, vector<16xi32>,
      %get3A_141 = arith.index_cast %scan3A_39 : i32 to index
      %get3A_142 = arith.constant 96 : index
      %get3A_143 = tpu.vector_load %arg14[%get3A_141, %get3A_142] {strides = array<i32>} : memref<40x128xi32, #tpu.memory_space<vmem>>, vector<16xi32>,
      %gather3A_144 = tpu.vector_load_idx %arg11[%get3A_140] : memref<10240xf32, #tpu.memory_space<vmem>>[vector<16xi32>], vector<16xf32>,
      %gather3A_145 = tpu.vector_load_idx %arg12[%get3A_143] : memref<10240xf32, #tpu.memory_space<vmem>>[vector<16xi32>], vector<16xf32>,
      %add3A_146 = arith.addf %gather3A_144, %gather3A_145 : vector<16xf32>
      %mul3A_147 = arith.constant 2.000000e-01 : f32
      %mul3A_148 = vector.broadcast %mul3A_147 : f32 to vector<16xf32>
      %mul3A_149 = arith.mulf %mul3A_148, %add3A_146 : vector<16xf32>
      %max3A_150 = arith.maximumf %add3A_146, %mul3A_149 : vector<16xf32>
      %exp3A_151 = math.exp %max3A_150 : vector<16xf32>
      %swap3A_152 = arith.index_cast %scan3A_39 : i32 to index
      %swap3A_153 = arith.constant 96 : index
      %swap3A_154 = tpu.vector_load %arg15[%swap3A_152, %swap3A_153] {strides = array<i32>} : memref<40x128xf32, #tpu.memory_space<vmem>>, vector<16xf32>,
      tpu.vector_store %arg15[%swap3A_152, %swap3A_153], %exp3A_151 {strides = array<i32>} : memref<40x128xf32, #tpu.memory_space<vmem>>, vector<16xf32>,
      %get3A_155 = arith.index_cast %scan3A_39 : i32 to index
      %get3A_156 = arith.constant 112 : index
      %get3A_157 = tpu.vector_load %arg13[%get3A_155, %get3A_156] {strides = array<i32>} : memref<40x128xi32, #tpu.memory_space<vmem>>, vector<16xi32>,
      %get3A_158 = arith.index_cast %scan3A_39 : i32 to index
      %get3A_159 = arith.constant 112 : index
      %get3A_160 = tpu.vector_load %arg14[%get3A_158, %get3A_159] {strides = array<i32>} : memref<40x128xi32, #tpu.memory_space<vmem>>, vector<16xi32>,
      %gather3A_161 = tpu.vector_load_idx %arg11[%get3A_157] : memref<10240xf32, #tpu.memory_space<vmem>>[vector<16xi32>], vector<16xf32>,
      %gather3A_162 = tpu.vector_load_idx %arg12[%get3A_160] : memref<10240xf32, #tpu.memory_space<vmem>>[vector<16xi32>], vector<16xf32>,
      %add3A_163 = arith.addf %gather3A_161, %gather3A_162 : vector<16xf32>
      %mul3A_164 = arith.constant 2.000000e-01 : f32
      %mul3A_165 = vector.broadcast %mul3A_164 : f32 to vector<16xf32>
      %mul3A_166 = arith.mulf %mul3A_165, %add3A_163 : vector<16xf32>
      %max3A_167 = arith.maximumf %add3A_163, %mul3A_166 : vector<16xf32>
      %exp3A_168 = math.exp %max3A_167 : vector<16xf32>
      %swap3A_169 = arith.index_cast %scan3A_39 : i32 to index
      %swap3A_170 = arith.constant 112 : index
      %swap3A_171 = tpu.vector_load %arg15[%swap3A_169, %swap3A_170] {strides = array<i32>} : memref<40x128xf32, #tpu.memory_space<vmem>>, vector<16xf32>,
      tpu.vector_store %arg15[%swap3A_169, %swap3A_170], %exp3A_168 {strides = array<i32>} : memref<40x128xf32, #tpu.memory_space<vmem>>, vector<16xf32>,
      %scan3A_172 = arith.constant 0 : i32
      scf.yield %scan3A_172 : i32
    }
    %scan3A_18 = arith.constant 40 : i32
    %barrier3A = arith.constant 0 : index
    tpu.barrier barrier_id(%barrier3A)
    %dma_start3A = arith.constant 0 : i32
    %dma_start3A_19 = arith.constant 0 : i32
    %dma_start3A_20 = tpu.memref_slice %arg13[%dma_start3A, %dma_start3A_19] : memref<40x128xi32, #tpu.memory_space<vmem>> -> memref<1x128xi32, #tpu.memory_space<vmem>>
    %dma_start3A_21 = tpu.memref_squeeze %dma_start3A_20 : memref<1x128xi32, #tpu.memory_space<vmem>> -> memref<128xi32, #tpu.memory_space<vmem>>
    %dma_start3A_22 = arith.constant 0 : i32
    %dma_start3A_23 = arith.constant 0 : i32
    %dma_start3A_24 = tpu.memref_slice %arg2[%dma_start3A_22, %dma_start3A_23] : memref<10240x16xf32, #tpu.memory_space<hbm>> -> memref<10240x16xf32, #tpu.memory_space<hbm>>
    tpu.enqueue_indirect_dma source(%dma_start3A_24 : memref<10240x16xf32, #tpu.memory_space<hbm>>) target(%arg16 : memref<128x16xf32, #tpu.memory_space<vmem>>) offsets(%dma_start3A_21 : memref<128xi32, #tpu.memory_space<vmem>>) semaphore(%arg20 : memref<!tpu.dma_semaphore, #tpu.memory_space<semaphore_mem>>)
    %scan3A_25 = arith.constant 0 : i32
    %scan3A_26 = arith.constant 0 : i32
    %scan3A_27 = arith.constant 20 : i32
    %scan3A_28 = arith.addi %scan3A_26, %scan3A_27 : i32
    %scan3A_29 = arith.constant 1 : i32
    %scan3A_30 = scf.for %scan3A_39 = %scan3A_26 to %scan3A_28 step %scan3A_29 iter_args(%scan3A_40 = %scan3A_25) -> (i32)  : i32 {
      %mul3A_41 = arith.constant 2 : i32
      %mul3A_42 = arith.muli %scan3A_39, %mul3A_41 : i32
      %add3A_43 = arith.constant 1 : i32
      %add3A_44 = arith.addi %mul3A_42, %add3A_43 : i32
      %dma_wait3A = arith.constant 0 : i32
      %dma_wait3A_45 = tpu.memref_slice %arg13[%mul3A_42, %dma_wait3A] : memref<40x128xi32, #tpu.memory_space<vmem>> -> memref<1x128xi32, #tpu.memory_space<vmem>>
      %dma_wait3A_46 = tpu.memref_squeeze %dma_wait3A_45 : memref<1x128xi32, #tpu.memory_space<vmem>> -> memref<128xi32, #tpu.memory_space<vmem>>
      %dma_wait3A_47 = arith.constant 0 : i32
      %dma_wait3A_48 = arith.constant 0 : i32
      %dma_wait3A_49 = tpu.memref_slice %arg2[%dma_wait3A_47, %dma_wait3A_48] : memref<10240x16xf32, #tpu.memory_space<hbm>> -> memref<10240x16xf32, #tpu.memory_space<hbm>>
      tpu.wait_indirect_dma semaphore(%arg20 : memref<!tpu.dma_semaphore, #tpu.memory_space<semaphore_mem>>) src(%dma_wait3A_49 : memref<10240x16xf32, #tpu.memory_space<hbm>>) dst(%arg16 : memref<128x16xf32, #tpu.memory_space<vmem>>)
      %lt3A = arith.constant 40 : i32
      %lt3A_50 = arith.cmpi slt, %add3A_44, %lt3A : i32
      %convert_element_type3A = arith.extui %lt3A_50 : i1 to i32
      %cond3A = arith.constant 0 : i32
      %cond3A_51 = arith.cmpi ne, %convert_element_type3A, %cond3A : i32
      scf.if %cond3A_51 {
        %dma_start3A_73 = arith.constant 0 : i32
        %dma_start3A_74 = tpu.memref_slice %arg13[%add3A_44, %dma_start3A_73] : memref<40x128xi32, #tpu.memory_space<vmem>> -> memref<1x128xi32, #tpu.memory_space<vmem>>
        %dma_start3A_75 = tpu.memref_squeeze %dma_start3A_74 : memref<1x128xi32, #tpu.memory_space<vmem>> -> memref<128xi32, #tpu.memory_space<vmem>>
        %dma_start3A_76 = arith.constant 0 : i32
        %dma_start3A_77 = arith.constant 0 : i32
        %dma_start3A_78 = tpu.memref_slice %arg2[%dma_start3A_76, %dma_start3A_77] : memref<10240x16xf32, #tpu.memory_space<hbm>> -> memref<10240x16xf32, #tpu.memory_space<hbm>>
        tpu.enqueue_indirect_dma source(%dma_start3A_78 : memref<10240x16xf32, #tpu.memory_space<hbm>>) target(%arg17 : memref<128x16xf32, #tpu.memory_space<vmem>>) offsets(%dma_start3A_75 : memref<128xi32, #tpu.memory_space<vmem>>) semaphore(%arg21 : memref<!tpu.dma_semaphore, #tpu.memory_space<semaphore_mem>>)
      } else {
      }
      %parallel_loop3A = arith.constant 0 : i32
      %parallel_loop3A_52 = arith.constant 128 : i32
      %parallel_loop3A_53 = arith.constant 1 : i32
      scf.for %parallel_loop3A_73 = %parallel_loop3A to %parallel_loop3A_52 step %parallel_loop3A_53  : i32 {
        %parallel_loop3A_74 = vector.broadcast %mul3A_42 : i32 to vector<16xi32>
        %parallel_loop3A_75 = vector.broadcast %parallel_loop3A_73 : i32 to vector<16xi32>
        %parallel_loop3A_76 = tpu.vector_load_idx %arg15[%parallel_loop3A_74, %parallel_loop3A_75] : memref<40x128xf32, #tpu.memory_space<vmem>>[vector<16xi32>, vector<16xi32>], vector<16xf32>,
        %parallel_loop3A_77 = arith.index_cast %parallel_loop3A_73 : i32 to index
        %parallel_loop3A_78 = arith.constant 0 : index
        %parallel_loop3A_79 = tpu.vector_load %arg16[%parallel_loop3A_77, %parallel_loop3A_78] {strides = array<i32>} : memref<128x16xf32, #tpu.memory_space<vmem>>, vector<16xf32>,
        %parallel_loop3A_80 = arith.mulf %parallel_loop3A_79, %parallel_loop3A_76 : vector<16xf32>
        %parallel_loop3A_81 = arith.index_cast %parallel_loop3A_73 : i32 to index
        %parallel_loop3A_82 = arith.constant 0 : index
        %parallel_loop3A_83 = tpu.vector_load %arg16[%parallel_loop3A_81, %parallel_loop3A_82] {strides = array<i32>} : memref<128x16xf32, #tpu.memory_space<vmem>>, vector<16xf32>,
        tpu.vector_store %arg16[%parallel_loop3A_81, %parallel_loop3A_82], %parallel_loop3A_80 {strides = array<i32>} : memref<128x16xf32, #tpu.memory_space<vmem>>, vector<16xf32>,
      } {sc.loop_unroll_factor = 8 : i64, sc.parallel_access}
      "tpu.region"() ({
        %run_scoped3A = tpu.sem_alloc : memref<!tpu.dma_semaphore, #tpu.memory_space<semaphore_mem>>
        %dma_start3A_73 = arith.constant 0 : i32
        %dma_start3A_74 = tpu.memref_slice %arg14[%mul3A_42, %dma_start3A_73] : memref<40x128xi32, #tpu.memory_space<vmem>> -> memref<1x128xi32, #tpu.memory_space<vmem>>
        %dma_start3A_75 = tpu.memref_squeeze %dma_start3A_74 : memref<1x128xi32, #tpu.memory_space<vmem>> -> memref<128xi32, #tpu.memory_space<vmem>>
        %dma_start3A_76 = arith.constant 0 : i32
        %dma_start3A_77 = arith.constant 0 : i32
        %dma_start3A_78 = tpu.memref_slice %arg18[%dma_start3A_76, %dma_start3A_77] : memref<10240x16xf32, #tpu.memory_space<vmem_shared>> -> memref<10240x16xf32, #tpu.memory_space<vmem_shared>>
        tpu.enqueue_indirect_dma source(%arg16 : memref<128x16xf32, #tpu.memory_space<vmem>>) target(%dma_start3A_78 : memref<10240x16xf32, #tpu.memory_space<vmem_shared>>) offsets(%dma_start3A_75 : memref<128xi32, #tpu.memory_space<vmem>>) semaphore(%run_scoped3A : memref<!tpu.dma_semaphore, #tpu.memory_space<semaphore_mem>>) {add = true}
        %dma_wait3A_79 = arith.constant 0 : i32
        %dma_wait3A_80 = tpu.memref_slice %arg14[%mul3A_42, %dma_wait3A_79] : memref<40x128xi32, #tpu.memory_space<vmem>> -> memref<1x128xi32, #tpu.memory_space<vmem>>
        %dma_wait3A_81 = tpu.memref_squeeze %dma_wait3A_80 : memref<1x128xi32, #tpu.memory_space<vmem>> -> memref<128xi32, #tpu.memory_space<vmem>>
        %dma_wait3A_82 = arith.constant 0 : i32
        %dma_wait3A_83 = arith.constant 0 : i32
        %dma_wait3A_84 = tpu.memref_slice %arg18[%dma_wait3A_82, %dma_wait3A_83] : memref<10240x16xf32, #tpu.memory_space<vmem_shared>> -> memref<10240x16xf32, #tpu.memory_space<vmem_shared>>
        tpu.wait_indirect_dma semaphore(%run_scoped3A : memref<!tpu.dma_semaphore, #tpu.memory_space<semaphore_mem>>) src(%arg16 : memref<128x16xf32, #tpu.memory_space<vmem>>) dst(%dma_wait3A_84 : memref<10240x16xf32, #tpu.memory_space<vmem_shared>>)
        tpu.yield
      }) : () -> ()
      "tpu.region"() ({
        %run_scoped3A = tpu.sem_alloc : memref<!tpu.dma_semaphore, #tpu.memory_space<semaphore_mem>>
        %dma_start3A_73 = arith.constant 0 : i32
        %dma_start3A_74 = tpu.memref_slice %arg15[%mul3A_42, %dma_start3A_73] : memref<40x128xf32, #tpu.memory_space<vmem>> -> memref<1x128xf32, #tpu.memory_space<vmem>>
        %dma_start3A_75 = tpu.memref_squeeze %dma_start3A_74 : memref<1x128xf32, #tpu.memory_space<vmem>> -> memref<128xf32, #tpu.memory_space<vmem>>
        %dma_start3A_76 = arith.constant 0 : i32
        %dma_start3A_77 = tpu.memref_slice %arg14[%mul3A_42, %dma_start3A_76] : memref<40x128xi32, #tpu.memory_space<vmem>> -> memref<1x128xi32, #tpu.memory_space<vmem>>
        %dma_start3A_78 = tpu.memref_squeeze %dma_start3A_77 : memref<1x128xi32, #tpu.memory_space<vmem>> -> memref<128xi32, #tpu.memory_space<vmem>>
        %dma_start3A_79 = arith.constant 0 : i32
        %dma_start3A_80 = tpu.memref_slice %arg19[%dma_start3A_79] : memref<10240xf32, #tpu.memory_space<vmem_shared>> -> memref<10240xf32, #tpu.memory_space<vmem_shared>>
        tpu.enqueue_indirect_dma source(%dma_start3A_75 : memref<128xf32, #tpu.memory_space<vmem>>) target(%dma_start3A_80 : memref<10240xf32, #tpu.memory_space<vmem_shared>>) offsets(%dma_start3A_78 : memref<128xi32, #tpu.memory_space<vmem>>) semaphore(%run_scoped3A : memref<!tpu.dma_semaphore, #tpu.memory_space<semaphore_mem>>) {add = true}
        %dma_wait3A_81 = arith.constant 0 : i32
        %dma_wait3A_82 = tpu.memref_slice %arg15[%mul3A_42, %dma_wait3A_81] : memref<40x128xf32, #tpu.memory_space<vmem>> -> memref<1x128xf32, #tpu.memory_space<vmem>>
        %dma_wait3A_83 = tpu.memref_squeeze %dma_wait3A_82 : memref<1x128xf32, #tpu.memory_space<vmem>> -> memref<128xf32, #tpu.memory_space<vmem>>
        %dma_wait3A_84 = arith.constant 0 : i32
        %dma_wait3A_85 = tpu.memref_slice %arg14[%mul3A_42, %dma_wait3A_84] : memref<40x128xi32, #tpu.memory_space<vmem>> -> memref<1x128xi32, #tpu.memory_space<vmem>>
        %dma_wait3A_86 = tpu.memref_squeeze %dma_wait3A_85 : memref<1x128xi32, #tpu.memory_space<vmem>> -> memref<128xi32, #tpu.memory_space<vmem>>
        %dma_wait3A_87 = arith.constant 0 : i32
        %dma_wait3A_88 = tpu.memref_slice %arg19[%dma_wait3A_87] : memref<10240xf32, #tpu.memory_space<vmem_shared>> -> memref<10240xf32, #tpu.memory_space<vmem_shared>>
        tpu.wait_indirect_dma semaphore(%run_scoped3A : memref<!tpu.dma_semaphore, #tpu.memory_space<semaphore_mem>>) src(%dma_wait3A_83 : memref<128xf32, #tpu.memory_space<vmem>>) dst(%dma_wait3A_88 : memref<10240xf32, #tpu.memory_space<vmem_shared>>)
        tpu.yield
      }) : () -> ()
      %add3A_54 = arith.constant 1 : i32
      %add3A_55 = arith.addi %mul3A_42, %add3A_54 : i32
      %add3A_56 = arith.constant 2 : i32
      %add3A_57 = arith.addi %mul3A_42, %add3A_56 : i32
      %dma_wait3A_58 = arith.constant 0 : i32
      %dma_wait3A_59 = tpu.memref_slice %arg13[%add3A_55, %dma_wait3A_58] : memref<40x128xi32, #tpu.memory_space<vmem>> -> memref<1x128xi32, #tpu.memory_space<vmem>>
      %dma_wait3A_60 = tpu.memref_squeeze %dma_wait3A_59 : memref<1x128xi32, #tpu.memory_space<vmem>> -> memref<128xi32, #tpu.memory_space<vmem>>
      %dma_wait3A_61 = arith.constant 0 : i32
      %dma_wait3A_62 = arith.constant 0 : i32
      %dma_wait3A_63 = tpu.memref_slice %arg2[%dma_wait3A_61, %dma_wait3A_62] : memref<10240x16xf32, #tpu.memory_space<hbm>> -> memref<10240x16xf32, #tpu.memory_space<hbm>>
      tpu.wait_indirect_dma semaphore(%arg21 : memref<!tpu.dma_semaphore, #tpu.memory_space<semaphore_mem>>) src(%dma_wait3A_63 : memref<10240x16xf32, #tpu.memory_space<hbm>>) dst(%arg17 : memref<128x16xf32, #tpu.memory_space<vmem>>)
      %lt3A_64 = arith.constant 40 : i32
      %lt3A_65 = arith.cmpi slt, %add3A_57, %lt3A_64 : i32
      %convert_element_type3A_66 = arith.extui %lt3A_65 : i1 to i32
      %cond3A_67 = arith.constant 0 : i32
      %cond3A_68 = arith.cmpi ne, %convert_element_type3A_66, %cond3A_67 : i32
      scf.if %cond3A_68 {
        %dma_start3A_73 = arith.constant 0 : i32
        %dma_start3A_74 = tpu.memref_slice %arg13[%add3A_57, %dma_start3A_73] : memref<40x128xi32, #tpu.memory_space<vmem>> -> memref<1x128xi32, #tpu.memory_space<vmem>>
        %dma_start3A_75 = tpu.memref_squeeze %dma_start3A_74 : memref<1x128xi32, #tpu.memory_space<vmem>> -> memref<128xi32, #tpu.memory_space<vmem>>
        %dma_start3A_76 = arith.constant 0 : i32
        %dma_start3A_77 = arith.constant 0 : i32
        %dma_start3A_78 = tpu.memref_slice %arg2[%dma_start3A_76, %dma_start3A_77] : memref<10240x16xf32, #tpu.memory_space<hbm>> -> memref<10240x16xf32, #tpu.memory_space<hbm>>
        tpu.enqueue_indirect_dma source(%dma_start3A_78 : memref<10240x16xf32, #tpu.memory_space<hbm>>) target(%arg16 : memref<128x16xf32, #tpu.memory_space<vmem>>) offsets(%dma_start3A_75 : memref<128xi32, #tpu.memory_space<vmem>>) semaphore(%arg20 : memref<!tpu.dma_semaphore, #tpu.memory_space<semaphore_mem>>)
      } else {
      }
      %parallel_loop3A_69 = arith.constant 0 : i32
      %parallel_loop3A_70 = arith.constant 128 : i32
      %parallel_loop3A_71 = arith.constant 1 : i32
      scf.for %parallel_loop3A_73 = %parallel_loop3A_69 to %parallel_loop3A_70 step %parallel_loop3A_71  : i32 {
        %parallel_loop3A_74 = vector.broadcast %add3A_55 : i32 to vector<16xi32>
        %parallel_loop3A_75 = vector.broadcast %parallel_loop3A_73 : i32 to vector<16xi32>
        %parallel_loop3A_76 = tpu.vector_load_idx %arg15[%parallel_loop3A_74, %parallel_loop3A_75] : memref<40x128xf32, #tpu.memory_space<vmem>>[vector<16xi32>, vector<16xi32>], vector<16xf32>,
        %parallel_loop3A_77 = arith.index_cast %parallel_loop3A_73 : i32 to index
        %parallel_loop3A_78 = arith.constant 0 : index
        %parallel_loop3A_79 = tpu.vector_load %arg17[%parallel_loop3A_77, %parallel_loop3A_78] {strides = array<i32>} : memref<128x16xf32, #tpu.memory_space<vmem>>, vector<16xf32>,
        %parallel_loop3A_80 = arith.mulf %parallel_loop3A_79, %parallel_loop3A_76 : vector<16xf32>
        %parallel_loop3A_81 = arith.index_cast %parallel_loop3A_73 : i32 to index
        %parallel_loop3A_82 = arith.constant 0 : index
        %parallel_loop3A_83 = tpu.vector_load %arg17[%parallel_loop3A_81, %parallel_loop3A_82] {strides = array<i32>} : memref<128x16xf32, #tpu.memory_space<vmem>>, vector<16xf32>,
        tpu.vector_store %arg17[%parallel_loop3A_81, %parallel_loop3A_82], %parallel_loop3A_80 {strides = array<i32>} : memref<128x16xf32, #tpu.memory_space<vmem>>, vector<16xf32>,
      } {sc.loop_unroll_factor = 8 : i64, sc.parallel_access}
      "tpu.region"() ({
        %run_scoped3A = tpu.sem_alloc : memref<!tpu.dma_semaphore, #tpu.memory_space<semaphore_mem>>
        %dma_start3A_73 = arith.constant 0 : i32
        %dma_start3A_74 = tpu.memref_slice %arg14[%add3A_55, %dma_start3A_73] : memref<40x128xi32, #tpu.memory_space<vmem>> -> memref<1x128xi32, #tpu.memory_space<vmem>>
        %dma_start3A_75 = tpu.memref_squeeze %dma_start3A_74 : memref<1x128xi32, #tpu.memory_space<vmem>> -> memref<128xi32, #tpu.memory_space<vmem>>
        %dma_start3A_76 = arith.constant 0 : i32
        %dma_start3A_77 = arith.constant 0 : i32
        %dma_start3A_78 = tpu.memref_slice %arg18[%dma_start3A_76, %dma_start3A_77] : memref<10240x16xf32, #tpu.memory_space<vmem_shared>> -> memref<10240x16xf32, #tpu.memory_space<vmem_shared>>
        tpu.enqueue_indirect_dma source(%arg17 : memref<128x16xf32, #tpu.memory_space<vmem>>) target(%dma_start3A_78 : memref<10240x16xf32, #tpu.memory_space<vmem_shared>>) offsets(%dma_start3A_75 : memref<128xi32, #tpu.memory_space<vmem>>) semaphore(%run_scoped3A : memref<!tpu.dma_semaphore, #tpu.memory_space<semaphore_mem>>) {add = true}
        %dma_wait3A_79 = arith.constant 0 : i32
        %dma_wait3A_80 = tpu.memref_slice %arg14[%add3A_55, %dma_wait3A_79] : memref<40x128xi32, #tpu.memory_space<vmem>> -> memref<1x128xi32, #tpu.memory_space<vmem>>
        %dma_wait3A_81 = tpu.memref_squeeze %dma_wait3A_80 : memref<1x128xi32, #tpu.memory_space<vmem>> -> memref<128xi32, #tpu.memory_space<vmem>>
        %dma_wait3A_82 = arith.constant 0 : i32
        %dma_wait3A_83 = arith.constant 0 : i32
        %dma_wait3A_84 = tpu.memref_slice %arg18[%dma_wait3A_82, %dma_wait3A_83] : memref<10240x16xf32, #tpu.memory_space<vmem_shared>> -> memref<10240x16xf32, #tpu.memory_space<vmem_shared>>
        tpu.wait_indirect_dma semaphore(%run_scoped3A : memref<!tpu.dma_semaphore, #tpu.memory_space<semaphore_mem>>) src(%arg17 : memref<128x16xf32, #tpu.memory_space<vmem>>) dst(%dma_wait3A_84 : memref<10240x16xf32, #tpu.memory_space<vmem_shared>>)
        tpu.yield
      }) : () -> ()
      "tpu.region"() ({
        %run_scoped3A = tpu.sem_alloc : memref<!tpu.dma_semaphore, #tpu.memory_space<semaphore_mem>>
        %dma_start3A_73 = arith.constant 0 : i32
        %dma_start3A_74 = tpu.memref_slice %arg15[%add3A_55, %dma_start3A_73] : memref<40x128xf32, #tpu.memory_space<vmem>> -> memref<1x128xf32, #tpu.memory_space<vmem>>
        %dma_start3A_75 = tpu.memref_squeeze %dma_start3A_74 : memref<1x128xf32, #tpu.memory_space<vmem>> -> memref<128xf32, #tpu.memory_space<vmem>>
        %dma_start3A_76 = arith.constant 0 : i32
        %dma_start3A_77 = tpu.memref_slice %arg14[%add3A_55, %dma_start3A_76] : memref<40x128xi32, #tpu.memory_space<vmem>> -> memref<1x128xi32, #tpu.memory_space<vmem>>
        %dma_start3A_78 = tpu.memref_squeeze %dma_start3A_77 : memref<1x128xi32, #tpu.memory_space<vmem>> -> memref<128xi32, #tpu.memory_space<vmem>>
        %dma_start3A_79 = arith.constant 0 : i32
        %dma_start3A_80 = tpu.memref_slice %arg19[%dma_start3A_79] : memref<10240xf32, #tpu.memory_space<vmem_shared>> -> memref<10240xf32, #tpu.memory_space<vmem_shared>>
        tpu.enqueue_indirect_dma source(%dma_start3A_75 : memref<128xf32, #tpu.memory_space<vmem>>) target(%dma_start3A_80 : memref<10240xf32, #tpu.memory_space<vmem_shared>>) offsets(%dma_start3A_78 : memref<128xi32, #tpu.memory_space<vmem>>) semaphore(%run_scoped3A : memref<!tpu.dma_semaphore, #tpu.memory_space<semaphore_mem>>) {add = true}
        %dma_wait3A_81 = arith.constant 0 : i32
        %dma_wait3A_82 = tpu.memref_slice %arg15[%add3A_55, %dma_wait3A_81] : memref<40x128xf32, #tpu.memory_space<vmem>> -> memref<1x128xf32, #tpu.memory_space<vmem>>
        %dma_wait3A_83 = tpu.memref_squeeze %dma_wait3A_82 : memref<1x128xf32, #tpu.memory_space<vmem>> -> memref<128xf32, #tpu.memory_space<vmem>>
        %dma_wait3A_84 = arith.constant 0 : i32
        %dma_wait3A_85 = tpu.memref_slice %arg14[%add3A_55, %dma_wait3A_84] : memref<40x128xi32, #tpu.memory_space<vmem>> -> memref<1x128xi32, #tpu.memory_space<vmem>>
        %dma_wait3A_86 = tpu.memref_squeeze %dma_wait3A_85 : memref<1x128xi32, #tpu.memory_space<vmem>> -> memref<128xi32, #tpu.memory_space<vmem>>
        %dma_wait3A_87 = arith.constant 0 : i32
        %dma_wait3A_88 = tpu.memref_slice %arg19[%dma_wait3A_87] : memref<10240xf32, #tpu.memory_space<vmem_shared>> -> memref<10240xf32, #tpu.memory_space<vmem_shared>>
        tpu.wait_indirect_dma semaphore(%run_scoped3A : memref<!tpu.dma_semaphore, #tpu.memory_space<semaphore_mem>>) src(%dma_wait3A_83 : memref<128xf32, #tpu.memory_space<vmem>>) dst(%dma_wait3A_88 : memref<10240xf32, #tpu.memory_space<vmem_shared>>)
        tpu.yield
      }) : () -> ()
      %scan3A_72 = arith.constant 0 : i32
      scf.yield %scan3A_72 : i32
    }
    %scan3A_31 = arith.constant 20 : i32
    %barrier3A_32 = arith.constant 0 : index
    tpu.barrier barrier_id(%barrier3A_32)
    %mul3A_33 = arith.constant 10240 : i32
    %mul3A_34 = arith.muli %arg0, %mul3A_33 : i32
    %add3A_35 = arith.addi %mul3A_34, %mul3A_2 : i32
    "tpu.region"() ({
      %run_scoped3A = tpu.sem_alloc : memref<!tpu.dma_semaphore, #tpu.memory_space<semaphore_mem>>
      %dma_start3A_39 = arith.constant 0 : i32
      %dma_start3A_40 = tpu.memref_slice %arg9[%add3A_35, %dma_start3A_39] : memref<20480x16xf32, #tpu.memory_space<hbm>> -> memref<640x16xf32, #tpu.memory_space<hbm>>
      %dma_start3A_41 = arith.constant 0 : i32
      %dma_start3A_42 = tpu.memref_slice %arg18[%mul3A_2, %dma_start3A_41] : memref<10240x16xf32, #tpu.memory_space<vmem_shared>> -> memref<640x16xf32, #tpu.memory_space<vmem_shared>>
      tpu.enqueue_dma source(%dma_start3A_42 : memref<640x16xf32, #tpu.memory_space<vmem_shared>>) target(%dma_start3A_40 : memref<640x16xf32, #tpu.memory_space<hbm>>) target_semaphore(%run_scoped3A : memref<!tpu.dma_semaphore, #tpu.memory_space<semaphore_mem>>)
      %dma_wait3A = arith.constant 0 : i32
      %dma_wait3A_43 = tpu.memref_slice %arg9[%add3A_35, %dma_wait3A] : memref<20480x16xf32, #tpu.memory_space<hbm>> -> memref<640x16xf32, #tpu.memory_space<hbm>>
      %dma_wait3A_44 = arith.constant 0 : i32
      %dma_wait3A_45 = tpu.memref_slice %arg18[%mul3A_2, %dma_wait3A_44] : memref<10240x16xf32, #tpu.memory_space<vmem_shared>> -> memref<640x16xf32, #tpu.memory_space<vmem_shared>>
      tpu.wait_dma2 semaphore(%run_scoped3A : memref<!tpu.dma_semaphore, #tpu.memory_space<semaphore_mem>>) src(%dma_wait3A_45 : memref<640x16xf32, #tpu.memory_space<vmem_shared>>) dst(%dma_wait3A_43 : memref<640x16xf32, #tpu.memory_space<hbm>>)
      tpu.yield
    }) : () -> ()
    %mul3A_36 = arith.constant 10240 : i32
    %mul3A_37 = arith.muli %arg0, %mul3A_36 : i32
    %add3A_38 = arith.addi %mul3A_37, %mul3A_2 : i32
    "tpu.region"() ({
      %run_scoped3A = tpu.sem_alloc : memref<!tpu.dma_semaphore, #tpu.memory_space<semaphore_mem>>
      %dma_start3A_39 = tpu.memref_slice %arg10[%add3A_38] : memref<20480xf32, #tpu.memory_space<hbm>> -> memref<640xf32, #tpu.memory_space<hbm>>
      %dma_start3A_40 = tpu.memref_slice %arg19[%mul3A_2] : memref<10240xf32, #tpu.memory_space<vmem_shared>> -> memref<640xf32, #tpu.memory_space<vmem_shared>>
      tpu.enqueue_dma source(%dma_start3A_40 : memref<640xf32, #tpu.memory_space<vmem_shared>>) target(%dma_start3A_39 : memref<640xf32, #tpu.memory_space<hbm>>) target_semaphore(%run_scoped3A : memref<!tpu.dma_semaphore, #tpu.memory_space<semaphore_mem>>)
      %dma_wait3A = tpu.memref_slice %arg10[%add3A_38] : memref<20480xf32, #tpu.memory_space<hbm>> -> memref<640xf32, #tpu.memory_space<hbm>>
      %dma_wait3A_41 = tpu.memref_slice %arg19[%mul3A_2] : memref<10240xf32, #tpu.memory_space<vmem_shared>> -> memref<640xf32, #tpu.memory_space<vmem_shared>>
      tpu.wait_dma2 semaphore(%run_scoped3A : memref<!tpu.dma_semaphore, #tpu.memory_space<semaphore_mem>>) src(%dma_wait3A_41 : memref<640xf32, #tpu.memory_space<vmem_shared>>) dst(%dma_wait3A : memref<640xf32, #tpu.memory_space<hbm>>)
      tpu.yield
    }) : () -> ()
    return
  }
}

module attributes {stable_mosaic.version = 14 : i64} {
  func.func @_tc_stage_body(%arg0: i32, %arg1: memref<1280x256xf32, #tpu.memory_space<vmem>>, %arg2: memref<256x128xf32, #tpu.memory_space<vmem>>, %arg3: memref<128x1xf32, #tpu.memory_space<vmem>>, %arg4: memref<128x1xf32, #tpu.memory_space<vmem>>, %arg5: memref<1280x128xf32, #tpu.memory_space<vmem>>, %arg6: memref<1280x1xf32, #tpu.memory_space<vmem>>, %arg7: memref<1280x1xf32, #tpu.memory_space<vmem>>, %arg8: memref<1280x1xf32, #tpu.memory_space<vmem>>, %arg9: memref<1280x128xf32, #tpu.memory_space<vmem>>) attributes {dimension_semantics = [#tpu.dimension_semantics<arbitrary>], iteration_bounds = array<i64: 8>, scalar_prefetch = 0 : i64, scratch_operands = 0 : i64, tpu.core_type = #tpu.core_type<tc>, window_params = [{transform_indices = @transform_0, window_bounds = array<i64: 1280, 256>}, {pipeline_mode = #tpu.pipeline_mode<synchronous>, transform_indices = @transform_1, window_bounds = array<i64: 256, 128>}, {pipeline_mode = #tpu.pipeline_mode<synchronous>, transform_indices = @transform_2, window_bounds = array<i64: 128, 1>}, {pipeline_mode = #tpu.pipeline_mode<synchronous>, transform_indices = @transform_3, window_bounds = array<i64: 128, 1>}, {transform_indices = @transform_4, window_bounds = array<i64: 1280, 128>}, {transform_indices = @transform_5, window_bounds = array<i64: 1280, 1>}, {transform_indices = @transform_6, window_bounds = array<i64: 1280, 1>}, {transform_indices = @transform_7, window_bounds = array<i64: 1280, 1>}, {transform_indices = @transform_8, window_bounds = array<i64: 1280, 128>}]} {
    %get3A = arith.constant 0 : index
    %get3A_0 = arith.constant 0 : index
    %get3A_1 = vector.load %arg1[%get3A, %get3A_0] : memref<1280x256xf32, #tpu.memory_space<vmem>>, vector<1280x256xf32>
    %get3A_2 = arith.constant 0 : index
    %get3A_3 = arith.constant 0 : index
    %get3A_4 = vector.load %arg2[%get3A_2, %get3A_3] : memref<256x128xf32, #tpu.memory_space<vmem>>, vector<256x128xf32>
    %dot_general3A = arith.constant dense<0.000000e+00> : vector<1280x128xf32>
    %dot_general3A_5 = tpu.matmul %get3A_1, %get3A_4, %dot_general3A {dimension_numbers = #tpu.dot_dimension_numbers<[1], [0], [0], [1], [0, 0, 1, 1], [], []>, transpose_lhs_hint = false} : vector<1280x256xf32>, vector<256x128xf32>, vector<1280x128xf32> -> vector<1280x128xf32>
    %get3A_6 = arith.constant 0 : index
    %get3A_7 = arith.constant 0 : index
    %get3A_8 = vector.load %arg3[%get3A_6, %get3A_7] : memref<128x1xf32, #tpu.memory_space<vmem>>, vector<128x1xf32>
    %dot_general3A_9 = arith.constant dense<0.000000e+00> : vector<1280x1xf32>
    %dot_general3A_10 = tpu.matmul %dot_general3A_5, %get3A_8, %dot_general3A_9 {dimension_numbers = #tpu.dot_dimension_numbers<[1], [0], [0], [1], [0, 0, 1, 1], [], []>, transpose_lhs_hint = false} : vector<1280x128xf32>, vector<128x1xf32>, vector<1280x1xf32> -> vector<1280x1xf32>
    %get3A_11 = arith.constant 0 : index
    %get3A_12 = arith.constant 0 : index
    %get3A_13 = vector.load %arg4[%get3A_11, %get3A_12] : memref<128x1xf32, #tpu.memory_space<vmem>>, vector<128x1xf32>
    %dot_general3A_14 = arith.constant dense<0.000000e+00> : vector<1280x1xf32>
    %dot_general3A_15 = tpu.matmul %dot_general3A_5, %get3A_13, %dot_general3A_14 {dimension_numbers = #tpu.dot_dimension_numbers<[1], [0], [0], [1], [0, 0, 1, 1], [], []>, transpose_lhs_hint = false} : vector<1280x128xf32>, vector<128x1xf32>, vector<1280x1xf32> -> vector<1280x1xf32>
    %add3A = arith.addf %dot_general3A_10, %dot_general3A_15 : vector<1280x1xf32>
    %mul3A = arith.constant 2.000000e-01 : f32
    %mul3A_16 = vector.broadcast %mul3A : f32 to vector<1280x1xf32>
    %mul3A_17 = arith.mulf %mul3A_16, %add3A : vector<1280x1xf32>
    %max3A = arith.maximumf %add3A, %mul3A_17 : vector<1280x1xf32>
    %exp3A = math.exp %max3A : vector<1280x1xf32>
    %swap3A = arith.constant 0 : index
    %swap3A_18 = arith.constant 0 : index
    %swap3A_19 = vector.load %arg5[%swap3A, %swap3A_18] : memref<1280x128xf32, #tpu.memory_space<vmem>>, vector<1280x128xf32>
    tpu.vector_store %arg5[%swap3A, %swap3A_18], %dot_general3A_5 {strides = array<i32>} : memref<1280x128xf32, #tpu.memory_space<vmem>>, vector<1280x128xf32>,
    %swap3A_20 = arith.constant 0 : index
    %swap3A_21 = arith.constant 0 : index
    %swap3A_22 = vector.load %arg6[%swap3A_20, %swap3A_21] : memref<1280x1xf32, #tpu.memory_space<vmem>>, vector<1280x1xf32>
    tpu.vector_store %arg6[%swap3A_20, %swap3A_21], %dot_general3A_10 {strides = array<i32>} : memref<1280x1xf32, #tpu.memory_space<vmem>>, vector<1280x1xf32>,
    %swap3A_23 = arith.constant 0 : index
    %swap3A_24 = arith.constant 0 : index
    %swap3A_25 = vector.load %arg7[%swap3A_23, %swap3A_24] : memref<1280x1xf32, #tpu.memory_space<vmem>>, vector<1280x1xf32>
    tpu.vector_store %arg7[%swap3A_23, %swap3A_24], %dot_general3A_15 {strides = array<i32>} : memref<1280x1xf32, #tpu.memory_space<vmem>>, vector<1280x1xf32>,
    %swap3A_26 = arith.constant 0 : index
    %swap3A_27 = arith.constant 0 : index
    %swap3A_28 = vector.load %arg8[%swap3A_26, %swap3A_27] : memref<1280x1xf32, #tpu.memory_space<vmem>>, vector<1280x1xf32>
    tpu.vector_store %arg8[%swap3A_26, %swap3A_27], %exp3A {strides = array<i32>} : memref<1280x1xf32, #tpu.memory_space<vmem>>, vector<1280x1xf32>,
    %mul3A_29 = vector.broadcast %exp3A : vector<1280x1xf32> to vector<1280x128xf32>
    %mul3A_30 = arith.mulf %dot_general3A_5, %mul3A_29 : vector<1280x128xf32>
    %swap3A_31 = arith.constant 0 : index
    %swap3A_32 = arith.constant 0 : index
    %swap3A_33 = vector.load %arg9[%swap3A_31, %swap3A_32] : memref<1280x128xf32, #tpu.memory_space<vmem>>, vector<1280x128xf32>
    tpu.vector_store %arg9[%swap3A_31, %swap3A_32], %mul3A_30 {strides = array<i32>} : memref<1280x128xf32, #tpu.memory_space<vmem>>, vector<1280x128xf32>,
    return
  }
  func.func @transform_0(%arg0: i32) -> (i32, i32) {
    %c0_i32 = arith.constant 0 : i32
    %c0_i32_0 = arith.constant 0 : i32
    return %arg0, %c0_i32 : i32, i32
  }
  func.func @transform_1(%arg0: i32) -> (i32, i32) {
    %c0_i32 = arith.constant 0 : i32
    %c0_i32_0 = arith.constant 0 : i32
    %c0_i32_1 = arith.constant 0 : i32
    return %c0_i32, %c0_i32_0 : i32, i32
  }
  func.func @transform_2(%arg0: i32) -> (i32, i32) {
    %c0_i32 = arith.constant 0 : i32
    %c0_i32_0 = arith.constant 0 : i32
    %c0_i32_1 = arith.constant 0 : i32
    return %c0_i32, %c0_i32_0 : i32, i32
  }
  func.func @transform_3(%arg0: i32) -> (i32, i32) {
    %c0_i32 = arith.constant 0 : i32
    %c0_i32_0 = arith.constant 0 : i32
    %c0_i32_1 = arith.constant 0 : i32
    return %c0_i32, %c0_i32_0 : i32, i32
  }
  func.func @transform_4(%arg0: i32) -> (i32, i32) {
    %c0_i32 = arith.constant 0 : i32
    %c0_i32_0 = arith.constant 0 : i32
    return %arg0, %c0_i32 : i32, i32
  }
  func.func @transform_5(%arg0: i32) -> (i32, i32) {
    %c0_i32 = arith.constant 0 : i32
    %c0_i32_0 = arith.constant 0 : i32
    return %arg0, %c0_i32 : i32, i32
  }
  func.func @transform_6(%arg0: i32) -> (i32, i32) {
    %c0_i32 = arith.constant 0 : i32
    %c0_i32_0 = arith.constant 0 : i32
    return %arg0, %c0_i32 : i32, i32
  }
  func.func @transform_7(%arg0: i32) -> (i32, i32) {
    %c0_i32 = arith.constant 0 : i32
    %c0_i32_0 = arith.constant 0 : i32
    return %arg0, %c0_i32 : i32, i32
  }
  func.func @transform_8(%arg0: i32) -> (i32, i32) {
    %c0_i32 = arith.constant 0 : i32
    %c0_i32_0 = arith.constant 0 : i32
    return %arg0, %c0_i32 : i32, i32
  }
}

module attributes {stable_mosaic.version = 14 : i64} {
  func.func @_tc_combine_stage_body(%arg0: i32, %arg1: memref<1280x64xf32, #tpu.memory_space<vmem>>, %arg2: memref<1280x64xf32, #tpu.memory_space<vmem>>, %arg3: memref<1280x1xf32, #tpu.memory_space<vmem>>, %arg4: memref<1x128xf32, #tpu.memory_space<vmem>>, %arg5: memref<128x64xf32, #tpu.memory_space<vmem>>, %arg6: memref<64x1xf32, #tpu.memory_space<vmem>>, %arg7: memref<64x1xf32, #tpu.memory_space<vmem>>, %arg8: memref<1280x64xf32, #tpu.memory_space<vmem>>, %arg9: memref<1280x1xf32, #tpu.memory_space<vmem>>, %arg10: memref<1280x1xf32, #tpu.memory_space<vmem>>, %arg11: memref<1280x1xf32, #tpu.memory_space<vmem>>, %arg12: memref<1280x64xf32, #tpu.memory_space<vmem>>) attributes {dimension_semantics = [#tpu.dimension_semantics<arbitrary>], iteration_bounds = array<i64: 8>, scalar_prefetch = 0 : i64, scratch_operands = 0 : i64, tpu.core_type = #tpu.core_type<tc>, window_params = [{transform_indices = @transform_0, window_bounds = array<i64: 1280, 64>}, {transform_indices = @transform_1, window_bounds = array<i64: 1280, 64>}, {transform_indices = @transform_2, window_bounds = array<i64: 1280, 1>}, {pipeline_mode = #tpu.pipeline_mode<synchronous>, transform_indices = @transform_3, window_bounds = array<i64: 1, 128>}, {pipeline_mode = #tpu.pipeline_mode<synchronous>, transform_indices = @transform_4, window_bounds = array<i64: 128, 64>}, {pipeline_mode = #tpu.pipeline_mode<synchronous>, transform_indices = @transform_5, window_bounds = array<i64: 64, 1>}, {pipeline_mode = #tpu.pipeline_mode<synchronous>, transform_indices = @transform_6, window_bounds = array<i64: 64, 1>}, {transform_indices = @transform_7, window_bounds = array<i64: 1280, 64>}, {transform_indices = @transform_8, window_bounds = array<i64: 1280, 1>}, {transform_indices = @transform_9, window_bounds = array<i64: 1280, 1>}, {transform_indices = @transform_10, window_bounds = array<i64: 1280, 1>}, {transform_indices = @transform_11, window_bounds = array<i64: 1280, 64>}]} {
    %get3A = arith.constant 0 : index
    %get3A_0 = arith.constant 0 : index
    %get3A_1 = vector.load %arg1[%get3A, %get3A_0] : memref<1280x64xf32, #tpu.memory_space<vmem>>, vector<1280x64xf32>
    %get3A_2 = arith.constant 0 : index
    %get3A_3 = arith.constant 0 : index
    %get3A_4 = vector.load %arg2[%get3A_2, %get3A_3] : memref<1280x64xf32, #tpu.memory_space<vmem>>, vector<1280x64xf32>
    %concatenate3A = tpu.concatenate %get3A_1, %get3A_4 in 1 : vector<1280x64xf32>, vector<1280x64xf32> -> vector<1280x128xf32>
    %get3A_5 = arith.constant 0 : index
    %get3A_6 = arith.constant 0 : index
    %get3A_7 = vector.load %arg3[%get3A_5, %get3A_6] : memref<1280x1xf32, #tpu.memory_space<vmem>>, vector<1280x1xf32>
    %add3A = arith.constant 1.000000e-16 : f32
    %add3A_8 = vector.broadcast %add3A : f32 to vector<1280x1xf32>
    %add3A_9 = arith.addf %get3A_7, %add3A_8 : vector<1280x1xf32>
    %div3A = vector.broadcast %add3A_9 : vector<1280x1xf32> to vector<1280x128xf32>
    %div3A_10 = arith.divf %concatenate3A, %div3A : vector<1280x128xf32>
    %get3A_11 = arith.constant 0 : index
    %get3A_12 = arith.constant 0 : index
    %get3A_13 = vector.load %arg4[%get3A_11, %get3A_12] : memref<1x128xf32, #tpu.memory_space<vmem>>, vector<1x128xf32>
    %add3A_14 = vector.broadcast %get3A_13 : vector<1x128xf32> to vector<1280x128xf32>
    %add3A_15 = arith.addf %div3A_10, %add3A_14 : vector<1280x128xf32>
    %get3A_16 = arith.constant 0 : index
    %get3A_17 = arith.constant 0 : index
    %get3A_18 = vector.load %arg5[%get3A_16, %get3A_17] : memref<128x64xf32, #tpu.memory_space<vmem>>, vector<128x64xf32>
    %dot_general3A = arith.constant dense<0.000000e+00> : vector<1280x64xf32>
    %dot_general3A_19 = tpu.matmul %add3A_15, %get3A_18, %dot_general3A {dimension_numbers = #tpu.dot_dimension_numbers<[1], [0], [0], [1], [0, 0, 1, 1], [], []>, transpose_lhs_hint = false} : vector<1280x128xf32>, vector<128x64xf32>, vector<1280x64xf32> -> vector<1280x64xf32>
    %get3A_20 = arith.constant 0 : index
    %get3A_21 = arith.constant 0 : index
    %get3A_22 = vector.load %arg6[%get3A_20, %get3A_21] : memref<64x1xf32, #tpu.memory_space<vmem>>, vector<64x1xf32>
    %dot_general3A_23 = arith.constant dense<0.000000e+00> : vector<1280x1xf32>
    %dot_general3A_24 = tpu.matmul %dot_general3A_19, %get3A_22, %dot_general3A_23 {dimension_numbers = #tpu.dot_dimension_numbers<[1], [0], [0], [1], [0, 0, 1, 1], [], []>, transpose_lhs_hint = false} : vector<1280x64xf32>, vector<64x1xf32>, vector<1280x1xf32> -> vector<1280x1xf32>
    %get3A_25 = arith.constant 0 : index
    %get3A_26 = arith.constant 0 : index
    %get3A_27 = vector.load %arg7[%get3A_25, %get3A_26] : memref<64x1xf32, #tpu.memory_space<vmem>>, vector<64x1xf32>
    %dot_general3A_28 = arith.constant dense<0.000000e+00> : vector<1280x1xf32>
    %dot_general3A_29 = tpu.matmul %dot_general3A_19, %get3A_27, %dot_general3A_28 {dimension_numbers = #tpu.dot_dimension_numbers<[1], [0], [0], [1], [0, 0, 1, 1], [], []>, transpose_lhs_hint = false} : vector<1280x64xf32>, vector<64x1xf32>, vector<1280x1xf32> -> vector<1280x1xf32>
    %add3A_30 = arith.addf %dot_general3A_24, %dot_general3A_29 : vector<1280x1xf32>
    %mul3A = arith.constant 2.000000e-01 : f32
    %mul3A_31 = vector.broadcast %mul3A : f32 to vector<1280x1xf32>
    %mul3A_32 = arith.mulf %mul3A_31, %add3A_30 : vector<1280x1xf32>
    %max3A = arith.maximumf %add3A_30, %mul3A_32 : vector<1280x1xf32>
    %exp3A = math.exp %max3A : vector<1280x1xf32>
    %swap3A = arith.constant 0 : index
    %swap3A_33 = arith.constant 0 : index
    %swap3A_34 = vector.load %arg8[%swap3A, %swap3A_33] : memref<1280x64xf32, #tpu.memory_space<vmem>>, vector<1280x64xf32>
    tpu.vector_store %arg8[%swap3A, %swap3A_33], %dot_general3A_19 {strides = array<i32>} : memref<1280x64xf32, #tpu.memory_space<vmem>>, vector<1280x64xf32>,
    %swap3A_35 = arith.constant 0 : index
    %swap3A_36 = arith.constant 0 : index
    %swap3A_37 = vector.load %arg9[%swap3A_35, %swap3A_36] : memref<1280x1xf32, #tpu.memory_space<vmem>>, vector<1280x1xf32>
    tpu.vector_store %arg9[%swap3A_35, %swap3A_36], %dot_general3A_24 {strides = array<i32>} : memref<1280x1xf32, #tpu.memory_space<vmem>>, vector<1280x1xf32>,
    %swap3A_38 = arith.constant 0 : index
    %swap3A_39 = arith.constant 0 : index
    %swap3A_40 = vector.load %arg10[%swap3A_38, %swap3A_39] : memref<1280x1xf32, #tpu.memory_space<vmem>>, vector<1280x1xf32>
    tpu.vector_store %arg10[%swap3A_38, %swap3A_39], %dot_general3A_29 {strides = array<i32>} : memref<1280x1xf32, #tpu.memory_space<vmem>>, vector<1280x1xf32>,
    %swap3A_41 = arith.constant 0 : index
    %swap3A_42 = arith.constant 0 : index
    %swap3A_43 = vector.load %arg11[%swap3A_41, %swap3A_42] : memref<1280x1xf32, #tpu.memory_space<vmem>>, vector<1280x1xf32>
    tpu.vector_store %arg11[%swap3A_41, %swap3A_42], %exp3A {strides = array<i32>} : memref<1280x1xf32, #tpu.memory_space<vmem>>, vector<1280x1xf32>,
    %mul3A_44 = vector.broadcast %exp3A : vector<1280x1xf32> to vector<1280x64xf32>
    %mul3A_45 = arith.mulf %dot_general3A_19, %mul3A_44 : vector<1280x64xf32>
    %swap3A_46 = arith.constant 0 : index
    %swap3A_47 = arith.constant 0 : index
    %swap3A_48 = vector.load %arg12[%swap3A_46, %swap3A_47] : memref<1280x64xf32, #tpu.memory_space<vmem>>, vector<1280x64xf32>
    tpu.vector_store %arg12[%swap3A_46, %swap3A_47], %mul3A_45 {strides = array<i32>} : memref<1280x64xf32, #tpu.memory_space<vmem>>, vector<1280x64xf32>,
    return
  }
  func.func @transform_0(%arg0: i32) -> (i32, i32) {
    %c0_i32 = arith.constant 0 : i32
    %c0_i32_0 = arith.constant 0 : i32
    return %arg0, %c0_i32 : i32, i32
  }
  func.func @transform_1(%arg0: i32) -> (i32, i32) {
    %add3A = arith.constant 8 : i32
    %add3A_0 = arith.addi %arg0, %add3A : i32
    %c0_i32 = arith.constant 0 : i32
    %c0_i32_1 = arith.constant 0 : i32
    return %add3A_0, %c0_i32 : i32, i32
  }
  func.func @transform_2(%arg0: i32) -> (i32, i32) {
    %c0_i32 = arith.constant 0 : i32
    %c0_i32_0 = arith.constant 0 : i32
    return %arg0, %c0_i32 : i32, i32
  }
  func.func @transform_3(%arg0: i32) -> (i32, i32) {
    %c0_i32 = arith.constant 0 : i32
    %c0_i32_0 = arith.constant 0 : i32
    %c0_i32_1 = arith.constant 0 : i32
    return %c0_i32, %c0_i32_0 : i32, i32
  }
  func.func @transform_4(%arg0: i32) -> (i32, i32) {
    %c0_i32 = arith.constant 0 : i32
    %c0_i32_0 = arith.constant 0 : i32
    %c0_i32_1 = arith.constant 0 : i32
    return %c0_i32, %c0_i32_0 : i32, i32
  }
  func.func @transform_5(%arg0: i32) -> (i32, i32) {
    %c0_i32 = arith.constant 0 : i32
    %c0_i32_0 = arith.constant 0 : i32
    %c0_i32_1 = arith.constant 0 : i32
    return %c0_i32, %c0_i32_0 : i32, i32
  }
  func.func @transform_6(%arg0: i32) -> (i32, i32) {
    %c0_i32 = arith.constant 0 : i32
    %c0_i32_0 = arith.constant 0 : i32
    %c0_i32_1 = arith.constant 0 : i32
    return %c0_i32, %c0_i32_0 : i32, i32
  }
  func.func @transform_7(%arg0: i32) -> (i32, i32) {
    %c0_i32 = arith.constant 0 : i32
    %c0_i32_0 = arith.constant 0 : i32
    return %arg0, %c0_i32 : i32, i32
  }
  func.func @transform_8(%arg0: i32) -> (i32, i32) {
    %c0_i32 = arith.constant 0 : i32
    %c0_i32_0 = arith.constant 0 : i32
    return %arg0, %c0_i32 : i32, i32
  }
  func.func @transform_9(%arg0: i32) -> (i32, i32) {
    %c0_i32 = arith.constant 0 : i32
    %c0_i32_0 = arith.constant 0 : i32
    return %arg0, %c0_i32 : i32, i32
  }
  func.func @transform_10(%arg0: i32) -> (i32, i32) {
    %c0_i32 = arith.constant 0 : i32
    %c0_i32_0 = arith.constant 0 : i32
    return %arg0, %c0_i32 : i32, i32
  }
  func.func @transform_11(%arg0: i32) -> (i32, i32) {
    %c0_i32 = arith.constant 0 : i32
    %c0_i32_0 = arith.constant 0 : i32
    return %arg0, %c0_i32 : i32, i32
  }
}

module attributes {stable_mosaic.version = 14 : i64} {
  func.func @_tc_combine_stage_body(%arg0: i32, %arg1: memref<1280x32xf32, #tpu.memory_space<vmem>>, %arg2: memref<1280x32xf32, #tpu.memory_space<vmem>>, %arg3: memref<1280x1xf32, #tpu.memory_space<vmem>>, %arg4: memref<1x64xf32, #tpu.memory_space<vmem>>, %arg5: memref<64x16xf32, #tpu.memory_space<vmem>>, %arg6: memref<16x1xf32, #tpu.memory_space<vmem>>, %arg7: memref<16x1xf32, #tpu.memory_space<vmem>>, %arg8: memref<1280x16xf32, #tpu.memory_space<vmem>>, %arg9: memref<1280x1xf32, #tpu.memory_space<vmem>>, %arg10: memref<1280x1xf32, #tpu.memory_space<vmem>>, %arg11: memref<1280x1xf32, #tpu.memory_space<vmem>>, %arg12: memref<1280x16xf32, #tpu.memory_space<vmem>>) attributes {dimension_semantics = [#tpu.dimension_semantics<arbitrary>], iteration_bounds = array<i64: 8>, scalar_prefetch = 0 : i64, scratch_operands = 0 : i64, tpu.core_type = #tpu.core_type<tc>, window_params = [{transform_indices = @transform_0, window_bounds = array<i64: 1280, 32>}, {transform_indices = @transform_1, window_bounds = array<i64: 1280, 32>}, {transform_indices = @transform_2, window_bounds = array<i64: 1280, 1>}, {pipeline_mode = #tpu.pipeline_mode<synchronous>, transform_indices = @transform_3, window_bounds = array<i64: 1, 64>}, {pipeline_mode = #tpu.pipeline_mode<synchronous>, transform_indices = @transform_4, window_bounds = array<i64: 64, 16>}, {pipeline_mode = #tpu.pipeline_mode<synchronous>, transform_indices = @transform_5, window_bounds = array<i64: 16, 1>}, {pipeline_mode = #tpu.pipeline_mode<synchronous>, transform_indices = @transform_6, window_bounds = array<i64: 16, 1>}, {transform_indices = @transform_7, window_bounds = array<i64: 1280, 16>}, {transform_indices = @transform_8, window_bounds = array<i64: 1280, 1>}, {transform_indices = @transform_9, window_bounds = array<i64: 1280, 1>}, {transform_indices = @transform_10, window_bounds = array<i64: 1280, 1>}, {transform_indices = @transform_11, window_bounds = array<i64: 1280, 16>}]} {
    %get3A = arith.constant 0 : index
    %get3A_0 = arith.constant 0 : index
    %get3A_1 = vector.load %arg1[%get3A, %get3A_0] : memref<1280x32xf32, #tpu.memory_space<vmem>>, vector<1280x32xf32>
    %get3A_2 = arith.constant 0 : index
    %get3A_3 = arith.constant 0 : index
    %get3A_4 = vector.load %arg2[%get3A_2, %get3A_3] : memref<1280x32xf32, #tpu.memory_space<vmem>>, vector<1280x32xf32>
    %concatenate3A = tpu.concatenate %get3A_1, %get3A_4 in 1 : vector<1280x32xf32>, vector<1280x32xf32> -> vector<1280x64xf32>
    %get3A_5 = arith.constant 0 : index
    %get3A_6 = arith.constant 0 : index
    %get3A_7 = vector.load %arg3[%get3A_5, %get3A_6] : memref<1280x1xf32, #tpu.memory_space<vmem>>, vector<1280x1xf32>
    %add3A = arith.constant 1.000000e-16 : f32
    %add3A_8 = vector.broadcast %add3A : f32 to vector<1280x1xf32>
    %add3A_9 = arith.addf %get3A_7, %add3A_8 : vector<1280x1xf32>
    %div3A = vector.broadcast %add3A_9 : vector<1280x1xf32> to vector<1280x64xf32>
    %div3A_10 = arith.divf %concatenate3A, %div3A : vector<1280x64xf32>
    %get3A_11 = arith.constant 0 : index
    %get3A_12 = arith.constant 0 : index
    %get3A_13 = vector.load %arg4[%get3A_11, %get3A_12] : memref<1x64xf32, #tpu.memory_space<vmem>>, vector<1x64xf32>
    %add3A_14 = vector.broadcast %get3A_13 : vector<1x64xf32> to vector<1280x64xf32>
    %add3A_15 = arith.addf %div3A_10, %add3A_14 : vector<1280x64xf32>
    %get3A_16 = arith.constant 0 : index
    %get3A_17 = arith.constant 0 : index
    %get3A_18 = vector.load %arg5[%get3A_16, %get3A_17] : memref<64x16xf32, #tpu.memory_space<vmem>>, vector<64x16xf32>
    %dot_general3A = arith.constant dense<0.000000e+00> : vector<1280x16xf32>
    %dot_general3A_19 = tpu.matmul %add3A_15, %get3A_18, %dot_general3A {dimension_numbers = #tpu.dot_dimension_numbers<[1], [0], [0], [1], [0, 0, 1, 1], [], []>, transpose_lhs_hint = false} : vector<1280x64xf32>, vector<64x16xf32>, vector<1280x16xf32> -> vector<1280x16xf32>
    %get3A_20 = arith.constant 0 : index
    %get3A_21 = arith.constant 0 : index
    %get3A_22 = vector.load %arg6[%get3A_20, %get3A_21] : memref<16x1xf32, #tpu.memory_space<vmem>>, vector<16x1xf32>
    %dot_general3A_23 = arith.constant dense<0.000000e+00> : vector<1280x1xf32>
    %dot_general3A_24 = tpu.matmul %dot_general3A_19, %get3A_22, %dot_general3A_23 {dimension_numbers = #tpu.dot_dimension_numbers<[1], [0], [0], [1], [0, 0, 1, 1], [], []>, transpose_lhs_hint = false} : vector<1280x16xf32>, vector<16x1xf32>, vector<1280x1xf32> -> vector<1280x1xf32>
    %get3A_25 = arith.constant 0 : index
    %get3A_26 = arith.constant 0 : index
    %get3A_27 = vector.load %arg7[%get3A_25, %get3A_26] : memref<16x1xf32, #tpu.memory_space<vmem>>, vector<16x1xf32>
    %dot_general3A_28 = arith.constant dense<0.000000e+00> : vector<1280x1xf32>
    %dot_general3A_29 = tpu.matmul %dot_general3A_19, %get3A_27, %dot_general3A_28 {dimension_numbers = #tpu.dot_dimension_numbers<[1], [0], [0], [1], [0, 0, 1, 1], [], []>, transpose_lhs_hint = false} : vector<1280x16xf32>, vector<16x1xf32>, vector<1280x1xf32> -> vector<1280x1xf32>
    %add3A_30 = arith.addf %dot_general3A_24, %dot_general3A_29 : vector<1280x1xf32>
    %mul3A = arith.constant 2.000000e-01 : f32
    %mul3A_31 = vector.broadcast %mul3A : f32 to vector<1280x1xf32>
    %mul3A_32 = arith.mulf %mul3A_31, %add3A_30 : vector<1280x1xf32>
    %max3A = arith.maximumf %add3A_30, %mul3A_32 : vector<1280x1xf32>
    %exp3A = math.exp %max3A : vector<1280x1xf32>
    %swap3A = arith.constant 0 : index
    %swap3A_33 = arith.constant 0 : index
    %swap3A_34 = vector.load %arg8[%swap3A, %swap3A_33] : memref<1280x16xf32, #tpu.memory_space<vmem>>, vector<1280x16xf32>
    tpu.vector_store %arg8[%swap3A, %swap3A_33], %dot_general3A_19 {strides = array<i32>} : memref<1280x16xf32, #tpu.memory_space<vmem>>, vector<1280x16xf32>,
    %swap3A_35 = arith.constant 0 : index
    %swap3A_36 = arith.constant 0 : index
    %swap3A_37 = vector.load %arg9[%swap3A_35, %swap3A_36] : memref<1280x1xf32, #tpu.memory_space<vmem>>, vector<1280x1xf32>
    tpu.vector_store %arg9[%swap3A_35, %swap3A_36], %dot_general3A_24 {strides = array<i32>} : memref<1280x1xf32, #tpu.memory_space<vmem>>, vector<1280x1xf32>,
    %swap3A_38 = arith.constant 0 : index
    %swap3A_39 = arith.constant 0 : index
    %swap3A_40 = vector.load %arg10[%swap3A_38, %swap3A_39] : memref<1280x1xf32, #tpu.memory_space<vmem>>, vector<1280x1xf32>
    tpu.vector_store %arg10[%swap3A_38, %swap3A_39], %dot_general3A_29 {strides = array<i32>} : memref<1280x1xf32, #tpu.memory_space<vmem>>, vector<1280x1xf32>,
    %swap3A_41 = arith.constant 0 : index
    %swap3A_42 = arith.constant 0 : index
    %swap3A_43 = vector.load %arg11[%swap3A_41, %swap3A_42] : memref<1280x1xf32, #tpu.memory_space<vmem>>, vector<1280x1xf32>
    tpu.vector_store %arg11[%swap3A_41, %swap3A_42], %exp3A {strides = array<i32>} : memref<1280x1xf32, #tpu.memory_space<vmem>>, vector<1280x1xf32>,
    %mul3A_44 = vector.broadcast %exp3A : vector<1280x1xf32> to vector<1280x16xf32>
    %mul3A_45 = arith.mulf %dot_general3A_19, %mul3A_44 : vector<1280x16xf32>
    %swap3A_46 = arith.constant 0 : index
    %swap3A_47 = arith.constant 0 : index
    %swap3A_48 = vector.load %arg12[%swap3A_46, %swap3A_47] : memref<1280x16xf32, #tpu.memory_space<vmem>>, vector<1280x16xf32>
    tpu.vector_store %arg12[%swap3A_46, %swap3A_47], %mul3A_45 {strides = array<i32>} : memref<1280x16xf32, #tpu.memory_space<vmem>>, vector<1280x16xf32>,
    return
  }
  func.func @transform_0(%arg0: i32) -> (i32, i32) {
    %c0_i32 = arith.constant 0 : i32
    %c0_i32_0 = arith.constant 0 : i32
    return %arg0, %c0_i32 : i32, i32
  }
  func.func @transform_1(%arg0: i32) -> (i32, i32) {
    %add3A = arith.constant 8 : i32
    %add3A_0 = arith.addi %arg0, %add3A : i32
    %c0_i32 = arith.constant 0 : i32
    %c0_i32_1 = arith.constant 0 : i32
    return %add3A_0, %c0_i32 : i32, i32
  }
  func.func @transform_2(%arg0: i32) -> (i32, i32) {
    %c0_i32 = arith.constant 0 : i32
    %c0_i32_0 = arith.constant 0 : i32
    return %arg0, %c0_i32 : i32, i32
  }
  func.func @transform_3(%arg0: i32) -> (i32, i32) {
    %c0_i32 = arith.constant 0 : i32
    %c0_i32_0 = arith.constant 0 : i32
    %c0_i32_1 = arith.constant 0 : i32
    return %c0_i32, %c0_i32_0 : i32, i32
  }
  func.func @transform_4(%arg0: i32) -> (i32, i32) {
    %c0_i32 = arith.constant 0 : i32
    %c0_i32_0 = arith.constant 0 : i32
    %c0_i32_1 = arith.constant 0 : i32
    return %c0_i32, %c0_i32_0 : i32, i32
  }
  func.func @transform_5(%arg0: i32) -> (i32, i32) {
    %c0_i32 = arith.constant 0 : i32
    %c0_i32_0 = arith.constant 0 : i32
    %c0_i32_1 = arith.constant 0 : i32
    return %c0_i32, %c0_i32_0 : i32, i32
  }
  func.func @transform_6(%arg0: i32) -> (i32, i32) {
    %c0_i32 = arith.constant 0 : i32
    %c0_i32_0 = arith.constant 0 : i32
    %c0_i32_1 = arith.constant 0 : i32
    return %c0_i32, %c0_i32_0 : i32, i32
  }
  func.func @transform_7(%arg0: i32) -> (i32, i32) {
    %c0_i32 = arith.constant 0 : i32
    %c0_i32_0 = arith.constant 0 : i32
    return %arg0, %c0_i32 : i32, i32
  }
  func.func @transform_8(%arg0: i32) -> (i32, i32) {
    %c0_i32 = arith.constant 0 : i32
    %c0_i32_0 = arith.constant 0 : i32
    return %arg0, %c0_i32 : i32, i32
  }
  func.func @transform_9(%arg0: i32) -> (i32, i32) {
    %c0_i32 = arith.constant 0 : i32
    %c0_i32_0 = arith.constant 0 : i32
    return %arg0, %c0_i32 : i32, i32
  }
  func.func @transform_10(%arg0: i32) -> (i32, i32) {
    %c0_i32 = arith.constant 0 : i32
    %c0_i32_0 = arith.constant 0 : i32
    return %arg0, %c0_i32 : i32, i32
  }
  func.func @transform_11(%arg0: i32) -> (i32, i32) {
    %c0_i32 = arith.constant 0 : i32
    %c0_i32_0 = arith.constant 0 : i32
    return %arg0, %c0_i32 : i32, i32
  }
}

module attributes {stable_mosaic.version = 14 : i64} {
  func.func @_tc_combine_body(%arg0: i32, %arg1: memref<1280x16xf32, #tpu.memory_space<vmem>>, %arg2: memref<1280x16xf32, #tpu.memory_space<vmem>>, %arg3: memref<1280x1xf32, #tpu.memory_space<vmem>>, %arg4: memref<1280x1xf32, #tpu.memory_space<vmem>>, %arg5: memref<1x16xf32, #tpu.memory_space<vmem>>, %arg6: memref<1280x16xf32, #tpu.memory_space<vmem>>) attributes {dimension_semantics = [#tpu.dimension_semantics<arbitrary>], iteration_bounds = array<i64: 8>, scalar_prefetch = 0 : i64, scratch_operands = 0 : i64, tpu.core_type = #tpu.core_type<tc>, window_params = [{transform_indices = @transform_0, window_bounds = array<i64: 1280, 16>}, {transform_indices = @transform_1, window_bounds = array<i64: 1280, 16>}, {transform_indices = @transform_2, window_bounds = array<i64: 1280, 1>}, {transform_indices = @transform_3, window_bounds = array<i64: 1280, 1>}, {pipeline_mode = #tpu.pipeline_mode<synchronous>, transform_indices = @transform_4, window_bounds = array<i64: 1, 16>}, {transform_indices = @transform_5, window_bounds = array<i64: 1280, 16>}]} {
    %get3A = arith.constant 0 : index
    %get3A_0 = arith.constant 0 : index
    %get3A_1 = vector.load %arg1[%get3A, %get3A_0] : memref<1280x16xf32, #tpu.memory_space<vmem>>, vector<1280x16xf32>
    %get3A_2 = arith.constant 0 : index
    %get3A_3 = arith.constant 0 : index
    %get3A_4 = vector.load %arg2[%get3A_2, %get3A_3] : memref<1280x16xf32, #tpu.memory_space<vmem>>, vector<1280x16xf32>
    %add3A = arith.addf %get3A_1, %get3A_4 : vector<1280x16xf32>
    %get3A_5 = arith.constant 0 : index
    %get3A_6 = arith.constant 0 : index
    %get3A_7 = vector.load %arg3[%get3A_5, %get3A_6] : memref<1280x1xf32, #tpu.memory_space<vmem>>, vector<1280x1xf32>
    %get3A_8 = arith.constant 0 : index
    %get3A_9 = arith.constant 0 : index
    %get3A_10 = vector.load %arg4[%get3A_8, %get3A_9] : memref<1280x1xf32, #tpu.memory_space<vmem>>, vector<1280x1xf32>
    %add3A_11 = arith.addf %get3A_7, %get3A_10 : vector<1280x1xf32>
    %add3A_12 = arith.constant 1.000000e-16 : f32
    %add3A_13 = vector.broadcast %add3A_12 : f32 to vector<1280x1xf32>
    %add3A_14 = arith.addf %add3A_11, %add3A_13 : vector<1280x1xf32>
    %div3A = vector.broadcast %add3A_14 : vector<1280x1xf32> to vector<1280x16xf32>
    %div3A_15 = arith.divf %add3A, %div3A : vector<1280x16xf32>
    %get3A_16 = arith.constant 0 : index
    %get3A_17 = arith.constant 0 : index
    %get3A_18 = vector.load %arg5[%get3A_16, %get3A_17] : memref<1x16xf32, #tpu.memory_space<vmem>>, vector<1x16xf32>
    %add3A_19 = vector.broadcast %get3A_18 : vector<1x16xf32> to vector<1280x16xf32>
    %add3A_20 = arith.addf %div3A_15, %add3A_19 : vector<1280x16xf32>
    %swap3A = arith.constant 0 : index
    %swap3A_21 = arith.constant 0 : index
    %swap3A_22 = vector.load %arg6[%swap3A, %swap3A_21] : memref<1280x16xf32, #tpu.memory_space<vmem>>, vector<1280x16xf32>
    tpu.vector_store %arg6[%swap3A, %swap3A_21], %add3A_20 {strides = array<i32>} : memref<1280x16xf32, #tpu.memory_space<vmem>>, vector<1280x16xf32>,
    return
  }
  func.func @transform_0(%arg0: i32) -> (i32, i32) {
    %c0_i32 = arith.constant 0 : i32
    %c0_i32_0 = arith.constant 0 : i32
    return %arg0, %c0_i32 : i32, i32
  }
  func.func @transform_1(%arg0: i32) -> (i32, i32) {
    %add3A = arith.constant 8 : i32
    %add3A_0 = arith.addi %arg0, %add3A : i32
    %c0_i32 = arith.constant 0 : i32
    %c0_i32_1 = arith.constant 0 : i32
    return %add3A_0, %c0_i32 : i32, i32
  }
  func.func @transform_2(%arg0: i32) -> (i32, i32) {
    %c0_i32 = arith.constant 0 : i32
    %c0_i32_0 = arith.constant 0 : i32
    return %arg0, %c0_i32 : i32, i32
  }
  func.func @transform_3(%arg0: i32) -> (i32, i32) {
    %add3A = arith.constant 8 : i32
    %add3A_0 = arith.addi %arg0, %add3A : i32
    %c0_i32 = arith.constant 0 : i32
    %c0_i32_1 = arith.constant 0 : i32
    return %add3A_0, %c0_i32 : i32, i32
  }
  func.func @transform_4(%arg0: i32) -> (i32, i32) {
    %c0_i32 = arith.constant 0 : i32
    %c0_i32_0 = arith.constant 0 : i32
    %c0_i32_1 = arith.constant 0 : i32
    return %c0_i32, %c0_i32_0 : i32, i32
  }
  func.func @transform_5(%arg0: i32) -> (i32, i32) {
    %c0_i32 = arith.constant 0 : i32
    %c0_i32_0 = arith.constant 0 : i32
    return %arg0, %c0_i32 : i32, i32
  }
}

module attributes {stable_mosaic.version = 14 : i64} {
  func.func @_mlp_body(%arg0: i32, %arg1: memref<8000x8xf32, #tpu.memory_space<vmem>>, %arg2: memref<8000x16xf32, #tpu.memory_space<vmem>>, %arg3: memref<8x256xbf16, #tpu.memory_space<vmem>>, %arg4: memref<16x256xbf16, #tpu.memory_space<vmem>>, %arg5: memref<1x256xf32, #tpu.memory_space<vmem>>, %arg6: memref<256x256xbf16, #tpu.memory_space<vmem>>, %arg7: memref<1x256xf32, #tpu.memory_space<vmem>>, %arg8: memref<256x16xbf16, #tpu.memory_space<vmem>>, %arg9: memref<1x16xf32, #tpu.memory_space<vmem>>, %arg10: memref<8000x16xf32, #tpu.memory_space<vmem>>) attributes {dimension_semantics = [#tpu.dimension_semantics<arbitrary>], iteration_bounds = array<i64: 20>, scalar_prefetch = 0 : i64, scratch_operands = 0 : i64, tpu.core_type = #tpu.core_type<tc>, window_params = [{transform_indices = @transform_0, window_bounds = array<i64: 8000, 8>}, {transform_indices = @transform_1, window_bounds = array<i64: 8000, 16>}, {pipeline_mode = #tpu.pipeline_mode<synchronous>, transform_indices = @transform_2, window_bounds = array<i64: 8, 256>}, {pipeline_mode = #tpu.pipeline_mode<synchronous>, transform_indices = @transform_3, window_bounds = array<i64: 16, 256>}, {pipeline_mode = #tpu.pipeline_mode<synchronous>, transform_indices = @transform_4, window_bounds = array<i64: 1, 256>}, {pipeline_mode = #tpu.pipeline_mode<synchronous>, transform_indices = @transform_5, window_bounds = array<i64: 256, 256>}, {pipeline_mode = #tpu.pipeline_mode<synchronous>, transform_indices = @transform_6, window_bounds = array<i64: 1, 256>}, {pipeline_mode = #tpu.pipeline_mode<synchronous>, transform_indices = @transform_7, window_bounds = array<i64: 256, 16>}, {pipeline_mode = #tpu.pipeline_mode<synchronous>, transform_indices = @transform_8, window_bounds = array<i64: 1, 16>}, {transform_indices = @transform_9, window_bounds = array<i64: 8000, 16>}]} {
    %get3A = arith.constant 0 : index
    %get3A_0 = arith.constant 0 : index
    %get3A_1 = vector.load %arg1[%get3A, %get3A_0] : memref<8000x8xf32, #tpu.memory_space<vmem>>, vector<8000x8xf32>
    %convert_element_type3A = arith.truncf %get3A_1 : vector<8000x8xf32> to vector<8000x8xbf16>
    %get3A_2 = arith.constant 0 : index
    %get3A_3 = arith.constant 0 : index
    %get3A_4 = vector.load %arg3[%get3A_2, %get3A_3] : memref<8x256xbf16, #tpu.memory_space<vmem>>, vector<8x256xbf16>
    %dot_general3A = arith.constant dense<0.000000e+00> : vector<8000x256xf32>
    %dot_general3A_5 = tpu.matmul %convert_element_type3A, %get3A_4, %dot_general3A {dimension_numbers = #tpu.dot_dimension_numbers<[1], [0], [0], [1], [0, 0, 1, 1], [], []>, transpose_lhs_hint = false} : vector<8000x8xbf16>, vector<8x256xbf16>, vector<8000x256xf32> -> vector<8000x256xf32>
    %get3A_6 = arith.constant 0 : index
    %get3A_7 = arith.constant 0 : index
    %get3A_8 = vector.load %arg2[%get3A_6, %get3A_7] : memref<8000x16xf32, #tpu.memory_space<vmem>>, vector<8000x16xf32>
    %convert_element_type3A_9 = arith.truncf %get3A_8 : vector<8000x16xf32> to vector<8000x16xbf16>
    %get3A_10 = arith.constant 0 : index
    %get3A_11 = arith.constant 0 : index
    %get3A_12 = vector.load %arg4[%get3A_10, %get3A_11] : memref<16x256xbf16, #tpu.memory_space<vmem>>, vector<16x256xbf16>
    %dot_general3A_13 = arith.constant dense<0.000000e+00> : vector<8000x256xf32>
    %dot_general3A_14 = tpu.matmul %convert_element_type3A_9, %get3A_12, %dot_general3A_13 {dimension_numbers = #tpu.dot_dimension_numbers<[1], [0], [0], [1], [0, 0, 1, 1], [], []>, transpose_lhs_hint = false} : vector<8000x16xbf16>, vector<16x256xbf16>, vector<8000x256xf32> -> vector<8000x256xf32>
    %add3A = arith.addf %dot_general3A_5, %dot_general3A_14 : vector<8000x256xf32>
    %get3A_15 = arith.constant 0 : index
    %get3A_16 = arith.constant 0 : index
    %get3A_17 = vector.load %arg5[%get3A_15, %get3A_16] : memref<1x256xf32, #tpu.memory_space<vmem>>, vector<1x256xf32>
    %add3A_18 = vector.broadcast %get3A_17 : vector<1x256xf32> to vector<8000x256xf32>
    %add3A_19 = arith.addf %add3A, %add3A_18 : vector<8000x256xf32>
    %max3A = arith.constant 0.000000e+00 : f32
    %max3A_20 = vector.broadcast %max3A : f32 to vector<8000x256xf32>
    %max3A_21 = arith.maximumf %add3A_19, %max3A_20 : vector<8000x256xf32>
    %convert_element_type3A_22 = arith.truncf %max3A_21 : vector<8000x256xf32> to vector<8000x256xbf16>
    %get3A_23 = arith.constant 0 : index
    %get3A_24 = arith.constant 0 : index
    %get3A_25 = vector.load %arg6[%get3A_23, %get3A_24] : memref<256x256xbf16, #tpu.memory_space<vmem>>, vector<256x256xbf16>
    %dot_general3A_26 = arith.constant dense<0.000000e+00> : vector<8000x256xf32>
    %dot_general3A_27 = tpu.matmul %convert_element_type3A_22, %get3A_25, %dot_general3A_26 {dimension_numbers = #tpu.dot_dimension_numbers<[1], [0], [0], [1], [0, 0, 1, 1], [], []>, transpose_lhs_hint = false} : vector<8000x256xbf16>, vector<256x256xbf16>, vector<8000x256xf32> -> vector<8000x256xf32>
    %get3A_28 = arith.constant 0 : index
    %get3A_29 = arith.constant 0 : index
    %get3A_30 = vector.load %arg7[%get3A_28, %get3A_29] : memref<1x256xf32, #tpu.memory_space<vmem>>, vector<1x256xf32>
    %add3A_31 = vector.broadcast %get3A_30 : vector<1x256xf32> to vector<8000x256xf32>
    %add3A_32 = arith.addf %dot_general3A_27, %add3A_31 : vector<8000x256xf32>
    %max3A_33 = arith.constant 0.000000e+00 : f32
    %max3A_34 = vector.broadcast %max3A_33 : f32 to vector<8000x256xf32>
    %max3A_35 = arith.maximumf %add3A_32, %max3A_34 : vector<8000x256xf32>
    %convert_element_type3A_36 = arith.truncf %max3A_35 : vector<8000x256xf32> to vector<8000x256xbf16>
    %get3A_37 = arith.constant 0 : index
    %get3A_38 = arith.constant 0 : index
    %get3A_39 = vector.load %arg8[%get3A_37, %get3A_38] : memref<256x16xbf16, #tpu.memory_space<vmem>>, vector<256x16xbf16>
    %dot_general3A_40 = arith.constant dense<0.000000e+00> : vector<8000x16xf32>
    %dot_general3A_41 = tpu.matmul %convert_element_type3A_36, %get3A_39, %dot_general3A_40 {dimension_numbers = #tpu.dot_dimension_numbers<[1], [0], [0], [1], [0, 0, 1, 1], [], []>, transpose_lhs_hint = false} : vector<8000x256xbf16>, vector<256x16xbf16>, vector<8000x16xf32> -> vector<8000x16xf32>
    %get3A_42 = arith.constant 0 : index
    %get3A_43 = arith.constant 0 : index
    %get3A_44 = vector.load %arg9[%get3A_42, %get3A_43] : memref<1x16xf32, #tpu.memory_space<vmem>>, vector<1x16xf32>
    %add3A_45 = vector.broadcast %get3A_44 : vector<1x16xf32> to vector<8000x16xf32>
    %add3A_46 = arith.addf %dot_general3A_41, %add3A_45 : vector<8000x16xf32>
    %get3A_47 = arith.constant 0 : index
    %get3A_48 = arith.constant 0 : index
    %get3A_49 = vector.load %arg2[%get3A_47, %get3A_48] : memref<8000x16xf32, #tpu.memory_space<vmem>>, vector<8000x16xf32>
    %add3A_50 = arith.addf %get3A_49, %add3A_46 : vector<8000x16xf32>
    %swap3A = arith.constant 0 : index
    %swap3A_51 = arith.constant 0 : index
    %swap3A_52 = vector.load %arg10[%swap3A, %swap3A_51] : memref<8000x16xf32, #tpu.memory_space<vmem>>, vector<8000x16xf32>
    tpu.vector_store %arg10[%swap3A, %swap3A_51], %add3A_50 {strides = array<i32>} : memref<8000x16xf32, #tpu.memory_space<vmem>>, vector<8000x16xf32>,
    return
  }
  func.func @transform_0(%arg0: i32) -> (i32, i32) {
    %c0_i32 = arith.constant 0 : i32
    %c0_i32_0 = arith.constant 0 : i32
    return %arg0, %c0_i32 : i32, i32
  }
  func.func @transform_1(%arg0: i32) -> (i32, i32) {
    %c0_i32 = arith.constant 0 : i32
    %c0_i32_0 = arith.constant 0 : i32
    return %arg0, %c0_i32 : i32, i32
  }
  func.func @transform_2(%arg0: i32) -> (i32, i32) {
    %c0_i32 = arith.constant 0 : i32
    %c0_i32_0 = arith.constant 0 : i32
    %c0_i32_1 = arith.constant 0 : i32
    return %c0_i32, %c0_i32_0 : i32, i32
  }
  func.func @transform_3(%arg0: i32) -> (i32, i32) {
    %c0_i32 = arith.constant 0 : i32
    %c0_i32_0 = arith.constant 0 : i32
    %c0_i32_1 = arith.constant 0 : i32
    return %c0_i32, %c0_i32_0 : i32, i32
  }
  func.func @transform_4(%arg0: i32) -> (i32, i32) {
    %c0_i32 = arith.constant 0 : i32
    %c0_i32_0 = arith.constant 0 : i32
    %c0_i32_1 = arith.constant 0 : i32
    return %c0_i32, %c0_i32_0 : i32, i32
  }
  func.func @transform_5(%arg0: i32) -> (i32, i32) {
    %c0_i32 = arith.constant 0 : i32
    %c0_i32_0 = arith.constant 0 : i32
    %c0_i32_1 = arith.constant 0 : i32
    return %c0_i32, %c0_i32_0 : i32, i32
  }
  func.func @transform_6(%arg0: i32) -> (i32, i32) {
    %c0_i32 = arith.constant 0 : i32
    %c0_i32_0 = arith.constant 0 : i32
    %c0_i32_1 = arith.constant 0 : i32
    return %c0_i32, %c0_i32_0 : i32, i32
  }
  func.func @transform_7(%arg0: i32) -> (i32, i32) {
    %c0_i32 = arith.constant 0 : i32
    %c0_i32_0 = arith.constant 0 : i32
    %c0_i32_1 = arith.constant 0 : i32
    return %c0_i32, %c0_i32_0 : i32, i32
  }
  func.func @transform_8(%arg0: i32) -> (i32, i32) {
    %c0_i32 = arith.constant 0 : i32
    %c0_i32_0 = arith.constant 0 : i32
    %c0_i32_1 = arith.constant 0 : i32
    return %c0_i32, %c0_i32_0 : i32, i32
  }
  func.func @transform_9(%arg0: i32) -> (i32, i32) {
    %c0_i32 = arith.constant 0 : i32
    %c0_i32_0 = arith.constant 0 : i32
    return %arg0, %c0_i32 : i32, i32
  }
}

</mosaic_0001>

<sc_bundles>
// kernel: kernel.11.cloned.1.call-start
scs
__scs_entry_jumppad:
0x0: {  	(pc) =	sbr.rel $0x88, $3  }
0x1: {  	(tag) =	ssettag $0x0;
	lr =	simm.s32 $0x1  }
0x2: {  	[smem:$0x3F8C] =	sst lr;
	_ =	strace $0xD0000000  }
0x3: {  	_ = 	snop  }
0x4: {  	_ = 	snop  }
0x5: {  	_ = 	snop  }
0x6: {  	_ = 	snop  }
0x7: {  	_ = 	snop  }
__scs_overlays_trampoline_lowered:
0x8: {  	[smem:$0x3F9B] =	sst s0  }
0x9: {  	[smem:$0x3F9C] =	sst s1  }
0xa: {  	[smem:$0x3F9D] =	sst s2  }
0xb: {  	[smem:$0x3F9E] =	sst s3  }
0xc: {  	[smem:$0x3F9F] =	sst s4  }
0xd: {  	[smem:$0x3FA0] =	sst s5  }
0xe: {  	[smem:$0x3FA1] =	sst s6  }
0xf: {  	[smem:$0x3FA2] =	sst s7  }
0x10: {  	[smem:$0x3FA3] =	sst s8  }
0x11: {  	[smem:$0x3FA4] =	sst s9;
	s0 =	simm.s32 @!p0 $0x0  }
0x12: {  	s1 =	sld [smem:$0x3F8A];
	s0 =	simm.s32 @p0 $0x1  }
0x13: {  	[smem:$0x3FA5] =	sst s0;
	s0 =	simm.s32 @!p1 $0x0  }
0x14: {  	s2 =	sld [smem:$0x3F89];
	s0 =	simm.s32 @p1 $0x1  }
0x15: {  	[smem:$0x3FA6] =	sst s0;
	s0 =	simm.s32 @!p2 $0x0  }
0x16: {  	s3 =	sld [smem:$0x3FDB];
	s0 =	simm.s32 @p2 $0x1  }
0x17: {  	s4 =	simm.s32 $0x1BF5;
	[smem:$0x3FA8] =	sst s0  }
0x18: {  	s0 =	sld [smem:$0x3F8B];
	_ =	swait.ge [sflag:s4], $0x0  }
0x19: {  	s7 =	sld [smem:$0x3F8C]  }
0x1a: {  	s8 =	sadd.s32 $0xFFFFE003, lr  }
0x1b: {  	s9 =	sadd.s32 $0xFFFFFEF7, lr;
	s5 =	simm.s32 $0xFFFFFFFF;
	p2 =	slt.u32 s8, $0xFFFFF086  }
0x1c: {  	p1 =	slt.u32 s9, $0xF7A;
	s5 =	simm.s32 @!p2 $0x0  }
0x1d: {  	s5 =	simm.s32 @p1 $0x1;
	p0 =	seq.s32 s7, s2  }
0x1e: {  	s7 =	smul.u32 @!p0 $0xF7A, s2;
	p2 =	seq.s32 @!p0 s5, $0x0  }
0x1f: {  	s9 =	smul.u32 $0xF7A, s1;
	s8 =	simm.s32 @!p0 $0x1BF5;
	p2 =	por !p2, p0  }
0x20: {  	[sflag:s8] =	ssyncset.s32 @!p0 $0xFFFFF086;
	s6 =	sadd.s32 @!p0 s3, s7;
	s7 =	simm.s32 @!p0 $0x108  }
0x21: {  	s3 =	sadd.s32 s3, s9;
	s6 =	sadd.s32 @!p0 $0x88, s6;
	s7 =	simm.s32 @p2 $0x1082  }
0x22: {  	[simem:s7], [sflag:s8] =	dma.local @!p0 [hbm:s6], $0xF7A  }
0x23: {  	s9 =	sor.u32 $0xD0000000, s2;
	s6 =	simm.s32 $0x108;
	_ =	swait.ge @!p0 [sflag:s8], $0x0  }
0x24: {  	s3 =	sadd.s32 $0x88, s3;
	s6 =	simm.s32 @!p1 $0x1082;
	[sflag:s4] =	ssyncset.s32 $0xFFFFF086  }
0x25: {  	[simem:s6], [sflag:s4] =	dma.local [hbm:s3], $0xF7A  }
0x26: {  	[smem:$0x3F8C] =	sst s1;
	(tag) =	ssettag s2;
	_ =	strace s9  }
0x27: {  	s1 =	sld [smem:$0x3F9C]  }
0x28: {  	s2 =	sld [smem:$0x3F9D]  }
0x29: {  	s4 =	sld [smem:$0x3F9F]  }
0x2a: {  	p0 =	seq.s32 s5, $0x0;
	s5 =	sld [smem:$0x3FA0]  }
0x2b: {  	s6 =	sld [smem:$0x3FA1]  }
0x2c: {  	s7 =	sld [smem:$0x3FA2]  }
0x2d: {  	s3 =	simm.s32 $0x108;
	s8 =	sld [smem:$0x3FA3]  }
0x2e: {  	s3 =	simm.s32 @!p0 $0x1082;
	s9 =	sld [smem:$0x3FA4]  }
0x2f: {  	lr =	sadd.s32 s0, s3;
	s0 =	sld [smem:$0x3F9B]  }
0x30: {  	s3 =	sld [smem:$0x3F9E]  }
0x31: {  	[smem:$0x3FA7] =	sst s10  }
0x32: {  	s10 =	sld [smem:$0x3FA5];
	_ =	sdelay $0x3  }
0x33: {  	p0 =	seq.s32 s10, $0x1;
	s10 =	sld [smem:$0x3FA7];
	_ =	sdelay $0x3  }
0x34: {  	[smem:$0x3FA7] =	sst s10  }
0x35: {  	s10 =	sld [smem:$0x3FA6];
	_ =	sdelay $0x3  }
0x36: {  	p1 =	seq.s32 s10, $0x1;
	s10 =	sld [smem:$0x3FA7];
	_ =	sdelay $0x3  }
0x37: {  	[smem:$0x3FA7] =	sst s10  }
0x38: {  	s10 =	sld [smem:$0x3FA8]  }
0x39: {  	_ = 	snop;
	(pc) =	sbr.ind lr, $3  }
0x3a: {  	_ = 	snop  }
0x3b: {  	_ = 	snop  }
0x3c: {  	p2 =	seq.s32 s10, $0x1;
	s10 =	sld [smem:$0x3FA7]  }
0x3d: {  	_ =	shalt  }
0x3e: {  	_ =	shalt  }
0x3f: {  	_ =	shalt  }
0x40: {  	_ =	shalt  }
0x41: {  	_ =	shalt  }
0x42: {  	_ =	shalt  }
0x43: {  	_ =	shalt  }
0x44: {  	_ =	shalt  }
0x45: {  	_ =	shalt  }
0x46: {  	_ =	shalt  }
0x47: {  	_ =	shalt  }
0x48: {  	_ =	shalt  }
0x49: {  	_ =	shalt  }
0x4a: {  	_ =	shalt  }
0x4b: {  	_ =	shalt  }
0x4c: {  	_ =	shalt  }
0x4d: {  	_ =	shalt  }
0x4e: {  	_ =	shalt  }
0x4f: {  	_ =	shalt  }
0x50: {  	_ =	shalt  }
0x51: {  	_ =	shalt  }
0x52: {  	_ =	shalt  }
0x53: {  	_ =	shalt  }
0x54: {  	_ =	shalt  }
0x55: {  	_ =	shalt  }
0x56: {  	_ =	shalt  }
0x57: {  	_ =	shalt  }
0x58: {  	_ =	shalt  }
0x59: {  	_ =	shalt  }
0x5a: {  	_ =	shalt  }
0x5b: {  	_ =	shalt  }
0x5c: {  	_ =	shalt  }
0x5d: {  	_ =	shalt  }
0x5e: {  	_ =	shalt  }
0x5f: {  	_ =	shalt  }
0x60: {  	_ =	shalt  }
0x61: {  	_ =	shalt  }
0x62: {  	_ =	shalt  }
0x63: {  	_ =	shalt  }
0x64: {  	_ =	shalt  }
0x65: {  	_ =	shalt  }
0x66: {  	_ =	shalt  }
0x67: {  	_ =	shalt  }
0x68: {  	_ =	shalt  }
0x69: {  	_ =	shalt  }
0x6a: {  	_ =	shalt  }
0x6b: {  	_ =	shalt  }
0x6c: {  	_ =	shalt  }
0x6d: {  	_ =	shalt  }
0x6e: {  	_ =	shalt  }
0x6f: {  	_ =	shalt  }
0x70: {  	_ =	shalt  }
0x71: {  	_ =	shalt  }
0x72: {  	_ =	shalt  }
0x73: {  	_ =	shalt  }
0x74: {  	_ =	shalt  }
0x75: {  	_ =	shalt  }
0x76: {  	_ =	shalt  }
0x77: {  	_ =	shalt  }
0x78: {  	_ =	shalt  }
0x79: {  	_ =	shalt  }
0x7a: {  	_ =	shalt  }
0x7b: {  	_ =	shalt  }
0x7c: {  	_ =	shalt  }
0x7d: {  	_ =	shalt  }
0x7e: {  	_ =	shalt  }
0x7f: {  	_ =	shalt  }
0x80: {  	_ =	shalt  }
0x81: {  	_ =	shalt  }
0x82: {  	_ =	shalt  }
0x83: {  	_ =	shalt  }
0x84: {  	_ =	shalt  }
0x85: {  	_ =	shalt  }
0x86: {  	_ =	shalt  }
0x87: {  	_ =	shalt  }
.Lfunc_end0:
.L_simem_size_0:
called_computation_lowered:
.L_overlay_start_0:
0x88: {  	s2 =	sld [smem:$0x3FD9]  }
0x89: {  	s3 =	sld [smem:$0x3FFE];
	_ =	sdelay $0x1  }
0x8a: {  	s1 =	srdreg.scid  }
0x8b: {  	s0 =	sand.u32 $0x1, s1  }
0x8c: {  	s17 =	sshll.u32 s0, $0xA;
	s2 =	sadd.s32 s3, s2  }
0x8d: {  	s2 =	sadd.s32 s2, s17  }
0x8e: {  	[smem:$0x3FB3] =	sst s2  }
0x8f: {  	_ = 	snop  }
0x90: {  	s2 =	sld [smem:$0x3FD0];
	(tm) =	ssettm $0x1  }
0x91: {  	s18 =	sld [smem:$0x3FFB];
	_ =	sdelay $0x3  }
0x92: {  	_ =	strace s18  }
0x93: {  	s3 =	sld [smem:$0x3FFC];
	_ =	sdelay $0x3  }
0x94: {  	_ =	strace s3  }
0x95: {  	s3 =	sld [smem:$0x3FFD];
	_ =	sdelay $0x3  }
0x96: {  	_ =	strace s3  }
0x97: {  	_ =	strace $0x8FFFFFFF  }
0x98: {  	s19 =	sld [smem:$0x3FDB];
	_ =	sdelay $0x1  }
0x99: {  	s4 =	simm.s32 $_scs_section_size  }
0x9a: {  	s5 =	simm.s32 $_size__tile_overlayer_lowered;
	s6 =	simm.s32 $_tile_overlayer_lowered  }
0x9b: {  	s22 =	simm.s32 $0x1BFF;
	s21 =	sshll.u32 s6, $0x1;
	s3 =	sadd.s32 s4, s19  }
0x9c: {  	s7 =	simm.s32 $0x0;
	s20 =	sshll.u32 s5, $0x1;
	s5 =	sadd.s32 s21, s3  }
0x9d: {  	[timem:s7], [sflag:s22] =	dma.local [hbm:s5], s20  }
0x9e: {  	_ =	swait.ge [sflag:s22], s20  }
0x9f: {  	s4 =	ssub.s32 $0x0, s20;
	[sflag:s22] =	ssyncset.done $0x0  }
0xa0: {  	[sflag:s22] =	ssyncadd.s32 s4;
	_ =	sdelay $0x1  }
0xa1: {  	s23 =	simm.s32 $0x1B8B  }
0xa2: {  	_ =	swait.ge [sflag:s23], $0x1  }
0xa3: {  	[sflag:s23] =	ssyncset.done $0x0  }
0xa4: {  	s25 =	simm.s32 $0x1B8E;
	s24 =	sld [smem:$0x3FFE];
	[sflag:s23] =	ssyncadd.s32 $0xFFFFFFFF  }
0xa5: {  	s26 =	simm.s32 $execute0_lowered;
	[smem:$0x3FD2] =	sst s25  }
0xa6: {  	s5 =	sshll.u32 s26, $0x1;
	_ =	strace $0x80000046;
	[dreg:$0x1] =	wrdreg $0xFFFFFFFF  }
0xa7: {  	s28 =	simm.s32 $_size_execute0_lowered;
	s3 =	sadd.s32 s3, s5;
	[dreg:$0x0] =	wrdreg $0x0  }
0xa8: {  	s5 =	sshll.u32 s28, $0x1;
	[dreg:$0x2] =	wrdreg s3  }
0xa9: {  	[dreg:$0x3] =	wrdreg s5  }
0xaa: {  	[dreg:$0x4] =	wrdreg $0xC0  }
0xab: {  	_ =	task [dreg:s7], $0x5FFFF  }
0xac: {  	[dreg:$0x1] =	wrdreg $0xFFFFFFFF  }
0xad: {  	[dreg:$0x0] =	wrdreg $0x60  }
0xae: {  	[dreg:$0x2] =	wrdreg s2  }
0xaf: {  	[dreg:$0x3] =	wrdreg s24  }
0xb0: {  	[dreg:$0x4] =	wrdreg $0x108000  }
0xb1: {  	[dreg:$0x5] =	wrdreg $0x1A8000  }
0xb2: {  	[dreg:$0x6] =	wrdreg $0x9  }
0xb3: {  	_ =	task.clear_ibuf [dreg:s7], $0x7FFFF;
	_ =	strace $0x90000046  }
0xb4: {  	s29 =	simm.s32 $0x9;
	_ =	strace $0x80000048  }
0xb5: {  	_ =	swait.ge [sflag:s29], $0x1  }
0xb6: {  	[sflag:s29] =	ssyncadd.s32 $0xFFFFFFFF  }
0xb7: {  	_ =	strace $0x90000048  }
0xb8: {  	_ =	sfence  }
0xb9: {  	s30 =	sld [smem:$0x0];
	_ =	sdelay $0x2  }
0xba: {  	s31 =	sshll.u32 s1, $0xD;
	s1 =	sshrl.u32 s1, $0x2  }
0xbb: {  	s3 =	sand.u32 $0x4000, s31;
	s1 =	sadd.s32 s1, s30  }
0xbc: {  	s0 =	sor.u32 s3, s0;
	s1 =	sshll.u32 s1, $0x11  }
0xbd: {  	s0 =	sor.u32 s1, s0  }
0xbe: {  	s0 =	sadd.s32 $0x8F2B, s0  }
0xbf: {  	[sflag:s0] =	ssyncadd.remote.s32 $0x1  }
0xc0: {  	_ =	sfence.sel $0xFFFF  }
0xc1: {  	[dreg:$0x0] =	wrdreg $0xFFFFFFFF;
	(pc) =	sbr.abs _section_cstart, $3  }
0xc2: {  	[dreg:$0x1] =	wrdreg $0xFFFFFFFF  }
0xc3: {  	_ =	task.clear_ibuf [dreg:s7], $0x2FFFF;
	_ =	strace $0x9FFFFFFF  }
0xc4: {  	(tm) =	ssettm $0x7FFFFFFF  }
0xc5: {  	_ =	shalt  }
tec
execute0_lowered:
.L_overlay_start_1:
0x0: {  	(tag) =	ssettag $0x1  }
0x1: {  	s1 =	rddreg [dreg:$0x0]  }
0x2: {  	s0 =	rddreg [dreg:$0x1]  }
0x3: {  	s3 =	rddreg [dreg:$0x2]  }
0x4: {  	s4 =	rddreg [dreg:$0x3];
	s12 =	stileid.u32;
	s5 =	simm.s32 $0x0  }
0x5: {  	s6 =	srdreg.scid;
	s17 =	simm.s32 $0x3;
	s19 =	simm.s32 $0x2800  }
0x6: {  	s28 =	simm.s32 $0x2;
	s29 =	simm.s32 $0x0;
	s2 =	smul.u32 $0x500, s12  }
0x7: {  	s30 =	simm.s32 $0x0;
	[smem:$0x7FF] =	sst s5;
	s7 =	smul.u32 $0x280, s12  }
0x8: {  	s6 =	sand.u32 $0x1, s6;
	s8 =	sadd.s32 $0x3600, s0;
	s22 =	sadd.s32 $0x3C00, s0  }
0x9: {  	s11 =	smul.u32 $0x28000, s12;
	_ =	strace $0x80000047;
	[dreg:$0x5] =	wrdreg s8  }
0xa: {  	s31 =	sshll.u32 s12, $0x6;
	s21 =	smul.u32 $0x2800, s6;
	[dreg:$0x6] =	wrdreg s22  }
0xb: {  	s6 =	ssub.s32 $0x2, s6;
	s22 =	simm.s32 $0x80;
	s23 =	sshrl.u32 s7, $0x3  }
0xc: {  	s2 =	sadd.s32 s2, s0;
	s25 =	sshrl.u32 s6, $0x1;
	s26 =	sshrl.u32 s11, $0x2  }
0xd: {  	s10 =	sadd.s32 s23, s0;
	s24 =	sadd.s32 s7, s21;
	s6 =	ssub.s32 s6, s25  }
0xe: {  	s16 =	sadd.s32 s26, s3;
	s7 =	sadd.s32 s7, s4;
	s11 =	sadd.s32 $0x2C800, s2  }
0xf: {  	s12 =	sadd.s32 $0x31800, s2;
	s23 =	simm.s32 $0xC800;
	s25 =	simm.s32 $0xE800  }
0x10: {  	s26 =	simm.s32 $0xA000;
	s9 =	sshll.u32 s24, $0x3;
	s8 =	sshrl.u32 s24, $0x3  }
0x11: {  	s10 =	sadd.s32 $0x4200, s10;
	s15 =	smax.u32 s6, $0x1;
	s16 =	sshrl.u32 s16, $0x3  }
0x12: {  	s18 =	sshrl.u32 s7, $0x3;
	s7 =	simm.s32 $0x5000;
	s24 =	simm.s32 $0x1  }
0x13: {  	v1 =	vimm.s32 $0x0;
	vm0 =	vcmask $0x300;
	s13 =	sadd.s32 s9, s0;
	s0 =	sadd.s32 s8, s0;
	s9 =	sor.u32 $0x1C03, s31  }
0x14: {  	v1 =	vsel vm0, $0x3, v1;
	v0 =	vmov s21;
	s8 =	sadd.s32 $0x4800, s13;
	s13 =	sadd.s32 $0x37200, s13;
	s14 =	sadd.s32 $0x36800, s0  }
.LBB2_1:
0x15: {  	[spmem:s16], [sflag:s9] =	dma.local [hbm:s8], $0x1400  }
0x16: {  	_ =	swait.ge [sflag:s17], $0x1400  }
0x17: {  	[sflag:s17] =	ssyncset.done $0x0  }
0x18: {  	[sflag:s17] =	ssyncadd.s32 $0xFFFFEC00  }
0x19: {  	[spmem:s18], [sflag:s9] =	dma.local [hbm:s10], $0x50  }
0x1a: {  	_ =	swait.ge [sflag:s17], $0x50  }
0x1b: {  	[sflag:s17] =	ssyncset.done $0x0  }
0x1c: {  	s0 =	rddreg [dreg:$0x5];
	[sflag:s17] =	ssyncadd.s32 $0xFFFFFFB0  }
0x1d: {  	[tilespmem:s5], [sflag:$0x3] =	stream.linear.gather [hbm4b:s0+s5], $0x2800, $0x38;
	[tilespmem:$0x1AA80] =	vst v63  }
0x1e: {  	_ =	swait.ge [sflag:s17], $0x2800  }
0x1f: {  	[sflag:s17] =	ssyncset.done $0x0  }
0x20: {  	s21 =	rddreg [dreg:$0x6];
	[sflag:s17] =	ssyncadd.s32 $0xFFFFD800  }
0x21: {  	[tilespmem:s19], [sflag:$0x3] =	stream.linear.gather [hbm4b:s21+s5], $0x2800, $0x38;
	[tilespmem:$0x1AA80] =	vst v63  }
0x22: {  	_ =	swait.ge [sflag:s17], $0x2800  }
0x23: {  	[sflag:s17] =	ssyncset.done $0x0  }
0x24: {  	[sflag:s17] =	ssyncadd.s32 $0xFFFFD800  }
0x25: {  	[tilespmem:s7], [sflag:$0x3] =	stream.linear.gather [hbm4b:s11+s5], $0x2800, $0x38;
	[tilespmem:$0x1AA80] =	vst v63  }
0x26: {  	_ =	swait.ge [sflag:s17], $0x2800  }
0x27: {  	[sflag:s17] =	ssyncset.done $0x0  }
0x28: {  	s31 =	simm.s32 $0x7800;
	[sflag:s17] =	ssyncadd.s32 $0xFFFFD800  }
0x29: {  	[tilespmem:s31], [sflag:$0x3] =	stream.linear.gather [hbm4b:s12+s5], $0x2800, $0x38;
	[tilespmem:$0x1AA80] =	vst v63  }
0x2a: {  	_ =	swait.ge [sflag:s17], $0x2800  }
0x2b: {  	[sflag:s17] =	ssyncset.done $0x0  }
0x2c: {  	s0 =	simm.s32 $0x0;
	[sflag:s17] =	ssyncadd.s32 $0xFFFFD800  }
0x2d: {  	v2 =	vld [tilespmem:s0+$0x5000]  }
0x2e: {  	v3 =	vld [tilespmem:s0+$0x7800];
	_ =	sdelay $0x6  }
0x2f: {  	v4 =	vld.idx.msk [tilespmem:v2+s5+$0x0], $0xffff  }
0x30: {  	v3 =	vld.idx.msk [tilespmem:v3+s19+$0x0], $0xffff;
	_ =	sdelay $0x4  }
0x31: {  	v3 =	vadd.f32 v3, v4;
	_ =	sdelay $0x1  }
0x32: {  	v4 =	vmul.f32 $2.000000030e-01, v3;
	_ =	sdelay $0x1  }
0x33: {  	v3 =	vmax.f32 v3, v4  }
0x34: {  	v3 =	vmul.f32 $1.442695020e+00, v3;
	_ =	sdelay $0x1  }
0x35: {  	(erf) = vpow2.f32 v3;
	_ =	sdelay $0x2  }
0x36: {  	v3 =	vld [tilespmem:s0+$0x5010]  }
0x37: {  	v57 =	vld [tilespmem:s0+$0x7810];
	_ =	sdelay $0x1  }
0x38: {  	v2 =	vadd.s32 v0, v2;
	_ =	sdelay $0x2  }
0x39: {  	[tilespmem:s0+$0x5000] =	vst v2;
	v2 =	vpop (erf)  }
0x3a: {  	[tilespmem:s0+$0xA000] =	vst v2  }
0x3b: {  	v2 =	vld.idx.msk [tilespmem:v3+s5+$0x0], $0xffff  }
0x3c: {  	v4 =	vld.idx.msk [tilespmem:v57+s19+$0x0], $0xffff;
	_ =	sdelay $0x4  }
0x3d: {  	v2 =	vadd.f32 v4, v2;
	_ =	sdelay $0x1  }
0x3e: {  	v4 =	vmul.f32 $2.000000030e-01, v2;
	_ =	sdelay $0x1  }
0x3f: {  	v2 =	vmax.f32 v2, v4  }
0x40: {  	v2 =	vmul.f32 $1.442695020e+00, v2;
	_ =	sdelay $0x1  }
0x41: {  	(erf) = vpow2.f32 v2;
	_ =	sdelay $0x2  }
0x42: {  	v2 =	vld [tilespmem:s0+$0x5020]  }
0x43: {  	v58 =	vld [tilespmem:s0+$0x7820];
	_ =	sdelay $0x1  }
0x44: {  	v3 =	vadd.s32 v0, v3;
	_ =	sdelay $0x2  }
0x45: {  	[tilespmem:s0+$0x5010] =	vst v3;
	v3 =	vpop (erf)  }
0x46: {  	[tilespmem:s0+$0xA010] =	vst v3  }
0x47: {  	v3 =	vld.idx.msk [tilespmem:v2+s5+$0x0], $0xffff  }
0x48: {  	v4 =	vld.idx.msk [tilespmem:v58+s19+$0x0], $0xffff;
	_ =	sdelay $0x4  }
0x49: {  	v3 =	vadd.f32 v4, v3;
	_ =	sdelay $0x1  }
0x4a: {  	v4 =	vmul.f32 $2.000000030e-01, v3;
	_ =	sdelay $0x1  }
0x4b: {  	v3 =	vmax.f32 v3, v4  }
0x4c: {  	v3 =	vmul.f32 $1.442695020e+00, v3;
	_ =	sdelay $0x1  }
0x4d: {  	(erf) = vpow2.f32 v3;
	_ =	sdelay $0x2  }
0x4e: {  	v3 =	vld [tilespmem:s0+$0x5030]  }
0x4f: {  	v59 =	vld [tilespmem:s0+$0x7830];
	_ =	sdelay $0x1  }
0x50: {  	v2 =	vadd.s32 v0, v2;
	_ =	sdelay $0x2  }
0x51: {  	[tilespmem:s0+$0x5020] =	vst v2;
	v2 =	vpop (erf)  }
0x52: {  	[tilespmem:s0+$0xA020] =	vst v2  }
0x53: {  	v2 =	vld.idx.msk [tilespmem:v3+s5+$0x0], $0xffff  }
0x54: {  	v4 =	vld.idx.msk [tilespmem:v59+s19+$0x0], $0xffff;
	_ =	sdelay $0x4  }
0x55: {  	v2 =	vadd.f32 v4, v2;
	_ =	sdelay $0x1  }
0x56: {  	v4 =	vmul.f32 $2.000000030e-01, v2;
	_ =	sdelay $0x1  }
0x57: {  	v2 =	vmax.f32 v2, v4  }
0x58: {  	v2 =	vmul.f32 $1.442695020e+00, v2;
	_ =	sdelay $0x1  }
0x59: {  	(erf) = vpow2.f32 v2;
	_ =	sdelay $0x1  }
0x5a: {  	v2 =	vadd.s32 v0, v3  }
0x5b: {  	[tilespmem:s0+$0x5030] =	vst v2;
	v2 =	vld [tilespmem:s0+$0x5040]  }
0x5c: {  	v3 =	vld [tilespmem:s0+$0x7840];
	_ =	sdelay $0x4  }
0x5d: {  	v60 =	vpop (erf)  }
0x5e: {  	[tilespmem:s0+$0xA030] =	vst v60  }
0x5f: {  	v4 =	vld.idx.msk [tilespmem:v2+s5+$0x0], $0xffff  }
0x60: {  	v3 =	vld.idx.msk [tilespmem:v3+s19+$0x0], $0xffff;
	_ =	sdelay $0x4  }
0x61: {  	v3 =	vadd.f32 v3, v4;
	_ =	sdelay $0x1  }
0x62: {  	v4 =	vmul.f32 $2.000000030e-01, v3;
	_ =	sdelay $0x1  }
0x63: {  	v3 =	vmax.f32 v3, v4  }
0x64: {  	v3 =	vmul.f32 $1.442695020e+00, v3;
	_ =	sdelay $0x1  }
0x65: {  	(erf) = vpow2.f32 v3;
	_ =	sdelay $0x1  }
0x66: {  	v2 =	vadd.s32 v0, v2  }
0x67: {  	[tilespmem:s0+$0x5040] =	vst v2;
	v2 =	vld [tilespmem:s0+$0x5050]  }
0x68: {  	v3 =	vld [tilespmem:s0+$0x7850];
	_ =	sdelay $0x4  }
0x69: {  	v61 =	vpop (erf)  }
0x6a: {  	[tilespmem:s0+$0xA040] =	vst v61  }
0x6b: {  	v4 =	vld.idx.msk [tilespmem:v2+s5+$0x0], $0xffff  }
0x6c: {  	v3 =	vld.idx.msk [tilespmem:v3+s19+$0x0], $0xffff;
	_ =	sdelay $0x4  }
0x6d: {  	v3 =	vadd.f32 v3, v4;
	_ =	sdelay $0x1  }
0x6e: {  	v4 =	vmul.f32 $2.000000030e-01, v3;
	_ =	sdelay $0x1  }
0x6f: {  	v3 =	vmax.f32 v3, v4  }
0x70: {  	v3 =	vmul.f32 $1.442695020e+00, v3;
	_ =	sdelay $0x1  }
0x71: {  	(erf) = vpow2.f32 v3;
	_ =	sdelay $0x1  }
0x72: {  	v2 =	vadd.s32 v0, v2  }
0x73: {  	[tilespmem:s0+$0x5050] =	vst v2;
	v2 =	vld [tilespmem:s0+$0x5060]  }
0x74: {  	v3 =	vld [tilespmem:s0+$0x7860];
	_ =	sdelay $0x4  }
0x75: {  	v62 =	vpop (erf)  }
0x76: {  	[tilespmem:s0+$0xA050] =	vst v62  }
0x77: {  	v4 =	vld.idx.msk [tilespmem:v2+s5+$0x0], $0xffff  }
0x78: {  	v3 =	vld.idx.msk [tilespmem:v3+s19+$0x0], $0xffff;
	_ =	sdelay $0x4  }
0x79: {  	v3 =	vadd.f32 v3, v4;
	_ =	sdelay $0x1  }
0x7a: {  	v4 =	vmul.f32 $2.000000030e-01, v3;
	_ =	sdelay $0x1  }
0x7b: {  	v3 =	vmax.f32 v3, v4  }
0x7c: {  	v3 =	vmul.f32 $1.442695020e+00, v3;
	_ =	sdelay $0x1  }
0x7d: {  	(erf) = vpow2.f32 v3;
	_ =	sdelay $0x1  }
0x7e: {  	v2 =	vadd.s32 v0, v2  }
0x7f: {  	[tilespmem:s0+$0x5060] =	vst v2;
	v2 =	vld [tilespmem:s0+$0x5070]  }
0x80: {  	v3 =	vld [tilespmem:s0+$0x7870];
	_ =	sdelay $0x4  }
0x81: {  	v63 =	vpop (erf)  }
0x82: {  	[tilespmem:s0+$0xA060] =	vst v63  }
0x83: {  	v4 =	vld.idx.msk [tilespmem:v2+s5+$0x0], $0xffff  }
0x84: {  	v3 =	vld.idx.msk [tilespmem:v3+s19+$0x0], $0xffff;
	_ =	sdelay $0x4  }
0x85: {  	v3 =	vadd.f32 v3, v4;
	_ =	sdelay $0x1  }
0x86: {  	v4 =	vmul.f32 $2.000000030e-01, v3;
	_ =	sdelay $0x1  }
0x87: {  	v3 =	vmax.f32 v3, v4  }
0x88: {  	v3 =	vmul.f32 $1.442695020e+00, v3  }
0x89: {  	v2 =	vadd.s32 v0, v2  }
0x8a: {  	s2 =	simm.s32 $0x200;
	s21 =	simm.s32 $0x400;
	[tilespmem:s0+$0x5070] =	vst v2;
	(erf) = vpow2.f32 v3  }
.LBB2_2:
0x8b: {  	p0 =	sne.s32 s21, $0x9E00  }
0x8c: {  	s6 =	sshra.s32 s2, $0x2;
	s2 =	smov.u32 s21;
	s21 =	sadd.s32 $0x200, s21  }
0x8d: {  	v2 =	vld [tilespmem:s6+$0x5000]  }
0x8e: {  	v3 =	vld [tilespmem:s6+$0x7800];
	_ =	sdelay $0x4  }
0x8f: {  	v4 =	vpop (erf)  }
0x90: {  	[tilespmem:s0+$0xA070] =	vst v4;
	s0 =	smov.u32 s6  }
0x91: {  	v4 =	vld.idx.msk [tilespmem:v2+s5+$0x0], $0xffff  }
0x92: {  	v3 =	vld.idx.msk [tilespmem:v3+s19+$0x0], $0xffff;
	_ =	sdelay $0x5  }
0x93: {  	v3 =	vadd.f32 v3, v4;
	_ =	sdelay $0x1  }
0x94: {  	v4 =	vmul.f32 $2.000000030e-01, v3;
	_ =	sdelay $0x1  }
0x95: {  	v3 =	vmax.f32 v3, v4  }
0x96: {  	v3 =	vmul.f32 $1.442695020e+00, v3;
	_ =	sdelay $0x1  }
0x97: {  	(erf) = vpow2.f32 v3;
	_ =	sdelay $0x1  }
0x98: {  	v3 =	vld [tilespmem:s0+$0x7810]  }
0x99: {  	v4 =	vld [tilespmem:s0+$0x5010];
	_ =	sdelay $0x4  }
0x9a: {  	v5 =	vadd.s32 v0, v2  }
0x9b: {  	[tilespmem:s0+$0x5000] =	vst v5;
	v2 =	vpop (erf)  }
0x9c: {  	[tilespmem:s0+$0xA000] =	vst v2  }
0x9d: {  	v2 =	vld.idx.msk [tilespmem:v4+s5+$0x0], $0xffff  }
0x9e: {  	v3 =	vld.idx.msk [tilespmem:v3+s19+$0x0], $0xffff;
	_ =	sdelay $0x5  }
0x9f: {  	v2 =	vadd.f32 v3, v2;
	_ =	sdelay $0x1  }
0xa0: {  	v3 =	vmul.f32 $2.000000030e-01, v2;
	_ =	sdelay $0x1  }
0xa1: {  	v2 =	vmax.f32 v2, v3  }
0xa2: {  	v2 =	vmul.f32 $1.442695020e+00, v2;
	_ =	sdelay $0x1  }
0xa3: {  	(erf) = vpow2.f32 v2;
	_ =	sdelay $0x1  }
0xa4: {  	v2 =	vld [tilespmem:s0+$0x7820]  }
0xa5: {  	v3 =	vld [tilespmem:s0+$0x5020];
	_ =	sdelay $0x4  }
0xa6: {  	v5 =	vadd.s32 v0, v4  }
0xa7: {  	[tilespmem:s0+$0x5010] =	vst v5;
	v4 =	vpop (erf)  }
0xa8: {  	[tilespmem:s0+$0xA010] =	vst v4  }
0xa9: {  	v4 =	vld.idx.msk [tilespmem:v3+s5+$0x0], $0xffff  }
0xaa: {  	v2 =	vld.idx.msk [tilespmem:v2+s19+$0x0], $0xffff;
	_ =	sdelay $0x5  }
0xab: {  	v2 =	vadd.f32 v2, v4;
	_ =	sdelay $0x1  }
0xac: {  	v4 =	vmul.f32 $2.000000030e-01, v2;
	_ =	sdelay $0x1  }
0xad: {  	v2 =	vmax.f32 v2, v4  }
0xae: {  	v2 =	vmul.f32 $1.442695020e+00, v2;
	_ =	sdelay $0x1  }
0xaf: {  	(erf) = vpow2.f32 v2;
	_ =	sdelay $0x1  }
0xb0: {  	v2 =	vld [tilespmem:s0+$0x7830]  }
0xb1: {  	v4 =	vld [tilespmem:s0+$0x5030];
	_ =	sdelay $0x4  }
0xb2: {  	v5 =	vadd.s32 v0, v3  }
0xb3: {  	[tilespmem:s0+$0x5020] =	vst v5;
	v3 =	vpop (erf)  }
0xb4: {  	[tilespmem:s0+$0xA020] =	vst v3  }
0xb5: {  	v3 =	vld.idx.msk [tilespmem:v4+s5+$0x0], $0xffff  }
0xb6: {  	v4 =	vadd.s32 v0, v4;
	v2 =	vld.idx.msk [tilespmem:v2+s19+$0x0], $0xffff  }
0xb7: {  	[tilespmem:s0+$0x5030] =	vst v4;
	_ =	sdelay $0x4  }
0xb8: {  	v2 =	vadd.f32 v2, v3;
	_ =	sdelay $0x1  }
0xb9: {  	v3 =	vmul.f32 $2.000000030e-01, v2;
	_ =	sdelay $0x1  }
0xba: {  	v2 =	vmax.f32 v2, v3  }
0xbb: {  	v2 =	vmul.f32 $1.442695020e+00, v2;
	_ =	sdelay $0x1  }
0xbc: {  	(erf) = vpow2.f32 v2;
	_ =	sdelay $0x1  }
0xbd: {  	v2 =	vld [tilespmem:s0+$0x7840]  }
0xbe: {  	v3 =	vld [tilespmem:s0+$0x5040];
	_ =	sdelay $0x5  }
0xbf: {  	v4 =	vpop (erf)  }
0xc0: {  	[tilespmem:s0+$0xA030] =	vst v4  }
0xc1: {  	v4 =	vld.idx.msk [tilespmem:v3+s5+$0x0], $0xffff  }
0xc2: {  	v3 =	vadd.s32 v0, v3;
	v2 =	vld.idx.msk [tilespmem:v2+s19+$0x0], $0xffff  }
0xc3: {  	[tilespmem:s0+$0x5040] =	vst v3;
	_ =	sdelay $0x4  }
0xc4: {  	v2 =	vadd.f32 v2, v4;
	_ =	sdelay $0x1  }
0xc5: {  	v3 =	vmul.f32 $2.000000030e-01, v2;
	_ =	sdelay $0x1  }
0xc6: {  	v2 =	vmax.f32 v2, v3  }
0xc7: {  	v2 =	vmul.f32 $1.442695020e+00, v2;
	_ =	sdelay $0x1  }
0xc8: {  	(erf) = vpow2.f32 v2;
	_ =	sdelay $0x1  }
0xc9: {  	v2 =	vld [tilespmem:s0+$0x7850]  }
0xca: {  	v3 =	vld [tilespmem:s0+$0x5050];
	_ =	sdelay $0x5  }
0xcb: {  	v4 =	vpop (erf)  }
0xcc: {  	[tilespmem:s0+$0xA040] =	vst v4  }
0xcd: {  	v4 =	vld.idx.msk [tilespmem:v3+s5+$0x0], $0xffff  }
0xce: {  	v3 =	vadd.s32 v0, v3;
	v2 =	vld.idx.msk [tilespmem:v2+s19+$0x0], $0xffff  }
0xcf: {  	[tilespmem:s0+$0x5050] =	vst v3;
	_ =	sdelay $0x4  }
0xd0: {  	v2 =	vadd.f32 v2, v4;
	_ =	sdelay $0x1  }
0xd1: {  	v3 =	vmul.f32 $2.000000030e-01, v2;
	_ =	sdelay $0x1  }
0xd2: {  	v2 =	vmax.f32 v2, v3  }
0xd3: {  	v2 =	vmul.f32 $1.442695020e+00, v2;
	_ =	sdelay $0x1  }
0xd4: {  	(erf) = vpow2.f32 v2;
	_ =	sdelay $0x1  }
0xd5: {  	v2 =	vld [tilespmem:s0+$0x7860]  }
0xd6: {  	v3 =	vld [tilespmem:s0+$0x5060];
	_ =	sdelay $0x5  }
0xd7: {  	v4 =	vpop (erf)  }
0xd8: {  	[tilespmem:s0+$0xA050] =	vst v4  }
0xd9: {  	v4 =	vld.idx.msk [tilespmem:v3+s5+$0x0], $0xffff  }
0xda: {  	v3 =	vadd.s32 v0, v3;
	v2 =	vld.idx.msk [tilespmem:v2+s19+$0x0], $0xffff  }
0xdb: {  	[tilespmem:s0+$0x5060] =	vst v3;
	_ =	sdelay $0x4  }
0xdc: {  	v2 =	vadd.f32 v2, v4;
	_ =	sdelay $0x1  }
0xdd: {  	v3 =	vmul.f32 $2.000000030e-01, v2;
	_ =	sdelay $0x1  }
0xde: {  	v2 =	vmax.f32 v2, v3  }
0xdf: {  	v2 =	vmul.f32 $1.442695020e+00, v2;
	_ =	sdelay $0x1  }
0xe0: {  	(erf) = vpow2.f32 v2;
	_ =	sdelay $0x1  }
0xe1: {  	v2 =	vld [tilespmem:s0+$0x7870]  }
0xe2: {  	v3 =	vld [tilespmem:s0+$0x5070];
	_ =	sdelay $0x5  }
0xe3: {  	v4 =	vpop (erf)  }
0xe4: {  	[tilespmem:s0+$0xA060] =	vst v4  }
0xe5: {  	v4 =	vld.idx.msk [tilespmem:v3+s5+$0x0], $0xffff  }
0xe6: {  	v3 =	vadd.s32 v0, v3;
	v2 =	vld.idx.msk [tilespmem:v2+s19+$0x0], $0xffff  }
0xe7: {  	[tilespmem:s0+$0x5070] =	vst v3;
	_ =	sdelay $0x4  }
0xe8: {  	v2 =	vadd.f32 v2, v4;
	_ =	sdelay $0x1  }
0xe9: {  	v3 =	vmul.f32 $2.000000030e-01, v2  }
.Ltmp0:
0xea: {  	(pc) =	sbr.rel @p0 .LBB2_2-.Ltmp0, $3  }
0xeb: {  	v2 =	vmax.f32 v2, v3  }
0xec: {  	v2 =	vmul.f32 $1.442695020e+00, v2;
	_ =	sdelay $0x1  }
0xed: {  	(erf) = vpow2.f32 v2  }
0xee: {  	_ = 	snop  }
0xef: {  	s2 =	sshra.s32 s2, $0x2  }
0xf0: {  	v2 =	vld [tilespmem:s2+$0x5000]  }
0xf1: {  	v3 =	vld [tilespmem:s2+$0x7800];
	_ =	sdelay $0x4  }
0xf2: {  	v4 =	vpop (erf)  }
0xf3: {  	[tilespmem:s0+$0xA070] =	vst v4  }
0xf4: {  	v4 =	vld.idx.msk [tilespmem:v2+s5+$0x0], $0xffff  }
0xf5: {  	v3 =	vld.idx.msk [tilespmem:v3+s19+$0x0], $0xffff;
	_ =	sdelay $0x4  }
0xf6: {  	v3 =	vadd.f32 v3, v4;
	_ =	sdelay $0x1  }
0xf7: {  	v4 =	vmul.f32 $2.000000030e-01, v3;
	_ =	sdelay $0x1  }
0xf8: {  	v3 =	vmax.f32 v3, v4  }
0xf9: {  	v3 =	vmul.f32 $1.442695020e+00, v3;
	_ =	sdelay $0x1  }
0xfa: {  	(erf) = vpow2.f32 v3;
	_ =	sdelay $0x2  }
0xfb: {  	v3 =	vld [tilespmem:s2+$0x5010]  }
0xfc: {  	v57 =	vld [tilespmem:s2+$0x7810];
	_ =	sdelay $0x1  }
0xfd: {  	v2 =	vadd.s32 v0, v2;
	_ =	sdelay $0x2  }
0xfe: {  	[tilespmem:s2+$0x5000] =	vst v2;
	v2 =	vpop (erf)  }
0xff: {  	[tilespmem:s2+$0xA000] =	vst v2  }
0x100: {  	v2 =	vld.idx.msk [tilespmem:v3+s5+$0x0], $0xffff  }
0x101: {  	v4 =	vld.idx.msk [tilespmem:v57+s19+$0x0], $0xffff;
	_ =	sdelay $0x4  }
0x102: {  	v2 =	vadd.f32 v4, v2;
	_ =	sdelay $0x1  }
0x103: {  	v4 =	vmul.f32 $2.000000030e-01, v2;
	_ =	sdelay $0x1  }
0x104: {  	v2 =	vmax.f32 v2, v4  }
0x105: {  	v2 =	vmul.f32 $1.442695020e+00, v2;
	_ =	sdelay $0x1  }
0x106: {  	(erf) = vpow2.f32 v2;
	_ =	sdelay $0x2  }
0x107: {  	v2 =	vld [tilespmem:s2+$0x5020]  }
0x108: {  	v58 =	vld [tilespmem:s2+$0x7820];
	_ =	sdelay $0x1  }
0x109: {  	v3 =	vadd.s32 v0, v3;
	_ =	sdelay $0x2  }
0x10a: {  	[tilespmem:s2+$0x5010] =	vst v3;
	v3 =	vpop (erf)  }
0x10b: {  	[tilespmem:s2+$0xA010] =	vst v3  }
0x10c: {  	v3 =	vld.idx.msk [tilespmem:v2+s5+$0x0], $0xffff  }
0x10d: {  	v4 =	vld.idx.msk [tilespmem:v58+s19+$0x0], $0xffff;
	_ =	sdelay $0x4  }
0x10e: {  	v3 =	vadd.f32 v4, v3;
	_ =	sdelay $0x1  }
0x10f: {  	v4 =	vmul.f32 $2.000000030e-01, v3;
	_ =	sdelay $0x1  }
0x110: {  	v3 =	vmax.f32 v3, v4  }
0x111: {  	v3 =	vmul.f32 $1.442695020e+00, v3;
	_ =	sdelay $0x1  }
0x112: {  	(erf) = vpow2.f32 v3;
	_ =	sdelay $0x2  }
0x113: {  	v3 =	vld [tilespmem:s2+$0x5030]  }
0x114: {  	v59 =	vld [tilespmem:s2+$0x7830];
	_ =	sdelay $0x1  }
0x115: {  	v2 =	vadd.s32 v0, v2;
	_ =	sdelay $0x2  }
0x116: {  	[tilespmem:s2+$0x5020] =	vst v2;
	v2 =	vpop (erf)  }
0x117: {  	[tilespmem:s2+$0xA020] =	vst v2  }
0x118: {  	v2 =	vld.idx.msk [tilespmem:v3+s5+$0x0], $0xffff  }
0x119: {  	v4 =	vld.idx.msk [tilespmem:v59+s19+$0x0], $0xffff;
	_ =	sdelay $0x4  }
0x11a: {  	v2 =	vadd.f32 v4, v2;
	_ =	sdelay $0x1  }
0x11b: {  	v4 =	vmul.f32 $2.000000030e-01, v2;
	_ =	sdelay $0x1  }
0x11c: {  	v2 =	vmax.f32 v2, v4  }
0x11d: {  	v2 =	vmul.f32 $1.442695020e+00, v2;
	_ =	sdelay $0x1  }
0x11e: {  	(erf) = vpow2.f32 v2;
	_ =	sdelay $0x2  }
0x11f: {  	v2 =	vld [tilespmem:s2+$0x5040]  }
0x120: {  	v60 =	vld [tilespmem:s2+$0x7840];
	_ =	sdelay $0x1  }
0x121: {  	v3 =	vadd.s32 v0, v3;
	_ =	sdelay $0x2  }
0x122: {  	[tilespmem:s2+$0x5030] =	vst v3;
	v3 =	vpop (erf)  }
0x123: {  	[tilespmem:s2+$0xA030] =	vst v3  }
0x124: {  	v3 =	vld.idx.msk [tilespmem:v2+s5+$0x0], $0xffff  }
0x125: {  	v4 =	vld.idx.msk [tilespmem:v60+s19+$0x0], $0xffff;
	_ =	sdelay $0x4  }
0x126: {  	v3 =	vadd.f32 v4, v3;
	_ =	sdelay $0x1  }
0x127: {  	v4 =	vmul.f32 $2.000000030e-01, v3;
	_ =	sdelay $0x1  }
0x128: {  	v3 =	vmax.f32 v3, v4  }
0x129: {  	v3 =	vmul.f32 $1.442695020e+00, v3;
	_ =	sdelay $0x1  }
0x12a: {  	(erf) = vpow2.f32 v3;
	_ =	sdelay $0x2  }
0x12b: {  	v3 =	vld [tilespmem:s2+$0x5050]  }
0x12c: {  	v61 =	vld [tilespmem:s2+$0x7850];
	_ =	sdelay $0x1  }
0x12d: {  	v2 =	vadd.s32 v0, v2;
	_ =	sdelay $0x2  }
0x12e: {  	[tilespmem:s2+$0x5040] =	vst v2;
	v2 =	vpop (erf)  }
0x12f: {  	[tilespmem:s2+$0xA040] =	vst v2  }
0x130: {  	v2 =	vld.idx.msk [tilespmem:v3+s5+$0x0], $0xffff  }
0x131: {  	v4 =	vld.idx.msk [tilespmem:v61+s19+$0x0], $0xffff;
	_ =	sdelay $0x4  }
0x132: {  	v2 =	vadd.f32 v4, v2;
	_ =	sdelay $0x1  }
0x133: {  	v4 =	vmul.f32 $2.000000030e-01, v2;
	_ =	sdelay $0x1  }
0x134: {  	v2 =	vmax.f32 v2, v4  }
0x135: {  	v2 =	vmul.f32 $1.442695020e+00, v2;
	_ =	sdelay $0x1  }
0x136: {  	(erf) = vpow2.f32 v2;
	_ =	sdelay $0x2  }
0x137: {  	v2 =	vld [tilespmem:s2+$0x5060]  }
0x138: {  	v62 =	vld [tilespmem:s2+$0x7860];
	_ =	sdelay $0x1  }
0x139: {  	v3 =	vadd.s32 v0, v3;
	_ =	sdelay $0x2  }
0x13a: {  	[tilespmem:s2+$0x5050] =	vst v3;
	v3 =	vpop (erf)  }
0x13b: {  	[tilespmem:s2+$0xA050] =	vst v3  }
0x13c: {  	v3 =	vld.idx.msk [tilespmem:v2+s5+$0x0], $0xffff  }
0x13d: {  	v4 =	vld.idx.msk [tilespmem:v62+s19+$0x0], $0xffff;
	_ =	sdelay $0x4  }
0x13e: {  	v3 =	vadd.f32 v4, v3;
	_ =	sdelay $0x1  }
0x13f: {  	v4 =	vmul.f32 $2.000000030e-01, v3;
	_ =	sdelay $0x1  }
0x140: {  	v3 =	vmax.f32 v3, v4  }
0x141: {  	v3 =	vmul.f32 $1.442695020e+00, v3;
	_ =	sdelay $0x1  }
0x142: {  	(erf) = vpow2.f32 v3;
	_ =	sdelay $0x2  }
0x143: {  	v3 =	vld [tilespmem:s2+$0x5070]  }
0x144: {  	v63 =	vld [tilespmem:s2+$0x7870];
	_ =	sdelay $0x1  }
0x145: {  	v2 =	vadd.s32 v0, v2;
	_ =	sdelay $0x2  }
0x146: {  	[tilespmem:s2+$0x5060] =	vst v2;
	v2 =	vpop (erf)  }
0x147: {  	[tilespmem:s2+$0xA060] =	vst v2  }
0x148: {  	v2 =	vld.idx.msk [tilespmem:v3+s5+$0x0], $0xffff  }
0x149: {  	v4 =	vld.idx.msk [tilespmem:v63+s19+$0x0], $0xffff;
	_ =	sdelay $0x4  }
0x14a: {  	v2 =	vadd.f32 v4, v2;
	_ =	sdelay $0x1  }
0x14b: {  	v4 =	vmul.f32 $2.000000030e-01, v2;
	_ =	sdelay $0x1  }
0x14c: {  	v2 =	vmax.f32 v2, v4  }
0x14d: {  	v2 =	vmul.f32 $1.442695020e+00, v2;
	_ =	sdelay $0x1  }
0x14e: {  	(erf) = vpow2.f32 v2;
	_ =	sdelay $0x5  }
0x14f: {  	v2 =	vadd.s32 v0, v3;
	_ =	sdelay $0x2  }
0x150: {  	[tilespmem:s2+$0x5070] =	vst v2;
	v2 =	vpop (erf)  }
0x151: {  	[tilespmem:s2+$0xA070] =	vst v2  }
0x152: {  	s31 =	simm.s32 $0x0;
	[bflag:$0x0] =	sbarrier.arrive $0xFFFF  }
0x153: {  	[tilespmem:s23], [sflag:$0x1] =	stream.indirect.gather [hbm4b:s1+s22], $0x40, s7, s22, $0xb8;
	[tilespmem:$0x1AA80] =	vst v63  }
.LBB2_4:
0x154: {  	s2 =	sshll.u32 s31, $0x8  }
0x155: {  	v10 =	vmov s30;
	s0 =	simm.s32 $0x1;
	s6 =	simm.s32 $0x2;
	v3 =	vmov s2  }
0x156: {  	s21 =	simm.s32 $0x3;
	s20 =	simm.s32 $0x4;
	s7 =	simm.s32 $0x5;
	v10 =	vshrl.u32 v10, $0x3;
	v11 =	vmov s0;
	v12 =	vmov s6  }
0x157: {  	v13 =	vmov s21;
	v14 =	vmov s20;
	v15 =	vmov s7  }
0x158: {  	s21 =	simm.s32 $0x6;
	v4 =	vor.u32 $0x1, v3;
	v5 =	vor.u32 $0x2, v3;
	v7 =	vor.u32 $0x4, v3  }
0x159: {  	v8 =	vor.u32 $0x5, v3;
	v10 =	vshll.u32 v10, v1;
	v16 =	vmov s21  }
0x15a: {  	v11 =	vshrl.u32 v11, $0x3;
	v12 =	vshrl.u32 v12, $0x3;
	v14 =	vshrl.u32 v14, $0x3  }
0x15b: {  	s6 =	sshllo.u32 s31, $0x1;
	v15 =	vshrl.u32 v15, $0x3;
	v10 =	vadd.s32 v3, v10;
	v11 =	vshll.u32 v11, v1  }
0x15c: {  	_ =	swait.ge [sflag:s24], $0x2000;
	s0 =	sshll.u32 s6, $0x7;
	v12 =	vshll.u32 v12, v1;
	v10 =	vbroadcast v10, $0x0;
	v11 =	vadd.s32 v11, v4  }
0x15d: {  	[sflag:s24] =	ssyncset.done $0x0;
	v14 =	vshll.u32 v14, v1;
	s20 =	sand.u32 $0x3FFFFF80, s0;
	v12 =	vadd.s32 v12, v5;
	v11 =	vbroadcast v11, $0x0  }
0x15e: {  	s7 =	simm.s32 $0x7;
	[sflag:s24] =	ssyncadd.s32 $0xFFFFE000;
	v15 =	vshll.u32 v15, v1;
	v14 =	vadd.s32 v14, v7;
	s21 =	sadd.s32 $0x5000, s20;
	v12 =	vbroadcast v12, $0x0  }
0x15f: {  	v15 =	vadd.s32 v15, v8;
	v14 =	vbroadcast v14, $0x0;
	[tilespmem:s25], [sflag:$0x2] =	stream.indirect.gather [hbm4b:s1+s22], $0x40, s21, s22, $0xb8;
	[tilespmem:$0x1AA80] =	vst v63  }
0x160: {  	v17 =	vmov s7;
	v16 =	vshrl.u32 v16, $0x3;
	v15 =	vbroadcast v15, $0x0;
	s21 =	simm.s32 $0xC900  }
0x161: {  	v9 =	vor.u32 $0x6, v3;
	v17 =	vshrl.u32 v17, $0x3;
	v16 =	vshll.u32 v16, v1;
	v21 =	vld [tilespmem:s21+$0xFFFFFF20]  }
0x162: {  	v2 =	vor.u32 $0x7, v3;
	v17 =	vshll.u32 v17, v1;
	v16 =	vadd.s32 v16, v9;
	v18 =	vld.idx.msk [tilespmem:v10+s26+$0x0], $0xffff  }
0x163: {  	v10 =	vbroadcast v16, $0x0;
	v16 =	vadd.s32 v17, v2;
	v17 =	vld.idx.msk [tilespmem:v11+s26+$0x0], $0xffff  }
0x164: {  	v16 =	vbroadcast v16, $0x0;
	v19 =	vld.idx.msk [tilespmem:v12+s26+$0x0], $0xffff  }
0x165: {  	v20 =	vld.idx.msk [tilespmem:v14+s26+$0x0], $0xffff  }
0x166: {  	v12 =	vld.idx.msk [tilespmem:v15+s26+$0x0], $0xffff  }
0x167: {  	v13 =	vshrl.u32 v13, $0x3;
	v14 =	vld [tilespmem:s21+$0xF0]  }
0x168: {  	v6 =	vor.u32 $0x3, v3;
	v13 =	vshll.u32 v13, v1;
	v15 =	vld [tilespmem:s21+$0xFFFFFF00]  }
0x169: {  	v13 =	vadd.s32 v13, v6;
	v11 =	vld.idx.msk [tilespmem:v10+s26+$0x0], $0xffff  }
0x16a: {  	v13 =	vbroadcast v13, $0x0;
	v10 =	vld.idx.msk [tilespmem:v16+s26+$0x0], $0xffff  }
0x16b: {  	v16 =	vld [tilespmem:s21+$0xFFFFFF10]  }
0x16c: {  	v22 =	vld [tilespmem:s21+$0xFFFFFF30]  }
0x16d: {  	v23 =	vld [tilespmem:s21+$0xFFFFFF40]  }
0x16e: {  	v24 =	vld [tilespmem:s21+$0xFFFFFF50];
	v15 =	vmul.f32 v15, v18  }
0x16f: {  	v25 =	vld [tilespmem:s21+$0xFFFFFF60];
	v14 =	vmul.f32 v14, v10  }
0x170: {  	v13 =	vld.idx.msk [tilespmem:v13+s26+$0x0], $0xffff;
	[tilespmem:s21+$0xFFFFFF00] =	vst v15;
	v16 =	vmul.f32 v16, v18  }
0x171: {  	v15 =	vld [tilespmem:s21+$0xFFFFFF70];
	[tilespmem:s21+$0xF0] =	vst v14;
	v14 =	vmul.f32 v21, v18  }
0x172: {  	[tilespmem:s21+$0xFFFFFF10] =	vst v16;
	v16 =	vmul.f32 v22, v18;
	v18 =	vld [tilespmem:s21+$0xFFFFFF80]  }
0x173: {  	v21 =	vld [tilespmem:s21+$0xFFFFFF90];
	[tilespmem:s21+$0xFFFFFF20] =	vst v14;
	v14 =	vmul.f32 v23, v17  }
0x174: {  	v22 =	vld [tilespmem:s21+$0xFFFFFFA0];
	[tilespmem:s21+$0xFFFFFF30] =	vst v16;
	v16 =	vmul.f32 v24, v17  }
0x175: {  	s7 =	simm.s32 $0x8;
	v23 =	vld [tilespmem:s21+$0xFFFFFFB0];
	[tilespmem:s21+$0xFFFFFF40] =	vst v14;
	v14 =	vmul.f32 v25, v17  }
0x176: {  	s20 =	simm.s32 $0x9;
	v15 =	vmul.f32 v15, v17;
	v24 =	vmov s7;
	[tilespmem:s21+$0xFFFFFF50] =	vst v16;
	v16 =	vld [tilespmem:s21+$0xFFFFFFC0]  }
0x177: {  	s7 =	simm.s32 $0xA;
	v17 =	vshrl.u32 v24, $0x3;
	v24 =	vmov s20;
	s20 =	simm.s32 $0xB;
	[tilespmem:s21+$0xFFFFFF60] =	vst v14;
	v14 =	vmul.f32 v18, v19;
	v18 =	vld [tilespmem:s21+$0xFFFFFFD0]  }
0x178: {  	[tilespmem:s21+$0xFFFFFF70] =	vst v15;
	v25 =	vmov s7;
	s7 =	simm.s32 $0xC;
	v26 =	vmov s20;
	v15 =	vmul.f32 v21, v19;
	v21 =	vld [tilespmem:s21+$0xFFFFFFE0]  }
0x179: {  	s20 =	simm.s32 $0xD;
	v27 =	vmov s7;
	v17 =	vshll.u32 v17, v1;
	[tilespmem:s21+$0xFFFFFF80] =	vst v14;
	v14 =	vmul.f32 v22, v19;
	v22 =	vld [tilespmem:s21+$0xFFFFFFF0]  }
0x17a: {  	v28 =	vmov s20;
	s20 =	simm.s32 $0xE;
	v17 =	vadd.s32 v3, v17;
	[tilespmem:s21+$0xFFFFFF90] =	vst v15;
	v15 =	vmul.f32 v23, v19;
	v19 =	vld [tilespmem:s21+$0x0]  }
0x17b: {  	v29 =	vmov s20;
	v23 =	vshrl.u32 v24, $0x3;
	[tilespmem:s21+$0xFFFFFFA0] =	vst v14;
	v14 =	vmul.f32 v16, v13;
	v16 =	vld [tilespmem:s21+$0x10]  }
0x17c: {  	v24 =	vshrl.u32 v25, $0x3;
	v25 =	vshrl.u32 v26, $0x3;
	[tilespmem:s21+$0xFFFFFFB0] =	vst v15;
	v15 =	vmul.f32 v18, v13;
	v18 =	vld [tilespmem:s21+$0x20]  }
0x17d: {  	v26 =	vshrl.u32 v27, $0x3;
	v27 =	vshrl.u32 v28, $0x3;
	[tilespmem:s21+$0xFFFFFFC0] =	vst v14;
	v14 =	vmul.f32 v21, v13;
	v21 =	vld [tilespmem:s21+$0x30]  }
0x17e: {  	v62 =	vshrl.u32 v29, $0x3;
	v23 =	vshll.u32 v23, v1;
	[tilespmem:s21+$0xFFFFFFD0] =	vst v15;
	v13 =	vmul.f32 v22, v13;
	v22 =	vld [tilespmem:s21+$0x40]  }
0x17f: {  	v24 =	vshll.u32 v24, v1;
	v25 =	vshll.u32 v25, v1;
	v15 =	vmul.f32 v19, v20;
	v19 =	vld [tilespmem:s21+$0x50];
	[tilespmem:s21+$0xFFFFFFE0] =	vst v14  }
0x180: {  	v63 =	vld [tilespmem:s21+$0x60];
	v26 =	vshll.u32 v26, v1;
	v27 =	vshll.u32 v27, v1;
	[tilespmem:s21+$0xFFFFFFF0] =	vst v13;
	v13 =	vmul.f32 v16, v20  }
0x181: {  	v28 =	vshll.u32 v62, v1;
	v25 =	vadd.s32 v25, v6;
	[tilespmem:s21+$0x0] =	vst v15;
	v15 =	vld [tilespmem:s21+$0x70];
	v16 =	vmul.f32 v18, v20  }
0x182: {  	v14 =	vbroadcast v17, $0x0;
	v17 =	vadd.s32 v23, v4;
	[tilespmem:s21+$0x10] =	vst v13;
	v20 =	vmul.f32 v21, v20;
	v13 =	vld [tilespmem:s21+$0x80]  }
0x183: {  	v23 =	vadd.s32 v24, v5;
	v21 =	vadd.s32 v26, v7;
	[tilespmem:s21+$0x20] =	vst v16;
	v26 =	vmul.f32 v22, v12;
	v16 =	vld [tilespmem:s21+$0x90]  }
0x184: {  	v18 =	vbroadcast v17, $0x0;
	v17 =	vld [tilespmem:s21+$0xA0];
	v22 =	vadd.s32 v27, v8;
	v24 =	vmul.f32 v19, v12;
	[tilespmem:s21+$0x30] =	vst v20  }
0x185: {  	s6 =	simm.s32 $0x10;
	s7 =	simm.s32 $0xF;
	v19 =	vld [tilespmem:s21+$0xB0];
	v20 =	vbroadcast v23, $0x0;
	v23 =	vadd.s32 v28, v9;
	[tilespmem:s21+$0x40] =	vst v26;
	v26 =	vmul.f32 v63, v12  }
.LBB2_5:
0x186: {  	p0 =	slt.u32 s6, $0x78;
	v25 =	vbroadcast v25, $0x0;
	v27 =	vmov s7;
	[tilespmem:s21+$0x50] =	vst v24;
	v12 =	vmul.f32 v15, v12;
	v15 =	vld [tilespmem:s21+$0xC0]  }
0x187: {  	v21 =	vbroadcast v21, $0x0;
	v24 =	vshrl.u32 v27, $0x3;
	[tilespmem:s21+$0x60] =	vst v26;
	v13 =	vmul.f32 v13, v11;
	v26 =	vld [tilespmem:s21+$0xD0]  }
0x188: {  	v22 =	vbroadcast v22, $0x0;
	v24 =	vshll.u32 v24, v1;
	[tilespmem:s21+$0x70] =	vst v12;
	v12 =	vmul.f32 v16, v11;
	v16 =	vld [tilespmem:s21+$0xE0]  }
0x189: {  	v23 =	vbroadcast v23, $0x0;
	v14 =	vld.idx.msk [tilespmem:v14+s26+$0x0], $0xffff;
	v24 =	vadd.s32 v24, v2;
	[tilespmem:s21+$0x80] =	vst v13;
	v13 =	vmul.f32 v17, v11  }
0x18a: {  	v17 =	vld.idx.msk [tilespmem:v18+s26+$0x0], $0xffff;
	v18 =	vbroadcast v24, $0x0;
	[tilespmem:s21+$0x90] =	vst v12;
	v11 =	vmul.f32 v19, v11  }
0x18b: {  	v19 =	vld.idx.msk [tilespmem:v20+s26+$0x0], $0xffff;
	[tilespmem:s21+$0xA0] =	vst v13;
	v12 =	vmul.f32 v15, v10  }
0x18c: {  	v15 =	vld.idx.msk [tilespmem:v25+s26+$0x0], $0xffff;
	[tilespmem:s21+$0xB0] =	vst v11;
	v11 =	vmul.f32 v26, v10  }
0x18d: {  	v13 =	vld.idx.msk [tilespmem:v21+s26+$0x0], $0xffff;
	[tilespmem:s21+$0xC0] =	vst v12;
	v10 =	vmul.f32 v16, v10  }
0x18e: {  	v12 =	vld.idx.msk [tilespmem:v22+s26+$0x0], $0xffff;
	[tilespmem:s21+$0xD0] =	vst v11  }
0x18f: {  	v11 =	vld.idx.msk [tilespmem:v23+s26+$0x0], $0xffff;
	[tilespmem:s21+$0xE0] =	vst v10  }
0x190: {  	s21 =	sadd.s32 $0x200, s21;
	v10 =	vld.idx.msk [tilespmem:v18+s26+$0x0], $0xffff  }
0x191: {  	v16 =	vld [tilespmem:s21+$0xF0]  }
0x192: {  	v18 =	vld [tilespmem:s21+$0xFFFFFF00]  }
0x193: {  	v20 =	vld [tilespmem:s21+$0xFFFFFF10]  }
0x194: {  	v21 =	vld [tilespmem:s21+$0xFFFFFF20]  }
0x195: {  	v22 =	vld [tilespmem:s21+$0xFFFFFF30]  }
0x196: {  	v23 =	vld [tilespmem:s21+$0xFFFFFF40];
	v16 =	vmul.f32 v16, v10  }
0x197: {  	v18 =	vmul.f32 v18, v14;
	v24 =	vld [tilespmem:s21+$0xFFFFFF50]  }
0x198: {  	v20 =	vmul.f32 v20, v14;
	v25 =	vld [tilespmem:s21+$0xFFFFFF60];
	[tilespmem:s21+$0xF0] =	vst v16  }
0x199: {  	[tilespmem:s21+$0xFFFFFF00] =	vst v18;
	v16 =	vmul.f32 v21, v14;
	v18 =	vld [tilespmem:s21+$0xFFFFFF70]  }
0x19a: {  	[tilespmem:s21+$0xFFFFFF10] =	vst v20;
	v14 =	vmul.f32 v22, v14;
	v20 =	vld [tilespmem:s21+$0xFFFFFF80]  }
0x19b: {  	[tilespmem:s21+$0xFFFFFF20] =	vst v16;
	v16 =	vmul.f32 v23, v17;
	v21 =	vld [tilespmem:s21+$0xFFFFFF90]  }
0x19c: {  	[tilespmem:s21+$0xFFFFFF30] =	vst v14;
	v14 =	vmul.f32 v24, v17;
	v22 =	vld [tilespmem:s21+$0xFFFFFFA0]  }
0x19d: {  	[tilespmem:s21+$0xFFFFFF40] =	vst v16;
	v16 =	vmul.f32 v25, v17;
	v23 =	vld [tilespmem:s21+$0xFFFFFFB0]  }
0x19e: {  	s7 =	sadd.s32 $0x1, s6;
	v24 =	vmov s6;
	[tilespmem:s21+$0xFFFFFF50] =	vst v14;
	v14 =	vmul.f32 v18, v17;
	v17 =	vld [tilespmem:s21+$0xFFFFFFC0]  }
0x19f: {  	s20 =	sadd.s32 $0x3, s6;
	v18 =	vshrl.u32 v24, $0x3;
	v24 =	vmov s7;
	s7 =	sadd.s32 $0x2, s6;
	[tilespmem:s21+$0xFFFFFF60] =	vst v16;
	v16 =	vmul.f32 v20, v19;
	v20 =	vld [tilespmem:s21+$0xFFFFFFD0]  }
0x1a0: {  	v26 =	vmov s20;
	s20 =	sadd.s32 $0x5, s6;
	v25 =	vmov s7;
	s7 =	sadd.s32 $0x4, s6;
	[tilespmem:s21+$0xFFFFFF70] =	vst v14;
	v14 =	vmul.f32 v21, v19;
	v21 =	vld [tilespmem:s21+$0xFFFFFFE0]  }
0x1a1: {  	v28 =	vmov s20;
	v27 =	vmov s7;
	s7 =	sadd.s32 $0x6, s6;
	[tilespmem:s21+$0xFFFFFF80] =	vst v16;
	v16 =	vmul.f32 v22, v19;
	v22 =	vld [tilespmem:s21+$0xFFFFFFF0]  }
0x1a2: {  	v18 =	vshll.u32 v18, v1;
	v29 =	vmov s7;
	[tilespmem:s21+$0xFFFFFF90] =	vst v14;
	v14 =	vmul.f32 v23, v19;
	v19 =	vld [tilespmem:s21+$0x0]  }
0x1a3: {  	v23 =	vshrl.u32 v24, $0x3;
	v24 =	vshrl.u32 v25, $0x3;
	[tilespmem:s21+$0xFFFFFFA0] =	vst v16;
	v16 =	vmul.f32 v17, v15;
	v17 =	vld [tilespmem:s21+$0x10]  }
0x1a4: {  	v25 =	vshrl.u32 v26, $0x3;
	v26 =	vshrl.u32 v27, $0x3;
	[tilespmem:s21+$0xFFFFFFB0] =	vst v14;
	v14 =	vmul.f32 v20, v15;
	v20 =	vld [tilespmem:s21+$0x20]  }
0x1a5: {  	v27 =	vshrl.u32 v28, $0x3;
	v28 =	vshrl.u32 v29, $0x3;
	[tilespmem:s21+$0xFFFFFFC0] =	vst v16;
	v16 =	vmul.f32 v21, v15;
	v21 =	vld [tilespmem:s21+$0x30]  }
0x1a6: {  	v18 =	vadd.s32 v3, v18;
	v23 =	vshll.u32 v23, v1;
	[tilespmem:s21+$0xFFFFFFD0] =	vst v14;
	v14 =	vmul.f32 v22, v15;
	v22 =	vld [tilespmem:s21+$0x40]  }
0x1a7: {  	v24 =	vshll.u32 v24, v1;
	v25 =	vshll.u32 v25, v1;
	[tilespmem:s21+$0xFFFFFFE0] =	vst v16;
	v15 =	vmul.f32 v19, v13;
	v19 =	vld [tilespmem:s21+$0x50]  }
0x1a8: {  	v16 =	vshll.u32 v26, v1;
	v26 =	vshll.u32 v27, v1;
	[tilespmem:s21+$0xFFFFFFF0] =	vst v14;
	v17 =	vmul.f32 v17, v13;
	v27 =	vld [tilespmem:s21+$0x60]  }
.Ltmp1:
0x1a9: {  	v28 =	vshll.u32 v28, v1;
	v14 =	vbroadcast v18, $0x0;
	[tilespmem:s21+$0x0] =	vst v15;
	v18 =	vmul.f32 v20, v13;
	v15 =	vld [tilespmem:s21+$0x70];
	(pc) =	sbr.rel @p0 .LBB2_5-.Ltmp1, $4  }
0x1aa: {  	v20 =	vadd.s32 v23, v4;
	v23 =	vadd.s32 v24, v5;
	[tilespmem:s21+$0x10] =	vst v17;
	v17 =	vmul.f32 v21, v13;
	v13 =	vld [tilespmem:s21+$0x80]  }
0x1ab: {  	v25 =	vadd.s32 v25, v6;
	v21 =	vadd.s32 v16, v7;
	[tilespmem:s21+$0x20] =	vst v18;
	v29 =	vmul.f32 v22, v12;
	v16 =	vld [tilespmem:s21+$0x90]  }
0x1ac: {  	v18 =	vbroadcast v20, $0x0;
	v22 =	vadd.s32 v26, v8;
	[tilespmem:s21+$0x30] =	vst v17;
	v24 =	vmul.f32 v19, v12;
	v17 =	vld [tilespmem:s21+$0xA0]  }
0x1ad: {  	s7 =	sadd.s32 $0x7, s6;
	s6 =	sadd.s32 $0x8, s6;
	v20 =	vbroadcast v23, $0x0;
	v23 =	vadd.s32 v28, v9;
	[tilespmem:s21+$0x40] =	vst v29;
	v26 =	vmul.f32 v27, v12;
	v19 =	vld [tilespmem:s21+$0xB0]  }
0x1ae: {  	_ = 	snop  }
0x1af: {  	v5 =	vld [tilespmem:s21+$0xC0]  }
0x1b0: {  	v7 =	vld [tilespmem:s21+$0xD0]  }
0x1b1: {  	v4 =	vmov s7;
	v9 =	vld [tilespmem:s21+$0xE0];
	v12 =	vmul.f32 v15, v12  }
0x1b2: {  	v3 =	vbroadcast v25, $0x0;
	v6 =	vbroadcast v21, $0x0;
	v14 =	vld.idx.msk [tilespmem:v14+s26+$0x0], $0xffff;
	s6 =	sadd.s32 $0x200, s21;
	v4 =	vshrl.u32 v4, $0x3  }
0x1b3: {  	v13 =	vmul.f32 v13, v11;
	v4 =	vshll.u32 v4, v1;
	[tilespmem:s21+$0x70] =	vst v12;
	v12 =	vmul.f32 v16, v11;
	v16 =	vld [tilespmem:s6+$0xF0]  }
0x1b4: {  	v8 =	vbroadcast v22, $0x0;
	v2 =	vadd.s32 v4, v2;
	v4 =	vld.idx.msk [tilespmem:v18+s26+$0x0], $0xffff  }
0x1b5: {  	v18 =	vld.idx.msk [tilespmem:v20+s26+$0x0], $0xffff;
	[tilespmem:s21+$0x80] =	vst v13;
	v13 =	vmul.f32 v17, v11;
	v2 =	vbroadcast v2, $0x0  }
0x1b6: {  	v21 =	vbroadcast v23, $0x0;
	[tilespmem:s21+$0x90] =	vst v12;
	v12 =	vld [tilespmem:s6+$0xFFFFFF00]  }
0x1b7: {  	[tilespmem:s21+$0xA0] =	vst v13;
	v13 =	vld [tilespmem:s6+$0xFFFFFF10]  }
0x1b8: {  	v3 =	vld.idx.msk [tilespmem:v3+s26+$0x0], $0xffff  }
0x1b9: {  	v6 =	vld.idx.msk [tilespmem:v6+s26+$0x0], $0xffff  }
0x1ba: {  	v11 =	vmul.f32 v19, v11;
	v8 =	vld.idx.msk [tilespmem:v8+s26+$0x0], $0xffff  }
0x1bb: {  	[tilespmem:s21+$0x50] =	vst v24;
	v5 =	vmul.f32 v5, v10;
	v2 =	vld.idx.msk [tilespmem:v2+s26+$0x0], $0xffff  }
0x1bc: {  	v7 =	vmul.f32 v7, v10;
	v15 =	vld.idx.msk [tilespmem:v21+s26+$0x0], $0xffff;
	[tilespmem:s21+$0xB0] =	vst v11  }
0x1bd: {  	v11 =	vld [tilespmem:s6+$0xFFFFFF20];
	[tilespmem:s21+$0xC0] =	vst v5;
	v5 =	vmul.f32 v9, v10  }
0x1be: {  	v9 =	vld [tilespmem:s6+$0xFFFFFF30];
	[tilespmem:s21+$0xD0] =	vst v7  }
0x1bf: {  	v7 =	vld [tilespmem:s6+$0xFFFFFF40];
	[tilespmem:s21+$0xE0] =	vst v5;
	v5 =	vmul.f32 v12, v14  }
0x1c0: {  	[tilespmem:s21+$0x60] =	vst v26;
	v12 =	vld [tilespmem:s6+$0xFFFFFF50];
	v10 =	vmul.f32 v16, v2  }
0x1c1: {  	v13 =	vmul.f32 v13, v14;
	[tilespmem:s6+$0xFFFFFF00] =	vst v5;
	v16 =	vld [tilespmem:s6+$0xFFFFFF60]  }
0x1c2: {  	v5 =	vmul.f32 v11, v14;
	[tilespmem:s6+$0xF0] =	vst v10;
	v10 =	vld [tilespmem:s6+$0xFFFFFF70]  }
0x1c3: {  	v11 =	vld [tilespmem:s6+$0xFFFFFF80];
	[tilespmem:s6+$0xFFFFFF10] =	vst v13;
	v9 =	vmul.f32 v9, v14  }
0x1c4: {  	[tilespmem:s6+$0xFFFFFF20] =	vst v5;
	v5 =	vmul.f32 v7, v4;
	v7 =	vld [tilespmem:s6+$0xFFFFFF90]  }
0x1c5: {  	[tilespmem:s6+$0xFFFFFF30] =	vst v9;
	v9 =	vmul.f32 v12, v4;
	v12 =	vld [tilespmem:s6+$0xFFFFFFA0]  }
0x1c6: {  	v13 =	vld [tilespmem:s6+$0xFFFFFFB0];
	[tilespmem:s6+$0xFFFFFF40] =	vst v5;
	v5 =	vmul.f32 v16, v4  }
0x1c7: {  	[tilespmem:s6+$0xFFFFFF50] =	vst v9;
	v9 =	vld [tilespmem:s6+$0xFFFFFFC0];
	v4 =	vmul.f32 v10, v4  }
0x1c8: {  	[tilespmem:s6+$0xFFFFFF60] =	vst v5;
	v5 =	vmul.f32 v11, v18;
	v10 =	vld [tilespmem:s6+$0xFFFFFFD0]  }
0x1c9: {  	[tilespmem:s6+$0xFFFFFF70] =	vst v4;
	v4 =	vmul.f32 v7, v18;
	v7 =	vld [tilespmem:s6+$0xFFFFFFE0]  }
0x1ca: {  	v11 =	vld [tilespmem:s6+$0xFFFFFFF0];
	[tilespmem:s6+$0xFFFFFF80] =	vst v5;
	v5 =	vmul.f32 v12, v18  }
0x1cb: {  	v12 =	vld [tilespmem:s6+$0x0];
	[tilespmem:s6+$0xFFFFFF90] =	vst v4;
	v4 =	vmul.f32 v13, v18  }
0x1cc: {  	[tilespmem:s6+$0xFFFFFFA0] =	vst v5;
	v5 =	vmul.f32 v9, v3;
	v9 =	vld [tilespmem:s6+$0x10]  }
0x1cd: {  	[tilespmem:s6+$0xFFFFFFB0] =	vst v4;
	v4 =	vmul.f32 v10, v3;
	v10 =	vld [tilespmem:s6+$0x20]  }
0x1ce: {  	[tilespmem:s6+$0xFFFFFFC0] =	vst v5;
	v5 =	vmul.f32 v7, v3;
	v7 =	vld [tilespmem:s6+$0x30]  }
0x1cf: {  	v3 =	vmul.f32 v11, v3;
	[tilespmem:s6+$0xFFFFFFD0] =	vst v4;
	v4 =	vld [tilespmem:s6+$0x40]  }
0x1d0: {  	v11 =	vld [tilespmem:s6+$0x50];
	[tilespmem:s6+$0xFFFFFFE0] =	vst v5;
	v5 =	vmul.f32 v12, v6  }
0x1d1: {  	[tilespmem:s6+$0xFFFFFFF0] =	vst v3;
	v3 =	vmul.f32 v9, v6;
	v9 =	vld [tilespmem:s6+$0x60]  }
0x1d2: {  	[tilespmem:s6+$0x0] =	vst v5;
	v5 =	vmul.f32 v10, v6;
	v10 =	vld [tilespmem:s6+$0x70]  }
0x1d3: {  	[tilespmem:s6+$0x10] =	vst v3;
	v3 =	vmul.f32 v7, v6;
	v6 =	vld [tilespmem:s6+$0x80]  }
0x1d4: {  	[tilespmem:s6+$0x20] =	vst v5;
	v4 =	vmul.f32 v4, v8;
	v5 =	vld [tilespmem:s6+$0x90]  }
0x1d5: {  	v7 =	vld [tilespmem:s6+$0xA0];
	[tilespmem:s6+$0x30] =	vst v3;
	v3 =	vmul.f32 v11, v8  }
0x1d6: {  	[tilespmem:s6+$0x40] =	vst v4;
	v4 =	vmul.f32 v9, v8;
	v9 =	vld [tilespmem:s6+$0xB0]  }
0x1d7: {  	[tilespmem:s6+$0x50] =	vst v3;
	v3 =	vmul.f32 v10, v8;
	v8 =	vld [tilespmem:s6+$0xC0]  }
0x1d8: {  	[tilespmem:s6+$0x60] =	vst v4;
	v4 =	vmul.f32 v6, v15;
	v6 =	vld [tilespmem:s6+$0xD0]  }
0x1d9: {  	[tilespmem:s6+$0x70] =	vst v3;
	v3 =	vmul.f32 v5, v15;
	v5 =	vld [tilespmem:s6+$0xE0]  }
0x1da: {  	[tilespmem:s6+$0x80] =	vst v4;
	v4 =	vmul.f32 v7, v15  }
0x1db: {  	[tilespmem:s6+$0x90] =	vst v3;
	v3 =	vmul.f32 v9, v15  }
0x1dc: {  	[tilespmem:s6+$0xA0] =	vst v4;
	v4 =	vmul.f32 v8, v2  }
0x1dd: {  	s20 =	simm.s32 $0x1;
	[tilespmem:s6+$0xB0] =	vst v3;
	v3 =	vmul.f32 v6, v2  }
0x1de: {  	v11 =	vmov s20;
	s20 =	simm.s32 $0x2;
	[tilespmem:s6+$0xC0] =	vst v4;
	v2 =	vmul.f32 v5, v2  }
0x1df: {  	s21 =	simm.s32 $0x0;
	v12 =	vmov s20;
	s20 =	simm.s32 $0x4;
	v11 =	vshrl.u32 v11, $0x3;
	[tilespmem:s6+$0xD0] =	vst v3  }
0x1e0: {  	v10 =	vmov s21;
	s21 =	simm.s32 $0x3;
	v14 =	vmov s20;
	s20 =	simm.s32 $0x6;
	v12 =	vshrl.u32 v12, $0x3;
	[tilespmem:s6+$0xE0] =	vst v2;
	s6 =	sadd.s32 $0x7800, s2  }
0x1e1: {  	v11 =	vshll.u32 v11, v1;
	v13 =	vmov s21;
	v10 =	vshrl.u32 v10, $0x3;
	[spmem:s3] =	stream.indirect.scatter.add.f32 [tilespmem:s23], [sflag:$0x3], $0x40, s6, s22, $0xb8;
	[tilespmem:$0x1AA80] =	vst v63  }
0x1e2: {  	v16 =	vmov s20;
	v14 =	vshrl.u32 v14, $0x3;
	v12 =	vshll.u32 v12, v1;
	_ =	swait.ge [sflag:s17], $0x2000  }
0x1e3: {  	s21 =	simm.s32 $0x5;
	s20 =	simm.s32 $0x7;
	v10 =	vshll.u32 v10, v1;
	v13 =	vshrl.u32 v13, $0x3;
	v16 =	vshrl.u32 v16, $0x3;
	[sflag:s17] =	ssyncset.done $0x0  }
0x1e4: {  	v14 =	vshll.u32 v14, v1;
	v17 =	vmov s20;
	v15 =	vmov s21;
	s21 =	sadd.s32 $0xA000, s2;
	[sflag:s17] =	ssyncadd.s32 $0xFFFFE000  }
0x1e5: {  	v13 =	vshll.u32 v13, v1;
	v15 =	vshrl.u32 v15, $0x3;
	v2 =	vmov s0;
	[spmem:s4] =	stream.indirect.scatter.add.f32 [tilespmem:s21], [sflag:$0x3], $0x1, s6, s22, $0xb8;
	[tilespmem:$0x1AA80] =	vst v63  }
0x1e6: {  	v15 =	vshll.u32 v15, v1;
	v3 =	vor.u32 $0x1, v2;
	v10 =	vadd.s32 v2, v10;
	_ =	swait.ge [sflag:s17], $0x80  }
0x1e7: {  	v4 =	vor.u32 $0x2, v2;
	v10 =	vbroadcast v10, $0x0;
	v11 =	vadd.s32 v11, v3;
	[sflag:s17] =	ssyncset.done $0x0  }
0x1e8: {  	p0 =	seq.s32 s31, $0x27;
	v6 =	vor.u32 $0x3, v2;
	v12 =	vadd.s32 v12, v4;
	v11 =	vbroadcast v11, $0x0;
	[sflag:s17] =	ssyncadd.s32 $0xFFFFFF80  }
0x1e9: {  	s2 =	sshll.u32 @!p0 s31, $0x8;
	v7 =	vor.u32 $0x4, v2;
	v13 =	vadd.s32 v13, v6;
	v12 =	vbroadcast v12, $0x0;
	_ =	swait.ge [sflag:s28], $0x2000  }
0x1ea: {  	s7 =	simm.s32 @!p0 $0xC800;
	v8 =	vor.u32 $0x5, v2;
	s2 =	sand.u32 @!p0 $0x3FFFFF00, s2;
	v14 =	vadd.s32 v14, v7;
	v13 =	vbroadcast v13, $0x0;
	[sflag:s28] =	ssyncset.done $0x0  }
0x1eb: {  	v16 =	vshll.u32 v16, v1;
	s2 =	sadd.s32 @!p0 $0x5100, s2;
	v15 =	vadd.s32 v15, v8;
	v14 =	vbroadcast v14, $0x0;
	s6 =	simm.s32 @!p0 $0x80;
	[sflag:s28] =	ssyncadd.s32 $0xFFFFE000  }
0x1ec: {  	v17 =	vshrl.u32 v17, $0x3;
	v9 =	vor.u32 $0x6, v2;
	v15 =	vbroadcast v15, $0x0;
	[tilespmem:s7], [sflag:$0x1] =	stream.indirect.gather @!p0 [hbm4b:s1+s6], $0x40, s2, s6, $0xb8;
	[tilespmem:$0x1AA80] =	vst v63  }
0x1ed: {  	v17 =	vshll.u32 v17, v1;
	v5 =	vor.u32 $0x7, v2;
	v16 =	vadd.s32 v16, v9;
	v18 =	vld.idx.msk [tilespmem:v10+s26+$0x0], $0xffff  }
0x1ee: {  	v10 =	vbroadcast v16, $0x0;
	v16 =	vadd.s32 v17, v5;
	v17 =	vld.idx.msk [tilespmem:v11+s26+$0x0], $0xffff  }
0x1ef: {  	v19 =	vld.idx.msk [tilespmem:v12+s26+$0x0], $0xffff  }
0x1f0: {  	v13 =	vld.idx.msk [tilespmem:v13+s26+$0x0], $0xffff;
	v16 =	vbroadcast v16, $0x0  }
0x1f1: {  	v20 =	vld.idx.msk [tilespmem:v14+s26+$0x0], $0xffff  }
0x1f2: {  	s2 =	simm.s32 $0xE900;
	v12 =	vld.idx.msk [tilespmem:v15+s26+$0x0], $0xffff  }
0x1f3: {  	v14 =	vld [tilespmem:s2+$0xF0]  }
0x1f4: {  	v15 =	vld [tilespmem:s2+$0xFFFFFF00]  }
0x1f5: {  	v11 =	vld.idx.msk [tilespmem:v10+s26+$0x0], $0xffff  }
0x1f6: {  	v10 =	vld.idx.msk [tilespmem:v16+s26+$0x0], $0xffff  }
0x1f7: {  	v16 =	vld [tilespmem:s2+$0xFFFFFF10]  }
0x1f8: {  	v21 =	vld [tilespmem:s2+$0xFFFFFF20]  }
0x1f9: {  	v22 =	vld [tilespmem:s2+$0xFFFFFF30]  }
0x1fa: {  	v23 =	vld [tilespmem:s2+$0xFFFFFF40];
	v15 =	vmul.f32 v15, v18  }
0x1fb: {  	v24 =	vld [tilespmem:s2+$0xFFFFFF50];
	v14 =	vmul.f32 v14, v10  }
0x1fc: {  	v25 =	vld [tilespmem:s2+$0xFFFFFF60];
	[tilespmem:s2+$0xFFFFFF00] =	vst v15;
	v16 =	vmul.f32 v16, v18  }
0x1fd: {  	v15 =	vld [tilespmem:s2+$0xFFFFFF70];
	[tilespmem:s2+$0xF0] =	vst v14;
	v14 =	vmul.f32 v21, v18  }
0x1fe: {  	[tilespmem:s2+$0xFFFFFF10] =	vst v16;
	v16 =	vmul.f32 v22, v18;
	v18 =	vld [tilespmem:s2+$0xFFFFFF80]  }
0x1ff: {  	v21 =	vld [tilespmem:s2+$0xFFFFFF90];
	[tilespmem:s2+$0xFFFFFF20] =	vst v14;
	v14 =	vmul.f32 v23, v17  }
0x200: {  	v22 =	vld [tilespmem:s2+$0xFFFFFFA0];
	[tilespmem:s2+$0xFFFFFF30] =	vst v16;
	v16 =	vmul.f32 v24, v17  }
0x201: {  	s21 =	simm.s32 $0x8;
	v23 =	vld [tilespmem:s2+$0xFFFFFFB0];
	[tilespmem:s2+$0xFFFFFF40] =	vst v14;
	v14 =	vmul.f32 v25, v17  }
0x202: {  	v15 =	vmul.f32 v15, v17;
	v24 =	vmov s21;
	s21 =	simm.s32 $0xB;
	[tilespmem:s2+$0xFFFFFF50] =	vst v16;
	v16 =	vld [tilespmem:s2+$0xFFFFFFC0]  }
0x203: {  	s20 =	simm.s32 $0xA;
	s7 =	simm.s32 $0x9;
	v26 =	vmov s21;
	v17 =	vshrl.u32 v24, $0x3;
	[tilespmem:s2+$0xFFFFFF60] =	vst v14;
	v14 =	vmul.f32 v18, v19;
	v18 =	vld [tilespmem:s2+$0xFFFFFFD0]  }
0x204: {  	[tilespmem:s2+$0xFFFFFF70] =	vst v15;
	s21 =	simm.s32 $0xE;
	v24 =	vmov s7;
	v25 =	vmov s20;
	s7 =	simm.s32 $0xC;
	v15 =	vmul.f32 v21, v19;
	v21 =	vld [tilespmem:s2+$0xFFFFFFE0]  }
0x205: {  	s20 =	simm.s32 $0xD;
	v29 =	vmov s21;
	v27 =	vmov s7;
	[tilespmem:s2+$0xFFFFFF80] =	vst v14;
	v14 =	vmul.f32 v22, v19;
	v22 =	vld [tilespmem:s2+$0xFFFFFFF0]  }
0x206: {  	v28 =	vmov s20;
	v17 =	vshll.u32 v17, v1;
	[tilespmem:s2+$0xFFFFFF90] =	vst v15;
	v15 =	vmul.f32 v23, v19;
	v19 =	vld [tilespmem:s2+$0x0]  }
0x207: {  	v62 =	vshrl.u32 v29, $0x3;
	v17 =	vadd.s32 v2, v17;
	[tilespmem:s2+$0xFFFFFFA0] =	vst v14;
	v14 =	vmul.f32 v16, v13;
	v16 =	vld [tilespmem:s2+$0x10]  }
0x208: {  	v23 =	vshrl.u32 v24, $0x3;
	v24 =	vshrl.u32 v25, $0x3;
	[tilespmem:s2+$0xFFFFFFB0] =	vst v15;
	v15 =	vmul.f32 v18, v13;
	v18 =	vld [tilespmem:s2+$0x20]  }
0x209: {  	v25 =	vshrl.u32 v26, $0x3;
	v26 =	vshrl.u32 v27, $0x3;
	[tilespmem:s2+$0xFFFFFFC0] =	vst v14;
	v14 =	vmul.f32 v21, v13;
	v21 =	vld [tilespmem:s2+$0x30]  }
0x20a: {  	v27 =	vshrl.u32 v28, $0x3;
	v28 =	vshll.u32 v62, v1;
	[tilespmem:s2+$0xFFFFFFD0] =	vst v15;
	v13 =	vmul.f32 v22, v13;
	v22 =	vld [tilespmem:s2+$0x40]  }
0x20b: {  	v23 =	vshll.u32 v23, v1;
	v24 =	vshll.u32 v24, v1;
	v15 =	vmul.f32 v19, v20;
	v19 =	vld [tilespmem:s2+$0x50];
	[tilespmem:s2+$0xFFFFFFE0] =	vst v14  }
0x20c: {  	v63 =	vld [tilespmem:s2+$0x60];
	v25 =	vshll.u32 v25, v1;
	v26 =	vshll.u32 v26, v1;
	[tilespmem:s2+$0xFFFFFFF0] =	vst v13;
	v13 =	vmul.f32 v16, v20  }
0x20d: {  	v27 =	vshll.u32 v27, v1;
	v30 =	vadd.s32 v24, v4;
	[tilespmem:s2+$0x0] =	vst v15;
	v15 =	vld [tilespmem:s2+$0x70];
	v16 =	vmul.f32 v18, v20  }
0x20e: {  	v25 =	vadd.s32 v25, v6;
	v14 =	vbroadcast v17, $0x0;
	[tilespmem:s2+$0x10] =	vst v13;
	v20 =	vmul.f32 v21, v20;
	v13 =	vld [tilespmem:s2+$0x80]  }
0x20f: {  	v17 =	vadd.s32 v23, v3;
	v21 =	vadd.s32 v26, v7;
	[tilespmem:s2+$0x20] =	vst v16;
	v26 =	vmul.f32 v22, v12;
	v16 =	vld [tilespmem:s2+$0x90]  }
0x210: {  	v23 =	vadd.s32 v27, v8;
	v18 =	vbroadcast v17, $0x0;
	v17 =	vld [tilespmem:s2+$0xA0];
	v24 =	vmul.f32 v19, v12;
	[tilespmem:s2+$0x30] =	vst v20  }
0x211: {  	s6 =	simm.s32 $0x10;
	s7 =	simm.s32 $0xF;
	v22 =	vadd.s32 v28, v9;
	v19 =	vld [tilespmem:s2+$0xB0];
	v20 =	vbroadcast v30, $0x0;
	[tilespmem:s2+$0x40] =	vst v26;
	v26 =	vmul.f32 v63, v12  }
.LBB2_7:
0x212: {  	p0 =	slt.u32 s6, $0x78;
	v25 =	vbroadcast v25, $0x0;
	v27 =	vmov s7;
	[tilespmem:s2+$0x50] =	vst v24;
	v12 =	vmul.f32 v15, v12;
	v15 =	vld [tilespmem:s2+$0xC0]  }
0x213: {  	v21 =	vbroadcast v21, $0x0;
	v24 =	vshrl.u32 v27, $0x3;
	[tilespmem:s2+$0x60] =	vst v26;
	v13 =	vmul.f32 v13, v11;
	v26 =	vld [tilespmem:s2+$0xD0]  }
0x214: {  	v23 =	vbroadcast v23, $0x0;
	v24 =	vshll.u32 v24, v1;
	[tilespmem:s2+$0x70] =	vst v12;
	v12 =	vmul.f32 v16, v11;
	v16 =	vld [tilespmem:s2+$0xE0]  }
0x215: {  	v22 =	vbroadcast v22, $0x0;
	v14 =	vld.idx.msk [tilespmem:v14+s26+$0x0], $0xffff;
	v24 =	vadd.s32 v24, v5;
	[tilespmem:s2+$0x80] =	vst v13;
	v13 =	vmul.f32 v17, v11  }
0x216: {  	v17 =	vld.idx.msk [tilespmem:v18+s26+$0x0], $0xffff;
	v18 =	vbroadcast v24, $0x0;
	[tilespmem:s2+$0x90] =	vst v12;
	v11 =	vmul.f32 v19, v11  }
0x217: {  	v19 =	vld.idx.msk [tilespmem:v20+s26+$0x0], $0xffff;
	[tilespmem:s2+$0xA0] =	vst v13;
	v12 =	vmul.f32 v15, v10  }
0x218: {  	v15 =	vld.idx.msk [tilespmem:v25+s26+$0x0], $0xffff;
	[tilespmem:s2+$0xB0] =	vst v11;
	v11 =	vmul.f32 v26, v10  }
0x219: {  	v13 =	vld.idx.msk [tilespmem:v21+s26+$0x0], $0xffff;
	[tilespmem:s2+$0xC0] =	vst v12;
	v10 =	vmul.f32 v16, v10  }
0x21a: {  	v12 =	vld.idx.msk [tilespmem:v23+s26+$0x0], $0xffff;
	[tilespmem:s2+$0xD0] =	vst v11  }
0x21b: {  	v11 =	vld.idx.msk [tilespmem:v22+s26+$0x0], $0xffff;
	[tilespmem:s2+$0xE0] =	vst v10  }
0x21c: {  	s2 =	sadd.s32 $0x200, s2;
	v10 =	vld.idx.msk [tilespmem:v18+s26+$0x0], $0xffff  }
0x21d: {  	v16 =	vld [tilespmem:s2+$0xF0]  }
0x21e: {  	v18 =	vld [tilespmem:s2+$0xFFFFFF00]  }
0x21f: {  	v20 =	vld [tilespmem:s2+$0xFFFFFF10]  }
0x220: {  	v21 =	vld [tilespmem:s2+$0xFFFFFF20]  }
0x221: {  	v22 =	vld [tilespmem:s2+$0xFFFFFF30]  }
0x222: {  	v23 =	vld [tilespmem:s2+$0xFFFFFF40];
	v16 =	vmul.f32 v16, v10  }
0x223: {  	v18 =	vmul.f32 v18, v14;
	v24 =	vld [tilespmem:s2+$0xFFFFFF50]  }
0x224: {  	v20 =	vmul.f32 v20, v14;
	v25 =	vld [tilespmem:s2+$0xFFFFFF60];
	[tilespmem:s2+$0xF0] =	vst v16  }
0x225: {  	[tilespmem:s2+$0xFFFFFF00] =	vst v18;
	v16 =	vmul.f32 v21, v14;
	v18 =	vld [tilespmem:s2+$0xFFFFFF70]  }
0x226: {  	[tilespmem:s2+$0xFFFFFF10] =	vst v20;
	v14 =	vmul.f32 v22, v14;
	v20 =	vld [tilespmem:s2+$0xFFFFFF80]  }
0x227: {  	[tilespmem:s2+$0xFFFFFF20] =	vst v16;
	v16 =	vmul.f32 v23, v17;
	v21 =	vld [tilespmem:s2+$0xFFFFFF90]  }
0x228: {  	[tilespmem:s2+$0xFFFFFF30] =	vst v14;
	v14 =	vmul.f32 v24, v17;
	v22 =	vld [tilespmem:s2+$0xFFFFFFA0]  }
0x229: {  	[tilespmem:s2+$0xFFFFFF40] =	vst v16;
	v16 =	vmul.f32 v25, v17;
	v23 =	vld [tilespmem:s2+$0xFFFFFFB0]  }
0x22a: {  	s7 =	sadd.s32 $0x1, s6;
	v24 =	vmov s6;
	[tilespmem:s2+$0xFFFFFF50] =	vst v14;
	v14 =	vmul.f32 v18, v17;
	v17 =	vld [tilespmem:s2+$0xFFFFFFC0]  }
0x22b: {  	s20 =	sadd.s32 $0x3, s6;
	v18 =	vshrl.u32 v24, $0x3;
	v24 =	vmov s7;
	s7 =	sadd.s32 $0x2, s6;
	[tilespmem:s2+$0xFFFFFF60] =	vst v16;
	v16 =	vmul.f32 v20, v19;
	v20 =	vld [tilespmem:s2+$0xFFFFFFD0]  }
0x22c: {  	v26 =	vmov s20;
	s20 =	sadd.s32 $0x5, s6;
	v25 =	vmov s7;
	s7 =	sadd.s32 $0x4, s6;
	[tilespmem:s2+$0xFFFFFF70] =	vst v14;
	v14 =	vmul.f32 v21, v19;
	v21 =	vld [tilespmem:s2+$0xFFFFFFE0]  }
0x22d: {  	v28 =	vmov s20;
	v27 =	vmov s7;
	s7 =	sadd.s32 $0x6, s6;
	[tilespmem:s2+$0xFFFFFF80] =	vst v16;
	v16 =	vmul.f32 v22, v19;
	v22 =	vld [tilespmem:s2+$0xFFFFFFF0]  }
0x22e: {  	v18 =	vshll.u32 v18, v1;
	v29 =	vmov s7;
	[tilespmem:s2+$0xFFFFFF90] =	vst v14;
	v14 =	vmul.f32 v23, v19;
	v19 =	vld [tilespmem:s2+$0x0]  }
0x22f: {  	v23 =	vshrl.u32 v24, $0x3;
	v24 =	vshrl.u32 v25, $0x3;
	[tilespmem:s2+$0xFFFFFFA0] =	vst v16;
	v16 =	vmul.f32 v17, v15;
	v17 =	vld [tilespmem:s2+$0x10]  }
0x230: {  	v25 =	vshrl.u32 v26, $0x3;
	v26 =	vshrl.u32 v27, $0x3;
	[tilespmem:s2+$0xFFFFFFB0] =	vst v14;
	v14 =	vmul.f32 v20, v15;
	v20 =	vld [tilespmem:s2+$0x20]  }
0x231: {  	v27 =	vshrl.u32 v28, $0x3;
	v28 =	vshrl.u32 v29, $0x3;
	[tilespmem:s2+$0xFFFFFFC0] =	vst v16;
	v16 =	vmul.f32 v21, v15;
	v21 =	vld [tilespmem:s2+$0x30]  }
0x232: {  	v18 =	vadd.s32 v2, v18;
	v23 =	vshll.u32 v23, v1;
	[tilespmem:s2+$0xFFFFFFD0] =	vst v14;
	v14 =	vmul.f32 v22, v15;
	v22 =	vld [tilespmem:s2+$0x40]  }
0x233: {  	v24 =	vshll.u32 v24, v1;
	v25 =	vshll.u32 v25, v1;
	[tilespmem:s2+$0xFFFFFFE0] =	vst v16;
	v15 =	vmul.f32 v19, v13;
	v19 =	vld [tilespmem:s2+$0x50]  }
0x234: {  	v16 =	vshll.u32 v26, v1;
	v26 =	vshll.u32 v27, v1;
	[tilespmem:s2+$0xFFFFFFF0] =	vst v14;
	v17 =	vmul.f32 v17, v13;
	v27 =	vld [tilespmem:s2+$0x60]  }
.Ltmp2:
0x235: {  	v28 =	vshll.u32 v28, v1;
	v14 =	vbroadcast v18, $0x0;
	[tilespmem:s2+$0x0] =	vst v15;
	v18 =	vmul.f32 v20, v13;
	v15 =	vld [tilespmem:s2+$0x70];
	(pc) =	sbr.rel @p0 .LBB2_7-.Ltmp2, $4  }
0x236: {  	v29 =	vadd.s32 v24, v4;
	v20 =	vadd.s32 v23, v3;
	[tilespmem:s2+$0x10] =	vst v17;
	v17 =	vmul.f32 v21, v13;
	v13 =	vld [tilespmem:s2+$0x80]  }
0x237: {  	v25 =	vadd.s32 v25, v6;
	v21 =	vadd.s32 v16, v7;
	[tilespmem:s2+$0x20] =	vst v18;
	v30 =	vmul.f32 v22, v12;
	v16 =	vld [tilespmem:s2+$0x90]  }
0x238: {  	v23 =	vadd.s32 v26, v8;
	v18 =	vbroadcast v20, $0x0;
	[tilespmem:s2+$0x30] =	vst v17;
	v24 =	vmul.f32 v19, v12;
	v17 =	vld [tilespmem:s2+$0xA0]  }
0x239: {  	s7 =	sadd.s32 $0x7, s6;
	s6 =	sadd.s32 $0x8, s6;
	v20 =	vbroadcast v29, $0x0;
	v22 =	vadd.s32 v28, v9;
	[tilespmem:s2+$0x40] =	vst v30;
	v26 =	vmul.f32 v27, v12;
	v19 =	vld [tilespmem:s2+$0xB0]  }
0x23a: {  	_ = 	snop  }
0x23b: {  	v4 =	vld [tilespmem:s2+$0xC0]  }
0x23c: {  	v7 =	vld [tilespmem:s2+$0xD0]  }
0x23d: {  	v9 =	vld [tilespmem:s2+$0xE0]  }
0x23e: {  	v49 =	vld.idx.msk [tilespmem:v14+s26+$0x0], $0xffff  }
0x23f: {  	v18 =	vld.idx.msk [tilespmem:v18+s26+$0x0], $0xffff  }
0x240: {  	s6 =	sadd.s32 $0x200, s2;
	v20 =	vld.idx.msk [tilespmem:v20+s26+$0x0], $0xffff  }
0x241: {  	v53 =	vld [tilespmem:s6+$0xF0]  }
0x242: {  	v55 =	vld [tilespmem:s6+$0xFFFFFF00]  }
0x243: {  	[tilespmem:s2+$0x50] =	vst v24;
	v12 =	vmul.f32 v15, v12;
	v56 =	vld [tilespmem:s6+$0xFFFFFF10]  }
0x244: {  	[tilespmem:s2+$0x60] =	vst v26;
	v13 =	vmul.f32 v13, v11;
	v57 =	vld [tilespmem:s6+$0xFFFFFF20]  }
0x245: {  	v59 =	vld [tilespmem:s6+$0xFFFFFF30];
	[tilespmem:s2+$0x70] =	vst v12;
	v51 =	vmul.f32 v16, v11  }
0x246: {  	v60 =	vld [tilespmem:s6+$0xFFFFFF40];
	[tilespmem:s2+$0x80] =	vst v13;
	v52 =	vmul.f32 v17, v11  }
0x247: {  	v63 =	vld [tilespmem:s6+$0xFFFFFF50];
	[tilespmem:s2+$0x90] =	vst v51;
	v54 =	vmul.f32 v19, v11  }
0x248: {  	v50 =	vbroadcast v22, $0x0;
	v22 =	vld [tilespmem:s6+$0xFFFFFF70];
	[tilespmem:s2+$0xA0] =	vst v52;
	v4 =	vmul.f32 v4, v10  }
0x249: {  	v8 =	vbroadcast v23, $0x0;
	v23 =	vld [tilespmem:s6+$0xFFFFFF80];
	v7 =	vmul.f32 v7, v10;
	[tilespmem:s2+$0xB0] =	vst v54  }
0x24a: {  	v2 =	vbroadcast v25, $0x0;
	v25 =	vld [tilespmem:s6+$0xFFFFFF90];
	v58 =	vmul.f32 v9, v10;
	[tilespmem:s2+$0xC0] =	vst v4  }
0x24b: {  	v3 =	vmov s7;
	v27 =	vld [tilespmem:s6+$0xFFFFFFA0];
	v62 =	vmul.f32 v55, v49;
	[tilespmem:s2+$0xD0] =	vst v7  }
0x24c: {  	v3 =	vshrl.u32 v3, $0x3;
	v29 =	vld [tilespmem:s6+$0xFFFFFFB0];
	v13 =	vmul.f32 v56, v49;
	[tilespmem:s2+$0xE0] =	vst v58  }
0x24d: {  	v6 =	vbroadcast v21, $0x0;
	v31 =	vld [tilespmem:s6+$0xFFFFFFC0];
	v3 =	vshll.u32 v3, v1;
	v21 =	vmul.f32 v57, v49;
	[tilespmem:s6+$0xFFFFFF00] =	vst v62  }
0x24e: {  	v33 =	vld [tilespmem:s6+$0xFFFFFFD0];
	v3 =	vadd.s32 v3, v5;
	v5 =	vmul.f32 v59, v49;
	[tilespmem:s6+$0xFFFFFF10] =	vst v13  }
0x24f: {  	v35 =	vld [tilespmem:s6+$0xFFFFFFE0];
	v24 =	vmul.f32 v60, v18;
	[tilespmem:s6+$0xFFFFFF20] =	vst v21  }
0x250: {  	v37 =	vld [tilespmem:s6+$0xFFFFFFF0];
	v26 =	vmul.f32 v63, v18;
	[tilespmem:s6+$0xFFFFFF30] =	vst v5  }
0x251: {  	v19 =	vld [tilespmem:s6+$0xFFFFFF60];
	v30 =	vmul.f32 v22, v18;
	[tilespmem:s6+$0xFFFFFF40] =	vst v24  }
0x252: {  	v2 =	vld.idx.msk [tilespmem:v2+s26+$0x0], $0xffff;
	v32 =	vmul.f32 v23, v20;
	[tilespmem:s6+$0xFFFFFF50] =	vst v26  }
0x253: {  	v39 =	vld [tilespmem:s6+$0x0];
	v34 =	vmul.f32 v25, v20;
	[tilespmem:s6+$0xFFFFFF70] =	vst v30  }
0x254: {  	v41 =	vld [tilespmem:s6+$0x10];
	v36 =	vmul.f32 v27, v20;
	[tilespmem:s6+$0xFFFFFF80] =	vst v32  }
0x255: {  	v43 =	vld [tilespmem:s6+$0x20];
	v38 =	vmul.f32 v29, v20;
	[tilespmem:s6+$0xFFFFFF90] =	vst v34  }
0x256: {  	v6 =	vld.idx.msk [tilespmem:v6+s26+$0x0], $0xffff;
	[tilespmem:s6+$0xFFFFFFA0] =	vst v36;
	v28 =	vmul.f32 v19, v18  }
0x257: {  	v45 =	vld [tilespmem:s6+$0x30];
	v3 =	vbroadcast v3, $0x0;
	[tilespmem:s6+$0xFFFFFFB0] =	vst v38;
	v40 =	vmul.f32 v31, v2  }
0x258: {  	v8 =	vld.idx.msk [tilespmem:v8+s26+$0x0], $0xffff;
	[tilespmem:s6+$0xFFFFFF60] =	vst v28;
	v42 =	vmul.f32 v33, v2  }
0x259: {  	v49 =	vld [tilespmem:s6+$0x60];
	v44 =	vmul.f32 v35, v2;
	[tilespmem:s6+$0xFFFFFFC0] =	vst v40  }
0x25a: {  	v52 =	vld [tilespmem:s6+$0x80];
	v2 =	vmul.f32 v37, v2;
	[tilespmem:s6+$0xFFFFFFD0] =	vst v42  }
0x25b: {  	v14 =	vld.idx.msk [tilespmem:v50+s26+$0x0], $0xffff;
	v47 =	vmul.f32 v39, v6;
	[tilespmem:s6+$0xFFFFFFE0] =	vst v44  }
0x25c: {  	v48 =	vld [tilespmem:s6+$0x50];
	v50 =	vmul.f32 v43, v6;
	[tilespmem:s6+$0xFFFFFFF0] =	vst v2  }
0x25d: {  	v3 =	vld.idx.msk [tilespmem:v3+s26+$0x0], $0xffff;
	v2 =	vmul.f32 v41, v6;
	[tilespmem:s6+$0x0] =	vst v47  }
0x25e: {  	v51 =	vld [tilespmem:s6+$0x70];
	v56 =	vmul.f32 v49, v8;
	[tilespmem:s6+$0x20] =	vst v50  }
0x25f: {  	v55 =	vld [tilespmem:s6+$0xA0];
	[tilespmem:s6+$0x10] =	vst v2;
	v2 =	vmul.f32 v45, v6  }
0x260: {  	v54 =	vld [tilespmem:s6+$0x90];
	v59 =	vmul.f32 v52, v14;
	[tilespmem:s6+$0x60] =	vst v56  }
0x261: {  	v46 =	vld [tilespmem:s6+$0x40];
	[tilespmem:s6+$0x30] =	vst v2;
	v2 =	vmul.f32 v48, v8  }
0x262: {  	v57 =	vld [tilespmem:s6+$0xB0];
	[tilespmem:s6+$0x80] =	vst v59;
	v61 =	vmul.f32 v53, v3  }
0x263: {  	v58 =	vld [tilespmem:s6+$0xC0];
	[tilespmem:s6+$0x50] =	vst v2;
	v2 =	vmul.f32 v51, v8  }
0x264: {  	v60 =	vld [tilespmem:s6+$0xD0];
	v62 =	vmul.f32 v55, v14;
	[tilespmem:s6+$0xF0] =	vst v61  }
0x265: {  	v61 =	vld [tilespmem:s6+$0xE0];
	[tilespmem:s6+$0x70] =	vst v2;
	v2 =	vmul.f32 v54, v14  }
0x266: {  	[tilespmem:s6+$0xA0] =	vst v62;
	v53 =	vmul.f32 v46, v8  }
0x267: {  	[tilespmem:s6+$0x90] =	vst v2;
	v2 =	vmul.f32 v57, v14  }
0x268: {  	v63 =	vmul.f32 v58, v3;
	[tilespmem:s6+$0x40] =	vst v53  }
0x269: {  	[tilespmem:s6+$0xB0] =	vst v2;
	v2 =	vmul.f32 v60, v3  }
0x26a: {  	[tilespmem:s6+$0xC0] =	vst v63;
	v3 =	vmul.f32 v61, v3  }
0x26b: {  	[tilespmem:s6+$0xD0] =	vst v2  }
0x26c: {  	s20 =	sadd.s32 $0x7800, s0;
	[tilespmem:s6+$0xE0] =	vst v3  }
0x26d: {  	[spmem:s3] =	stream.indirect.scatter.add.f32 [tilespmem:s25], [sflag:$0x3], $0x40, s20, s22, $0xb8;
	[tilespmem:$0x1AA80] =	vst v63  }
0x26e: {  	s31 =	sadd.s32 $0x1, s31;
	_ =	swait.ge [sflag:s17], $0x2000  }
0x26f: {  	p0 =	sne.s32 s31, $0x28;
	[sflag:s17] =	ssyncset.done $0x0  }
.Ltmp3:
0x270: {  	s21 =	sadd.s32 $0xA000, s0;
	[sflag:s17] =	ssyncadd.s32 $0xFFFFE000;
	(pc) =	sbr.rel @p0 .LBB2_4-.Ltmp3, $4  }
0x271: {  	[spmem:s4] =	stream.indirect.scatter.add.f32 [tilespmem:s21], [sflag:$0x3], $0x1, s20, s22, $0xb8;
	[tilespmem:$0x1AA80] =	vst v63  }
0x272: {  	_ =	swait.ge [sflag:s17], $0x80  }
0x273: {  	[sflag:s17] =	ssyncset.done $0x0  }
0x274: {  	[sflag:s17] =	ssyncadd.s32 $0xFFFFFF80  }
0x275: {  	[bflag:$0x0] =	sbarrier.arrive $0xFFFF  }
0x276: {  	[hbm:s13], [sflag:s9] =	dma.local [spmem:s16], $0x1400  }
0x277: {  	s29 =	sadd.s32 $0x1, s29;
	_ =	swait.ge [sflag:s17], $0x1400  }
0x278: {  	p0 =	sne.s32 s29, s15;
	[sflag:s17] =	ssyncset.done $0x0  }
.Ltmp4:
0x279: {  	[sflag:s17] =	ssyncadd.s32 $0xFFFFEC00;
	(pc) =	sbr.rel @p0 .LBB2_1-.Ltmp4, $4  }
0x27a: {  	[hbm:s14], [sflag:s9] =	dma.local [spmem:s18], $0x50  }
0x27b: {  	_ =	swait.ge [sflag:s17], $0x50  }
0x27c: {  	[sflag:s17] =	ssyncset.done $0x0  }
0x27d: {  	s7 =	simm.s32 $0x5000;
	[sflag:s17] =	ssyncadd.s32 $0xFFFFFFB0  }
0x27e: {  	_ =	sfence.sel $0x180000  }
0x27f: {  	[bflag:$0x0] =	sbarrier.arrive $0xFFFF  }
0x280: {  	_ =	strace $0x90000047  }
0x281: {  	s0 =	stileid.u32;
	[bflag:$0x2] =	sbarrier.arrive $0xFFFF  }
0x282: {  	p0 =	sne.s32 s0, $0x0;
	s0 =	rddreg [dreg:$0x4]  }
0x283: {  	s0 =	sadd.s32 @!p0 $0x100000, s0  }
0x284: {  	[sflag:s0] =	ssyncadd.tile.s32 @!p0 $0x1;
	_ =	shalt  }
.Lfunc_end2:
_tile_overlayer_lowered:
.L_overlay_start_2:
0x285: {  	(tag) =	ssettag $0x2  }
0x286: {  	s0 =	rddreg [dreg:$0x0];
	s2 =	stileid.u32  }
0x287: {  	s1 =	rddreg [dreg:$0x1];
	p0 =	sne.s32 s2, $0x0  }
0x288: {  	s3 =	rddreg [dreg:$0x2];
	[bflag:$0x3] =	sbarrier.arrive $0xFFFF;
	s2 =	simm.s32 @!p0 $0x1C03  }
0x289: {  	[timem:s3], [sflag:s2] =	dma.local @!p0 [hbm:s0], s1  }
0x28a: {  	s0 =	simm.s32 @!p0 $0x3  }
0x28b: {  	_ =	swait.ge @!p0 [sflag:s0], s1  }
0x28c: {  	s1 =	ssub.s32 @!p0 $0x0, s1;
	[sflag:s0] =	ssyncset.done @!p0 $0x0  }
0x28d: {  	[sflag:s0] =	ssyncadd.s32 @!p0 s1  }
0x28e: {  	[bflag:$0x3] =	sbarrier.arrive $0xFFFF  }
0x28f: {  	_ =	shalt  }

// kernel: kernel.14.cloned.1.call-start
scs
__scs_entry_jumppad:
0x0: {  	(pc) =	sbr.rel $0x88, $3  }
0x1: {  	(tag) =	ssettag $0x0;
	lr =	simm.s32 $0x1  }
0x2: {  	[smem:$0x3F8C] =	sst lr;
	_ =	strace $0xD0000000  }
0x3: {  	_ = 	snop  }
0x4: {  	_ = 	snop  }
0x5: {  	_ = 	snop  }
0x6: {  	_ = 	snop  }
0x7: {  	_ = 	snop  }
__scs_overlays_trampoline_lowered:
0x8: {  	[smem:$0x3F9B] =	sst s0  }
0x9: {  	[smem:$0x3F9C] =	sst s1  }
0xa: {  	[smem:$0x3F9D] =	sst s2  }
0xb: {  	[smem:$0x3F9E] =	sst s3  }
0xc: {  	[smem:$0x3F9F] =	sst s4  }
0xd: {  	[smem:$0x3FA0] =	sst s5  }
0xe: {  	[smem:$0x3FA1] =	sst s6  }
0xf: {  	[smem:$0x3FA2] =	sst s7  }
0x10: {  	[smem:$0x3FA3] =	sst s8  }
0x11: {  	[smem:$0x3FA4] =	sst s9;
	s0 =	simm.s32 @!p0 $0x0  }
0x12: {  	s1 =	sld [smem:$0x3F8A];
	s0 =	simm.s32 @p0 $0x1  }
0x13: {  	[smem:$0x3FA5] =	sst s0;
	s0 =	simm.s32 @!p1 $0x0  }
0x14: {  	s2 =	sld [smem:$0x3F89];
	s0 =	simm.s32 @p1 $0x1  }
0x15: {  	[smem:$0x3FA6] =	sst s0;
	s0 =	simm.s32 @!p2 $0x0  }
0x16: {  	s3 =	sld [smem:$0x3FDB];
	s0 =	simm.s32 @p2 $0x1  }
0x17: {  	s4 =	simm.s32 $0x1BF5;
	[smem:$0x3FA8] =	sst s0  }
0x18: {  	s0 =	sld [smem:$0x3F8B];
	_ =	swait.ge [sflag:s4], $0x0  }
0x19: {  	s7 =	sld [smem:$0x3F8C]  }
0x1a: {  	s8 =	sadd.s32 $0xFFFFE003, lr  }
0x1b: {  	s9 =	sadd.s32 $0xFFFFFEF7, lr;
	s5 =	simm.s32 $0xFFFFFFFF;
	p2 =	slt.u32 s8, $0xFFFFF086  }
0x1c: {  	p1 =	slt.u32 s9, $0xF7A;
	s5 =	simm.s32 @!p2 $0x0  }
0x1d: {  	s5 =	simm.s32 @p1 $0x1;
	p0 =	seq.s32 s7, s2  }
0x1e: {  	s7 =	smul.u32 @!p0 $0xF7A, s2;
	p2 =	seq.s32 @!p0 s5, $0x0  }
0x1f: {  	s9 =	smul.u32 $0xF7A, s1;
	s8 =	simm.s32 @!p0 $0x1BF5;
	p2 =	por !p2, p0  }
0x20: {  	[sflag:s8] =	ssyncset.s32 @!p0 $0xFFFFF086;
	s6 =	sadd.s32 @!p0 s3, s7;
	s7 =	simm.s32 @!p0 $0x108  }
0x21: {  	s3 =	sadd.s32 s3, s9;
	s6 =	sadd.s32 @!p0 $0x88, s6;
	s7 =	simm.s32 @p2 $0x1082  }
0x22: {  	[simem:s7], [sflag:s8] =	dma.local @!p0 [hbm:s6], $0xF7A  }
0x23: {  	s9 =	sor.u32 $0xD0000000, s2;
	s6 =	simm.s32 $0x108;
	_ =	swait.ge @!p0 [sflag:s8], $0x0  }
0x24: {  	s3 =	sadd.s32 $0x88, s3;
	s6 =	simm.s32 @!p1 $0x1082;
	[sflag:s4] =	ssyncset.s32 $0xFFFFF086  }
0x25: {  	[simem:s6], [sflag:s4] =	dma.local [hbm:s3], $0xF7A  }
0x26: {  	[smem:$0x3F8C] =	sst s1;
	(tag) =	ssettag s2;
	_ =	strace s9  }
0x27: {  	s1 =	sld [smem:$0x3F9C]  }
0x28: {  	s2 =	sld [smem:$0x3F9D]  }
0x29: {  	s4 =	sld [smem:$0x3F9F]  }
0x2a: {  	p0 =	seq.s32 s5, $0x0;
	s5 =	sld [smem:$0x3FA0]  }
0x2b: {  	s6 =	sld [smem:$0x3FA1]  }
0x2c: {  	s7 =	sld [smem:$0x3FA2]  }
0x2d: {  	s3 =	simm.s32 $0x108;
	s8 =	sld [smem:$0x3FA3]  }
0x2e: {  	s3 =	simm.s32 @!p0 $0x1082;
	s9 =	sld [smem:$0x3FA4]  }
0x2f: {  	lr =	sadd.s32 s0, s3;
	s0 =	sld [smem:$0x3F9B]  }
0x30: {  	s3 =	sld [smem:$0x3F9E]  }
0x31: {  	[smem:$0x3FA7] =	sst s10  }
0x32: {  	s10 =	sld [smem:$0x3FA5];
	_ =	sdelay $0x3  }
0x33: {  	p0 =	seq.s32 s10, $0x1;
	s10 =	sld [smem:$0x3FA7];
	_ =	sdelay $0x3  }
0x34: {  	[smem:$0x3FA7] =	sst s10  }
0x35: {  	s10 =	sld [smem:$0x3FA6];
	_ =	sdelay $0x3  }
0x36: {  	p1 =	seq.s32 s10, $0x1;
	s10 =	sld [smem:$0x3FA7];
	_ =	sdelay $0x3  }
0x37: {  	[smem:$0x3FA7] =	sst s10  }
0x38: {  	s10 =	sld [smem:$0x3FA8]  }
0x39: {  	_ = 	snop;
	(pc) =	sbr.ind lr, $3  }
0x3a: {  	_ = 	snop  }
0x3b: {  	_ = 	snop  }
0x3c: {  	p2 =	seq.s32 s10, $0x1;
	s10 =	sld [smem:$0x3FA7]  }
0x3d: {  	_ =	shalt  }
0x3e: {  	_ =	shalt  }
0x3f: {  	_ =	shalt  }
0x40: {  	_ =	shalt  }
0x41: {  	_ =	shalt  }
0x42: {  	_ =	shalt  }
0x43: {  	_ =	shalt  }
0x44: {  	_ =	shalt  }
0x45: {  	_ =	shalt  }
0x46: {  	_ =	shalt  }
0x47: {  	_ =	shalt  }
0x48: {  	_ =	shalt  }
0x49: {  	_ =	shalt  }
0x4a: {  	_ =	shalt  }
0x4b: {  	_ =	shalt  }
0x4c: {  	_ =	shalt  }
0x4d: {  	_ =	shalt  }
0x4e: {  	_ =	shalt  }
0x4f: {  	_ =	shalt  }
0x50: {  	_ =	shalt  }
0x51: {  	_ =	shalt  }
0x52: {  	_ =	shalt  }
0x53: {  	_ =	shalt  }
0x54: {  	_ =	shalt  }
0x55: {  	_ =	shalt  }
0x56: {  	_ =	shalt  }
0x57: {  	_ =	shalt  }
0x58: {  	_ =	shalt  }
0x59: {  	_ =	shalt  }
0x5a: {  	_ =	shalt  }
0x5b: {  	_ =	shalt  }
0x5c: {  	_ =	shalt  }
0x5d: {  	_ =	shalt  }
0x5e: {  	_ =	shalt  }
0x5f: {  	_ =	shalt  }
0x60: {  	_ =	shalt  }
0x61: {  	_ =	shalt  }
0x62: {  	_ =	shalt  }
0x63: {  	_ =	shalt  }
0x64: {  	_ =	shalt  }
0x65: {  	_ =	shalt  }
0x66: {  	_ =	shalt  }
0x67: {  	_ =	shalt  }
0x68: {  	_ =	shalt  }
0x69: {  	_ =	shalt  }
0x6a: {  	_ =	shalt  }
0x6b: {  	_ =	shalt  }
0x6c: {  	_ =	shalt  }
0x6d: {  	_ =	shalt  }
0x6e: {  	_ =	shalt  }
0x6f: {  	_ =	shalt  }
0x70: {  	_ =	shalt  }
0x71: {  	_ =	shalt  }
0x72: {  	_ =	shalt  }
0x73: {  	_ =	shalt  }
0x74: {  	_ =	shalt  }
0x75: {  	_ =	shalt  }
0x76: {  	_ =	shalt  }
0x77: {  	_ =	shalt  }
0x78: {  	_ =	shalt  }
0x79: {  	_ =	shalt  }
0x7a: {  	_ =	shalt  }
0x7b: {  	_ =	shalt  }
0x7c: {  	_ =	shalt  }
0x7d: {  	_ =	shalt  }
0x7e: {  	_ =	shalt  }
0x7f: {  	_ =	shalt  }
0x80: {  	_ =	shalt  }
0x81: {  	_ =	shalt  }
0x82: {  	_ =	shalt  }
0x83: {  	_ =	shalt  }
0x84: {  	_ =	shalt  }
0x85: {  	_ =	shalt  }
0x86: {  	_ =	shalt  }
0x87: {  	_ =	shalt  }
.Lfunc_end0:
.L_simem_size_0:
called_computation.1_lowered:
.L_overlay_start_0:
0x88: {  	s2 =	sld [smem:$0x3FD9]  }
0x89: {  	s3 =	sld [smem:$0x3FFE];
	_ =	sdelay $0x1  }
0x8a: {  	s1 =	srdreg.scid  }
0x8b: {  	s0 =	sand.u32 $0x1, s1  }
0x8c: {  	s17 =	sshll.u32 s0, $0xA;
	s2 =	sadd.s32 s3, s2  }
0x8d: {  	s2 =	sadd.s32 s2, s17  }
0x8e: {  	[smem:$0x3FB3] =	sst s2  }
0x8f: {  	_ = 	snop  }
0x90: {  	s2 =	sld [smem:$0x3FD0];
	(tm) =	ssettm $0x1  }
0x91: {  	s18 =	sld [smem:$0x3FFB];
	_ =	sdelay $0x3  }
0x92: {  	_ =	strace s18  }
0x93: {  	s3 =	sld [smem:$0x3FFC];
	_ =	sdelay $0x3  }
0x94: {  	_ =	strace s3  }
0x95: {  	s3 =	sld [smem:$0x3FFD];
	_ =	sdelay $0x3  }
0x96: {  	_ =	strace s3  }
0x97: {  	_ =	strace $0x8FFFFFFF  }
0x98: {  	s19 =	sld [smem:$0x3FDB];
	_ =	sdelay $0x1  }
0x99: {  	s4 =	simm.s32 $_scs_section_size  }
0x9a: {  	s5 =	simm.s32 $_size__tile_overlayer_lowered;
	s6 =	simm.s32 $_tile_overlayer_lowered  }
0x9b: {  	s22 =	simm.s32 $0x1BFF;
	s21 =	sshll.u32 s6, $0x1;
	s3 =	sadd.s32 s4, s19  }
0x9c: {  	s7 =	simm.s32 $0x0;
	s20 =	sshll.u32 s5, $0x1;
	s5 =	sadd.s32 s21, s3  }
0x9d: {  	[timem:s7], [sflag:s22] =	dma.local [hbm:s5], s20  }
0x9e: {  	_ =	swait.ge [sflag:s22], s20  }
0x9f: {  	s4 =	ssub.s32 $0x0, s20;
	[sflag:s22] =	ssyncset.done $0x0  }
0xa0: {  	[sflag:s22] =	ssyncadd.s32 s4;
	_ =	sdelay $0x1  }
0xa1: {  	s23 =	simm.s32 $0x1B8B  }
0xa2: {  	_ =	swait.ge [sflag:s23], $0x1  }
0xa3: {  	[sflag:s23] =	ssyncset.done $0x0  }
0xa4: {  	s25 =	simm.s32 $0x1B8E;
	s24 =	sld [smem:$0x3FFE];
	[sflag:s23] =	ssyncadd.s32 $0xFFFFFFFF  }
0xa5: {  	s26 =	simm.s32 $execute0_lowered;
	[smem:$0x3FD2] =	sst s25  }
0xa6: {  	s5 =	sshll.u32 s26, $0x1;
	_ =	strace $0x80000049;
	[dreg:$0x1] =	wrdreg $0xFFFFFFFF  }
0xa7: {  	s28 =	simm.s32 $_size_execute0_lowered;
	s3 =	sadd.s32 s3, s5;
	[dreg:$0x0] =	wrdreg $0x0  }
0xa8: {  	s5 =	sshll.u32 s28, $0x1;
	[dreg:$0x2] =	wrdreg s3  }
0xa9: {  	[dreg:$0x3] =	wrdreg s5  }
0xaa: {  	[dreg:$0x4] =	wrdreg $0xC0  }
0xab: {  	_ =	task [dreg:s7], $0x5FFFF  }
0xac: {  	[dreg:$0x1] =	wrdreg $0xFFFFFFFF  }
0xad: {  	[dreg:$0x0] =	wrdreg $0x60  }
0xae: {  	[dreg:$0x2] =	wrdreg s2  }
0xaf: {  	[dreg:$0x3] =	wrdreg s24  }
0xb0: {  	[dreg:$0x4] =	wrdreg $0xE8000  }
0xb1: {  	[dreg:$0x5] =	wrdreg $0x138000  }
0xb2: {  	[dreg:$0x6] =	wrdreg $0x9  }
0xb3: {  	_ =	task.clear_ibuf [dreg:s7], $0x7FFFF;
	_ =	strace $0x90000049  }
0xb4: {  	s29 =	simm.s32 $0x9;
	_ =	strace $0x8000004B  }
0xb5: {  	_ =	swait.ge [sflag:s29], $0x1  }
0xb6: {  	[sflag:s29] =	ssyncadd.s32 $0xFFFFFFFF  }
0xb7: {  	_ =	strace $0x9000004B  }
0xb8: {  	_ =	sfence  }
0xb9: {  	s30 =	sld [smem:$0x0];
	_ =	sdelay $0x2  }
0xba: {  	s31 =	sshll.u32 s1, $0xD;
	s1 =	sshrl.u32 s1, $0x2  }
0xbb: {  	s3 =	sand.u32 $0x4000, s31;
	s1 =	sadd.s32 s1, s30  }
0xbc: {  	s0 =	sor.u32 s3, s0;
	s1 =	sshll.u32 s1, $0x11  }
0xbd: {  	s0 =	sor.u32 s1, s0  }
0xbe: {  	s0 =	sadd.s32 $0x8F2B, s0  }
0xbf: {  	[sflag:s0] =	ssyncadd.remote.s32 $0x1  }
0xc0: {  	_ =	sfence.sel $0xFFFF  }
0xc1: {  	[dreg:$0x0] =	wrdreg $0xFFFFFFFF;
	(pc) =	sbr.abs _section_cstart, $3  }
0xc2: {  	[dreg:$0x1] =	wrdreg $0xFFFFFFFF  }
0xc3: {  	_ =	task.clear_ibuf [dreg:s7], $0x2FFFF;
	_ =	strace $0x9FFFFFFF  }
0xc4: {  	(tm) =	ssettm $0x7FFFFFFF  }
0xc5: {  	_ =	shalt  }
tec
execute0_lowered:
.L_overlay_start_1:
0x0: {  	(tag) =	ssettag $0x1  }
0x1: {  	s1 =	rddreg [dreg:$0x0]  }
0x2: {  	s0 =	rddreg [dreg:$0x1]  }
0x3: {  	s3 =	rddreg [dreg:$0x2]  }
0x4: {  	s4 =	rddreg [dreg:$0x3];
	s12 =	stileid.u32;
	s5 =	simm.s32 $0x0  }
0x5: {  	s6 =	srdreg.scid;
	s17 =	simm.s32 $0x3;
	s19 =	simm.s32 $0x2800  }
0x6: {  	s28 =	simm.s32 $0x2;
	s29 =	simm.s32 $0x0;
	s2 =	smul.u32 $0x500, s12  }
0x7: {  	[smem:$0x7FF] =	sst s5;
	s7 =	smul.u32 $0x280, s12;
	s6 =	sand.u32 $0x1, s6  }
0x8: {  	s8 =	sadd.s32 $0x2B600, s0;
	s22 =	sadd.s32 $0x2BC00, s0;
	s11 =	smul.u32 $0x14000, s12  }
0x9: {  	s31 =	sshll.u32 s12, $0x6;
	_ =	strace $0x8000004A;
	[dreg:$0x5] =	wrdreg s8  }
0xa: {  	s21 =	smul.u32 $0x2800, s6;
	[dreg:$0x6] =	wrdreg s22;
	s6 =	ssub.s32 $0x2, s6  }
0xb: {  	s22 =	simm.s32 $0x80;
	s23 =	sshrl.u32 s7, $0x3;
	s2 =	sadd.s32 s2, s0  }
0xc: {  	s25 =	sshrl.u32 s6, $0x1;
	s26 =	sshrl.u32 s11, $0x2;
	s10 =	sadd.s32 s23, s0  }
0xd: {  	s24 =	sadd.s32 s7, s21;
	s6 =	ssub.s32 s6, s25;
	s16 =	sadd.s32 s26, s3  }
0xe: {  	s7 =	sadd.s32 s7, s4;
	s11 =	sadd.s32 $0x2C800, s2;
	s12 =	sadd.s32 $0x31800, s2  }
0xf: {  	s23 =	simm.s32 $0xC800;
	s25 =	simm.s32 $0xD800;
	s26 =	simm.s32 $0xA000  }
0x10: {  	s9 =	sshll.u32 s24, $0x2;
	s8 =	sshrl.u32 s24, $0x3;
	s10 =	sadd.s32 $0x2C200, s10  }
0x11: {  	s15 =	smax.u32 s6, $0x1;
	s16 =	sshrl.u32 s16, $0x3;
	s18 =	sshrl.u32 s7, $0x3  }
0x12: {  	s7 =	simm.s32 $0x5000;
	s24 =	simm.s32 $0x1;
	s13 =	sadd.s32 s9, s0  }
0x13: {  	v1 =	vimm.s32 $0x0;
	vm0 =	vcmask $0x300;
	s0 =	sadd.s32 s8, s0;
	s9 =	sor.u32 $0x1C03, s31;
	s30 =	sadd.s32 $0x3600, s13  }
0x14: {  	v1 =	vsel vm0, $0x3, v1;
	v0 =	vmov s21;
	s13 =	sadd.s32 $0x36800, s13;
	s14 =	sadd.s32 $0x17600, s0;
	[dreg:$0x7] =	wrdreg s30  }
.LBB2_1:
0x15: {  	s0 =	rddreg [dreg:$0x7]  }
0x16: {  	[spmem:s16], [sflag:s9] =	dma.local [hbm:s0], $0xA00  }
0x17: {  	_ =	swait.ge [sflag:s17], $0xA00  }
0x18: {  	[sflag:s17] =	ssyncset.done $0x0  }
0x19: {  	[sflag:s17] =	ssyncadd.s32 $0xFFFFF600  }
0x1a: {  	[spmem:s18], [sflag:s9] =	dma.local [hbm:s10], $0x50  }
0x1b: {  	_ =	swait.ge [sflag:s17], $0x50  }
0x1c: {  	[sflag:s17] =	ssyncset.done $0x0  }
0x1d: {  	s20 =	rddreg [dreg:$0x5];
	[sflag:s17] =	ssyncadd.s32 $0xFFFFFFB0  }
0x1e: {  	[tilespmem:s5], [sflag:$0x3] =	stream.linear.gather [hbm4b:s20+s5], $0x2800, $0x38;
	[tilespmem:$0x13A80] =	vst v63  }
0x1f: {  	_ =	swait.ge [sflag:s17], $0x2800  }
0x20: {  	[sflag:s17] =	ssyncset.done $0x0  }
0x21: {  	s21 =	rddreg [dreg:$0x6];
	[sflag:s17] =	ssyncadd.s32 $0xFFFFD800  }
0x22: {  	[tilespmem:s19], [sflag:$0x3] =	stream.linear.gather [hbm4b:s21+s5], $0x2800, $0x38;
	[tilespmem:$0x13A80] =	vst v63  }
0x23: {  	_ =	swait.ge [sflag:s17], $0x2800  }
0x24: {  	[sflag:s17] =	ssyncset.done $0x0  }
0x25: {  	[sflag:s17] =	ssyncadd.s32 $0xFFFFD800  }
0x26: {  	[tilespmem:s7], [sflag:$0x3] =	stream.linear.gather [hbm4b:s11+s5], $0x2800, $0x38;
	[tilespmem:$0x13A80] =	vst v63  }
0x27: {  	_ =	swait.ge [sflag:s17], $0x2800  }
0x28: {  	[sflag:s17] =	ssyncset.done $0x0  }
0x29: {  	s31 =	simm.s32 $0x7800;
	[sflag:s17] =	ssyncadd.s32 $0xFFFFD800  }
0x2a: {  	[tilespmem:s31], [sflag:$0x3] =	stream.linear.gather [hbm4b:s12+s5], $0x2800, $0x38;
	[tilespmem:$0x13A80] =	vst v63  }
0x2b: {  	_ =	swait.ge [sflag:s17], $0x2800  }
0x2c: {  	[sflag:s17] =	ssyncset.done $0x0  }
0x2d: {  	s0 =	simm.s32 $0x0;
	[sflag:s17] =	ssyncadd.s32 $0xFFFFD800  }
0x2e: {  	v2 =	vld [tilespmem:s0+$0x5000]  }
0x2f: {  	v3 =	vld [tilespmem:s0+$0x7800];
	_ =	sdelay $0x6  }
0x30: {  	v4 =	vld.idx.msk [tilespmem:v2+s5+$0x0], $0xffff  }
0x31: {  	v3 =	vld.idx.msk [tilespmem:v3+s19+$0x0], $0xffff;
	_ =	sdelay $0x4  }
0x32: {  	v3 =	vadd.f32 v3, v4;
	_ =	sdelay $0x1  }
0x33: {  	v4 =	vmul.f32 $2.000000030e-01, v3;
	_ =	sdelay $0x1  }
0x34: {  	v3 =	vmax.f32 v3, v4  }
0x35: {  	v3 =	vmul.f32 $1.442695020e+00, v3;
	_ =	sdelay $0x1  }
0x36: {  	(erf) = vpow2.f32 v3;
	_ =	sdelay $0x2  }
0x37: {  	v3 =	vld [tilespmem:s0+$0x5010]  }
0x38: {  	v57 =	vld [tilespmem:s0+$0x7810];
	_ =	sdelay $0x1  }
0x39: {  	v2 =	vadd.s32 v0, v2;
	_ =	sdelay $0x2  }
0x3a: {  	[tilespmem:s0+$0x5000] =	vst v2;
	v2 =	vpop (erf)  }
0x3b: {  	[tilespmem:s0+$0xA000] =	vst v2  }
0x3c: {  	v2 =	vld.idx.msk [tilespmem:v3+s5+$0x0], $0xffff  }
0x3d: {  	v4 =	vld.idx.msk [tilespmem:v57+s19+$0x0], $0xffff;
	_ =	sdelay $0x4  }
0x3e: {  	v2 =	vadd.f32 v4, v2;
	_ =	sdelay $0x1  }
0x3f: {  	v4 =	vmul.f32 $2.000000030e-01, v2;
	_ =	sdelay $0x1  }
0x40: {  	v2 =	vmax.f32 v2, v4  }
0x41: {  	v2 =	vmul.f32 $1.442695020e+00, v2;
	_ =	sdelay $0x1  }
0x42: {  	(erf) = vpow2.f32 v2;
	_ =	sdelay $0x2  }
0x43: {  	v2 =	vld [tilespmem:s0+$0x5020]  }
0x44: {  	v58 =	vld [tilespmem:s0+$0x7820];
	_ =	sdelay $0x1  }
0x45: {  	v3 =	vadd.s32 v0, v3;
	_ =	sdelay $0x2  }
0x46: {  	[tilespmem:s0+$0x5010] =	vst v3;
	v3 =	vpop (erf)  }
0x47: {  	[tilespmem:s0+$0xA010] =	vst v3  }
0x48: {  	v3 =	vld.idx.msk [tilespmem:v2+s5+$0x0], $0xffff  }
0x49: {  	v4 =	vld.idx.msk [tilespmem:v58+s19+$0x0], $0xffff;
	_ =	sdelay $0x4  }
0x4a: {  	v3 =	vadd.f32 v4, v3;
	_ =	sdelay $0x1  }
0x4b: {  	v4 =	vmul.f32 $2.000000030e-01, v3;
	_ =	sdelay $0x1  }
0x4c: {  	v3 =	vmax.f32 v3, v4  }
0x4d: {  	v3 =	vmul.f32 $1.442695020e+00, v3;
	_ =	sdelay $0x1  }
0x4e: {  	(erf) = vpow2.f32 v3;
	_ =	sdelay $0x2  }
0x4f: {  	v3 =	vld [tilespmem:s0+$0x5030]  }
0x50: {  	v59 =	vld [tilespmem:s0+$0x7830];
	_ =	sdelay $0x1  }
0x51: {  	v2 =	vadd.s32 v0, v2;
	_ =	sdelay $0x2  }
0x52: {  	[tilespmem:s0+$0x5020] =	vst v2;
	v2 =	vpop (erf)  }
0x53: {  	[tilespmem:s0+$0xA020] =	vst v2  }
0x54: {  	v2 =	vld.idx.msk [tilespmem:v3+s5+$0x0], $0xffff  }
0x55: {  	v4 =	vld.idx.msk [tilespmem:v59+s19+$0x0], $0xffff;
	_ =	sdelay $0x4  }
0x56: {  	v2 =	vadd.f32 v4, v2;
	_ =	sdelay $0x1  }
0x57: {  	v4 =	vmul.f32 $2.000000030e-01, v2;
	_ =	sdelay $0x1  }
0x58: {  	v2 =	vmax.f32 v2, v4  }
0x59: {  	v2 =	vmul.f32 $1.442695020e+00, v2;
	_ =	sdelay $0x1  }
0x5a: {  	(erf) = vpow2.f32 v2;
	_ =	sdelay $0x1  }
0x5b: {  	v2 =	vadd.s32 v0, v3  }
0x5c: {  	[tilespmem:s0+$0x5030] =	vst v2;
	v2 =	vld [tilespmem:s0+$0x5040]  }
0x5d: {  	v3 =	vld [tilespmem:s0+$0x7840];
	_ =	sdelay $0x4  }
0x5e: {  	v60 =	vpop (erf)  }
0x5f: {  	[tilespmem:s0+$0xA030] =	vst v60  }
0x60: {  	v4 =	vld.idx.msk [tilespmem:v2+s5+$0x0], $0xffff  }
0x61: {  	v3 =	vld.idx.msk [tilespmem:v3+s19+$0x0], $0xffff;
	_ =	sdelay $0x4  }
0x62: {  	v3 =	vadd.f32 v3, v4;
	_ =	sdelay $0x1  }
0x63: {  	v4 =	vmul.f32 $2.000000030e-01, v3;
	_ =	sdelay $0x1  }
0x64: {  	v3 =	vmax.f32 v3, v4  }
0x65: {  	v3 =	vmul.f32 $1.442695020e+00, v3;
	_ =	sdelay $0x1  }
0x66: {  	(erf) = vpow2.f32 v3;
	_ =	sdelay $0x1  }
0x67: {  	v2 =	vadd.s32 v0, v2  }
0x68: {  	[tilespmem:s0+$0x5040] =	vst v2;
	v2 =	vld [tilespmem:s0+$0x5050]  }
0x69: {  	v3 =	vld [tilespmem:s0+$0x7850];
	_ =	sdelay $0x4  }
0x6a: {  	v61 =	vpop (erf)  }
0x6b: {  	[tilespmem:s0+$0xA040] =	vst v61  }
0x6c: {  	v4 =	vld.idx.msk [tilespmem:v2+s5+$0x0], $0xffff  }
0x6d: {  	v3 =	vld.idx.msk [tilespmem:v3+s19+$0x0], $0xffff;
	_ =	sdelay $0x4  }
0x6e: {  	v3 =	vadd.f32 v3, v4;
	_ =	sdelay $0x1  }
0x6f: {  	v4 =	vmul.f32 $2.000000030e-01, v3;
	_ =	sdelay $0x1  }
0x70: {  	v3 =	vmax.f32 v3, v4  }
0x71: {  	v3 =	vmul.f32 $1.442695020e+00, v3;
	_ =	sdelay $0x1  }
0x72: {  	(erf) = vpow2.f32 v3;
	_ =	sdelay $0x1  }
0x73: {  	v2 =	vadd.s32 v0, v2  }
0x74: {  	[tilespmem:s0+$0x5050] =	vst v2;
	v2 =	vld [tilespmem:s0+$0x5060]  }
0x75: {  	v3 =	vld [tilespmem:s0+$0x7860];
	_ =	sdelay $0x4  }
0x76: {  	v62 =	vpop (erf)  }
0x77: {  	[tilespmem:s0+$0xA050] =	vst v62  }
0x78: {  	v4 =	vld.idx.msk [tilespmem:v2+s5+$0x0], $0xffff  }
0x79: {  	v3 =	vld.idx.msk [tilespmem:v3+s19+$0x0], $0xffff;
	_ =	sdelay $0x4  }
0x7a: {  	v3 =	vadd.f32 v3, v4;
	_ =	sdelay $0x1  }
0x7b: {  	v4 =	vmul.f32 $2.000000030e-01, v3;
	_ =	sdelay $0x1  }
0x7c: {  	v3 =	vmax.f32 v3, v4  }
0x7d: {  	v3 =	vmul.f32 $1.442695020e+00, v3;
	_ =	sdelay $0x1  }
0x7e: {  	(erf) = vpow2.f32 v3;
	_ =	sdelay $0x1  }
0x7f: {  	v2 =	vadd.s32 v0, v2  }
0x80: {  	[tilespmem:s0+$0x5060] =	vst v2;
	v2 =	vld [tilespmem:s0+$0x5070]  }
0x81: {  	v3 =	vld [tilespmem:s0+$0x7870];
	_ =	sdelay $0x4  }
0x82: {  	v63 =	vpop (erf)  }
0x83: {  	[tilespmem:s0+$0xA060] =	vst v63  }
0x84: {  	v4 =	vld.idx.msk [tilespmem:v2+s5+$0x0], $0xffff  }
0x85: {  	v3 =	vld.idx.msk [tilespmem:v3+s19+$0x0], $0xffff;
	_ =	sdelay $0x4  }
0x86: {  	v3 =	vadd.f32 v3, v4;
	_ =	sdelay $0x1  }
0x87: {  	v4 =	vmul.f32 $2.000000030e-01, v3;
	_ =	sdelay $0x1  }
0x88: {  	v3 =	vmax.f32 v3, v4  }
0x89: {  	v3 =	vmul.f32 $1.442695020e+00, v3  }
0x8a: {  	v2 =	vadd.s32 v0, v2  }
0x8b: {  	s2 =	simm.s32 $0x200;
	s30 =	simm.s32 $0x400;
	[tilespmem:s0+$0x5070] =	vst v2;
	(erf) = vpow2.f32 v3  }
.LBB2_2:
0x8c: {  	p0 =	sne.s32 s30, $0x9E00  }
0x8d: {  	s6 =	sshra.s32 s2, $0x2;
	s2 =	smov.u32 s30;
	s30 =	sadd.s32 $0x200, s30  }
0x8e: {  	v2 =	vld [tilespmem:s6+$0x5000]  }
0x8f: {  	v3 =	vld [tilespmem:s6+$0x7800];
	_ =	sdelay $0x4  }
0x90: {  	v4 =	vpop (erf)  }
0x91: {  	[tilespmem:s0+$0xA070] =	vst v4;
	s0 =	smov.u32 s6  }
0x92: {  	v4 =	vld.idx.msk [tilespmem:v2+s5+$0x0], $0xffff  }
0x93: {  	v3 =	vld.idx.msk [tilespmem:v3+s19+$0x0], $0xffff;
	_ =	sdelay $0x5  }
0x94: {  	v3 =	vadd.f32 v3, v4;
	_ =	sdelay $0x1  }
0x95: {  	v4 =	vmul.f32 $2.000000030e-01, v3;
	_ =	sdelay $0x1  }
0x96: {  	v3 =	vmax.f32 v3, v4  }
0x97: {  	v3 =	vmul.f32 $1.442695020e+00, v3;
	_ =	sdelay $0x1  }
0x98: {  	(erf) = vpow2.f32 v3;
	_ =	sdelay $0x1  }
0x99: {  	v3 =	vld [tilespmem:s0+$0x7810]  }
0x9a: {  	v4 =	vld [tilespmem:s0+$0x5010];
	_ =	sdelay $0x4  }
0x9b: {  	v5 =	vadd.s32 v0, v2  }
0x9c: {  	[tilespmem:s0+$0x5000] =	vst v5;
	v2 =	vpop (erf)  }
0x9d: {  	[tilespmem:s0+$0xA000] =	vst v2  }
0x9e: {  	v2 =	vld.idx.msk [tilespmem:v4+s5+$0x0], $0xffff  }
0x9f: {  	v3 =	vld.idx.msk [tilespmem:v3+s19+$0x0], $0xffff;
	_ =	sdelay $0x5  }
0xa0: {  	v2 =	vadd.f32 v3, v2;
	_ =	sdelay $0x1  }
0xa1: {  	v3 =	vmul.f32 $2.000000030e-01, v2;
	_ =	sdelay $0x1  }
0xa2: {  	v2 =	vmax.f32 v2, v3  }
0xa3: {  	v2 =	vmul.f32 $1.442695020e+00, v2;
	_ =	sdelay $0x1  }
0xa4: {  	(erf) = vpow2.f32 v2;
	_ =	sdelay $0x1  }
0xa5: {  	v2 =	vld [tilespmem:s0+$0x7820]  }
0xa6: {  	v3 =	vld [tilespmem:s0+$0x5020];
	_ =	sdelay $0x4  }
0xa7: {  	v5 =	vadd.s32 v0, v4  }
0xa8: {  	[tilespmem:s0+$0x5010] =	vst v5;
	v4 =	vpop (erf)  }
0xa9: {  	[tilespmem:s0+$0xA010] =	vst v4  }
0xaa: {  	v4 =	vld.idx.msk [tilespmem:v3+s5+$0x0], $0xffff  }
0xab: {  	v2 =	vld.idx.msk [tilespmem:v2+s19+$0x0], $0xffff;
	_ =	sdelay $0x5  }
0xac: {  	v2 =	vadd.f32 v2, v4;
	_ =	sdelay $0x1  }
0xad: {  	v4 =	vmul.f32 $2.000000030e-01, v2;
	_ =	sdelay $0x1  }
0xae: {  	v2 =	vmax.f32 v2, v4  }
0xaf: {  	v2 =	vmul.f32 $1.442695020e+00, v2;
	_ =	sdelay $0x1  }
0xb0: {  	(erf) = vpow2.f32 v2;
	_ =	sdelay $0x1  }
0xb1: {  	v2 =	vld [tilespmem:s0+$0x7830]  }
0xb2: {  	v4 =	vld [tilespmem:s0+$0x5030];
	_ =	sdelay $0x4  }
0xb3: {  	v5 =	vadd.s32 v0, v3  }
0xb4: {  	[tilespmem:s0+$0x5020] =	vst v5;
	v3 =	vpop (erf)  }
0xb5: {  	[tilespmem:s0+$0xA020] =	vst v3  }
0xb6: {  	v3 =	vld.idx.msk [tilespmem:v4+s5+$0x0], $0xffff  }
0xb7: {  	v4 =	vadd.s32 v0, v4;
	v2 =	vld.idx.msk [tilespmem:v2+s19+$0x0], $0xffff  }
0xb8: {  	[tilespmem:s0+$0x5030] =	vst v4;
	_ =	sdelay $0x4  }
0xb9: {  	v2 =	vadd.f32 v2, v3;
	_ =	sdelay $0x1  }
0xba: {  	v3 =	vmul.f32 $2.000000030e-01, v2;
	_ =	sdelay $0x1  }
0xbb: {  	v2 =	vmax.f32 v2, v3  }
0xbc: {  	v2 =	vmul.f32 $1.442695020e+00, v2;
	_ =	sdelay $0x1  }
0xbd: {  	(erf) = vpow2.f32 v2;
	_ =	sdelay $0x1  }
0xbe: {  	v2 =	vld [tilespmem:s0+$0x7840]  }
0xbf: {  	v3 =	vld [tilespmem:s0+$0x5040];
	_ =	sdelay $0x5  }
0xc0: {  	v4 =	vpop (erf)  }
0xc1: {  	[tilespmem:s0+$0xA030] =	vst v4  }
0xc2: {  	v4 =	vld.idx.msk [tilespmem:v3+s5+$0x0], $0xffff  }
0xc3: {  	v3 =	vadd.s32 v0, v3;
	v2 =	vld.idx.msk [tilespmem:v2+s19+$0x0], $0xffff  }
0xc4: {  	[tilespmem:s0+$0x5040] =	vst v3;
	_ =	sdelay $0x4  }
0xc5: {  	v2 =	vadd.f32 v2, v4;
	_ =	sdelay $0x1  }
0xc6: {  	v3 =	vmul.f32 $2.000000030e-01, v2;
	_ =	sdelay $0x1  }
0xc7: {  	v2 =	vmax.f32 v2, v3  }
0xc8: {  	v2 =	vmul.f32 $1.442695020e+00, v2;
	_ =	sdelay $0x1  }
0xc9: {  	(erf) = vpow2.f32 v2;
	_ =	sdelay $0x1  }
0xca: {  	v2 =	vld [tilespmem:s0+$0x7850]  }
0xcb: {  	v3 =	vld [tilespmem:s0+$0x5050];
	_ =	sdelay $0x5  }
0xcc: {  	v4 =	vpop (erf)  }
0xcd: {  	[tilespmem:s0+$0xA040] =	vst v4  }
0xce: {  	v4 =	vld.idx.msk [tilespmem:v3+s5+$0x0], $0xffff  }
0xcf: {  	v3 =	vadd.s32 v0, v3;
	v2 =	vld.idx.msk [tilespmem:v2+s19+$0x0], $0xffff  }
0xd0: {  	[tilespmem:s0+$0x5050] =	vst v3;
	_ =	sdelay $0x4  }
0xd1: {  	v2 =	vadd.f32 v2, v4;
	_ =	sdelay $0x1  }
0xd2: {  	v3 =	vmul.f32 $2.000000030e-01, v2;
	_ =	sdelay $0x1  }
0xd3: {  	v2 =	vmax.f32 v2, v3  }
0xd4: {  	v2 =	vmul.f32 $1.442695020e+00, v2;
	_ =	sdelay $0x1  }
0xd5: {  	(erf) = vpow2.f32 v2;
	_ =	sdelay $0x1  }
0xd6: {  	v2 =	vld [tilespmem:s0+$0x7860]  }
0xd7: {  	v3 =	vld [tilespmem:s0+$0x5060];
	_ =	sdelay $0x5  }
0xd8: {  	v4 =	vpop (erf)  }
0xd9: {  	[tilespmem:s0+$0xA050] =	vst v4  }
0xda: {  	v4 =	vld.idx.msk [tilespmem:v3+s5+$0x0], $0xffff  }
0xdb: {  	v3 =	vadd.s32 v0, v3;
	v2 =	vld.idx.msk [tilespmem:v2+s19+$0x0], $0xffff  }
0xdc: {  	[tilespmem:s0+$0x5060] =	vst v3;
	_ =	sdelay $0x4  }
0xdd: {  	v2 =	vadd.f32 v2, v4;
	_ =	sdelay $0x1  }
0xde: {  	v3 =	vmul.f32 $2.000000030e-01, v2;
	_ =	sdelay $0x1  }
0xdf: {  	v2 =	vmax.f32 v2, v3  }
0xe0: {  	v2 =	vmul.f32 $1.442695020e+00, v2;
	_ =	sdelay $0x1  }
0xe1: {  	(erf) = vpow2.f32 v2;
	_ =	sdelay $0x1  }
0xe2: {  	v2 =	vld [tilespmem:s0+$0x7870]  }
0xe3: {  	v3 =	vld [tilespmem:s0+$0x5070];
	_ =	sdelay $0x5  }
0xe4: {  	v4 =	vpop (erf)  }
0xe5: {  	[tilespmem:s0+$0xA060] =	vst v4  }
0xe6: {  	v4 =	vld.idx.msk [tilespmem:v3+s5+$0x0], $0xffff  }
0xe7: {  	v3 =	vadd.s32 v0, v3;
	v2 =	vld.idx.msk [tilespmem:v2+s19+$0x0], $0xffff  }
0xe8: {  	[tilespmem:s0+$0x5070] =	vst v3;
	_ =	sdelay $0x4  }
0xe9: {  	v2 =	vadd.f32 v2, v4;
	_ =	sdelay $0x1  }
0xea: {  	v3 =	vmul.f32 $2.000000030e-01, v2  }
.Ltmp0:
0xeb: {  	(pc) =	sbr.rel @p0 .LBB2_2-.Ltmp0, $3  }
0xec: {  	v2 =	vmax.f32 v2, v3  }
0xed: {  	v2 =	vmul.f32 $1.442695020e+00, v2;
	_ =	sdelay $0x1  }
0xee: {  	(erf) = vpow2.f32 v2  }
0xef: {  	_ = 	snop  }
0xf0: {  	s2 =	sshra.s32 s2, $0x2  }
0xf1: {  	v2 =	vld [tilespmem:s2+$0x5000]  }
0xf2: {  	v3 =	vld [tilespmem:s2+$0x7800];
	_ =	sdelay $0x4  }
0xf3: {  	v4 =	vpop (erf)  }
0xf4: {  	[tilespmem:s0+$0xA070] =	vst v4  }
0xf5: {  	v4 =	vld.idx.msk [tilespmem:v2+s5+$0x0], $0xffff  }
0xf6: {  	v3 =	vld.idx.msk [tilespmem:v3+s19+$0x0], $0xffff;
	_ =	sdelay $0x4  }
0xf7: {  	v3 =	vadd.f32 v3, v4;
	_ =	sdelay $0x1  }
0xf8: {  	v4 =	vmul.f32 $2.000000030e-01, v3;
	_ =	sdelay $0x1  }
0xf9: {  	v3 =	vmax.f32 v3, v4  }
0xfa: {  	v3 =	vmul.f32 $1.442695020e+00, v3;
	_ =	sdelay $0x1  }
0xfb: {  	(erf) = vpow2.f32 v3;
	_ =	sdelay $0x2  }
0xfc: {  	v3 =	vld [tilespmem:s2+$0x5010]  }
0xfd: {  	v57 =	vld [tilespmem:s2+$0x7810];
	_ =	sdelay $0x1  }
0xfe: {  	v2 =	vadd.s32 v0, v2;
	_ =	sdelay $0x2  }
0xff: {  	[tilespmem:s2+$0x5000] =	vst v2;
	v2 =	vpop (erf)  }
0x100: {  	[tilespmem:s2+$0xA000] =	vst v2  }
0x101: {  	v2 =	vld.idx.msk [tilespmem:v3+s5+$0x0], $0xffff  }
0x102: {  	v4 =	vld.idx.msk [tilespmem:v57+s19+$0x0], $0xffff;
	_ =	sdelay $0x4  }
0x103: {  	v2 =	vadd.f32 v4, v2;
	_ =	sdelay $0x1  }
0x104: {  	v4 =	vmul.f32 $2.000000030e-01, v2;
	_ =	sdelay $0x1  }
0x105: {  	v2 =	vmax.f32 v2, v4  }
0x106: {  	v2 =	vmul.f32 $1.442695020e+00, v2;
	_ =	sdelay $0x1  }
0x107: {  	(erf) = vpow2.f32 v2;
	_ =	sdelay $0x2  }
0x108: {  	v2 =	vld [tilespmem:s2+$0x5020]  }
0x109: {  	v58 =	vld [tilespmem:s2+$0x7820];
	_ =	sdelay $0x1  }
0x10a: {  	v3 =	vadd.s32 v0, v3;
	_ =	sdelay $0x2  }
0x10b: {  	[tilespmem:s2+$0x5010] =	vst v3;
	v3 =	vpop (erf)  }
0x10c: {  	[tilespmem:s2+$0xA010] =	vst v3  }
0x10d: {  	v3 =	vld.idx.msk [tilespmem:v2+s5+$0x0], $0xffff  }
0x10e: {  	v4 =	vld.idx.msk [tilespmem:v58+s19+$0x0], $0xffff;
	_ =	sdelay $0x4  }
0x10f: {  	v3 =	vadd.f32 v4, v3;
	_ =	sdelay $0x1  }
0x110: {  	v4 =	vmul.f32 $2.000000030e-01, v3;
	_ =	sdelay $0x1  }
0x111: {  	v3 =	vmax.f32 v3, v4  }
0x112: {  	v3 =	vmul.f32 $1.442695020e+00, v3;
	_ =	sdelay $0x1  }
0x113: {  	(erf) = vpow2.f32 v3;
	_ =	sdelay $0x2  }
0x114: {  	v3 =	vld [tilespmem:s2+$0x5030]  }
0x115: {  	v59 =	vld [tilespmem:s2+$0x7830];
	_ =	sdelay $0x1  }
0x116: {  	v2 =	vadd.s32 v0, v2;
	_ =	sdelay $0x2  }
0x117: {  	[tilespmem:s2+$0x5020] =	vst v2;
	v2 =	vpop (erf)  }
0x118: {  	[tilespmem:s2+$0xA020] =	vst v2  }
0x119: {  	v2 =	vld.idx.msk [tilespmem:v3+s5+$0x0], $0xffff  }
0x11a: {  	v4 =	vld.idx.msk [tilespmem:v59+s19+$0x0], $0xffff;
	_ =	sdelay $0x4  }
0x11b: {  	v2 =	vadd.f32 v4, v2;
	_ =	sdelay $0x1  }
0x11c: {  	v4 =	vmul.f32 $2.000000030e-01, v2;
	_ =	sdelay $0x1  }
0x11d: {  	v2 =	vmax.f32 v2, v4  }
0x11e: {  	v2 =	vmul.f32 $1.442695020e+00, v2;
	_ =	sdelay $0x1  }
0x11f: {  	(erf) = vpow2.f32 v2;
	_ =	sdelay $0x2  }
0x120: {  	v2 =	vld [tilespmem:s2+$0x5040]  }
0x121: {  	v60 =	vld [tilespmem:s2+$0x7840];
	_ =	sdelay $0x1  }
0x122: {  	v3 =	vadd.s32 v0, v3;
	_ =	sdelay $0x2  }
0x123: {  	[tilespmem:s2+$0x5030] =	vst v3;
	v3 =	vpop (erf)  }
0x124: {  	[tilespmem:s2+$0xA030] =	vst v3  }
0x125: {  	v3 =	vld.idx.msk [tilespmem:v2+s5+$0x0], $0xffff  }
0x126: {  	v4 =	vld.idx.msk [tilespmem:v60+s19+$0x0], $0xffff;
	_ =	sdelay $0x4  }
0x127: {  	v3 =	vadd.f32 v4, v3;
	_ =	sdelay $0x1  }
0x128: {  	v4 =	vmul.f32 $2.000000030e-01, v3;
	_ =	sdelay $0x1  }
0x129: {  	v3 =	vmax.f32 v3, v4  }
0x12a: {  	v3 =	vmul.f32 $1.442695020e+00, v3;
	_ =	sdelay $0x1  }
0x12b: {  	(erf) = vpow2.f32 v3;
	_ =	sdelay $0x2  }
0x12c: {  	v3 =	vld [tilespmem:s2+$0x5050]  }
0x12d: {  	v61 =	vld [tilespmem:s2+$0x7850];
	_ =	sdelay $0x1  }
0x12e: {  	v2 =	vadd.s32 v0, v2;
	_ =	sdelay $0x2  }
0x12f: {  	[tilespmem:s2+$0x5040] =	vst v2;
	v2 =	vpop (erf)  }
0x130: {  	[tilespmem:s2+$0xA040] =	vst v2  }
0x131: {  	v2 =	vld.idx.msk [tilespmem:v3+s5+$0x0], $0xffff  }
0x132: {  	v4 =	vld.idx.msk [tilespmem:v61+s19+$0x0], $0xffff;
	_ =	sdelay $0x4  }
0x133: {  	v2 =	vadd.f32 v4, v2;
	_ =	sdelay $0x1  }
0x134: {  	v4 =	vmul.f32 $2.000000030e-01, v2;
	_ =	sdelay $0x1  }
0x135: {  	v2 =	vmax.f32 v2, v4  }
0x136: {  	v2 =	vmul.f32 $1.442695020e+00, v2;
	_ =	sdelay $0x1  }
0x137: {  	(erf) = vpow2.f32 v2;
	_ =	sdelay $0x2  }
0x138: {  	v2 =	vld [tilespmem:s2+$0x5060]  }
0x139: {  	v62 =	vld [tilespmem:s2+$0x7860];
	_ =	sdelay $0x1  }
0x13a: {  	v3 =	vadd.s32 v0, v3;
	_ =	sdelay $0x2  }
0x13b: {  	[tilespmem:s2+$0x5050] =	vst v3;
	v3 =	vpop (erf)  }
0x13c: {  	[tilespmem:s2+$0xA050] =	vst v3  }
0x13d: {  	v3 =	vld.idx.msk [tilespmem:v2+s5+$0x0], $0xffff  }
0x13e: {  	v4 =	vld.idx.msk [tilespmem:v62+s19+$0x0], $0xffff;
	_ =	sdelay $0x4  }
0x13f: {  	v3 =	vadd.f32 v4, v3;
	_ =	sdelay $0x1  }
0x140: {  	v4 =	vmul.f32 $2.000000030e-01, v3;
	_ =	sdelay $0x1  }
0x141: {  	v3 =	vmax.f32 v3, v4  }
0x142: {  	v3 =	vmul.f32 $1.442695020e+00, v3;
	_ =	sdelay $0x1  }
0x143: {  	(erf) = vpow2.f32 v3;
	_ =	sdelay $0x2  }
0x144: {  	v3 =	vld [tilespmem:s2+$0x5070]  }
0x145: {  	v63 =	vld [tilespmem:s2+$0x7870];
	_ =	sdelay $0x1  }
0x146: {  	v2 =	vadd.s32 v0, v2;
	_ =	sdelay $0x2  }
0x147: {  	[tilespmem:s2+$0x5060] =	vst v2;
	v2 =	vpop (erf)  }
0x148: {  	[tilespmem:s2+$0xA060] =	vst v2  }
0x149: {  	v2 =	vld.idx.msk [tilespmem:v3+s5+$0x0], $0xffff  }
0x14a: {  	v4 =	vld.idx.msk [tilespmem:v63+s19+$0x0], $0xffff;
	_ =	sdelay $0x4  }
0x14b: {  	v2 =	vadd.f32 v4, v2;
	_ =	sdelay $0x1  }
0x14c: {  	v4 =	vmul.f32 $2.000000030e-01, v2;
	_ =	sdelay $0x1  }
0x14d: {  	v2 =	vmax.f32 v2, v4  }
0x14e: {  	v2 =	vmul.f32 $1.442695020e+00, v2;
	_ =	sdelay $0x1  }
0x14f: {  	(erf) = vpow2.f32 v2;
	_ =	sdelay $0x5  }
0x150: {  	v2 =	vadd.s32 v0, v3;
	_ =	sdelay $0x2  }
0x151: {  	[tilespmem:s2+$0x5070] =	vst v2;
	v2 =	vpop (erf)  }
0x152: {  	[tilespmem:s2+$0xA070] =	vst v2  }
0x153: {  	s30 =	simm.s32 $0x0;
	s31 =	simm.s32 $0x0;
	[bflag:$0x0] =	sbarrier.arrive $0xFFFF  }
0x154: {  	[tilespmem:s23], [sflag:$0x1] =	stream.indirect.gather [hbm4b:s1+s22], $0x20, s7, s22, $0xb8;
	[tilespmem:$0x13A80] =	vst v63  }
.LBB2_4:
0x155: {  	s2 =	sshll.u32 s31, $0x8;
	v10 =	vmov s30;
	s0 =	simm.s32 $0x1  }
0x156: {  	s6 =	simm.s32 $0x2;
	s21 =	simm.s32 $0x3;
	s7 =	simm.s32 $0x4;
	v3 =	vmov s2;
	v10 =	vshrl.u32 v10, $0x3;
	v11 =	vmov s0  }
0x157: {  	s20 =	simm.s32 $0x7;
	v12 =	vmov s6;
	v13 =	vmov s21;
	v14 =	vmov s7  }
0x158: {  	v17 =	vmov s20;
	v4 =	vor.u32 $0x1, v3;
	v5 =	vor.u32 $0x2, v3  }
0x159: {  	s6 =	simm.s32 $0x5;
	s7 =	simm.s32 $0x6;
	v6 =	vor.u32 $0x3, v3;
	v7 =	vor.u32 $0x4, v3;
	v10 =	vshll.u32 v10, v1  }
0x15a: {  	v15 =	vmov s6;
	v16 =	vmov s7;
	v11 =	vshrl.u32 v11, $0x3  }
0x15b: {  	v12 =	vshrl.u32 v12, $0x3;
	v13 =	vshrl.u32 v13, $0x3;
	v11 =	vshll.u32 v11, v1  }
0x15c: {  	s8 =	sshllo.u32 s31, $0x1;
	v14 =	vshrl.u32 v14, $0x3;
	v10 =	vadd.s32 v3, v10;
	v11 =	vadd.s32 v11, v4  }
0x15d: {  	_ =	swait.ge [sflag:s24], $0x1000;
	s0 =	sshll.u32 s8, $0x7;
	v12 =	vshll.u32 v12, v1;
	v13 =	vshll.u32 v13, v1;
	v11 =	vbroadcast v11, $0x0  }
0x15e: {  	[sflag:s24] =	ssyncset.done $0x0;
	s21 =	sand.u32 $0x3FFFFF80, s0;
	v14 =	vshll.u32 v14, v1;
	v10 =	vbroadcast v10, $0x0;
	v12 =	vadd.s32 v12, v5  }
0x15f: {  	[sflag:s24] =	ssyncadd.s32 $0xFFFFF000;
	s7 =	sadd.s32 $0x5000, s21;
	s21 =	simm.s32 $0xC880;
	v13 =	vadd.s32 v13, v6;
	v14 =	vadd.s32 v14, v7;
	v12 =	vbroadcast v12, $0x0  }
0x160: {  	[tilespmem:s25], [sflag:$0x2] =	stream.indirect.gather [hbm4b:s1+s22], $0x20, s7, s22, $0xb8;
	v13 =	vbroadcast v13, $0x0;
	v18 =	vbroadcast v14, $0x0;
	v14 =	vshrl.u32 v17, $0x3;
	[tilespmem:$0x13A80] =	vst v63  }
0x161: {  	v2 =	vor.u32 $0x7, v3;
	v15 =	vshrl.u32 v15, $0x3;
	v24 =	vld [tilespmem:s21+$0xFFFFFF80];
	v14 =	vshll.u32 v14, v1  }
0x162: {  	v8 =	vor.u32 $0x5, v3;
	v15 =	vshll.u32 v15, v1;
	v27 =	vld [tilespmem:s21+$0xFFFFFF90];
	v14 =	vadd.s32 v14, v2  }
0x163: {  	v15 =	vadd.s32 v15, v8;
	v19 =	vld.idx.msk [tilespmem:v11+s26+$0x0], $0xffff;
	v11 =	vbroadcast v14, $0x0  }
0x164: {  	v15 =	vbroadcast v15, $0x0;
	v17 =	vld.idx.msk [tilespmem:v10+s26+$0x0], $0xffff  }
0x165: {  	v21 =	vld.idx.msk [tilespmem:v12+s26+$0x0], $0xffff  }
0x166: {  	v16 =	vshrl.u32 v16, $0x3;
	v14 =	vld.idx.msk [tilespmem:v13+s26+$0x0], $0xffff  }
0x167: {  	v9 =	vor.u32 $0x6, v3;
	v16 =	vshll.u32 v16, v1;
	s7 =	simm.s32 $0xA;
	v13 =	vld.idx.msk [tilespmem:v18+s26+$0x0], $0xffff  }
0x168: {  	s20 =	simm.s32 $0x9;
	v16 =	vadd.s32 v16, v9;
	v20 =	vmov s7;
	v18 =	vld [tilespmem:s21+$0x70]  }
0x169: {  	s8 =	simm.s32 $0x8;
	v20 =	vshrl.u32 v20, $0x3;
	v10 =	vbroadcast v16, $0x0;
	v16 =	vmov s20;
	s20 =	simm.s32 $0xC;
	v11 =	vld.idx.msk [tilespmem:v11+s26+$0x0], $0xffff  }
0x16a: {  	v23 =	vmov s20;
	s20 =	simm.s32 $0xE;
	v16 =	vshrl.u32 v16, $0x3;
	v12 =	vld.idx.msk [tilespmem:v15+s26+$0x0], $0xffff;
	v15 =	vmov s8  }
0x16b: {  	v28 =	vld [tilespmem:s21+$0xFFFFFFA0];
	s8 =	simm.s32 $0xB;
	v26 =	vmov s20;
	v23 =	vshrl.u32 v23, $0x3;
	v30 =	vshll.u32 v16, v1  }
0x16c: {  	v29 =	vld [tilespmem:s21+$0xFFFFFFB0];
	v15 =	vshrl.u32 v15, $0x3;
	v22 =	vmov s8;
	s8 =	simm.s32 $0xD;
	v26 =	vshrl.u32 v26, $0x3  }
0x16d: {  	v31 =	vld [tilespmem:s21+$0xFFFFFFC0];
	v23 =	vshll.u32 v23, v1;
	v15 =	vshll.u32 v15, v1;
	v25 =	vmov s8  }
0x16e: {  	v32 =	vld [tilespmem:s21+$0xFFFFFFD0];
	v22 =	vshrl.u32 v22, $0x3;
	v23 =	vadd.s32 v23, v7;
	v16 =	vmul.f32 v18, v11  }
0x16f: {  	v33 =	vld [tilespmem:s21+$0xFFFFFFE0];
	v18 =	vshll.u32 v20, v1;
	v20 =	vshll.u32 v22, v1;
	v22 =	vmul.f32 v24, v17  }
0x170: {  	v25 =	vshrl.u32 v25, $0x3;
	v15 =	vadd.s32 v3, v15;
	v10 =	vld.idx.msk [tilespmem:v10+s26+$0x0], $0xffff;
	v17 =	vmul.f32 v27, v17;
	[tilespmem:s21+$0x70] =	vst v16  }
0x171: {  	v15 =	vbroadcast v15, $0x0;
	v24 =	vshll.u32 v25, v1;
	[tilespmem:s21+$0xFFFFFF80] =	vst v22;
	v22 =	vmul.f32 v28, v19;
	v16 =	vld [tilespmem:s21+$0xFFFFFFF0]  }
0x172: {  	v25 =	vshll.u32 v26, v1;
	v26 =	vadd.s32 v30, v4;
	[tilespmem:s21+$0xFFFFFF90] =	vst v17;
	v19 =	vmul.f32 v29, v19;
	v17 =	vld [tilespmem:s21+$0x0]  }
0x173: {  	v27 =	vadd.s32 v20, v6;
	v28 =	vadd.s32 v18, v5;
	v29 =	vmul.f32 v31, v21;
	v18 =	vld [tilespmem:s21+$0x10];
	[tilespmem:s21+$0xFFFFFFA0] =	vst v22  }
0x174: {  	v20 =	vbroadcast v26, $0x0;
	v24 =	vadd.s32 v24, v8;
	v26 =	vmul.f32 v32, v21;
	[tilespmem:s21+$0xFFFFFFB0] =	vst v19;
	v19 =	vld [tilespmem:s21+$0x20]  }
0x175: {  	s6 =	simm.s32 $0x10;
	s7 =	simm.s32 $0xF;
	v25 =	vadd.s32 v25, v9;
	v21 =	vld [tilespmem:s21+$0x30];
	v22 =	vbroadcast v28, $0x0;
	[tilespmem:s21+$0xFFFFFFC0] =	vst v29;
	v28 =	vmul.f32 v33, v14  }
.LBB2_5:
0x176: {  	p0 =	slt.u32 s6, $0x78;
	v27 =	vbroadcast v27, $0x0;
	v29 =	vmov s7;
	[tilespmem:s21+$0xFFFFFFD0] =	vst v26;
	v14 =	vmul.f32 v16, v14;
	v16 =	vld [tilespmem:s21+$0x40]  }
0x177: {  	v23 =	vbroadcast v23, $0x0;
	v26 =	vshrl.u32 v29, $0x3;
	[tilespmem:s21+$0xFFFFFFE0] =	vst v28;
	v17 =	vmul.f32 v17, v13;
	v28 =	vld [tilespmem:s21+$0x50]  }
0x178: {  	v24 =	vbroadcast v24, $0x0;
	v26 =	vshll.u32 v26, v1;
	[tilespmem:s21+$0xFFFFFFF0] =	vst v14;
	v13 =	vmul.f32 v18, v13;
	v18 =	vld [tilespmem:s21+$0x60]  }
0x179: {  	v25 =	vbroadcast v25, $0x0;
	v15 =	vld.idx.msk [tilespmem:v15+s26+$0x0], $0xffff;
	v14 =	vadd.s32 v26, v2;
	[tilespmem:s21+$0x0] =	vst v17;
	v17 =	vmul.f32 v19, v12  }
0x17a: {  	v19 =	vld.idx.msk [tilespmem:v20+s26+$0x0], $0xffff;
	v20 =	vbroadcast v14, $0x0;
	[tilespmem:s21+$0x10] =	vst v13;
	v12 =	vmul.f32 v21, v12  }
0x17b: {  	v21 =	vld.idx.msk [tilespmem:v22+s26+$0x0], $0xffff;
	[tilespmem:s21+$0x20] =	vst v17;
	v16 =	vmul.f32 v16, v10  }
0x17c: {  	v14 =	vld.idx.msk [tilespmem:v27+s26+$0x0], $0xffff;
	[tilespmem:s21+$0x30] =	vst v12;
	v10 =	vmul.f32 v28, v10  }
0x17d: {  	v13 =	vld.idx.msk [tilespmem:v23+s26+$0x0], $0xffff;
	[tilespmem:s21+$0x40] =	vst v16;
	v11 =	vmul.f32 v18, v11  }
0x17e: {  	v12 =	vld.idx.msk [tilespmem:v24+s26+$0x0], $0xffff;
	[tilespmem:s21+$0x50] =	vst v10  }
0x17f: {  	v10 =	vld.idx.msk [tilespmem:v25+s26+$0x0], $0xffff;
	[tilespmem:s21+$0x60] =	vst v11  }
0x180: {  	s7 =	sadd.s32 $0x1, s6;
	v16 =	vmov s6;
	s21 =	sadd.s32 $0x100, s21;
	v11 =	vld.idx.msk [tilespmem:v20+s26+$0x0], $0xffff  }
0x181: {  	s20 =	sadd.s32 $0x3, s6;
	s8 =	sadd.s32 $0x4, s6;
	v17 =	vmov s7;
	s7 =	sadd.s32 $0x2, s6;
	v16 =	vshrl.u32 v16, $0x3;
	v18 =	vld [tilespmem:s21+$0x70]  }
0x182: {  	v22 =	vmov s20;
	v23 =	vmov s8;
	s8 =	sadd.s32 $0x6, s6;
	v20 =	vmov s7;
	s7 =	sadd.s32 $0x5, s6;
	v24 =	vld [tilespmem:s21+$0xFFFFFF80]  }
0x183: {  	v26 =	vmov s8;
	v16 =	vshll.u32 v16, v1;
	v25 =	vmov s7;
	v27 =	vld [tilespmem:s21+$0xFFFFFF90]  }
0x184: {  	v17 =	vshrl.u32 v17, $0x3;
	v22 =	vshrl.u32 v22, $0x3;
	v20 =	vshrl.u32 v20, $0x3;
	v28 =	vld [tilespmem:s21+$0xFFFFFFA0]  }
0x185: {  	v23 =	vshrl.u32 v23, $0x3;
	v26 =	vshrl.u32 v26, $0x3;
	v25 =	vshrl.u32 v25, $0x3;
	v29 =	vld [tilespmem:s21+$0xFFFFFFB0]  }
0x186: {  	v17 =	vshll.u32 v17, v1;
	v16 =	vadd.s32 v3, v16;
	v30 =	vld [tilespmem:s21+$0xFFFFFFC0];
	v18 =	vmul.f32 v18, v11  }
0x187: {  	v22 =	vshll.u32 v22, v1;
	v20 =	vshll.u32 v20, v1;
	v24 =	vmul.f32 v24, v15;
	v31 =	vld [tilespmem:s21+$0xFFFFFFD0]  }
0x188: {  	v23 =	vshll.u32 v23, v1;
	v25 =	vshll.u32 v25, v1;
	v27 =	vmul.f32 v27, v15;
	v32 =	vld [tilespmem:s21+$0xFFFFFFE0];
	[tilespmem:s21+$0x70] =	vst v18  }
.Ltmp1:
0x189: {  	v33 =	vshll.u32 v26, v1;
	v15 =	vbroadcast v16, $0x0;
	[tilespmem:s21+$0xFFFFFF80] =	vst v24;
	v18 =	vmul.f32 v28, v19;
	v16 =	vld [tilespmem:s21+$0xFFFFFFF0];
	(pc) =	sbr.rel @p0 .LBB2_5-.Ltmp1, $4  }
0x18a: {  	v24 =	vadd.s32 v17, v4;
	v28 =	vadd.s32 v20, v5;
	[tilespmem:s21+$0xFFFFFF90] =	vst v27;
	v19 =	vmul.f32 v29, v19;
	v17 =	vld [tilespmem:s21+$0x0]  }
0x18b: {  	v23 =	vadd.s32 v23, v7;
	v27 =	vadd.s32 v22, v6;
	[tilespmem:s21+$0xFFFFFFA0] =	vst v18;
	v29 =	vmul.f32 v30, v21;
	v18 =	vld [tilespmem:s21+$0x10]  }
0x18c: {  	v20 =	vbroadcast v24, $0x0;
	v24 =	vadd.s32 v25, v8;
	[tilespmem:s21+$0xFFFFFFB0] =	vst v19;
	v26 =	vmul.f32 v31, v21;
	v19 =	vld [tilespmem:s21+$0x20]  }
0x18d: {  	s7 =	sadd.s32 $0x7, s6;
	s6 =	sadd.s32 $0x8, s6;
	v22 =	vbroadcast v28, $0x0;
	v25 =	vadd.s32 v33, v9;
	[tilespmem:s21+$0xFFFFFFC0] =	vst v29;
	v28 =	vmul.f32 v32, v14;
	v21 =	vld [tilespmem:s21+$0x30]  }
0x18e: {  	_ = 	snop  }
0x18f: {  	v5 =	vld [tilespmem:s21+$0x40]  }
0x190: {  	v4 =	vmov s7;
	v7 =	vld [tilespmem:s21+$0x50]  }
0x191: {  	v9 =	vld [tilespmem:s21+$0x60];
	v4 =	vshrl.u32 v4, $0x3  }
0x192: {  	v15 =	vld.idx.msk [tilespmem:v15+s26+$0x0], $0xffff;
	v14 =	vmul.f32 v16, v14;
	v4 =	vshll.u32 v4, v1  }
0x193: {  	v3 =	vbroadcast v27, $0x0;
	v16 =	vmul.f32 v17, v13;
	v2 =	vadd.s32 v4, v2;
	v4 =	vld.idx.msk [tilespmem:v20+s26+$0x0], $0xffff  }
0x194: {  	v6 =	vbroadcast v23, $0x0;
	s6 =	sadd.s32 $0x100, s21;
	[tilespmem:s21+$0xFFFFFFF0] =	vst v14;
	v13 =	vmul.f32 v18, v13;
	v20 =	vld.idx.msk [tilespmem:v22+s26+$0x0], $0xffff  }
0x195: {  	v8 =	vbroadcast v24, $0x0;
	[tilespmem:s21+$0x0] =	vst v16;
	v14 =	vmul.f32 v19, v12;
	v16 =	vld [tilespmem:s6+$0x70]  }
0x196: {  	[tilespmem:s21+$0x10] =	vst v13;
	v13 =	vld [tilespmem:s6+$0xFFFFFF80]  }
0x197: {  	[tilespmem:s21+$0x20] =	vst v14;
	v14 =	vld [tilespmem:s6+$0xFFFFFF90]  }
0x198: {  	v5 =	vmul.f32 v5, v10;
	v7 =	vmul.f32 v7, v10;
	v10 =	vld [tilespmem:s6+$0xFFFFFFA0]  }
0x199: {  	v2 =	vbroadcast v2, $0x0;
	v12 =	vmul.f32 v21, v12;
	v3 =	vld.idx.msk [tilespmem:v3+s26+$0x0], $0xffff  }
0x19a: {  	v6 =	vld.idx.msk [tilespmem:v6+s26+$0x0], $0xffff  }
0x19b: {  	v8 =	vld.idx.msk [tilespmem:v8+s26+$0x0], $0xffff;
	[tilespmem:s21+$0x30] =	vst v12  }
0x19c: {  	[tilespmem:s21+$0x40] =	vst v5;
	v5 =	vmul.f32 v9, v11;
	v9 =	vld [tilespmem:s6+$0xFFFFFFB0]  }
0x19d: {  	[tilespmem:s21+$0x50] =	vst v7;
	v7 =	vld [tilespmem:s6+$0xFFFFFFC0]  }
0x19e: {  	v23 =	vbroadcast v25, $0x0;
	v12 =	vld [tilespmem:s6+$0xFFFFFFD0];
	[tilespmem:s21+$0x60] =	vst v5;
	v5 =	vmul.f32 v13, v15  }
0x19f: {  	[tilespmem:s21+$0xFFFFFFD0] =	vst v26;
	v2 =	vld.idx.msk [tilespmem:v2+s26+$0x0], $0xffff  }
0x1a0: {  	v13 =	vmul.f32 v14, v15;
	v14 =	vld [tilespmem:s6+$0xFFFFFFE0];
	[tilespmem:s6+$0xFFFFFF80] =	vst v5;
	v5 =	vmul.f32 v10, v4  }
0x1a1: {  	[tilespmem:s21+$0xFFFFFFE0] =	vst v28;
	v10 =	vld [tilespmem:s6+$0xFFFFFFF0];
	v4 =	vmul.f32 v9, v4  }
0x1a2: {  	v9 =	vld [tilespmem:s6+$0x0];
	[tilespmem:s6+$0xFFFFFFA0] =	vst v5;
	v5 =	vmul.f32 v7, v20  }
0x1a3: {  	v7 =	vld [tilespmem:s6+$0x10];
	[tilespmem:s6+$0xFFFFFFB0] =	vst v4;
	v4 =	vmul.f32 v12, v20  }
0x1a4: {  	v17 =	vld.idx.msk [tilespmem:v23+s26+$0x0], $0xffff;
	v11 =	vmul.f32 v16, v2;
	[tilespmem:s6+$0xFFFFFFC0] =	vst v5  }
0x1a5: {  	v12 =	vld [tilespmem:s6+$0x30];
	v5 =	vmul.f32 v14, v3;
	[tilespmem:s6+$0xFFFFFFD0] =	vst v4  }
0x1a6: {  	v3 =	vmul.f32 v10, v3;
	v4 =	vld [tilespmem:s6+$0x40];
	[tilespmem:s6+$0x70] =	vst v11  }
0x1a7: {  	v11 =	vld [tilespmem:s6+$0x20];
	[tilespmem:s6+$0xFFFFFFE0] =	vst v5  }
0x1a8: {  	v5 =	vmul.f32 v9, v6;
	v9 =	vld [tilespmem:s6+$0x50];
	[tilespmem:s6+$0xFFFFFFF0] =	vst v3;
	v3 =	vmul.f32 v7, v6  }
0x1a9: {  	[tilespmem:s6+$0xFFFFFF90] =	vst v13;
	v6 =	vld [tilespmem:s6+$0x60]  }
0x1aa: {  	[tilespmem:s6+$0x10] =	vst v3;
	v3 =	vmul.f32 v12, v8  }
0x1ab: {  	[tilespmem:s6+$0x0] =	vst v5;
	v4 =	vmul.f32 v4, v17  }
0x1ac: {  	v5 =	vmul.f32 v11, v8;
	[tilespmem:s6+$0x30] =	vst v3  }
0x1ad: {  	v3 =	vmul.f32 v9, v17;
	[tilespmem:s6+$0x40] =	vst v4  }
0x1ae: {  	s20 =	simm.s32 $0x0;
	v2 =	vmul.f32 v6, v2;
	[tilespmem:s6+$0x20] =	vst v5  }
0x1af: {  	s8 =	simm.s32 $0x2;
	v10 =	vmov s20;
	s20 =	simm.s32 $0x3;
	[tilespmem:s6+$0x50] =	vst v3  }
0x1b0: {  	v10 =	vshrl.u32 v10, $0x3;
	v13 =	vmov s20;
	s20 =	simm.s32 $0x6;
	v12 =	vmov s8;
	s8 =	simm.s32 $0x5;
	[tilespmem:s6+$0x60] =	vst v2;
	s6 =	sadd.s32 $0x7800, s2  }
0x1b1: {  	v10 =	vshll.u32 v10, v1;
	v16 =	vmov s20;
	v13 =	vshrl.u32 v13, $0x3;
	[spmem:s3] =	stream.indirect.scatter.add.f32 [tilespmem:s23], [sflag:$0x3], $0x20, s6, s22, $0xb8;
	[tilespmem:$0x13A80] =	vst v63  }
0x1b2: {  	s21 =	simm.s32 $0x1;
	v13 =	vshll.u32 v13, v1;
	v15 =	vmov s8;
	v12 =	vshrl.u32 v12, $0x3;
	_ =	swait.ge [sflag:s17], $0x1000  }
0x1b3: {  	v11 =	vmov s21;
	s21 =	simm.s32 $0x4;
	v15 =	vshrl.u32 v15, $0x3;
	v12 =	vshll.u32 v12, v1;
	[sflag:s17] =	ssyncset.done $0x0  }
0x1b4: {  	v14 =	vmov s21;
	s21 =	sadd.s32 $0xA000, s2;
	v11 =	vshrl.u32 v11, $0x3;
	v15 =	vshll.u32 v15, v1;
	[sflag:s17] =	ssyncadd.s32 $0xFFFFF000  }
0x1b5: {  	v3 =	vmov s0;
	v14 =	vshrl.u32 v14, $0x3;
	v11 =	vshll.u32 v11, v1;
	[spmem:s4] =	stream.indirect.scatter.add.f32 [tilespmem:s21], [sflag:$0x3], $0x1, s6, s22, $0xb8;
	[tilespmem:$0x13A80] =	vst v63  }
0x1b6: {  	v4 =	vor.u32 $0x1, v3;
	v5 =	vor.u32 $0x2, v3;
	v10 =	vadd.s32 v3, v10;
	_ =	swait.ge [sflag:s17], $0x80  }
0x1b7: {  	v6 =	vor.u32 $0x3, v3;
	v10 =	vbroadcast v10, $0x0;
	v11 =	vadd.s32 v11, v4;
	[sflag:s17] =	ssyncset.done $0x0  }
0x1b8: {  	p0 =	seq.s32 s31, $0x27;
	v7 =	vor.u32 $0x4, v3;
	v12 =	vadd.s32 v12, v5;
	v11 =	vbroadcast v11, $0x0;
	[sflag:s17] =	ssyncadd.s32 $0xFFFFFF80  }
0x1b9: {  	s7 =	simm.s32 @!p0 $0xC800;
	v14 =	vshll.u32 v14, v1;
	s2 =	sshll.u32 @!p0 s31, $0x8;
	v13 =	vadd.s32 v13, v6;
	v12 =	vbroadcast v12, $0x0;
	_ =	swait.ge [sflag:s28], $0x1000  }
0x1ba: {  	s20 =	simm.s32 $0x7;
	v8 =	vor.u32 $0x5, v3;
	s2 =	sand.u32 @!p0 $0x3FFFFF00, s2;
	v14 =	vadd.s32 v14, v7;
	v13 =	vbroadcast v13, $0x0;
	[sflag:s28] =	ssyncset.done $0x0  }
0x1bb: {  	v17 =	vmov s20;
	v15 =	vadd.s32 v15, v8;
	s2 =	sadd.s32 @!p0 $0x5100, s2;
	v18 =	vbroadcast v14, $0x0;
	s6 =	simm.s32 @!p0 $0x80;
	[sflag:s28] =	ssyncadd.s32 $0xFFFFF000  }
0x1bc: {  	v14 =	vshrl.u32 v17, $0x3;
	v15 =	vbroadcast v15, $0x0;
	[tilespmem:s7], [sflag:$0x1] =	stream.indirect.gather @!p0 [hbm4b:s1+s6], $0x20, s2, s6, $0xb8;
	[tilespmem:$0x13A80] =	vst v63  }
0x1bd: {  	v2 =	vor.u32 $0x7, v3;
	v14 =	vshll.u32 v14, v1;
	v17 =	vld.idx.msk [tilespmem:v10+s26+$0x0], $0xffff  }
0x1be: {  	v14 =	vadd.s32 v14, v2;
	v19 =	vld.idx.msk [tilespmem:v11+s26+$0x0], $0xffff  }
0x1bf: {  	v11 =	vbroadcast v14, $0x0;
	v21 =	vld.idx.msk [tilespmem:v12+s26+$0x0], $0xffff  }
0x1c0: {  	v14 =	vld.idx.msk [tilespmem:v13+s26+$0x0], $0xffff  }
0x1c1: {  	v13 =	vld.idx.msk [tilespmem:v18+s26+$0x0], $0xffff  }
0x1c2: {  	s20 =	simm.s32 $0xB;
	s2 =	simm.s32 $0xD880;
	v12 =	vld.idx.msk [tilespmem:v15+s26+$0x0], $0xffff  }
0x1c3: {  	v16 =	vshrl.u32 v16, $0x3;
	v22 =	vmov s20;
	s20 =	simm.s32 $0xD;
	v18 =	vld [tilespmem:s2+$0x70]  }
0x1c4: {  	v16 =	vshll.u32 v16, v1;
	s8 =	simm.s32 $0xA;
	v25 =	vmov s20;
	v9 =	vor.u32 $0x6, v3;
	v24 =	vld [tilespmem:s2+$0xFFFFFF80]  }
0x1c5: {  	v20 =	vmov s8;
	v25 =	vshrl.u32 v25, $0x3;
	v16 =	vadd.s32 v16, v9;
	v11 =	vld.idx.msk [tilespmem:v11+s26+$0x0], $0xffff  }
0x1c6: {  	v20 =	vshrl.u32 v20, $0x3;
	v25 =	vshll.u32 v25, v1;
	s21 =	simm.s32 $0x8;
	v10 =	vbroadcast v16, $0x0;
	v27 =	vld [tilespmem:s2+$0xFFFFFF90]  }
0x1c7: {  	v22 =	vshrl.u32 v22, $0x3;
	v25 =	vadd.s32 v25, v8;
	s7 =	simm.s32 $0x9;
	v15 =	vmov s21;
	s21 =	simm.s32 $0xC;
	v28 =	vld [tilespmem:s2+$0xFFFFFFA0]  }
0x1c8: {  	v16 =	vmov s7;
	v29 =	vld [tilespmem:s2+$0xFFFFFFB0];
	v15 =	vshrl.u32 v15, $0x3;
	v23 =	vmov s21;
	s21 =	simm.s32 $0xE  }
0x1c9: {  	v31 =	vld [tilespmem:s2+$0xFFFFFFC0];
	v16 =	vshrl.u32 v16, $0x3;
	v15 =	vshll.u32 v15, v1;
	v26 =	vmov s21  }
0x1ca: {  	v32 =	vld [tilespmem:s2+$0xFFFFFFE0];
	v23 =	vshrl.u32 v23, $0x3;
	v30 =	vshll.u32 v16, v1;
	v16 =	vmul.f32 v18, v11  }
0x1cb: {  	v18 =	vshll.u32 v20, v1;
	v20 =	vshll.u32 v22, v1;
	v22 =	vmul.f32 v24, v17;
	v24 =	vld [tilespmem:s2+$0xFFFFFFD0]  }
0x1cc: {  	v26 =	vshrl.u32 v26, $0x3;
	v15 =	vadd.s32 v3, v15;
	v10 =	vld.idx.msk [tilespmem:v10+s26+$0x0], $0xffff;
	v17 =	vmul.f32 v27, v17;
	[tilespmem:s2+$0x70] =	vst v16  }
0x1cd: {  	v23 =	vshll.u32 v23, v1;
	v15 =	vbroadcast v15, $0x0;
	[tilespmem:s2+$0xFFFFFF80] =	vst v22;
	v22 =	vmul.f32 v28, v19;
	v16 =	vld [tilespmem:s2+$0xFFFFFFF0]  }
0x1ce: {  	v33 =	vshll.u32 v26, v1;
	v26 =	vadd.s32 v30, v4;
	[tilespmem:s2+$0xFFFFFF90] =	vst v17;
	v19 =	vmul.f32 v29, v19;
	v17 =	vld [tilespmem:s2+$0x0]  }
0x1cf: {  	v23 =	vadd.s32 v23, v7;
	v28 =	vadd.s32 v18, v5;
	v29 =	vmul.f32 v31, v21;
	v18 =	vld [tilespmem:s2+$0x10];
	[tilespmem:s2+$0xFFFFFFA0] =	vst v22  }
0x1d0: {  	v27 =	vadd.s32 v20, v6;
	v20 =	vbroadcast v26, $0x0;
	[tilespmem:s2+$0xFFFFFFB0] =	vst v19;
	v19 =	vld [tilespmem:s2+$0x20];
	v26 =	vmul.f32 v24, v21  }
0x1d1: {  	s6 =	simm.s32 $0x10;
	s7 =	simm.s32 $0xF;
	v22 =	vbroadcast v28, $0x0;
	[tilespmem:s2+$0xFFFFFFC0] =	vst v29;
	v28 =	vmul.f32 v32, v14;
	v24 =	vadd.s32 v33, v9;
	v21 =	vld [tilespmem:s2+$0x30]  }
.LBB2_7:
0x1d2: {  	p0 =	slt.u32 s6, $0x78;
	v27 =	vbroadcast v27, $0x0;
	v29 =	vmov s7;
	[tilespmem:s2+$0xFFFFFFD0] =	vst v26;
	v14 =	vmul.f32 v16, v14;
	v16 =	vld [tilespmem:s2+$0x40]  }
0x1d3: {  	v23 =	vbroadcast v23, $0x0;
	v26 =	vshrl.u32 v29, $0x3;
	[tilespmem:s2+$0xFFFFFFE0] =	vst v28;
	v17 =	vmul.f32 v17, v13;
	v28 =	vld [tilespmem:s2+$0x50]  }
0x1d4: {  	v25 =	vbroadcast v25, $0x0;
	v26 =	vshll.u32 v26, v1;
	[tilespmem:s2+$0xFFFFFFF0] =	vst v14;
	v13 =	vmul.f32 v18, v13;
	v18 =	vld [tilespmem:s2+$0x60]  }
0x1d5: {  	v24 =	vbroadcast v24, $0x0;
	v15 =	vld.idx.msk [tilespmem:v15+s26+$0x0], $0xffff;
	v14 =	vadd.s32 v26, v2;
	[tilespmem:s2+$0x0] =	vst v17;
	v17 =	vmul.f32 v19, v12  }
0x1d6: {  	v19 =	vld.idx.msk [tilespmem:v20+s26+$0x0], $0xffff;
	v20 =	vbroadcast v14, $0x0;
	[tilespmem:s2+$0x10] =	vst v13;
	v12 =	vmul.f32 v21, v12  }
0x1d7: {  	v21 =	vld.idx.msk [tilespmem:v22+s26+$0x0], $0xffff;
	[tilespmem:s2+$0x20] =	vst v17;
	v16 =	vmul.f32 v16, v10  }
0x1d8: {  	v14 =	vld.idx.msk [tilespmem:v27+s26+$0x0], $0xffff;
	[tilespmem:s2+$0x30] =	vst v12;
	v10 =	vmul.f32 v28, v10  }
0x1d9: {  	v13 =	vld.idx.msk [tilespmem:v23+s26+$0x0], $0xffff;
	[tilespmem:s2+$0x40] =	vst v16;
	v11 =	vmul.f32 v18, v11  }
0x1da: {  	v12 =	vld.idx.msk [tilespmem:v25+s26+$0x0], $0xffff;
	[tilespmem:s2+$0x50] =	vst v10  }
0x1db: {  	v10 =	vld.idx.msk [tilespmem:v24+s26+$0x0], $0xffff;
	[tilespmem:s2+$0x60] =	vst v11  }
0x1dc: {  	s7 =	sadd.s32 $0x1, s6;
	v16 =	vmov s6;
	s2 =	sadd.s32 $0x100, s2;
	v11 =	vld.idx.msk [tilespmem:v20+s26+$0x0], $0xffff  }
0x1dd: {  	s8 =	sadd.s32 $0x3, s6;
	s20 =	sadd.s32 $0x4, s6;
	v17 =	vmov s7;
	s7 =	sadd.s32 $0x2, s6;
	v16 =	vshrl.u32 v16, $0x3;
	v18 =	vld [tilespmem:s2+$0x70]  }
0x1de: {  	v22 =	vmov s8;
	s8 =	sadd.s32 $0x6, s6;
	v23 =	vmov s20;
	v20 =	vmov s7;
	s7 =	sadd.s32 $0x5, s6;
	v24 =	vld [tilespmem:s2+$0xFFFFFF80]  }
0x1df: {  	v26 =	vmov s8;
	v16 =	vshll.u32 v16, v1;
	v25 =	vmov s7;
	v27 =	vld [tilespmem:s2+$0xFFFFFF90]  }
0x1e0: {  	v17 =	vshrl.u32 v17, $0x3;
	v22 =	vshrl.u32 v22, $0x3;
	v20 =	vshrl.u32 v20, $0x3;
	v28 =	vld [tilespmem:s2+$0xFFFFFFA0]  }
0x1e1: {  	v26 =	vshrl.u32 v26, $0x3;
	v23 =	vshrl.u32 v23, $0x3;
	v25 =	vshrl.u32 v25, $0x3;
	v29 =	vld [tilespmem:s2+$0xFFFFFFB0]  }
0x1e2: {  	v17 =	vshll.u32 v17, v1;
	v16 =	vadd.s32 v3, v16;
	v30 =	vld [tilespmem:s2+$0xFFFFFFC0];
	v18 =	vmul.f32 v18, v11  }
0x1e3: {  	v22 =	vshll.u32 v22, v1;
	v20 =	vshll.u32 v20, v1;
	v24 =	vmul.f32 v24, v15;
	v31 =	vld [tilespmem:s2+$0xFFFFFFD0]  }
0x1e4: {  	v23 =	vshll.u32 v23, v1;
	v25 =	vshll.u32 v25, v1;
	v27 =	vmul.f32 v27, v15;
	v32 =	vld [tilespmem:s2+$0xFFFFFFE0];
	[tilespmem:s2+$0x70] =	vst v18  }
.Ltmp2:
0x1e5: {  	v33 =	vshll.u32 v26, v1;
	v15 =	vbroadcast v16, $0x0;
	[tilespmem:s2+$0xFFFFFF80] =	vst v24;
	v18 =	vmul.f32 v28, v19;
	v16 =	vld [tilespmem:s2+$0xFFFFFFF0];
	(pc) =	sbr.rel @p0 .LBB2_7-.Ltmp2, $4  }
0x1e6: {  	v24 =	vadd.s32 v17, v4;
	v28 =	vadd.s32 v20, v5;
	[tilespmem:s2+$0xFFFFFF90] =	vst v27;
	v19 =	vmul.f32 v29, v19;
	v17 =	vld [tilespmem:s2+$0x0]  }
0x1e7: {  	v23 =	vadd.s32 v23, v7;
	v27 =	vadd.s32 v22, v6;
	[tilespmem:s2+$0xFFFFFFA0] =	vst v18;
	v29 =	vmul.f32 v30, v21;
	v18 =	vld [tilespmem:s2+$0x10]  }
0x1e8: {  	v25 =	vadd.s32 v25, v8;
	v20 =	vbroadcast v24, $0x0;
	[tilespmem:s2+$0xFFFFFFB0] =	vst v19;
	v26 =	vmul.f32 v31, v21;
	v19 =	vld [tilespmem:s2+$0x20]  }
0x1e9: {  	s7 =	sadd.s32 $0x7, s6;
	s6 =	sadd.s32 $0x8, s6;
	v22 =	vbroadcast v28, $0x0;
	v24 =	vadd.s32 v33, v9;
	[tilespmem:s2+$0xFFFFFFC0] =	vst v29;
	v28 =	vmul.f32 v32, v14;
	v21 =	vld [tilespmem:s2+$0x30]  }
0x1ea: {  	_ = 	snop  }
0x1eb: {  	v5 =	vld [tilespmem:s2+$0x40]  }
0x1ec: {  	v7 =	vld [tilespmem:s2+$0x50]  }
0x1ed: {  	v9 =	vld [tilespmem:s2+$0x60]  }
0x1ee: {  	v32 =	vld.idx.msk [tilespmem:v15+s26+$0x0], $0xffff  }
0x1ef: {  	v20 =	vld.idx.msk [tilespmem:v20+s26+$0x0], $0xffff  }
0x1f0: {  	s6 =	sadd.s32 $0x100, s2;
	v22 =	vld.idx.msk [tilespmem:v22+s26+$0x0], $0xffff  }
0x1f1: {  	v37 =	vld [tilespmem:s6+$0x70]  }
0x1f2: {  	v39 =	vld [tilespmem:s6+$0xFFFFFF80]  }
0x1f3: {  	[tilespmem:s2+$0xFFFFFFD0] =	vst v26;
	v14 =	vmul.f32 v16, v14;
	v40 =	vld [tilespmem:s6+$0xFFFFFF90]  }
0x1f4: {  	[tilespmem:s2+$0xFFFFFFE0] =	vst v28;
	v34 =	vmul.f32 v17, v13;
	v41 =	vld [tilespmem:s6+$0xFFFFFFA0]  }
0x1f5: {  	v43 =	vld [tilespmem:s6+$0xFFFFFFB0];
	[tilespmem:s2+$0xFFFFFFF0] =	vst v14;
	v35 =	vmul.f32 v18, v13  }
0x1f6: {  	v3 =	vbroadcast v27, $0x0;
	v44 =	vld [tilespmem:s6+$0xFFFFFFC0];
	[tilespmem:s2+$0x0] =	vst v34;
	v36 =	vmul.f32 v19, v12  }
0x1f7: {  	v47 =	vld [tilespmem:s6+$0xFFFFFFD0];
	[tilespmem:s2+$0x10] =	vst v35;
	v38 =	vmul.f32 v21, v12  }
0x1f8: {  	v4 =	vmov s7;
	v6 =	vbroadcast v23, $0x0;
	v48 =	vld [tilespmem:s6+$0xFFFFFFE0];
	[tilespmem:s2+$0x20] =	vst v36;
	v5 =	vmul.f32 v5, v10  }
0x1f9: {  	v8 =	vbroadcast v25, $0x0;
	v4 =	vshrl.u32 v4, $0x3;
	v50 =	vld [tilespmem:s6+$0xFFFFFFF0];
	v7 =	vmul.f32 v7, v10;
	[tilespmem:s2+$0x30] =	vst v38  }
0x1fa: {  	v33 =	vbroadcast v24, $0x0;
	v52 =	vld [tilespmem:s6+$0x0];
	v4 =	vshll.u32 v4, v1;
	v42 =	vmul.f32 v9, v11;
	[tilespmem:s2+$0x40] =	vst v5  }
0x1fb: {  	v56 =	vld [tilespmem:s6+$0x20];
	v2 =	vadd.s32 v4, v2;
	v46 =	vmul.f32 v39, v32;
	[tilespmem:s2+$0x50] =	vst v7  }
0x1fc: {  	v2 =	vbroadcast v2, $0x0;
	v3 =	vld.idx.msk [tilespmem:v3+s26+$0x0], $0xffff;
	v4 =	vmul.f32 v40, v32;
	[tilespmem:s2+$0x60] =	vst v42  }
0x1fd: {  	v59 =	vld [tilespmem:s6+$0x40];
	v49 =	vmul.f32 v41, v20;
	[tilespmem:s6+$0xFFFFFF80] =	vst v46  }
0x1fe: {  	v6 =	vld.idx.msk [tilespmem:v6+s26+$0x0], $0xffff;
	v51 =	vmul.f32 v43, v20;
	[tilespmem:s6+$0xFFFFFF90] =	vst v4  }
0x1ff: {  	v8 =	vld.idx.msk [tilespmem:v8+s26+$0x0], $0xffff;
	v53 =	vmul.f32 v44, v22;
	[tilespmem:s6+$0xFFFFFFA0] =	vst v49  }
0x200: {  	v15 =	vld.idx.msk [tilespmem:v33+s26+$0x0], $0xffff;
	v55 =	vmul.f32 v47, v22;
	[tilespmem:s6+$0xFFFFFFB0] =	vst v51  }
0x201: {  	v54 =	vld [tilespmem:s6+$0x10];
	[tilespmem:s6+$0xFFFFFFC0] =	vst v53;
	v57 =	vmul.f32 v48, v3  }
0x202: {  	[tilespmem:s6+$0xFFFFFFD0] =	vst v55;
	v2 =	vld.idx.msk [tilespmem:v2+s26+$0x0], $0xffff;
	v3 =	vmul.f32 v50, v3  }
0x203: {  	v58 =	vld [tilespmem:s6+$0x30];
	v60 =	vmul.f32 v52, v6;
	[tilespmem:s6+$0xFFFFFFE0] =	vst v57  }
0x204: {  	v62 =	vld [tilespmem:s6+$0x60];
	v63 =	vmul.f32 v56, v8;
	[tilespmem:s6+$0xFFFFFFF0] =	vst v3  }
0x205: {  	v61 =	vld [tilespmem:s6+$0x50];
	v4 =	vmul.f32 v59, v15;
	[tilespmem:s6+$0x0] =	vst v60  }
0x206: {  	v3 =	vmul.f32 v54, v6;
	[tilespmem:s6+$0x20] =	vst v63  }
0x207: {  	[tilespmem:s6+$0x40] =	vst v4;
	v45 =	vmul.f32 v37, v2  }
0x208: {  	[tilespmem:s6+$0x10] =	vst v3;
	v3 =	vmul.f32 v58, v8  }
0x209: {  	v2 =	vmul.f32 v62, v2;
	[tilespmem:s6+$0x70] =	vst v45  }
0x20a: {  	[tilespmem:s6+$0x30] =	vst v3;
	v3 =	vmul.f32 v61, v15  }
0x20b: {  	[tilespmem:s6+$0x60] =	vst v2  }
0x20c: {  	s20 =	sadd.s32 $0x7800, s0;
	[tilespmem:s6+$0x50] =	vst v3  }
0x20d: {  	[spmem:s3] =	stream.indirect.scatter.add.f32 [tilespmem:s25], [sflag:$0x3], $0x20, s20, s22, $0xb8;
	[tilespmem:$0x13A80] =	vst v63  }
0x20e: {  	s31 =	sadd.s32 $0x1, s31;
	_ =	swait.ge [sflag:s17], $0x1000  }
0x20f: {  	p0 =	sne.s32 s31, $0x28;
	[sflag:s17] =	ssyncset.done $0x0  }
.Ltmp3:
0x210: {  	s21 =	sadd.s32 $0xA000, s0;
	[sflag:s17] =	ssyncadd.s32 $0xFFFFF000;
	(pc) =	sbr.rel @p0 .LBB2_4-.Ltmp3, $4  }
0x211: {  	[spmem:s4] =	stream.indirect.scatter.add.f32 [tilespmem:s21], [sflag:$0x3], $0x1, s20, s22, $0xb8;
	[tilespmem:$0x13A80] =	vst v63  }
0x212: {  	_ =	swait.ge [sflag:s17], $0x80  }
0x213: {  	[sflag:s17] =	ssyncset.done $0x0  }
0x214: {  	[sflag:s17] =	ssyncadd.s32 $0xFFFFFF80  }
0x215: {  	[bflag:$0x0] =	sbarrier.arrive $0xFFFF  }
0x216: {  	[hbm:s13], [sflag:s9] =	dma.local [spmem:s16], $0xA00  }
0x217: {  	s29 =	sadd.s32 $0x1, s29;
	_ =	swait.ge [sflag:s17], $0xA00  }
0x218: {  	p0 =	sne.s32 s29, s15;
	[sflag:s17] =	ssyncset.done $0x0  }
.Ltmp4:
0x219: {  	[sflag:s17] =	ssyncadd.s32 $0xFFFFF600;
	(pc) =	sbr.rel @p0 .LBB2_1-.Ltmp4, $4  }
0x21a: {  	[hbm:s14], [sflag:s9] =	dma.local [spmem:s18], $0x50  }
0x21b: {  	_ =	swait.ge [sflag:s17], $0x50  }
0x21c: {  	[sflag:s17] =	ssyncset.done $0x0  }
0x21d: {  	s7 =	simm.s32 $0x5000;
	[sflag:s17] =	ssyncadd.s32 $0xFFFFFFB0  }
0x21e: {  	_ =	sfence.sel $0x180000  }
0x21f: {  	[bflag:$0x0] =	sbarrier.arrive $0xFFFF  }
0x220: {  	_ =	strace $0x9000004A  }
0x221: {  	s0 =	stileid.u32;
	[bflag:$0x2] =	sbarrier.arrive $0xFFFF  }
0x222: {  	p0 =	sne.s32 s0, $0x0;
	s0 =	rddreg [dreg:$0x4]  }
0x223: {  	s0 =	sadd.s32 @!p0 $0x100000, s0  }
0x224: {  	[sflag:s0] =	ssyncadd.tile.s32 @!p0 $0x1;
	_ =	shalt  }
.Lfunc_end2:
_tile_overlayer_lowered:
.L_overlay_start_2:
0x225: {  	(tag) =	ssettag $0x2  }
0x226: {  	s0 =	rddreg [dreg:$0x0];
	s2 =	stileid.u32  }
0x227: {  	s1 =	rddreg [dreg:$0x1];
	p0 =	sne.s32 s2, $0x0  }
0x228: {  	s3 =	rddreg [dreg:$0x2];
	[bflag:$0x3] =	sbarrier.arrive $0xFFFF;
	s2 =	simm.s32 @!p0 $0x1C03  }
0x229: {  	[timem:s3], [sflag:s2] =	dma.local @!p0 [hbm:s0], s1  }
0x22a: {  	s0 =	simm.s32 @!p0 $0x3  }
0x22b: {  	_ =	swait.ge @!p0 [sflag:s0], s1  }
0x22c: {  	s1 =	ssub.s32 @!p0 $0x0, s1;
	[sflag:s0] =	ssyncset.done @!p0 $0x0  }
0x22d: {  	[sflag:s0] =	ssyncadd.s32 @!p0 s1  }
0x22e: {  	[bflag:$0x3] =	sbarrier.arrive $0xFFFF  }
0x22f: {  	_ =	shalt  }

// kernel: kernel.17.cloned.1.call-start
scs
__scs_entry_jumppad:
0x0: {  	(pc) =	sbr.rel $0x88, $3  }
0x1: {  	(tag) =	ssettag $0x0;
	lr =	simm.s32 $0x1  }
0x2: {  	[smem:$0x3F8C] =	sst lr;
	_ =	strace $0xD0000000  }
0x3: {  	_ = 	snop  }
0x4: {  	_ = 	snop  }
0x5: {  	_ = 	snop  }
0x6: {  	_ = 	snop  }
0x7: {  	_ = 	snop  }
__scs_overlays_trampoline_lowered:
0x8: {  	[smem:$0x3F9B] =	sst s0  }
0x9: {  	[smem:$0x3F9C] =	sst s1  }
0xa: {  	[smem:$0x3F9D] =	sst s2  }
0xb: {  	[smem:$0x3F9E] =	sst s3  }
0xc: {  	[smem:$0x3F9F] =	sst s4  }
0xd: {  	[smem:$0x3FA0] =	sst s5  }
0xe: {  	[smem:$0x3FA1] =	sst s6  }
0xf: {  	[smem:$0x3FA2] =	sst s7  }
0x10: {  	[smem:$0x3FA3] =	sst s8  }
0x11: {  	[smem:$0x3FA4] =	sst s9;
	s0 =	simm.s32 @!p0 $0x0  }
0x12: {  	s1 =	sld [smem:$0x3F8A];
	s0 =	simm.s32 @p0 $0x1  }
0x13: {  	[smem:$0x3FA5] =	sst s0;
	s0 =	simm.s32 @!p1 $0x0  }
0x14: {  	s2 =	sld [smem:$0x3F89];
	s0 =	simm.s32 @p1 $0x1  }
0x15: {  	[smem:$0x3FA6] =	sst s0;
	s0 =	simm.s32 @!p2 $0x0  }
0x16: {  	s3 =	sld [smem:$0x3FDB];
	s0 =	simm.s32 @p2 $0x1  }
0x17: {  	s4 =	simm.s32 $0x1BF5;
	[smem:$0x3FA8] =	sst s0  }
0x18: {  	s0 =	sld [smem:$0x3F8B];
	_ =	swait.ge [sflag:s4], $0x0  }
0x19: {  	s7 =	sld [smem:$0x3F8C]  }
0x1a: {  	s8 =	sadd.s32 $0xFFFFE003, lr  }
0x1b: {  	s9 =	sadd.s32 $0xFFFFFEF7, lr;
	s5 =	simm.s32 $0xFFFFFFFF;
	p2 =	slt.u32 s8, $0xFFFFF086  }
0x1c: {  	p1 =	slt.u32 s9, $0xF7A;
	s5 =	simm.s32 @!p2 $0x0  }
0x1d: {  	s5 =	simm.s32 @p1 $0x1;
	p0 =	seq.s32 s7, s2  }
0x1e: {  	s7 =	smul.u32 @!p0 $0xF7A, s2;
	p2 =	seq.s32 @!p0 s5, $0x0  }
0x1f: {  	s9 =	smul.u32 $0xF7A, s1;
	s8 =	simm.s32 @!p0 $0x1BF5;
	p2 =	por !p2, p0  }
0x20: {  	[sflag:s8] =	ssyncset.s32 @!p0 $0xFFFFF086;
	s6 =	sadd.s32 @!p0 s3, s7;
	s7 =	simm.s32 @!p0 $0x108  }
0x21: {  	s3 =	sadd.s32 s3, s9;
	s6 =	sadd.s32 @!p0 $0x88, s6;
	s7 =	simm.s32 @p2 $0x1082  }
0x22: {  	[simem:s7], [sflag:s8] =	dma.local @!p0 [hbm:s6], $0xF7A  }
0x23: {  	s9 =	sor.u32 $0xD0000000, s2;
	s6 =	simm.s32 $0x108;
	_ =	swait.ge @!p0 [sflag:s8], $0x0  }
0x24: {  	s3 =	sadd.s32 $0x88, s3;
	s6 =	simm.s32 @!p1 $0x1082;
	[sflag:s4] =	ssyncset.s32 $0xFFFFF086  }
0x25: {  	[simem:s6], [sflag:s4] =	dma.local [hbm:s3], $0xF7A  }
0x26: {  	[smem:$0x3F8C] =	sst s1;
	(tag) =	ssettag s2;
	_ =	strace s9  }
0x27: {  	s1 =	sld [smem:$0x3F9C]  }
0x28: {  	s2 =	sld [smem:$0x3F9D]  }
0x29: {  	s4 =	sld [smem:$0x3F9F]  }
0x2a: {  	p0 =	seq.s32 s5, $0x0;
	s5 =	sld [smem:$0x3FA0]  }
0x2b: {  	s6 =	sld [smem:$0x3FA1]  }
0x2c: {  	s7 =	sld [smem:$0x3FA2]  }
0x2d: {  	s3 =	simm.s32 $0x108;
	s8 =	sld [smem:$0x3FA3]  }
0x2e: {  	s3 =	simm.s32 @!p0 $0x1082;
	s9 =	sld [smem:$0x3FA4]  }
0x2f: {  	lr =	sadd.s32 s0, s3;
	s0 =	sld [smem:$0x3F9B]  }
0x30: {  	s3 =	sld [smem:$0x3F9E]  }
0x31: {  	[smem:$0x3FA7] =	sst s10  }
0x32: {  	s10 =	sld [smem:$0x3FA5];
	_ =	sdelay $0x3  }
0x33: {  	p0 =	seq.s32 s10, $0x1;
	s10 =	sld [smem:$0x3FA7];
	_ =	sdelay $0x3  }
0x34: {  	[smem:$0x3FA7] =	sst s10  }
0x35: {  	s10 =	sld [smem:$0x3FA6];
	_ =	sdelay $0x3  }
0x36: {  	p1 =	seq.s32 s10, $0x1;
	s10 =	sld [smem:$0x3FA7];
	_ =	sdelay $0x3  }
0x37: {  	[smem:$0x3FA7] =	sst s10  }
0x38: {  	s10 =	sld [smem:$0x3FA8]  }
0x39: {  	_ = 	snop;
	(pc) =	sbr.ind lr, $3  }
0x3a: {  	_ = 	snop  }
0x3b: {  	_ = 	snop  }
0x3c: {  	p2 =	seq.s32 s10, $0x1;
	s10 =	sld [smem:$0x3FA7]  }
0x3d: {  	_ =	shalt  }
0x3e: {  	_ =	shalt  }
0x3f: {  	_ =	shalt  }
0x40: {  	_ =	shalt  }
0x41: {  	_ =	shalt  }
0x42: {  	_ =	shalt  }
0x43: {  	_ =	shalt  }
0x44: {  	_ =	shalt  }
0x45: {  	_ =	shalt  }
0x46: {  	_ =	shalt  }
0x47: {  	_ =	shalt  }
0x48: {  	_ =	shalt  }
0x49: {  	_ =	shalt  }
0x4a: {  	_ =	shalt  }
0x4b: {  	_ =	shalt  }
0x4c: {  	_ =	shalt  }
0x4d: {  	_ =	shalt  }
0x4e: {  	_ =	shalt  }
0x4f: {  	_ =	shalt  }
0x50: {  	_ =	shalt  }
0x51: {  	_ =	shalt  }
0x52: {  	_ =	shalt  }
0x53: {  	_ =	shalt  }
0x54: {  	_ =	shalt  }
0x55: {  	_ =	shalt  }
0x56: {  	_ =	shalt  }
0x57: {  	_ =	shalt  }
0x58: {  	_ =	shalt  }
0x59: {  	_ =	shalt  }
0x5a: {  	_ =	shalt  }
0x5b: {  	_ =	shalt  }
0x5c: {  	_ =	shalt  }
0x5d: {  	_ =	shalt  }
0x5e: {  	_ =	shalt  }
0x5f: {  	_ =	shalt  }
0x60: {  	_ =	shalt  }
0x61: {  	_ =	shalt  }
0x62: {  	_ =	shalt  }
0x63: {  	_ =	shalt  }
0x64: {  	_ =	shalt  }
0x65: {  	_ =	shalt  }
0x66: {  	_ =	shalt  }
0x67: {  	_ =	shalt  }
0x68: {  	_ =	shalt  }
0x69: {  	_ =	shalt  }
0x6a: {  	_ =	shalt  }
0x6b: {  	_ =	shalt  }
0x6c: {  	_ =	shalt  }
0x6d: {  	_ =	shalt  }
0x6e: {  	_ =	shalt  }
0x6f: {  	_ =	shalt  }
0x70: {  	_ =	shalt  }
0x71: {  	_ =	shalt  }
0x72: {  	_ =	shalt  }
0x73: {  	_ =	shalt  }
0x74: {  	_ =	shalt  }
0x75: {  	_ =	shalt  }
0x76: {  	_ =	shalt  }
0x77: {  	_ =	shalt  }
0x78: {  	_ =	shalt  }
0x79: {  	_ =	shalt  }
0x7a: {  	_ =	shalt  }
0x7b: {  	_ =	shalt  }
0x7c: {  	_ =	shalt  }
0x7d: {  	_ =	shalt  }
0x7e: {  	_ =	shalt  }
0x7f: {  	_ =	shalt  }
0x80: {  	_ =	shalt  }
0x81: {  	_ =	shalt  }
0x82: {  	_ =	shalt  }
0x83: {  	_ =	shalt  }
0x84: {  	_ =	shalt  }
0x85: {  	_ =	shalt  }
0x86: {  	_ =	shalt  }
0x87: {  	_ =	shalt  }
.Lfunc_end0:
.L_simem_size_0:
called_computation.2_lowered:
.L_overlay_start_0:
0x88: {  	s2 =	sld [smem:$0x3FD9]  }
0x89: {  	s3 =	sld [smem:$0x3FFE];
	_ =	sdelay $0x1  }
0x8a: {  	s1 =	srdreg.scid  }
0x8b: {  	s0 =	sand.u32 $0x1, s1  }
0x8c: {  	s17 =	sshll.u32 s0, $0xA;
	s2 =	sadd.s32 s3, s2  }
0x8d: {  	s2 =	sadd.s32 s2, s17  }
0x8e: {  	[smem:$0x3FB3] =	sst s2  }
0x8f: {  	_ = 	snop  }
0x90: {  	s2 =	sld [smem:$0x3FD0];
	(tm) =	ssettm $0x1  }
0x91: {  	s18 =	sld [smem:$0x3FFB];
	_ =	sdelay $0x3  }
0x92: {  	_ =	strace s18  }
0x93: {  	s3 =	sld [smem:$0x3FFC];
	_ =	sdelay $0x3  }
0x94: {  	_ =	strace s3  }
0x95: {  	s3 =	sld [smem:$0x3FFD];
	_ =	sdelay $0x3  }
0x96: {  	_ =	strace s3  }
0x97: {  	_ =	strace $0x8FFFFFFF  }
0x98: {  	s19 =	sld [smem:$0x3FDB];
	_ =	sdelay $0x1  }
0x99: {  	s4 =	simm.s32 $_scs_section_size  }
0x9a: {  	s5 =	simm.s32 $_size__tile_overlayer_lowered;
	s6 =	simm.s32 $_tile_overlayer_lowered  }
0x9b: {  	s22 =	simm.s32 $0x1BFF;
	s21 =	sshll.u32 s6, $0x1;
	s3 =	sadd.s32 s4, s19  }
0x9c: {  	s7 =	simm.s32 $0x0;
	s20 =	sshll.u32 s5, $0x1;
	s5 =	sadd.s32 s21, s3  }
0x9d: {  	[timem:s7], [sflag:s22] =	dma.local [hbm:s5], s20  }
0x9e: {  	_ =	swait.ge [sflag:s22], s20  }
0x9f: {  	s4 =	ssub.s32 $0x0, s20;
	[sflag:s22] =	ssyncset.done $0x0  }
0xa0: {  	[sflag:s22] =	ssyncadd.s32 s4;
	_ =	sdelay $0x1  }
0xa1: {  	s23 =	simm.s32 $0x1B8B  }
0xa2: {  	_ =	swait.ge [sflag:s23], $0x1  }
0xa3: {  	[sflag:s23] =	ssyncset.done $0x0  }
0xa4: {  	s25 =	simm.s32 $0x1B8E;
	s24 =	sld [smem:$0x3FFE];
	[sflag:s23] =	ssyncadd.s32 $0xFFFFFFFF  }
0xa5: {  	s26 =	simm.s32 $execute0_lowered;
	[smem:$0x3FD2] =	sst s25  }
0xa6: {  	s5 =	sshll.u32 s26, $0x1;
	_ =	strace $0x8000004C;
	[dreg:$0x1] =	wrdreg $0xFFFFFFFF  }
0xa7: {  	s28 =	simm.s32 $_size_execute0_lowered;
	s3 =	sadd.s32 s3, s5;
	[dreg:$0x0] =	wrdreg $0x0  }
0xa8: {  	s5 =	sshll.u32 s28, $0x1;
	[dreg:$0x2] =	wrdreg s3  }
0xa9: {  	[dreg:$0x3] =	wrdreg s5  }
0xaa: {  	[dreg:$0x4] =	wrdreg $0xC0  }
0xab: {  	_ =	task [dreg:s7], $0x5FFFF  }
0xac: {  	[dreg:$0x1] =	wrdreg $0xFFFFFFFF  }
0xad: {  	[dreg:$0x0] =	wrdreg $0x60  }
0xae: {  	[dreg:$0x2] =	wrdreg s24  }
0xaf: {  	[dreg:$0x3] =	wrdreg s2  }
0xb0: {  	[dreg:$0x4] =	wrdreg $0x9C000  }
0xb1: {  	[dreg:$0x5] =	wrdreg $0xC4000  }
0xb2: {  	[dreg:$0x6] =	wrdreg $0x9  }
0xb3: {  	_ =	task.clear_ibuf [dreg:s7], $0x7FFFF;
	_ =	strace $0x9000004C  }
0xb4: {  	s29 =	simm.s32 $0x9;
	_ =	strace $0x8000004E  }
0xb5: {  	_ =	swait.ge [sflag:s29], $0x1  }
0xb6: {  	[sflag:s29] =	ssyncadd.s32 $0xFFFFFFFF  }
0xb7: {  	_ =	strace $0x9000004E  }
0xb8: {  	_ =	sfence  }
0xb9: {  	s30 =	sld [smem:$0x0];
	_ =	sdelay $0x2  }
0xba: {  	s31 =	sshll.u32 s1, $0xD;
	s1 =	sshrl.u32 s1, $0x2  }
0xbb: {  	s3 =	sand.u32 $0x4000, s31;
	s1 =	sadd.s32 s1, s30  }
0xbc: {  	s0 =	sor.u32 s3, s0;
	s1 =	sshll.u32 s1, $0x11  }
0xbd: {  	s0 =	sor.u32 s1, s0  }
0xbe: {  	s0 =	sadd.s32 $0x8F2B, s0  }
0xbf: {  	[sflag:s0] =	ssyncadd.remote.s32 $0x1  }
0xc0: {  	_ =	sfence.sel $0xFFFF  }
0xc1: {  	[dreg:$0x0] =	wrdreg $0xFFFFFFFF;
	(pc) =	sbr.abs _section_cstart, $3  }
0xc2: {  	[dreg:$0x1] =	wrdreg $0xFFFFFFFF  }
0xc3: {  	_ =	task.clear_ibuf [dreg:s7], $0x2FFFF;
	_ =	strace $0x9FFFFFFF  }
0xc4: {  	(tm) =	ssettm $0x7FFFFFFF  }
0xc5: {  	_ =	shalt  }
tec
execute0_lowered:
.L_overlay_start_1:
0x0: {  	(tag) =	ssettag $0x1  }
0x1: {  	s1 =	rddreg [dreg:$0x0]  }
0x2: {  	s0 =	srdreg.scid;
	s6 =	rddreg [dreg:$0x1]  }
0x3: {  	s14 =	stileid.u32;
	s2 =	rddreg [dreg:$0x2];
	s17 =	simm.s32 $0x3  }
0x4: {  	s19 =	simm.s32 $0x2800;
	s22 =	simm.s32 $0x80;
	s23 =	simm.s32 $0x8C00  }
0x5: {  	s28 =	simm.s32 $0x2;
	s29 =	simm.s32 $0x0;
	s0 =	sand.u32 $0x1, s0  }
0x6: {  	s10 =	smul.u32 $0x280, s14;
	s5 =	sadd.s32 $0x36800, s1;
	s9 =	sadd.s32 $0x2B600, s1  }
0x7: {  	s24 =	sadd.s32 $0x2BC00, s1;
	s11 =	smul.u32 $0xA000, s14;
	s30 =	sshll.u32 s14, $0x6  }
0x8: {  	s3 =	sshll.u32 s0, $0x4;
	s8 =	smul.u32 $0x2800, s0;
	s0 =	ssub.s32 $0x2, s0  }
0x9: {  	s4 =	sor.u32 s14, s3;
	s3 =	rddreg [dreg:$0x3];
	s12 =	sshrl.u32 s0, $0x1  }
0xa: {  	s26 =	sshrl.u32 s11, $0x2;
	s7 =	smul.u32 $0x280, s4;
	s4 =	simm.s32 $0x0  }
0xb: {  	s8 =	sadd.s32 s10, s8;
	s0 =	ssub.s32 s0, s12;
	s16 =	sadd.s32 s26, s2  }
0xc: {  	s31 =	sadd.s32 s10, s3;
	s26 =	simm.s32 $0x7800;
	[smem:$0x7FF] =	sst s4  }
0xd: {  	s25 =	sshll.u32 s8, $0x1;
	s8 =	sshrl.u32 s8, $0x3;
	s15 =	smax.u32 s0, $0x1  }
0xe: {  	s16 =	sshrl.u32 s16, $0x3;
	_ =	strace $0x8000004D;
	[dreg:$0x5] =	wrdreg s9  }
0xf: {  	s18 =	sshrl.u32 s31, $0x3;
	[dreg:$0x6] =	wrdreg s24;
	s7 =	sadd.s32 s7, s1  }
0x10: {  	s13 =	sadd.s32 s25, s1;
	s1 =	sadd.s32 s8, s1;
	s8 =	sadd.s32 s6, s25  }
0x11: {  	s9 =	sor.u32 $0x1C03, s30;
	s24 =	simm.s32 $0x1;
	s25 =	simm.s32 $0x9400  }
0x12: {  	v0 =	vimm.s32 $0x0;
	vm0 =	vcmask $0x300;
	s10 =	sadd.s32 $0x3B800, s1;
	s11 =	sadd.s32 $0x2C800, s7;
	s12 =	sadd.s32 $0x31800, s7  }
0x13: {  	v0 =	vsel vm0, $0x3, v0;
	s13 =	sadd.s32 $0x3600, s13;
	s14 =	sadd.s32 $0xD600, s1;
	s7 =	simm.s32 $0x5000  }
.LBB2_1:
0x14: {  	[spmem:s16], [sflag:s9] =	dma.local [hbm:s8], $0x500  }
0x15: {  	_ =	swait.ge [sflag:s17], $0x500  }
0x16: {  	[sflag:s17] =	ssyncset.done $0x0  }
0x17: {  	[sflag:s17] =	ssyncadd.s32 $0xFFFFFB00  }
0x18: {  	[spmem:s18], [sflag:s9] =	dma.local [hbm:s10], $0x50  }
0x19: {  	_ =	swait.ge [sflag:s17], $0x50  }
0x1a: {  	[sflag:s17] =	ssyncset.done $0x0  }
0x1b: {  	s0 =	rddreg [dreg:$0x5];
	[sflag:s17] =	ssyncadd.s32 $0xFFFFFFB0  }
0x1c: {  	[tilespmem:s4], [sflag:$0x3] =	stream.linear.gather [hbm4b:s0+s4], $0x2800, $0x38;
	[tilespmem:$0xC680] =	vst v63  }
0x1d: {  	_ =	swait.ge [sflag:s17], $0x2800  }
0x1e: {  	[sflag:s17] =	ssyncset.done $0x0  }
0x1f: {  	s21 =	rddreg [dreg:$0x6];
	[sflag:s17] =	ssyncadd.s32 $0xFFFFD800  }
0x20: {  	[tilespmem:s19], [sflag:$0x3] =	stream.linear.gather [hbm4b:s21+s4], $0x2800, $0x38;
	[tilespmem:$0xC680] =	vst v63  }
0x21: {  	_ =	swait.ge [sflag:s17], $0x2800  }
0x22: {  	[sflag:s17] =	ssyncset.done $0x0  }
0x23: {  	[sflag:s17] =	ssyncadd.s32 $0xFFFFD800  }
0x24: {  	[tilespmem:s7], [sflag:$0x3] =	stream.linear.gather [hbm4b:s11+s4], $0x1400, $0x38;
	[tilespmem:$0xC680] =	vst v63  }
0x25: {  	_ =	swait.ge [sflag:s17], $0x1400  }
0x26: {  	[sflag:s17] =	ssyncset.done $0x0  }
0x27: {  	s31 =	simm.s32 $0x6400;
	[sflag:s17] =	ssyncadd.s32 $0xFFFFEC00  }
0x28: {  	[tilespmem:s31], [sflag:$0x3] =	stream.linear.gather [hbm4b:s12+s4], $0x1400, $0x38;
	[tilespmem:$0xC680] =	vst v63  }
0x29: {  	_ =	swait.ge [sflag:s17], $0x1400  }
0x2a: {  	[sflag:s17] =	ssyncset.done $0x0  }
0x2b: {  	s1 =	simm.s32 $0x0;
	[sflag:s17] =	ssyncadd.s32 $0xFFFFEC00  }
0x2c: {  	v1 =	vld [tilespmem:s1+$0x5000]  }
0x2d: {  	v2 =	vld [tilespmem:s1+$0x6400];
	_ =	sdelay $0x6  }
0x2e: {  	v1 =	vld.idx.msk [tilespmem:v1+s4+$0x0], $0xffff  }
0x2f: {  	v2 =	vld.idx.msk [tilespmem:v2+s19+$0x0], $0xffff;
	_ =	sdelay $0x4  }
0x30: {  	v1 =	vadd.f32 v2, v1;
	_ =	sdelay $0x1  }
0x31: {  	v2 =	vmul.f32 $2.000000030e-01, v1;
	_ =	sdelay $0x1  }
0x32: {  	v1 =	vmax.f32 v1, v2  }
0x33: {  	v1 =	vmul.f32 $1.442695020e+00, v1;
	_ =	sdelay $0x1  }
0x34: {  	(erf) = vpow2.f32 v1;
	_ =	sdelay $0x2  }
0x35: {  	v1 =	vld [tilespmem:s1+$0x5010]  }
0x36: {  	v2 =	vld [tilespmem:s1+$0x6410];
	_ =	sdelay $0x4  }
0x37: {  	v3 =	vpop (erf)  }
0x38: {  	[tilespmem:s1+$0x7800] =	vst v3  }
0x39: {  	v1 =	vld.idx.msk [tilespmem:v1+s4+$0x0], $0xffff  }
0x3a: {  	v2 =	vld.idx.msk [tilespmem:v2+s19+$0x0], $0xffff;
	_ =	sdelay $0x4  }
0x3b: {  	v1 =	vadd.f32 v2, v1;
	_ =	sdelay $0x1  }
0x3c: {  	v2 =	vmul.f32 $2.000000030e-01, v1;
	_ =	sdelay $0x1  }
0x3d: {  	v1 =	vmax.f32 v1, v2  }
0x3e: {  	v1 =	vmul.f32 $1.442695020e+00, v1;
	_ =	sdelay $0x1  }
0x3f: {  	(erf) = vpow2.f32 v1;
	_ =	sdelay $0x2  }
0x40: {  	v1 =	vld [tilespmem:s1+$0x5020]  }
0x41: {  	v2 =	vld [tilespmem:s1+$0x6420];
	_ =	sdelay $0x4  }
0x42: {  	v3 =	vpop (erf)  }
0x43: {  	[tilespmem:s1+$0x7810] =	vst v3  }
0x44: {  	v1 =	vld.idx.msk [tilespmem:v1+s4+$0x0], $0xffff  }
0x45: {  	v2 =	vld.idx.msk [tilespmem:v2+s19+$0x0], $0xffff;
	_ =	sdelay $0x4  }
0x46: {  	v1 =	vadd.f32 v2, v1;
	_ =	sdelay $0x1  }
0x47: {  	v2 =	vmul.f32 $2.000000030e-01, v1;
	_ =	sdelay $0x1  }
0x48: {  	v1 =	vmax.f32 v1, v2  }
0x49: {  	v1 =	vmul.f32 $1.442695020e+00, v1;
	_ =	sdelay $0x1  }
0x4a: {  	(erf) = vpow2.f32 v1;
	_ =	sdelay $0x2  }
0x4b: {  	v1 =	vld [tilespmem:s1+$0x5030]  }
0x4c: {  	v2 =	vld [tilespmem:s1+$0x6430];
	_ =	sdelay $0x4  }
0x4d: {  	v3 =	vpop (erf)  }
0x4e: {  	[tilespmem:s1+$0x7820] =	vst v3  }
0x4f: {  	v1 =	vld.idx.msk [tilespmem:v1+s4+$0x0], $0xffff  }
0x50: {  	v2 =	vld.idx.msk [tilespmem:v2+s19+$0x0], $0xffff;
	_ =	sdelay $0x4  }
0x51: {  	v1 =	vadd.f32 v2, v1;
	_ =	sdelay $0x1  }
0x52: {  	v2 =	vmul.f32 $2.000000030e-01, v1;
	_ =	sdelay $0x1  }
0x53: {  	v1 =	vmax.f32 v1, v2  }
0x54: {  	v1 =	vmul.f32 $1.442695020e+00, v1;
	_ =	sdelay $0x1  }
0x55: {  	(erf) = vpow2.f32 v1;
	_ =	sdelay $0x2  }
0x56: {  	v1 =	vld [tilespmem:s1+$0x5040]  }
0x57: {  	v2 =	vld [tilespmem:s1+$0x6440];
	_ =	sdelay $0x4  }
0x58: {  	v3 =	vpop (erf)  }
0x59: {  	[tilespmem:s1+$0x7830] =	vst v3  }
0x5a: {  	v1 =	vld.idx.msk [tilespmem:v1+s4+$0x0], $0xffff  }
0x5b: {  	v2 =	vld.idx.msk [tilespmem:v2+s19+$0x0], $0xffff;
	_ =	sdelay $0x4  }
0x5c: {  	v1 =	vadd.f32 v2, v1;
	_ =	sdelay $0x1  }
0x5d: {  	v2 =	vmul.f32 $2.000000030e-01, v1;
	_ =	sdelay $0x1  }
0x5e: {  	v1 =	vmax.f32 v1, v2  }
0x5f: {  	v1 =	vmul.f32 $1.442695020e+00, v1;
	_ =	sdelay $0x1  }
0x60: {  	(erf) = vpow2.f32 v1;
	_ =	sdelay $0x2  }
0x61: {  	v1 =	vld [tilespmem:s1+$0x5050]  }
0x62: {  	v2 =	vld [tilespmem:s1+$0x6450];
	_ =	sdelay $0x4  }
0x63: {  	v3 =	vpop (erf)  }
0x64: {  	[tilespmem:s1+$0x7840] =	vst v3  }
0x65: {  	v1 =	vld.idx.msk [tilespmem:v1+s4+$0x0], $0xffff  }
0x66: {  	v2 =	vld.idx.msk [tilespmem:v2+s19+$0x0], $0xffff;
	_ =	sdelay $0x4  }
0x67: {  	v1 =	vadd.f32 v2, v1;
	_ =	sdelay $0x1  }
0x68: {  	v2 =	vmul.f32 $2.000000030e-01, v1;
	_ =	sdelay $0x1  }
0x69: {  	v1 =	vmax.f32 v1, v2  }
0x6a: {  	v1 =	vmul.f32 $1.442695020e+00, v1;
	_ =	sdelay $0x1  }
0x6b: {  	(erf) = vpow2.f32 v1;
	_ =	sdelay $0x2  }
0x6c: {  	v1 =	vld [tilespmem:s1+$0x5060]  }
0x6d: {  	v2 =	vld [tilespmem:s1+$0x6460];
	_ =	sdelay $0x4  }
0x6e: {  	v3 =	vpop (erf)  }
0x6f: {  	[tilespmem:s1+$0x7850] =	vst v3  }
0x70: {  	v1 =	vld.idx.msk [tilespmem:v1+s4+$0x0], $0xffff  }
0x71: {  	v2 =	vld.idx.msk [tilespmem:v2+s19+$0x0], $0xffff;
	_ =	sdelay $0x4  }
0x72: {  	v1 =	vadd.f32 v2, v1;
	_ =	sdelay $0x1  }
0x73: {  	v2 =	vmul.f32 $2.000000030e-01, v1;
	_ =	sdelay $0x1  }
0x74: {  	v1 =	vmax.f32 v1, v2  }
0x75: {  	v1 =	vmul.f32 $1.442695020e+00, v1;
	_ =	sdelay $0x1  }
0x76: {  	(erf) = vpow2.f32 v1;
	_ =	sdelay $0x2  }
0x77: {  	v1 =	vld [tilespmem:s1+$0x5070]  }
0x78: {  	v2 =	vld [tilespmem:s1+$0x6470];
	_ =	sdelay $0x4  }
0x79: {  	v3 =	vpop (erf)  }
0x7a: {  	[tilespmem:s1+$0x7860] =	vst v3  }
0x7b: {  	v1 =	vld.idx.msk [tilespmem:v1+s4+$0x0], $0xffff  }
0x7c: {  	v2 =	vld.idx.msk [tilespmem:v2+s19+$0x0], $0xffff;
	_ =	sdelay $0x4  }
0x7d: {  	v1 =	vadd.f32 v2, v1;
	_ =	sdelay $0x1  }
0x7e: {  	v2 =	vmul.f32 $2.000000030e-01, v1;
	_ =	sdelay $0x1  }
0x7f: {  	v1 =	vmax.f32 v1, v2  }
0x80: {  	v1 =	vmul.f32 $1.442695020e+00, v1;
	_ =	sdelay $0x1  }
0x81: {  	s30 =	simm.s32 $0x400;
	s0 =	simm.s32 $0x200;
	(erf) = vpow2.f32 v1  }
.LBB2_2:
0x82: {  	p0 =	sne.s32 s30, $0x4E00  }
0x83: {  	s6 =	sshra.s32 s0, $0x2;
	s0 =	smov.u32 s30;
	s30 =	sadd.s32 $0x200, s30  }
0x84: {  	v1 =	vld [tilespmem:s6+$0x5000]  }
0x85: {  	v2 =	vld [tilespmem:s6+$0x6400];
	_ =	sdelay $0x4  }
0x86: {  	v3 =	vpop (erf)  }
0x87: {  	[tilespmem:s1+$0x7870] =	vst v3;
	s1 =	smov.u32 s6  }
0x88: {  	v1 =	vld.idx.msk [tilespmem:v1+s4+$0x0], $0xffff  }
0x89: {  	v2 =	vld.idx.msk [tilespmem:v2+s19+$0x0], $0xffff;
	_ =	sdelay $0x5  }
0x8a: {  	v1 =	vadd.f32 v2, v1;
	_ =	sdelay $0x1  }
0x8b: {  	v2 =	vmul.f32 $2.000000030e-01, v1;
	_ =	sdelay $0x1  }
0x8c: {  	v1 =	vmax.f32 v1, v2  }
0x8d: {  	v1 =	vmul.f32 $1.442695020e+00, v1;
	_ =	sdelay $0x1  }
0x8e: {  	(erf) = vpow2.f32 v1;
	_ =	sdelay $0x1  }
0x8f: {  	v1 =	vld [tilespmem:s1+$0x6410]  }
0x90: {  	v2 =	vld [tilespmem:s1+$0x5010];
	_ =	sdelay $0x5  }
0x91: {  	v3 =	vpop (erf)  }
0x92: {  	[tilespmem:s1+$0x7800] =	vst v3  }
0x93: {  	v2 =	vld.idx.msk [tilespmem:v2+s4+$0x0], $0xffff  }
0x94: {  	v1 =	vld.idx.msk [tilespmem:v1+s19+$0x0], $0xffff;
	_ =	sdelay $0x5  }
0x95: {  	v1 =	vadd.f32 v1, v2;
	_ =	sdelay $0x1  }
0x96: {  	v2 =	vmul.f32 $2.000000030e-01, v1;
	_ =	sdelay $0x1  }
0x97: {  	v1 =	vmax.f32 v1, v2  }
0x98: {  	v1 =	vmul.f32 $1.442695020e+00, v1;
	_ =	sdelay $0x1  }
0x99: {  	(erf) = vpow2.f32 v1;
	_ =	sdelay $0x1  }
0x9a: {  	v1 =	vld [tilespmem:s1+$0x6420]  }
0x9b: {  	v2 =	vld [tilespmem:s1+$0x5020];
	_ =	sdelay $0x5  }
0x9c: {  	v3 =	vpop (erf)  }
0x9d: {  	[tilespmem:s1+$0x7810] =	vst v3  }
0x9e: {  	v2 =	vld.idx.msk [tilespmem:v2+s4+$0x0], $0xffff  }
0x9f: {  	v1 =	vld.idx.msk [tilespmem:v1+s19+$0x0], $0xffff;
	_ =	sdelay $0x5  }
0xa0: {  	v1 =	vadd.f32 v1, v2;
	_ =	sdelay $0x1  }
0xa1: {  	v2 =	vmul.f32 $2.000000030e-01, v1;
	_ =	sdelay $0x1  }
0xa2: {  	v1 =	vmax.f32 v1, v2  }
0xa3: {  	v1 =	vmul.f32 $1.442695020e+00, v1;
	_ =	sdelay $0x1  }
0xa4: {  	(erf) = vpow2.f32 v1;
	_ =	sdelay $0x1  }
0xa5: {  	v1 =	vld [tilespmem:s1+$0x6430]  }
0xa6: {  	v2 =	vld [tilespmem:s1+$0x5030];
	_ =	sdelay $0x5  }
0xa7: {  	v3 =	vpop (erf)  }
0xa8: {  	[tilespmem:s1+$0x7820] =	vst v3  }
0xa9: {  	v2 =	vld.idx.msk [tilespmem:v2+s4+$0x0], $0xffff  }
0xaa: {  	v1 =	vld.idx.msk [tilespmem:v1+s19+$0x0], $0xffff;
	_ =	sdelay $0x5  }
0xab: {  	v1 =	vadd.f32 v1, v2;
	_ =	sdelay $0x1  }
0xac: {  	v2 =	vmul.f32 $2.000000030e-01, v1;
	_ =	sdelay $0x1  }
0xad: {  	v1 =	vmax.f32 v1, v2  }
0xae: {  	v1 =	vmul.f32 $1.442695020e+00, v1;
	_ =	sdelay $0x1  }
0xaf: {  	(erf) = vpow2.f32 v1;
	_ =	sdelay $0x1  }
0xb0: {  	v1 =	vld [tilespmem:s1+$0x6440]  }
0xb1: {  	v2 =	vld [tilespmem:s1+$0x5040];
	_ =	sdelay $0x5  }
0xb2: {  	v3 =	vpop (erf)  }
0xb3: {  	[tilespmem:s1+$0x7830] =	vst v3  }
0xb4: {  	v2 =	vld.idx.msk [tilespmem:v2+s4+$0x0], $0xffff  }
0xb5: {  	v1 =	vld.idx.msk [tilespmem:v1+s19+$0x0], $0xffff;
	_ =	sdelay $0x5  }
0xb6: {  	v1 =	vadd.f32 v1, v2;
	_ =	sdelay $0x1  }
0xb7: {  	v2 =	vmul.f32 $2.000000030e-01, v1;
	_ =	sdelay $0x1  }
0xb8: {  	v1 =	vmax.f32 v1, v2  }
0xb9: {  	v1 =	vmul.f32 $1.442695020e+00, v1;
	_ =	sdelay $0x1  }
0xba: {  	(erf) = vpow2.f32 v1;
	_ =	sdelay $0x1  }
0xbb: {  	v1 =	vld [tilespmem:s1+$0x6450]  }
0xbc: {  	v2 =	vld [tilespmem:s1+$0x5050];
	_ =	sdelay $0x5  }
0xbd: {  	v3 =	vpop (erf)  }
0xbe: {  	[tilespmem:s1+$0x7840] =	vst v3  }
0xbf: {  	v2 =	vld.idx.msk [tilespmem:v2+s4+$0x0], $0xffff  }
0xc0: {  	v1 =	vld.idx.msk [tilespmem:v1+s19+$0x0], $0xffff;
	_ =	sdelay $0x5  }
0xc1: {  	v1 =	vadd.f32 v1, v2;
	_ =	sdelay $0x1  }
0xc2: {  	v2 =	vmul.f32 $2.000000030e-01, v1;
	_ =	sdelay $0x1  }
0xc3: {  	v1 =	vmax.f32 v1, v2  }
0xc4: {  	v1 =	vmul.f32 $1.442695020e+00, v1;
	_ =	sdelay $0x1  }
0xc5: {  	(erf) = vpow2.f32 v1;
	_ =	sdelay $0x1  }
0xc6: {  	v1 =	vld [tilespmem:s1+$0x6460]  }
0xc7: {  	v2 =	vld [tilespmem:s1+$0x5060];
	_ =	sdelay $0x5  }
0xc8: {  	v3 =	vpop (erf)  }
0xc9: {  	[tilespmem:s1+$0x7850] =	vst v3  }
0xca: {  	v2 =	vld.idx.msk [tilespmem:v2+s4+$0x0], $0xffff  }
0xcb: {  	v1 =	vld.idx.msk [tilespmem:v1+s19+$0x0], $0xffff;
	_ =	sdelay $0x5  }
0xcc: {  	v1 =	vadd.f32 v1, v2;
	_ =	sdelay $0x1  }
0xcd: {  	v2 =	vmul.f32 $2.000000030e-01, v1;
	_ =	sdelay $0x1  }
0xce: {  	v1 =	vmax.f32 v1, v2  }
0xcf: {  	v1 =	vmul.f32 $1.442695020e+00, v1;
	_ =	sdelay $0x1  }
0xd0: {  	(erf) = vpow2.f32 v1;
	_ =	sdelay $0x1  }
0xd1: {  	v1 =	vld [tilespmem:s1+$0x6470]  }
0xd2: {  	v2 =	vld [tilespmem:s1+$0x5070];
	_ =	sdelay $0x5  }
0xd3: {  	v3 =	vpop (erf)  }
0xd4: {  	[tilespmem:s1+$0x7860] =	vst v3  }
0xd5: {  	v2 =	vld.idx.msk [tilespmem:v2+s4+$0x0], $0xffff  }
0xd6: {  	v1 =	vld.idx.msk [tilespmem:v1+s19+$0x0], $0xffff;
	_ =	sdelay $0x5  }
0xd7: {  	v1 =	vadd.f32 v1, v2;
	_ =	sdelay $0x1  }
0xd8: {  	v2 =	vmul.f32 $2.000000030e-01, v1  }
.Ltmp0:
0xd9: {  	(pc) =	sbr.rel @p0 .LBB2_2-.Ltmp0, $3  }
0xda: {  	v1 =	vmax.f32 v1, v2  }
0xdb: {  	v1 =	vmul.f32 $1.442695020e+00, v1;
	_ =	sdelay $0x1  }
0xdc: {  	(erf) = vpow2.f32 v1  }
0xdd: {  	_ = 	snop  }
0xde: {  	s0 =	sshra.s32 s0, $0x2  }
0xdf: {  	v1 =	vld [tilespmem:s0+$0x5000]  }
0xe0: {  	v2 =	vld [tilespmem:s0+$0x6400];
	_ =	sdelay $0x4  }
0xe1: {  	v3 =	vpop (erf)  }
0xe2: {  	[tilespmem:s1+$0x7870] =	vst v3  }
0xe3: {  	v1 =	vld.idx.msk [tilespmem:v1+s4+$0x0], $0xffff  }
0xe4: {  	v2 =	vld.idx.msk [tilespmem:v2+s19+$0x0], $0xffff;
	_ =	sdelay $0x4  }
0xe5: {  	v1 =	vadd.f32 v2, v1;
	_ =	sdelay $0x1  }
0xe6: {  	v2 =	vmul.f32 $2.000000030e-01, v1;
	_ =	sdelay $0x1  }
0xe7: {  	v1 =	vmax.f32 v1, v2  }
0xe8: {  	v1 =	vmul.f32 $1.442695020e+00, v1;
	_ =	sdelay $0x1  }
0xe9: {  	(erf) = vpow2.f32 v1;
	_ =	sdelay $0x2  }
0xea: {  	v1 =	vld [tilespmem:s0+$0x5010]  }
0xeb: {  	v2 =	vld [tilespmem:s0+$0x6410];
	_ =	sdelay $0x4  }
0xec: {  	v3 =	vpop (erf)  }
0xed: {  	[tilespmem:s0+$0x7800] =	vst v3  }
0xee: {  	v1 =	vld.idx.msk [tilespmem:v1+s4+$0x0], $0xffff  }
0xef: {  	v2 =	vld.idx.msk [tilespmem:v2+s19+$0x0], $0xffff;
	_ =	sdelay $0x4  }
0xf0: {  	v1 =	vadd.f32 v2, v1;
	_ =	sdelay $0x1  }
0xf1: {  	v2 =	vmul.f32 $2.000000030e-01, v1;
	_ =	sdelay $0x1  }
0xf2: {  	v1 =	vmax.f32 v1, v2  }
0xf3: {  	v1 =	vmul.f32 $1.442695020e+00, v1;
	_ =	sdelay $0x1  }
0xf4: {  	(erf) = vpow2.f32 v1;
	_ =	sdelay $0x2  }
0xf5: {  	v1 =	vld [tilespmem:s0+$0x5020]  }
0xf6: {  	v2 =	vld [tilespmem:s0+$0x6420];
	_ =	sdelay $0x4  }
0xf7: {  	v3 =	vpop (erf)  }
0xf8: {  	[tilespmem:s0+$0x7810] =	vst v3  }
0xf9: {  	v1 =	vld.idx.msk [tilespmem:v1+s4+$0x0], $0xffff  }
0xfa: {  	v2 =	vld.idx.msk [tilespmem:v2+s19+$0x0], $0xffff;
	_ =	sdelay $0x4  }
0xfb: {  	v1 =	vadd.f32 v2, v1;
	_ =	sdelay $0x1  }
0xfc: {  	v2 =	vmul.f32 $2.000000030e-01, v1;
	_ =	sdelay $0x1  }
0xfd: {  	v1 =	vmax.f32 v1, v2  }
0xfe: {  	v1 =	vmul.f32 $1.442695020e+00, v1;
	_ =	sdelay $0x1  }
0xff: {  	(erf) = vpow2.f32 v1;
	_ =	sdelay $0x2  }
0x100: {  	v1 =	vld [tilespmem:s0+$0x5030]  }
0x101: {  	v2 =	vld [tilespmem:s0+$0x6430];
	_ =	sdelay $0x4  }
0x102: {  	v3 =	vpop (erf)  }
0x103: {  	[tilespmem:s0+$0x7820] =	vst v3  }
0x104: {  	v1 =	vld.idx.msk [tilespmem:v1+s4+$0x0], $0xffff  }
0x105: {  	v2 =	vld.idx.msk [tilespmem:v2+s19+$0x0], $0xffff;
	_ =	sdelay $0x4  }
0x106: {  	v1 =	vadd.f32 v2, v1;
	_ =	sdelay $0x1  }
0x107: {  	v2 =	vmul.f32 $2.000000030e-01, v1;
	_ =	sdelay $0x1  }
0x108: {  	v1 =	vmax.f32 v1, v2  }
0x109: {  	v1 =	vmul.f32 $1.442695020e+00, v1;
	_ =	sdelay $0x1  }
0x10a: {  	(erf) = vpow2.f32 v1;
	_ =	sdelay $0x2  }
0x10b: {  	v1 =	vld [tilespmem:s0+$0x5040]  }
0x10c: {  	v2 =	vld [tilespmem:s0+$0x6440];
	_ =	sdelay $0x4  }
0x10d: {  	v3 =	vpop (erf)  }
0x10e: {  	[tilespmem:s0+$0x7830] =	vst v3  }
0x10f: {  	v1 =	vld.idx.msk [tilespmem:v1+s4+$0x0], $0xffff  }
0x110: {  	v2 =	vld.idx.msk [tilespmem:v2+s19+$0x0], $0xffff;
	_ =	sdelay $0x4  }
0x111: {  	v1 =	vadd.f32 v2, v1;
	_ =	sdelay $0x1  }
0x112: {  	v2 =	vmul.f32 $2.000000030e-01, v1;
	_ =	sdelay $0x1  }
0x113: {  	v1 =	vmax.f32 v1, v2  }
0x114: {  	v1 =	vmul.f32 $1.442695020e+00, v1;
	_ =	sdelay $0x1  }
0x115: {  	(erf) = vpow2.f32 v1;
	_ =	sdelay $0x2  }
0x116: {  	v1 =	vld [tilespmem:s0+$0x5050]  }
0x117: {  	v2 =	vld [tilespmem:s0+$0x6450];
	_ =	sdelay $0x4  }
0x118: {  	v3 =	vpop (erf)  }
0x119: {  	[tilespmem:s0+$0x7840] =	vst v3  }
0x11a: {  	v1 =	vld.idx.msk [tilespmem:v1+s4+$0x0], $0xffff  }
0x11b: {  	v2 =	vld.idx.msk [tilespmem:v2+s19+$0x0], $0xffff;
	_ =	sdelay $0x4  }
0x11c: {  	v1 =	vadd.f32 v2, v1;
	_ =	sdelay $0x1  }
0x11d: {  	v2 =	vmul.f32 $2.000000030e-01, v1;
	_ =	sdelay $0x1  }
0x11e: {  	v1 =	vmax.f32 v1, v2  }
0x11f: {  	v1 =	vmul.f32 $1.442695020e+00, v1;
	_ =	sdelay $0x1  }
0x120: {  	(erf) = vpow2.f32 v1;
	_ =	sdelay $0x2  }
0x121: {  	v1 =	vld [tilespmem:s0+$0x5060]  }
0x122: {  	v2 =	vld [tilespmem:s0+$0x6460];
	_ =	sdelay $0x4  }
0x123: {  	v3 =	vpop (erf)  }
0x124: {  	[tilespmem:s0+$0x7850] =	vst v3  }
0x125: {  	v1 =	vld.idx.msk [tilespmem:v1+s4+$0x0], $0xffff  }
0x126: {  	v2 =	vld.idx.msk [tilespmem:v2+s19+$0x0], $0xffff;
	_ =	sdelay $0x4  }
0x127: {  	v1 =	vadd.f32 v2, v1;
	_ =	sdelay $0x1  }
0x128: {  	v2 =	vmul.f32 $2.000000030e-01, v1;
	_ =	sdelay $0x1  }
0x129: {  	v1 =	vmax.f32 v1, v2  }
0x12a: {  	v1 =	vmul.f32 $1.442695020e+00, v1;
	_ =	sdelay $0x1  }
0x12b: {  	(erf) = vpow2.f32 v1;
	_ =	sdelay $0x2  }
0x12c: {  	v1 =	vld [tilespmem:s0+$0x5070]  }
0x12d: {  	v2 =	vld [tilespmem:s0+$0x6470];
	_ =	sdelay $0x4  }
0x12e: {  	v3 =	vpop (erf)  }
0x12f: {  	[tilespmem:s0+$0x7860] =	vst v3  }
0x130: {  	v1 =	vld.idx.msk [tilespmem:v1+s4+$0x0], $0xffff  }
0x131: {  	v2 =	vld.idx.msk [tilespmem:v2+s19+$0x0], $0xffff;
	_ =	sdelay $0x4  }
0x132: {  	v1 =	vadd.f32 v2, v1;
	_ =	sdelay $0x1  }
0x133: {  	v2 =	vmul.f32 $2.000000030e-01, v1;
	_ =	sdelay $0x1  }
0x134: {  	v1 =	vmax.f32 v1, v2  }
0x135: {  	v1 =	vmul.f32 $1.442695020e+00, v1;
	_ =	sdelay $0x1  }
0x136: {  	(erf) = vpow2.f32 v1;
	_ =	sdelay $0x8  }
0x137: {  	v1 =	vpop (erf)  }
0x138: {  	[tilespmem:s0+$0x7870] =	vst v1  }
0x139: {  	s30 =	simm.s32 $0x0;
	s31 =	simm.s32 $0x0;
	[bflag:$0x0] =	sbarrier.arrive $0xFFFF  }
0x13a: {  	[tilespmem:s23], [sflag:$0x1] =	stream.indirect.gather [hbm4b:s5+s22], $0x10, s7, s22, $0xb8;
	[tilespmem:$0xC680] =	vst v63  }
.LBB2_4:
0x13b: {  	s0 =	sshll.u32 s31, $0x8;
	v9 =	vmov s30  }
0x13c: {  	s1 =	simm.s32 $0x1;
	s6 =	simm.s32 $0x2;
	s21 =	simm.s32 $0x3;
	v2 =	vmov s0;
	v9 =	vshrl.u32 v9, $0x3  }
0x13d: {  	s20 =	simm.s32 $0x4;
	s7 =	simm.s32 $0x5;
	v10 =	vmov s1;
	v11 =	vmov s6;
	v12 =	vmov s21  }
0x13e: {  	v13 =	vmov s20;
	v14 =	vmov s7;
	v3 =	vor.u32 $0x1, v2  }
0x13f: {  	v4 =	vor.u32 $0x2, v2;
	v5 =	vor.u32 $0x3, v2;
	v6 =	vor.u32 $0x4, v2  }
0x140: {  	s21 =	simm.s32 $0x6;
	v7 =	vor.u32 $0x5, v2;
	v8 =	vor.u32 $0x6, v2;
	v1 =	vor.u32 $0x7, v2  }
0x141: {  	v9 =	vshll.u32 v9, v0;
	v10 =	vshrl.u32 v10, $0x3;
	v15 =	vmov s21  }
0x142: {  	s7 =	simm.s32 $0x7;
	v11 =	vshrl.u32 v11, $0x3;
	v12 =	vshrl.u32 v12, $0x3;
	v13 =	vshrl.u32 v13, $0x3  }
0x143: {  	v14 =	vshrl.u32 v14, $0x3;
	v16 =	vmov s7;
	v9 =	vadd.s32 v2, v9  }
0x144: {  	s6 =	sshllo.u32 s31, $0x1;
	v15 =	vshrl.u32 v15, $0x3;
	v10 =	vshll.u32 v10, v0;
	v11 =	vshll.u32 v11, v0  }
0x145: {  	_ =	swait.ge [sflag:s24], $0x800;
	s1 =	sshll.u32 s6, $0x7;
	s7 =	simm.s32 $0x8;
	v12 =	vshll.u32 v12, v0;
	v13 =	vshll.u32 v13, v0;
	v14 =	vshll.u32 v14, v0  }
0x146: {  	[sflag:s24] =	ssyncset.done $0x0;
	s20 =	sand.u32 $0x3FFFFF80, s1;
	v16 =	vshrl.u32 v16, $0x3;
	v17 =	vmov s7;
	v9 =	vbroadcast v9, $0x0  }
0x147: {  	[sflag:s24] =	ssyncadd.s32 $0xFFFFF800;
	v10 =	vadd.s32 v10, v3;
	v11 =	vadd.s32 v11, v4;
	v15 =	vshll.u32 v15, v0;
	s21 =	sadd.s32 $0x5000, s20  }
0x148: {  	v12 =	vadd.s32 v12, v5;
	v13 =	vadd.s32 v13, v6;
	v14 =	vadd.s32 v14, v7;
	[tilespmem:s25], [sflag:$0x2] =	stream.indirect.gather [hbm4b:s5+s22], $0x10, s21, s22, $0xb8;
	[tilespmem:$0xC680] =	vst v63  }
0x149: {  	v16 =	vshll.u32 v16, v0;
	v17 =	vshrl.u32 v17, $0x3;
	v10 =	vbroadcast v10, $0x0;
	s21 =	simm.s32 $0xA  }
0x14a: {  	s20 =	simm.s32 $0x9;
	v11 =	vbroadcast v11, $0x0;
	v12 =	vbroadcast v12, $0x0;
	v19 =	vmov s21;
	s21 =	simm.s32 $0xD  }
0x14b: {  	v16 =	vadd.s32 v16, v1;
	v18 =	vmov s20;
	v22 =	vmov s21;
	s21 =	simm.s32 $0xE  }
0x14c: {  	s20 =	simm.s32 $0xC;
	v17 =	vshll.u32 v17, v0;
	v16 =	vbroadcast v16, $0x0;
	v23 =	vmov s21;
	s21 =	simm.s32 $0x8C40  }
0x14d: {  	v21 =	vmov s20;
	v24 =	vadd.s32 v2, v17;
	v19 =	vshrl.u32 v19, $0x3;
	v17 =	vld [tilespmem:s21+$0x30]  }
0x14e: {  	v21 =	vshrl.u32 v21, $0x3;
	v22 =	vshrl.u32 v22, $0x3;
	v25 =	vshll.u32 v19, v0;
	v19 =	vld [tilespmem:s21+$0xFFFFFFC0]  }
0x14f: {  	v18 =	vshrl.u32 v18, $0x3;
	v21 =	vshll.u32 v21, v0;
	v26 =	vshll.u32 v22, v0;
	v22 =	vld [tilespmem:s21+$0xFFFFFFD0]  }
0x150: {  	v13 =	vbroadcast v13, $0x0;
	v18 =	vshll.u32 v18, v0;
	v27 =	vadd.s32 v21, v6;
	v21 =	vld [tilespmem:s21+$0xFFFFFFF0]  }
0x151: {  	v15 =	vadd.s32 v15, v8;
	v18 =	vadd.s32 v18, v3;
	v23 =	vshrl.u32 v23, $0x3;
	v9 =	vld.idx.msk [tilespmem:v9+s26+$0x0], $0xffff  }
0x152: {  	v14 =	vbroadcast v14, $0x0;
	v29 =	vshll.u32 v23, v0;
	v23 =	vbroadcast v18, $0x0;
	v18 =	vld [tilespmem:s21+$0xFFFFFFE0]  }
0x153: {  	v15 =	vbroadcast v15, $0x0;
	v10 =	vld.idx.msk [tilespmem:v10+s26+$0x0], $0xffff  }
0x154: {  	s6 =	simm.s32 $0xB;
	v11 =	vld.idx.msk [tilespmem:v11+s26+$0x0], $0xffff  }
0x155: {  	v20 =	vmov s6;
	v16 =	vld.idx.msk [tilespmem:v16+s26+$0x0], $0xffff  }
0x156: {  	v20 =	vshrl.u32 v20, $0x3;
	v12 =	vld.idx.msk [tilespmem:v12+s26+$0x0], $0xffff  }
0x157: {  	v20 =	vshll.u32 v20, v0;
	v24 =	vbroadcast v24, $0x0;
	v13 =	vld.idx.msk [tilespmem:v13+s26+$0x0], $0xffff  }
0x158: {  	v28 =	vadd.s32 v20, v5;
	v25 =	vadd.s32 v25, v4;
	v14 =	vld.idx.msk [tilespmem:v14+s26+$0x0], $0xffff  }
0x159: {  	s7 =	simm.s32 $0xF;
	s6 =	simm.s32 $0x10;
	v20 =	vbroadcast v25, $0x0;
	v26 =	vadd.s32 v26, v7;
	v25 =	vadd.s32 v29, v8;
	v15 =	vld.idx.msk [tilespmem:v15+s26+$0x0], $0xffff  }
.LBB2_5:
0x15a: {  	p0 =	slt.u32 s6, $0x78;
	v28 =	vbroadcast v28, $0x0;
	v29 =	vmov s7;
	v30 =	vld [tilespmem:s21+$0x0];
	v16 =	vmul.f32 v17, v16  }
0x15b: {  	v17 =	vbroadcast v27, $0x0;
	v27 =	vshrl.u32 v29, $0x3;
	v19 =	vmul.f32 v19, v9;
	v29 =	vld [tilespmem:s21+$0x10]  }
0x15c: {  	v26 =	vbroadcast v26, $0x0;
	v27 =	vshll.u32 v27, v0;
	v22 =	vmul.f32 v22, v10;
	v31 =	vld [tilespmem:s21+$0x20];
	[tilespmem:s21+$0x30] =	vst v16  }
0x15d: {  	v16 =	vbroadcast v25, $0x0;
	v9 =	vld.idx.msk [tilespmem:v24+s26+$0x0], $0xffff;
	v24 =	vadd.s32 v27, v1;
	[tilespmem:s21+$0xFFFFFFC0] =	vst v19;
	v18 =	vmul.f32 v18, v11  }
0x15e: {  	s7 =	sadd.s32 $0x1, s6;
	v11 =	vmov s6;
	v10 =	vld.idx.msk [tilespmem:v23+s26+$0x0], $0xffff;
	v19 =	vbroadcast v24, $0x0;
	[tilespmem:s21+$0xFFFFFFD0] =	vst v22;
	v21 =	vmul.f32 v21, v12  }
0x15f: {  	s20 =	sadd.s32 $0x3, s6;
	v22 =	vshrl.u32 v11, $0x3;
	v23 =	vmov s7;
	s7 =	sadd.s32 $0x2, s6;
	v11 =	vld.idx.msk [tilespmem:v20+s26+$0x0], $0xffff;
	[tilespmem:s21+$0xFFFFFFE0] =	vst v18;
	v18 =	vmul.f32 v30, v13  }
0x160: {  	v24 =	vmov s20;
	s20 =	sadd.s32 $0x5, s6;
	v20 =	vmov s7;
	s7 =	sadd.s32 $0x4, s6;
	v12 =	vld.idx.msk [tilespmem:v28+s26+$0x0], $0xffff;
	[tilespmem:s21+$0xFFFFFFF0] =	vst v21;
	v21 =	vmul.f32 v29, v14  }
0x161: {  	v27 =	vmov s20;
	v25 =	vmov s7;
	s7 =	sadd.s32 $0x6, s6;
	v13 =	vld.idx.msk [tilespmem:v17+s26+$0x0], $0xffff;
	[tilespmem:s21+$0x0] =	vst v18;
	v17 =	vmul.f32 v31, v15  }
0x162: {  	v18 =	vshll.u32 v22, v0;
	v22 =	vshrl.u32 v23, $0x3;
	v23 =	vmov s7;
	v14 =	vld.idx.msk [tilespmem:v26+s26+$0x0], $0xffff;
	[tilespmem:s21+$0x10] =	vst v21  }
0x163: {  	v20 =	vshrl.u32 v20, $0x3;
	v21 =	vshrl.u32 v24, $0x3;
	v24 =	vshrl.u32 v25, $0x3;
	v15 =	vld.idx.msk [tilespmem:v16+s26+$0x0], $0xffff;
	[tilespmem:s21+$0x20] =	vst v17  }
0x164: {  	v18 =	vadd.s32 v2, v18;
	v25 =	vshrl.u32 v27, $0x3;
	v23 =	vshrl.u32 v23, $0x3;
	s21 =	sadd.s32 $0x80, s21;
	v16 =	vld.idx.msk [tilespmem:v19+s26+$0x0], $0xffff  }
.Ltmp1:
0x165: {  	v20 =	vshll.u32 v20, v0;
	v22 =	vshll.u32 v22, v0;
	v21 =	vshll.u32 v21, v0;
	v17 =	vld [tilespmem:s21+$0x30];
	(pc) =	sbr.rel @p0 .LBB2_5-.Ltmp1, $4  }
0x166: {  	v26 =	vshll.u32 v24, v0;
	v25 =	vshll.u32 v25, v0;
	v29 =	vshll.u32 v23, v0;
	v19 =	vld [tilespmem:s21+$0xFFFFFFC0]  }
0x167: {  	v20 =	vadd.s32 v20, v4;
	v24 =	vbroadcast v18, $0x0;
	v18 =	vadd.s32 v22, v3;
	v22 =	vld [tilespmem:s21+$0xFFFFFFD0]  }
0x168: {  	v23 =	vbroadcast v18, $0x0;
	v28 =	vadd.s32 v21, v5;
	v27 =	vadd.s32 v26, v6;
	v18 =	vld [tilespmem:s21+$0xFFFFFFE0]  }
0x169: {  	s7 =	sadd.s32 $0x7, s6;
	s6 =	sadd.s32 $0x8, s6;
	v20 =	vbroadcast v20, $0x0;
	v26 =	vadd.s32 v25, v7;
	v25 =	vadd.s32 v29, v8;
	v21 =	vld [tilespmem:s21+$0xFFFFFFF0]  }
0x16a: {  	_ = 	snop  }
0x16b: {  	v4 =	vld [tilespmem:s21+$0x0]  }
0x16c: {  	v6 =	vld [tilespmem:s21+$0x10]  }
0x16d: {  	v3 =	vmov s7;
	v8 =	vld [tilespmem:s21+$0x20]  }
0x16e: {  	v2 =	vbroadcast v28, $0x0;
	v24 =	vld.idx.msk [tilespmem:v24+s26+$0x0], $0xffff;
	v3 =	vshrl.u32 v3, $0x3  }
0x16f: {  	v5 =	vbroadcast v27, $0x0;
	v20 =	vld.idx.msk [tilespmem:v20+s26+$0x0], $0xffff;
	v9 =	vmul.f32 v19, v9;
	v3 =	vshll.u32 v3, v0  }
0x170: {  	v7 =	vbroadcast v26, $0x0;
	s6 =	sadd.s32 $0x80, s21;
	v10 =	vmul.f32 v22, v10;
	v1 =	vadd.s32 v3, v1;
	v3 =	vld.idx.msk [tilespmem:v23+s26+$0x0], $0xffff  }
0x171: {  	[tilespmem:s21+$0xFFFFFFC0] =	vst v9;
	v9 =	vmul.f32 v18, v11;
	v11 =	vld [tilespmem:s6+$0x30];
	v1 =	vbroadcast v1, $0x0  }
0x172: {  	v25 =	vbroadcast v25, $0x0;
	[tilespmem:s21+$0xFFFFFFD0] =	vst v10;
	v10 =	vmul.f32 v21, v12;
	v12 =	vld [tilespmem:s6+$0xFFFFFFC0]  }
0x173: {  	[tilespmem:s21+$0xFFFFFFE0] =	vst v9;
	v9 =	vld [tilespmem:s6+$0xFFFFFFD0]  }
0x174: {  	v2 =	vld.idx.msk [tilespmem:v2+s26+$0x0], $0xffff  }
0x175: {  	v5 =	vld.idx.msk [tilespmem:v5+s26+$0x0], $0xffff  }
0x176: {  	v7 =	vld.idx.msk [tilespmem:v7+s26+$0x0], $0xffff  }
0x177: {  	v4 =	vmul.f32 v4, v13;
	v1 =	vld.idx.msk [tilespmem:v1+s26+$0x0], $0xffff  }
0x178: {  	v16 =	vmul.f32 v17, v16;
	v6 =	vmul.f32 v6, v14;
	v17 =	vld.idx.msk [tilespmem:v25+s26+$0x0], $0xffff;
	[tilespmem:s21+$0xFFFFFFF0] =	vst v10  }
0x179: {  	v10 =	vld [tilespmem:s6+$0xFFFFFFE0];
	[tilespmem:s21+$0x0] =	vst v4;
	v4 =	vmul.f32 v8, v15  }
0x17a: {  	v8 =	vld [tilespmem:s6+$0xFFFFFFF0];
	[tilespmem:s21+$0x10] =	vst v6  }
0x17b: {  	v6 =	vld [tilespmem:s6+$0x0];
	[tilespmem:s21+$0x20] =	vst v4;
	v4 =	vmul.f32 v12, v24  }
0x17c: {  	[tilespmem:s21+$0x30] =	vst v16;
	v1 =	vmul.f32 v11, v1;
	v11 =	vld [tilespmem:s6+$0x10]  }
0x17d: {  	v3 =	vmul.f32 v9, v3;
	v9 =	vld [tilespmem:s6+$0x20];
	[tilespmem:s6+$0xFFFFFFC0] =	vst v4  }
0x17e: {  	[tilespmem:s6+$0x30] =	vst v1;
	v1 =	vmul.f32 v10, v20  }
0x17f: {  	[tilespmem:s6+$0xFFFFFFD0] =	vst v3;
	v2 =	vmul.f32 v8, v2  }
0x180: {  	s20 =	simm.s32 $0x1;
	[tilespmem:s6+$0xFFFFFFE0] =	vst v1;
	v1 =	vmul.f32 v6, v5  }
0x181: {  	[tilespmem:s6+$0xFFFFFFF0] =	vst v2;
	v10 =	vmov s20;
	s20 =	simm.s32 $0x3;
	v2 =	vmul.f32 v11, v7  }
0x182: {  	s21 =	simm.s32 $0x0;
	v12 =	vmov s20;
	s20 =	simm.s32 $0x5;
	v10 =	vshrl.u32 v10, $0x3;
	[tilespmem:s6+$0x0] =	vst v1;
	v1 =	vmul.f32 v9, v17  }
0x183: {  	v14 =	vmov s20;
	v12 =	vshrl.u32 v12, $0x3;
	v9 =	vmov s21;
	s21 =	simm.s32 $0x2;
	[tilespmem:s6+$0x10] =	vst v2  }
0x184: {  	v10 =	vshll.u32 v10, v0;
	v14 =	vshrl.u32 v14, $0x3;
	v11 =	vmov s21;
	s21 =	simm.s32 $0x4;
	[tilespmem:s6+$0x20] =	vst v1;
	s6 =	sadd.s32 $0x6400, s0  }
0x185: {  	v12 =	vshll.u32 v12, v0;
	v14 =	vshll.u32 v14, v0;
	v9 =	vshrl.u32 v9, $0x3;
	[spmem:s2] =	stream.indirect.scatter.add.f32 [tilespmem:s23], [sflag:$0x3], $0x10, s6, s22, $0xb8;
	[tilespmem:$0xC680] =	vst v63  }
0x186: {  	v1 =	vmov s1;
	v13 =	vmov s21;
	v9 =	vshll.u32 v9, v0;
	_ =	swait.ge [sflag:s17], $0x800  }
0x187: {  	v11 =	vshrl.u32 v11, $0x3;
	v2 =	vor.u32 $0x1, v1;
	v3 =	vor.u32 $0x2, v1;
	[sflag:s17] =	ssyncset.done $0x0  }
0x188: {  	s20 =	sadd.s32 $0x7800, s0;
	s21 =	simm.s32 $0x6;
	v5 =	vor.u32 $0x3, v1;
	v6 =	vor.u32 $0x4, v1;
	v7 =	vor.u32 $0x5, v1;
	[sflag:s17] =	ssyncadd.s32 $0xFFFFF800  }
0x189: {  	v8 =	vor.u32 $0x6, v1;
	v4 =	vor.u32 $0x7, v1;
	v15 =	vmov s21;
	[spmem:s3] =	stream.indirect.scatter.add.f32 [tilespmem:s20], [sflag:$0x3], $0x1, s6, s22, $0xb8;
	[tilespmem:$0xC680] =	vst v63  }
0x18a: {  	v13 =	vshrl.u32 v13, $0x3;
	v9 =	vadd.s32 v1, v9;
	v11 =	vshll.u32 v11, v0;
	_ =	swait.ge [sflag:s17], $0x80  }
0x18b: {  	v15 =	vshrl.u32 v15, $0x3;
	v9 =	vbroadcast v9, $0x0;
	v10 =	vadd.s32 v10, v2;
	[sflag:s17] =	ssyncset.done $0x0  }
0x18c: {  	p0 =	seq.s32 s31, $0x13;
	s21 =	simm.s32 $0x7;
	v13 =	vshll.u32 v13, v0;
	v11 =	vadd.s32 v11, v3;
	v10 =	vbroadcast v10, $0x0;
	[sflag:s17] =	ssyncadd.s32 $0xFFFFFF80  }
0x18d: {  	s0 =	sshll.u32 @!p0 s31, $0x8;
	v12 =	vadd.s32 v12, v5;
	v16 =	vmov s21;
	v11 =	vbroadcast v11, $0x0;
	_ =	swait.ge [sflag:s28], $0x800  }
0x18e: {  	s7 =	simm.s32 @!p0 $0x8C00;
	s0 =	sand.u32 @!p0 $0x3FFFFF00, s0;
	v14 =	vadd.s32 v14, v7;
	v13 =	vadd.s32 v13, v6;
	v12 =	vbroadcast v12, $0x0;
	[sflag:s28] =	ssyncset.done $0x0  }
0x18f: {  	s0 =	sadd.s32 @!p0 $0x5100, s0;
	v15 =	vshll.u32 v15, v0;
	v16 =	vshrl.u32 v16, $0x3;
	v13 =	vbroadcast v13, $0x0;
	s6 =	simm.s32 @!p0 $0x80;
	[sflag:s28] =	ssyncadd.s32 $0xFFFFF800  }
0x190: {  	v14 =	vbroadcast v14, $0x0;
	v15 =	vadd.s32 v15, v8;
	v16 =	vshll.u32 v16, v0;
	[tilespmem:s7], [sflag:$0x1] =	stream.indirect.gather @!p0 [hbm4b:s5+s6], $0x10, s0, s6, $0xb8;
	[tilespmem:$0xC680] =	vst v63  }
0x191: {  	s21 =	simm.s32 $0xB;
	v15 =	vbroadcast v15, $0x0;
	v16 =	vadd.s32 v16, v4;
	v9 =	vld.idx.msk [tilespmem:v9+s26+$0x0], $0xffff  }
0x192: {  	v20 =	vmov s21;
	s21 =	simm.s32 $0xE;
	v16 =	vbroadcast v16, $0x0;
	v10 =	vld.idx.msk [tilespmem:v10+s26+$0x0], $0xffff  }
0x193: {  	v23 =	vmov s21;
	v11 =	vld.idx.msk [tilespmem:v11+s26+$0x0], $0xffff  }
0x194: {  	v20 =	vshrl.u32 v20, $0x3;
	s20 =	simm.s32 $0xA;
	v23 =	vshrl.u32 v23, $0x3;
	v12 =	vld.idx.msk [tilespmem:v12+s26+$0x0], $0xffff  }
0x195: {  	v20 =	vshll.u32 v20, v0;
	v19 =	vmov s20;
	s20 =	simm.s32 $0xD;
	v29 =	vshll.u32 v23, v0;
	s6 =	simm.s32 $0x8;
	v13 =	vld.idx.msk [tilespmem:v13+s26+$0x0], $0xffff  }
0x196: {  	v28 =	vadd.s32 v20, v5;
	v22 =	vmov s20;
	v17 =	vmov s6;
	v14 =	vld.idx.msk [tilespmem:v14+s26+$0x0], $0xffff  }
0x197: {  	v19 =	vshrl.u32 v19, $0x3;
	v22 =	vshrl.u32 v22, $0x3;
	s7 =	simm.s32 $0x9;
	v15 =	vld.idx.msk [tilespmem:v15+s26+$0x0], $0xffff;
	v17 =	vshrl.u32 v17, $0x3  }
0x198: {  	v25 =	vshll.u32 v19, v0;
	s0 =	simm.s32 $0x9440;
	v18 =	vmov s7;
	v16 =	vld.idx.msk [tilespmem:v16+s26+$0x0], $0xffff;
	v17 =	vshll.u32 v17, v0  }
0x199: {  	v26 =	vshll.u32 v22, v0;
	s7 =	simm.s32 $0xC;
	v18 =	vshrl.u32 v18, $0x3;
	v24 =	vadd.s32 v1, v17;
	v17 =	vld [tilespmem:s0+$0x30]  }
0x19a: {  	v25 =	vadd.s32 v25, v3;
	v19 =	vld [tilespmem:s0+$0xFFFFFFC0];
	v21 =	vmov s7;
	v18 =	vshll.u32 v18, v0  }
0x19b: {  	v22 =	vld [tilespmem:s0+$0xFFFFFFD0];
	v21 =	vshrl.u32 v21, $0x3;
	v18 =	vadd.s32 v18, v2;
	v24 =	vbroadcast v24, $0x0  }
0x19c: {  	v20 =	vbroadcast v25, $0x0;
	v21 =	vshll.u32 v21, v0;
	v23 =	vbroadcast v18, $0x0;
	v18 =	vld [tilespmem:s0+$0xFFFFFFE0]  }
0x19d: {  	v26 =	vadd.s32 v26, v7;
	v25 =	vadd.s32 v29, v8;
	s6 =	simm.s32 $0x10;
	s7 =	simm.s32 $0xF;
	v27 =	vadd.s32 v21, v6;
	v21 =	vld [tilespmem:s0+$0xFFFFFFF0]  }
.LBB2_7:
0x19e: {  	p0 =	slt.u32 s6, $0x78;
	v28 =	vbroadcast v28, $0x0;
	v29 =	vmov s7;
	v30 =	vld [tilespmem:s0+$0x0];
	v16 =	vmul.f32 v17, v16  }
0x19f: {  	v17 =	vbroadcast v27, $0x0;
	v27 =	vshrl.u32 v29, $0x3;
	v19 =	vmul.f32 v19, v9;
	v29 =	vld [tilespmem:s0+$0x10]  }
0x1a0: {  	v26 =	vbroadcast v26, $0x0;
	v27 =	vshll.u32 v27, v0;
	v22 =	vmul.f32 v22, v10;
	v31 =	vld [tilespmem:s0+$0x20];
	[tilespmem:s0+$0x30] =	vst v16  }
0x1a1: {  	v16 =	vbroadcast v25, $0x0;
	v9 =	vld.idx.msk [tilespmem:v24+s26+$0x0], $0xffff;
	v24 =	vadd.s32 v27, v4;
	[tilespmem:s0+$0xFFFFFFC0] =	vst v19;
	v18 =	vmul.f32 v18, v11  }
0x1a2: {  	s7 =	sadd.s32 $0x1, s6;
	v11 =	vmov s6;
	v10 =	vld.idx.msk [tilespmem:v23+s26+$0x0], $0xffff;
	v19 =	vbroadcast v24, $0x0;
	[tilespmem:s0+$0xFFFFFFD0] =	vst v22;
	v21 =	vmul.f32 v21, v12  }
0x1a3: {  	s20 =	sadd.s32 $0x3, s6;
	v22 =	vshrl.u32 v11, $0x3;
	v23 =	vmov s7;
	s7 =	sadd.s32 $0x2, s6;
	v11 =	vld.idx.msk [tilespmem:v20+s26+$0x0], $0xffff;
	[tilespmem:s0+$0xFFFFFFE0] =	vst v18;
	v18 =	vmul.f32 v30, v13  }
0x1a4: {  	v24 =	vmov s20;
	s20 =	sadd.s32 $0x5, s6;
	v20 =	vmov s7;
	s7 =	sadd.s32 $0x4, s6;
	v12 =	vld.idx.msk [tilespmem:v28+s26+$0x0], $0xffff;
	[tilespmem:s0+$0xFFFFFFF0] =	vst v21;
	v21 =	vmul.f32 v29, v14  }
0x1a5: {  	v27 =	vmov s20;
	v25 =	vmov s7;
	s7 =	sadd.s32 $0x6, s6;
	v13 =	vld.idx.msk [tilespmem:v17+s26+$0x0], $0xffff;
	[tilespmem:s0+$0x0] =	vst v18;
	v17 =	vmul.f32 v31, v15  }
0x1a6: {  	v18 =	vshll.u32 v22, v0;
	v22 =	vshrl.u32 v23, $0x3;
	v23 =	vmov s7;
	v14 =	vld.idx.msk [tilespmem:v26+s26+$0x0], $0xffff;
	[tilespmem:s0+$0x10] =	vst v21  }
0x1a7: {  	v20 =	vshrl.u32 v20, $0x3;
	v21 =	vshrl.u32 v24, $0x3;
	v24 =	vshrl.u32 v25, $0x3;
	v15 =	vld.idx.msk [tilespmem:v16+s26+$0x0], $0xffff;
	[tilespmem:s0+$0x20] =	vst v17  }
0x1a8: {  	v18 =	vadd.s32 v1, v18;
	v25 =	vshrl.u32 v27, $0x3;
	v23 =	vshrl.u32 v23, $0x3;
	s0 =	sadd.s32 $0x80, s0;
	v16 =	vld.idx.msk [tilespmem:v19+s26+$0x0], $0xffff  }
.Ltmp2:
0x1a9: {  	v20 =	vshll.u32 v20, v0;
	v22 =	vshll.u32 v22, v0;
	v21 =	vshll.u32 v21, v0;
	v17 =	vld [tilespmem:s0+$0x30];
	(pc) =	sbr.rel @p0 .LBB2_7-.Ltmp2, $4  }
0x1aa: {  	v26 =	vshll.u32 v24, v0;
	v25 =	vshll.u32 v25, v0;
	v29 =	vshll.u32 v23, v0;
	v19 =	vld [tilespmem:s0+$0xFFFFFFC0]  }
0x1ab: {  	v20 =	vadd.s32 v20, v3;
	v24 =	vbroadcast v18, $0x0;
	v18 =	vadd.s32 v22, v2;
	v22 =	vld [tilespmem:s0+$0xFFFFFFD0]  }
0x1ac: {  	v23 =	vbroadcast v18, $0x0;
	v28 =	vadd.s32 v21, v5;
	v27 =	vadd.s32 v26, v6;
	v18 =	vld [tilespmem:s0+$0xFFFFFFE0]  }
0x1ad: {  	s7 =	sadd.s32 $0x7, s6;
	s6 =	sadd.s32 $0x8, s6;
	v20 =	vbroadcast v20, $0x0;
	v26 =	vadd.s32 v25, v7;
	v25 =	vadd.s32 v29, v8;
	v21 =	vld [tilespmem:s0+$0xFFFFFFF0]  }
0x1ae: {  	_ = 	snop  }
0x1af: {  	v3 =	vld [tilespmem:s0+$0x0]  }
0x1b0: {  	v6 =	vld [tilespmem:s0+$0x10]  }
0x1b1: {  	v2 =	vmov s7;
	v8 =	vld [tilespmem:s0+$0x20]  }
0x1b2: {  	v51 =	vld.idx.msk [tilespmem:v24+s26+$0x0], $0xffff;
	v2 =	vshrl.u32 v2, $0x3  }
0x1b3: {  	v23 =	vld.idx.msk [tilespmem:v23+s26+$0x0], $0xffff;
	v2 =	vshll.u32 v2, v0  }
0x1b4: {  	s6 =	sadd.s32 $0x80, s0;
	v20 =	vld.idx.msk [tilespmem:v20+s26+$0x0], $0xffff;
	v2 =	vadd.s32 v2, v4  }
0x1b5: {  	v55 =	vld [tilespmem:s6+$0x30];
	v2 =	vbroadcast v2, $0x0  }
0x1b6: {  	v57 =	vld [tilespmem:s6+$0xFFFFFFC0]  }
0x1b7: {  	v16 =	vmul.f32 v17, v16;
	v58 =	vld [tilespmem:s6+$0xFFFFFFD0]  }
0x1b8: {  	v1 =	vbroadcast v28, $0x0;
	v9 =	vmul.f32 v19, v9;
	v59 =	vld [tilespmem:s6+$0xFFFFFFE0]  }
0x1b9: {  	v5 =	vbroadcast v27, $0x0;
	v60 =	vld [tilespmem:s6+$0xFFFFFFF0];
	v10 =	vmul.f32 v22, v10;
	[tilespmem:s0+$0x30] =	vst v16  }
0x1ba: {  	v7 =	vbroadcast v26, $0x0;
	v61 =	vld [tilespmem:s6+$0x0];
	[tilespmem:s0+$0xFFFFFFC0] =	vst v9;
	v54 =	vmul.f32 v18, v11  }
0x1bb: {  	v52 =	vbroadcast v25, $0x0;
	[tilespmem:s0+$0xFFFFFFD0] =	vst v10;
	v56 =	vmul.f32 v21, v12;
	v2 =	vld.idx.msk [tilespmem:v2+s26+$0x0], $0xffff  }
0x1bc: {  	v62 =	vld [tilespmem:s6+$0x10];
	[tilespmem:s0+$0xFFFFFFE0] =	vst v54;
	v3 =	vmul.f32 v3, v13  }
0x1bd: {  	v63 =	vld [tilespmem:s6+$0x20];
	v6 =	vmul.f32 v6, v14;
	[tilespmem:s0+$0xFFFFFFF0] =	vst v56  }
0x1be: {  	v1 =	vld.idx.msk [tilespmem:v1+s26+$0x0], $0xffff;
	v9 =	vmul.f32 v58, v23;
	[tilespmem:s0+$0x0] =	vst v3  }
0x1bf: {  	v5 =	vld.idx.msk [tilespmem:v5+s26+$0x0], $0xffff;
	v3 =	vmul.f32 v8, v15;
	[tilespmem:s0+$0x10] =	vst v6  }
0x1c0: {  	v7 =	vld.idx.msk [tilespmem:v7+s26+$0x0], $0xffff;
	[tilespmem:s6+$0xFFFFFFD0] =	vst v9;
	v2 =	vmul.f32 v55, v2  }
0x1c1: {  	v53 =	vld.idx.msk [tilespmem:v52+s26+$0x0], $0xffff;
	[tilespmem:s0+$0x20] =	vst v3;
	v3 =	vmul.f32 v57, v51  }
0x1c2: {  	[tilespmem:s6+$0x30] =	vst v2;
	v2 =	vmul.f32 v59, v20  }
0x1c3: {  	[tilespmem:s6+$0xFFFFFFC0] =	vst v3;
	v1 =	vmul.f32 v60, v1  }
0x1c4: {  	[tilespmem:s6+$0xFFFFFFE0] =	vst v2;
	v2 =	vmul.f32 v61, v5  }
0x1c5: {  	[tilespmem:s6+$0xFFFFFFF0] =	vst v1;
	v1 =	vmul.f32 v62, v7  }
0x1c6: {  	[tilespmem:s6+$0x0] =	vst v2;
	v2 =	vmul.f32 v63, v53  }
0x1c7: {  	[tilespmem:s6+$0x10] =	vst v1  }
0x1c8: {  	s20 =	sadd.s32 $0x6400, s1;
	[tilespmem:s6+$0x20] =	vst v2  }
0x1c9: {  	[spmem:s2] =	stream.indirect.scatter.add.f32 [tilespmem:s25], [sflag:$0x3], $0x10, s20, s22, $0xb8;
	[tilespmem:$0xC680] =	vst v63  }
0x1ca: {  	s31 =	sadd.s32 $0x1, s31;
	_ =	swait.ge [sflag:s17], $0x800  }
0x1cb: {  	p0 =	sne.s32 s31, $0x14;
	[sflag:s17] =	ssyncset.done $0x0  }
.Ltmp3:
0x1cc: {  	s21 =	sadd.s32 $0x7800, s1;
	[sflag:s17] =	ssyncadd.s32 $0xFFFFF800;
	(pc) =	sbr.rel @p0 .LBB2_4-.Ltmp3, $4  }
0x1cd: {  	[spmem:s3] =	stream.indirect.scatter.add.f32 [tilespmem:s21], [sflag:$0x3], $0x1, s20, s22, $0xb8;
	[tilespmem:$0xC680] =	vst v63  }
0x1ce: {  	_ =	swait.ge [sflag:s17], $0x80  }
0x1cf: {  	[sflag:s17] =	ssyncset.done $0x0  }
0x1d0: {  	[sflag:s17] =	ssyncadd.s32 $0xFFFFFF80  }
0x1d1: {  	[bflag:$0x0] =	sbarrier.arrive $0xFFFF  }
0x1d2: {  	[hbm:s13], [sflag:s9] =	dma.local [spmem:s16], $0x500  }
0x1d3: {  	s29 =	sadd.s32 $0x1, s29;
	_ =	swait.ge [sflag:s17], $0x500  }
0x1d4: {  	p0 =	sne.s32 s29, s15;
	[sflag:s17] =	ssyncset.done $0x0  }
.Ltmp4:
0x1d5: {  	[sflag:s17] =	ssyncadd.s32 $0xFFFFFB00;
	(pc) =	sbr.rel @p0 .LBB2_1-.Ltmp4, $4  }
0x1d6: {  	[hbm:s14], [sflag:s9] =	dma.local [spmem:s18], $0x50  }
0x1d7: {  	_ =	swait.ge [sflag:s17], $0x50  }
0x1d8: {  	[sflag:s17] =	ssyncset.done $0x0  }
0x1d9: {  	s7 =	simm.s32 $0x5000;
	[sflag:s17] =	ssyncadd.s32 $0xFFFFFFB0  }
0x1da: {  	_ =	sfence.sel $0x180000  }
0x1db: {  	[bflag:$0x0] =	sbarrier.arrive $0xFFFF  }
0x1dc: {  	_ =	strace $0x9000004D  }
0x1dd: {  	s0 =	stileid.u32;
	[bflag:$0x2] =	sbarrier.arrive $0xFFFF  }
0x1de: {  	p0 =	sne.s32 s0, $0x0;
	s0 =	rddreg [dreg:$0x4]  }
0x1df: {  	s0 =	sadd.s32 @!p0 $0x100000, s0  }
0x1e0: {  	[sflag:s0] =	ssyncadd.tile.s32 @!p0 $0x1;
	_ =	shalt  }
.Lfunc_end2:
_tile_overlayer_lowered:
.L_overlay_start_2:
0x1e1: {  	(tag) =	ssettag $0x2  }
0x1e2: {  	s0 =	rddreg [dreg:$0x0];
	s2 =	stileid.u32  }
0x1e3: {  	s1 =	rddreg [dreg:$0x1];
	p0 =	sne.s32 s2, $0x0  }
0x1e4: {  	s3 =	rddreg [dreg:$0x2];
	[bflag:$0x3] =	sbarrier.arrive $0xFFFF;
	s2 =	simm.s32 @!p0 $0x1C03  }
0x1e5: {  	[timem:s3], [sflag:s2] =	dma.local @!p0 [hbm:s0], s1  }
0x1e6: {  	s0 =	simm.s32 @!p0 $0x3  }
0x1e7: {  	_ =	swait.ge @!p0 [sflag:s0], s1  }
0x1e8: {  	s1 =	ssub.s32 @!p0 $0x0, s1;
	[sflag:s0] =	ssyncset.done @!p0 $0x0  }
0x1e9: {  	[sflag:s0] =	ssyncadd.s32 @!p0 s1  }
0x1ea: {  	[bflag:$0x3] =	sbarrier.arrive $0xFFFF  }
0x1eb: {  	_ =	shalt  }

// kernel: kernel.20.cloned.1.call-start
scs
__scs_entry_jumppad:
0x0: {  	(pc) =	sbr.rel $0x88, $3  }
0x1: {  	(tag) =	ssettag $0x0;
	lr =	simm.s32 $0x1  }
0x2: {  	[smem:$0x3F8C] =	sst lr;
	_ =	strace $0xD0000000  }
0x3: {  	_ = 	snop  }
0x4: {  	_ = 	snop  }
0x5: {  	_ = 	snop  }
0x6: {  	_ = 	snop  }
0x7: {  	_ = 	snop  }
__scs_overlays_trampoline_lowered:
0x8: {  	[smem:$0x3F9B] =	sst s0  }
0x9: {  	[smem:$0x3F9C] =	sst s1  }
0xa: {  	[smem:$0x3F9D] =	sst s2  }
0xb: {  	[smem:$0x3F9E] =	sst s3  }
0xc: {  	[smem:$0x3F9F] =	sst s4  }
0xd: {  	[smem:$0x3FA0] =	sst s5  }
0xe: {  	[smem:$0x3FA1] =	sst s6  }
0xf: {  	[smem:$0x3FA2] =	sst s7  }
0x10: {  	[smem:$0x3FA3] =	sst s8  }
0x11: {  	[smem:$0x3FA4] =	sst s9;
	s0 =	simm.s32 @!p0 $0x0  }
0x12: {  	s1 =	sld [smem:$0x3F8A];
	s0 =	simm.s32 @p0 $0x1  }
0x13: {  	[smem:$0x3FA5] =	sst s0;
	s0 =	simm.s32 @!p1 $0x0  }
0x14: {  	s2 =	sld [smem:$0x3F89];
	s0 =	simm.s32 @p1 $0x1  }
0x15: {  	[smem:$0x3FA6] =	sst s0;
	s0 =	simm.s32 @!p2 $0x0  }
0x16: {  	s3 =	sld [smem:$0x3FDB];
	s0 =	simm.s32 @p2 $0x1  }
0x17: {  	s4 =	simm.s32 $0x1BF5;
	[smem:$0x3FA8] =	sst s0  }
0x18: {  	s0 =	sld [smem:$0x3F8B];
	_ =	swait.ge [sflag:s4], $0x0  }
0x19: {  	s7 =	sld [smem:$0x3F8C]  }
0x1a: {  	s8 =	sadd.s32 $0xFFFFE003, lr  }
0x1b: {  	s9 =	sadd.s32 $0xFFFFFEF7, lr;
	s5 =	simm.s32 $0xFFFFFFFF;
	p2 =	slt.u32 s8, $0xFFFFF086  }
0x1c: {  	p1 =	slt.u32 s9, $0xF7A;
	s5 =	simm.s32 @!p2 $0x0  }
0x1d: {  	s5 =	simm.s32 @p1 $0x1;
	p0 =	seq.s32 s7, s2  }
0x1e: {  	s7 =	smul.u32 @!p0 $0xF7A, s2;
	p2 =	seq.s32 @!p0 s5, $0x0  }
0x1f: {  	s9 =	smul.u32 $0xF7A, s1;
	s8 =	simm.s32 @!p0 $0x1BF5;
	p2 =	por !p2, p0  }
0x20: {  	[sflag:s8] =	ssyncset.s32 @!p0 $0xFFFFF086;
	s6 =	sadd.s32 @!p0 s3, s7;
	s7 =	simm.s32 @!p0 $0x108  }
0x21: {  	s3 =	sadd.s32 s3, s9;
	s6 =	sadd.s32 @!p0 $0x88, s6;
	s7 =	simm.s32 @p2 $0x1082  }
0x22: {  	[simem:s7], [sflag:s8] =	dma.local @!p0 [hbm:s6], $0xF7A  }
0x23: {  	s9 =	sor.u32 $0xD0000000, s2;
	s6 =	simm.s32 $0x108;
	_ =	swait.ge @!p0 [sflag:s8], $0x0  }
0x24: {  	s3 =	sadd.s32 $0x88, s3;
	s6 =	simm.s32 @!p1 $0x1082;
	[sflag:s4] =	ssyncset.s32 $0xFFFFF086  }
0x25: {  	[simem:s6], [sflag:s4] =	dma.local [hbm:s3], $0xF7A  }
0x26: {  	[smem:$0x3F8C] =	sst s1;
	(tag) =	ssettag s2;
	_ =	strace s9  }
0x27: {  	s1 =	sld [smem:$0x3F9C]  }
0x28: {  	s2 =	sld [smem:$0x3F9D]  }
0x29: {  	s4 =	sld [smem:$0x3F9F]  }
0x2a: {  	p0 =	seq.s32 s5, $0x0;
	s5 =	sld [smem:$0x3FA0]  }
0x2b: {  	s6 =	sld [smem:$0x3FA1]  }
0x2c: {  	s7 =	sld [smem:$0x3FA2]  }
0x2d: {  	s3 =	simm.s32 $0x108;
	s8 =	sld [smem:$0x3FA3]  }
0x2e: {  	s3 =	simm.s32 @!p0 $0x1082;
	s9 =	sld [smem:$0x3FA4]  }
0x2f: {  	lr =	sadd.s32 s0, s3;
	s0 =	sld [smem:$0x3F9B]  }
0x30: {  	s3 =	sld [smem:$0x3F9E]  }
0x31: {  	[smem:$0x3FA7] =	sst s10  }
0x32: {  	s10 =	sld [smem:$0x3FA5];
	_ =	sdelay $0x3  }
0x33: {  	p0 =	seq.s32 s10, $0x1;
	s10 =	sld [smem:$0x3FA7];
	_ =	sdelay $0x3  }
0x34: {  	[smem:$0x3FA7] =	sst s10  }
0x35: {  	s10 =	sld [smem:$0x3FA6];
	_ =	sdelay $0x3  }
0x36: {  	p1 =	seq.s32 s10, $0x1;
	s10 =	sld [smem:$0x3FA7];
	_ =	sdelay $0x3  }
0x37: {  	[smem:$0x3FA7] =	sst s10  }
0x38: {  	s10 =	sld [smem:$0x3FA8]  }
0x39: {  	_ = 	snop;
	(pc) =	sbr.ind lr, $3  }
0x3a: {  	_ = 	snop  }
0x3b: {  	_ = 	snop  }
0x3c: {  	p2 =	seq.s32 s10, $0x1;
	s10 =	sld [smem:$0x3FA7]  }
0x3d: {  	_ =	shalt  }
0x3e: {  	_ =	shalt  }
0x3f: {  	_ =	shalt  }
0x40: {  	_ =	shalt  }
0x41: {  	_ =	shalt  }
0x42: {  	_ =	shalt  }
0x43: {  	_ =	shalt  }
0x44: {  	_ =	shalt  }
0x45: {  	_ =	shalt  }
0x46: {  	_ =	shalt  }
0x47: {  	_ =	shalt  }
0x48: {  	_ =	shalt  }
0x49: {  	_ =	shalt  }
0x4a: {  	_ =	shalt  }
0x4b: {  	_ =	shalt  }
0x4c: {  	_ =	shalt  }
0x4d: {  	_ =	shalt  }
0x4e: {  	_ =	shalt  }
0x4f: {  	_ =	shalt  }
0x50: {  	_ =	shalt  }
0x51: {  	_ =	shalt  }
0x52: {  	_ =	shalt  }
0x53: {  	_ =	shalt  }
0x54: {  	_ =	shalt  }
0x55: {  	_ =	shalt  }
0x56: {  	_ =	shalt  }
0x57: {  	_ =	shalt  }
0x58: {  	_ =	shalt  }
0x59: {  	_ =	shalt  }
0x5a: {  	_ =	shalt  }
0x5b: {  	_ =	shalt  }
0x5c: {  	_ =	shalt  }
0x5d: {  	_ =	shalt  }
0x5e: {  	_ =	shalt  }
0x5f: {  	_ =	shalt  }
0x60: {  	_ =	shalt  }
0x61: {  	_ =	shalt  }
0x62: {  	_ =	shalt  }
0x63: {  	_ =	shalt  }
0x64: {  	_ =	shalt  }
0x65: {  	_ =	shalt  }
0x66: {  	_ =	shalt  }
0x67: {  	_ =	shalt  }
0x68: {  	_ =	shalt  }
0x69: {  	_ =	shalt  }
0x6a: {  	_ =	shalt  }
0x6b: {  	_ =	shalt  }
0x6c: {  	_ =	shalt  }
0x6d: {  	_ =	shalt  }
0x6e: {  	_ =	shalt  }
0x6f: {  	_ =	shalt  }
0x70: {  	_ =	shalt  }
0x71: {  	_ =	shalt  }
0x72: {  	_ =	shalt  }
0x73: {  	_ =	shalt  }
0x74: {  	_ =	shalt  }
0x75: {  	_ =	shalt  }
0x76: {  	_ =	shalt  }
0x77: {  	_ =	shalt  }
0x78: {  	_ =	shalt  }
0x79: {  	_ =	shalt  }
0x7a: {  	_ =	shalt  }
0x7b: {  	_ =	shalt  }
0x7c: {  	_ =	shalt  }
0x7d: {  	_ =	shalt  }
0x7e: {  	_ =	shalt  }
0x7f: {  	_ =	shalt  }
0x80: {  	_ =	shalt  }
0x81: {  	_ =	shalt  }
0x82: {  	_ =	shalt  }
0x83: {  	_ =	shalt  }
0x84: {  	_ =	shalt  }
0x85: {  	_ =	shalt  }
0x86: {  	_ =	shalt  }
0x87: {  	_ =	shalt  }
.Lfunc_end0:
.L_simem_size_0:
called_computation.3_lowered:
.L_overlay_start_0:
0x88: {  	s2 =	sld [smem:$0x3FD9]  }
0x89: {  	s3 =	sld [smem:$0x3FFE];
	_ =	sdelay $0x1  }
0x8a: {  	s1 =	srdreg.scid  }
0x8b: {  	s0 =	sand.u32 $0x1, s1  }
0x8c: {  	s17 =	sshll.u32 s0, $0xA;
	s2 =	sadd.s32 s3, s2  }
0x8d: {  	s2 =	sadd.s32 s2, s17  }
0x8e: {  	[smem:$0x3FB3] =	sst s2  }
0x8f: {  	_ = 	snop  }
0x90: {  	s2 =	sld [smem:$0x3FD0];
	(tm) =	ssettm $0x1  }
0x91: {  	s18 =	sld [smem:$0x3FFB];
	_ =	sdelay $0x3  }
0x92: {  	_ =	strace s18  }
0x93: {  	s3 =	sld [smem:$0x3FFC];
	_ =	sdelay $0x3  }
0x94: {  	_ =	strace s3  }
0x95: {  	s3 =	sld [smem:$0x3FFD];
	_ =	sdelay $0x3  }
0x96: {  	_ =	strace s3  }
0x97: {  	_ =	strace $0x8FFFFFFF  }
0x98: {  	s19 =	sld [smem:$0x3FDB];
	_ =	sdelay $0x1  }
0x99: {  	s4 =	simm.s32 $_scs_section_size  }
0x9a: {  	s5 =	simm.s32 $_size__tile_overlayer_lowered;
	s6 =	simm.s32 $_tile_overlayer_lowered  }
0x9b: {  	s22 =	simm.s32 $0x1BFF;
	s21 =	sshll.u32 s6, $0x1;
	s3 =	sadd.s32 s4, s19  }
0x9c: {  	s7 =	simm.s32 $0x0;
	s20 =	sshll.u32 s5, $0x1;
	s5 =	sadd.s32 s21, s3  }
0x9d: {  	[timem:s7], [sflag:s22] =	dma.local [hbm:s5], s20  }
0x9e: {  	_ =	swait.ge [sflag:s22], s20  }
0x9f: {  	s4 =	ssub.s32 $0x0, s20;
	[sflag:s22] =	ssyncset.done $0x0  }
0xa0: {  	[sflag:s22] =	ssyncadd.s32 s4;
	_ =	sdelay $0x1  }
0xa1: {  	s23 =	simm.s32 $0x1B8B  }
0xa2: {  	_ =	swait.ge [sflag:s23], $0x1  }
0xa3: {  	[sflag:s23] =	ssyncset.done $0x0  }
0xa4: {  	s25 =	simm.s32 $0x1B8E;
	s24 =	sld [smem:$0x3FFE];
	[sflag:s23] =	ssyncadd.s32 $0xFFFFFFFF  }
0xa5: {  	s26 =	simm.s32 $execute0_lowered;
	[smem:$0x3FD2] =	sst s25  }
0xa6: {  	s5 =	sshll.u32 s26, $0x1;
	_ =	strace $0x8000004F;
	[dreg:$0x1] =	wrdreg $0xFFFFFFFF  }
0xa7: {  	s28 =	simm.s32 $_size_execute0_lowered;
	s3 =	sadd.s32 s3, s5;
	[dreg:$0x0] =	wrdreg $0x0  }
0xa8: {  	s5 =	sshll.u32 s28, $0x1;
	[dreg:$0x2] =	wrdreg s3  }
0xa9: {  	[dreg:$0x3] =	wrdreg s5  }
0xaa: {  	[dreg:$0x4] =	wrdreg $0xC0  }
0xab: {  	_ =	task [dreg:s7], $0x5FFFF  }
0xac: {  	[dreg:$0x1] =	wrdreg $0xFFFFFFFF  }
0xad: {  	[dreg:$0x0] =	wrdreg $0x60  }
0xae: {  	[dreg:$0x2] =	wrdreg s24  }
0xaf: {  	[dreg:$0x3] =	wrdreg s2  }
0xb0: {  	[dreg:$0x4] =	wrdreg $0x9  }
0xb1: {  	_ =	task.clear_ibuf [dreg:s7], $0x5FFFF;
	_ =	strace $0x9000004F  }
0xb2: {  	s29 =	simm.s32 $0x9;
	_ =	strace $0x80000051  }
0xb3: {  	_ =	swait.ge [sflag:s29], $0x1  }
0xb4: {  	[sflag:s29] =	ssyncadd.s32 $0xFFFFFFFF  }
0xb5: {  	_ =	strace $0x90000051  }
0xb6: {  	_ =	sfence  }
0xb7: {  	s30 =	sld [smem:$0x0];
	_ =	sdelay $0x2  }
0xb8: {  	s31 =	sshll.u32 s1, $0xD;
	s1 =	sshrl.u32 s1, $0x2  }
0xb9: {  	s3 =	sand.u32 $0x4000, s31;
	s1 =	sadd.s32 s1, s30  }
0xba: {  	s0 =	sor.u32 s3, s0;
	s1 =	sshll.u32 s1, $0x11  }
0xbb: {  	s0 =	sor.u32 s1, s0  }
0xbc: {  	s0 =	sadd.s32 $0x8F2B, s0  }
0xbd: {  	[sflag:s0] =	ssyncadd.remote.s32 $0x1  }
0xbe: {  	_ =	sfence.sel $0xFFFF  }
0xbf: {  	[dreg:$0x0] =	wrdreg $0xFFFFFFFF;
	(pc) =	sbr.abs _section_cstart, $3  }
0xc0: {  	[dreg:$0x1] =	wrdreg $0xFFFFFFFF  }
0xc1: {  	_ =	task.clear_ibuf [dreg:s7], $0x2FFFF;
	_ =	strace $0x9FFFFFFF  }
0xc2: {  	(tm) =	ssettm $0x7FFFFFFF  }
0xc3: {  	_ =	shalt  }
tec
execute0_lowered:
.L_overlay_start_1:
0x0: {  	(tag) =	ssettag $0x1  }
0x1: {  	s0 =	srdreg.scid;
	s5 =	rddreg [dreg:$0x0]  }
0x2: {  	s2 =	rddreg [dreg:$0x1];
	s1 =	stileid.u32;
	s3 =	simm.s32 $0x0  }
0x3: {  	s10 =	simm.s32 $0x14000;
	s11 =	simm.s32 $0x15400;
	s4 =	sand.u32 $0x1, s0  }
0x4: {  	s12 =	simm.s32 $0x16800;
	s13 =	simm.s32 $0x0;
	s6 =	sshll.u32 s4, $0x4  }
0x5: {  	s0 =	rddreg [dreg:$0x2];
	s8 =	ssub.s32 $0x2, s4;
	s7 =	sor.u32 s1, s6  }
0x6: {  	v0 =	vimm.s32 $0x0;
	vm0 =	vcmask $0x300;
	v2 =	vlaneseq.u32;
	[smem:$0x7FF] =	sst s3;
	s9 =	sshrl.u32 s8, $0x1;
	s6 =	smul.u32 $0x280, s7  }
0x7: {  	vm1 =	vcmask $0xF00;
	v0 =	vsel vm0, $0x3, v0;
	vm0 =	vcmask $0x2F20;
	_ =	strace $0x80000050;
	s4 =	sadd.s32 $0x3600, s5;
	s8 =	ssub.s32 s8, s9  }
0x8: {  	v1 =	vshrl.u32 v2, $0x3;
	v2 =	vand.u32 $0x3, v2;
	vm0 =	vmor vm1, vm0;
	s7 =	smul.u32 $0xA000, s7;
	s9 =	simm.s32 $0x1;
	s6 =	sadd.s32 s6, s5  }
0x9: {  	v3 =	vor.u32 $0x2, v1;
	v4 =	vor.u32 $0x4, v1;
	v5 =	vor.u32 $0x6, v1;
	s8 =	smax.u32 s8, $0x1;
	s5 =	sadd.s32 $0x2C800, s6;
	s6 =	sadd.s32 $0x31800, s6  }
.LBB2_1:
0xa: {  	[tilespmem:s3], [sflag:$0x1] =	stream.linear.gather [hbm4b:s4+s3], $0x14000, $0x38;
	[tilespmem:$0x16C00] =	vst v63  }
0xb: {  	_ =	swait.ge [sflag:s9], $0x14000  }
0xc: {  	[sflag:s9] =	ssyncset.done $0x0  }
0xd: {  	[sflag:s9] =	ssyncadd.s32 $0xFFFEC000  }
0xe: {  	[tilespmem:s10], [sflag:$0x1] =	stream.linear.gather [hbm4b:s5+s3], $0x1400, $0x38;
	[tilespmem:$0x16C00] =	vst v63  }
0xf: {  	_ =	swait.ge [sflag:s9], $0x1400  }
0x10: {  	[sflag:s9] =	ssyncset.done $0x0  }
0x11: {  	[sflag:s9] =	ssyncadd.s32 $0xFFFFEC00  }
0x12: {  	[tilespmem:s11], [sflag:$0x1] =	stream.linear.gather [hbm4b:s6+s3], $0x1400, $0x38;
	[tilespmem:$0x16C00] =	vst v63  }
0x13: {  	_ =	swait.ge [sflag:s9], $0x1400  }
0x14: {  	[sflag:s9] =	ssyncset.done $0x0  }
0x15: {  	s14 =	simm.s32 $0x0;
	[sflag:s9] =	ssyncadd.s32 $0xFFFFEC00  }
.LBB2_2:
0x16: {  	s15 =	simm.s32 $0x6;
	s16 =	simm.s32 $0x2;
	s18 =	simm.s32 $0x0  }
0x17: {  	s19 =	simm.s32 $0x4;
	s20 =	simm.s32 $0x8;
	v6 =	vmov s15;
	v8 =	vmov s16;
	v9 =	vmov s18  }
0x18: {  	s17 =	sshll.u32 s14, $0x7;
	s21 =	simm.s32 $0xE;
	v10 =	vmov s19;
	v11 =	vmov s20;
	v7 =	vshrl.u32 v6, $0x3  }
0x19: {  	s22 =	simm.s32 $0xA;
	v13 =	vmov s21;
	v6 =	vmov s17;
	v7 =	vshll.u32 v7, v0  }
0x1a: {  	s24 =	simm.s32 $0x12;
	v14 =	vmov s22;
	v10 =	vshrl.u32 v10, $0x3;
	v7 =	vadd.s32 v6, v7  }
0x1b: {  	s25 =	simm.s32 $0x14;
	v18 =	vmov s24;
	v10 =	vshll.u32 v10, v0;
	v7 =	vbroadcast v7, $0x0  }
0x1c: {  	v19 =	vmov s25;
	v8 =	vshrl.u32 v8, $0x3;
	v10 =	vadd.s32 v6, v10  }
0x1d: {  	s26 =	simm.s32 $0x16;
	v8 =	vshll.u32 v8, v0;
	v10 =	vbroadcast v10, $0x0;
	v7 =	vor.u32 v5, v7  }
0x1e: {  	v20 =	vmov s26;
	v9 =	vshrl.u32 v9, $0x3;
	v8 =	vadd.s32 v6, v8  }
0x1f: {  	v13 =	vshrl.u32 v13, $0x3;
	v8 =	vbroadcast v8, $0x0;
	v10 =	vor.u32 v4, v10  }
0x20: {  	v14 =	vshrl.u32 v14, $0x3;
	v11 =	vshrl.u32 v11, $0x3;
	v9 =	vshll.u32 v9, v0  }
0x21: {  	v13 =	vshll.u32 v13, v0;
	v9 =	vadd.s32 v6, v9;
	v8 =	vor.u32 v3, v8  }
0x22: {  	s17 =	simm.s32 $0xC;
	v18 =	vshrl.u32 v18, $0x3;
	v13 =	vadd.s32 v6, v13;
	v9 =	vbroadcast v9, $0x0;
	v12 =	vld.idx.msk [tilespmem:v7+s10+$0x0], $0xffff  }
0x23: {  	v19 =	vshrl.u32 v19, $0x3;
	v15 =	vmov s17;
	v13 =	vbroadcast v13, $0x0;
	v7 =	vld.idx.msk [tilespmem:v7+s11+$0x0], $0xffff  }
0x24: {  	v14 =	vshll.u32 v14, v0;
	v15 =	vshrl.u32 v15, $0x3;
	v9 =	vor.u32 v1, v9;
	v17 =	vld.idx.msk [tilespmem:v10+s10+$0x0], $0xffff  }
0x25: {  	v14 =	vadd.s32 v6, v14;
	v15 =	vshll.u32 v15, v0;
	v13 =	vor.u32 v5, v13;
	v10 =	vld.idx.msk [tilespmem:v10+s11+$0x0], $0xffff  }
0x26: {  	v20 =	vshrl.u32 v20, $0x3;
	v14 =	vbroadcast v14, $0x0;
	v15 =	vadd.s32 v6, v15;
	v16 =	vld.idx.msk [tilespmem:v8+s10+$0x0], $0xffff  }
0x27: {  	v11 =	vshll.u32 v11, v0;
	v18 =	vshll.u32 v18, v0;
	v15 =	vbroadcast v15, $0x0;
	v8 =	vld.idx.msk [tilespmem:v8+s11+$0x0], $0xffff  }
0x28: {  	v20 =	vshll.u32 v20, v0;
	v7 =	vsel vm0, v12, v7;
	v12 =	vor.u32 v3, v14  }
0x29: {  	v19 =	vshll.u32 v19, v0;
	v11 =	vadd.s32 v6, v11;
	v14 =	vor.u32 v4, v15;
	v15 =	vld.idx.msk [tilespmem:v9+s10+$0x0], $0xffff  }
0x2a: {  	v20 =	vadd.s32 v6, v20;
	v11 =	vbroadcast v11, $0x0;
	v10 =	vsel vm0, v17, v10;
	v17 =	vld.idx.msk [tilespmem:v13+s10+$0x0], $0xffff  }
0x2b: {  	s23 =	simm.s32 $0x10;
	v18 =	vadd.s32 v6, v18;
	v19 =	vadd.s32 v6, v19;
	v20 =	vbroadcast v20, $0x0;
	v13 =	vld.idx.msk [tilespmem:v13+s11+$0x0], $0xffff  }
0x2c: {  	v11 =	vor.u32 v1, v11;
	v8 =	vsel vm0, v16, v8;
	v16 =	vmov s23;
	v9 =	vld.idx.msk [tilespmem:v9+s11+$0x0], $0xffff  }
0x2d: {  	v18 =	vbroadcast v18, $0x0;
	v7 =	vshll.u32 v7, $0x3;
	v16 =	vshrl.u32 v16, $0x3;
	v21 =	vld.idx.msk [tilespmem:v12+s10+$0x0], $0xffff  }
0x2e: {  	v8 =	vshll.u32 v8, $0x3;
	v7 =	vor.u32 v2, v7;
	v16 =	vshll.u32 v16, v0;
	v12 =	vld.idx.msk [tilespmem:v12+s11+$0x0], $0xffff  }
0x2f: {  	v19 =	vbroadcast v19, $0x0;
	v8 =	vor.u32 v2, v8;
	v16 =	vadd.s32 v6, v16;
	v22 =	vld.idx.msk [tilespmem:v14+s10+$0x0], $0xffff  }
0x30: {  	v20 =	vor.u32 v5, v20;
	v10 =	vshll.u32 v10, $0x3;
	v16 =	vbroadcast v16, $0x0;
	v14 =	vld.idx.msk [tilespmem:v14+s11+$0x0], $0xffff  }
0x31: {  	v23 =	vld.idx.msk [tilespmem:v11+s10+$0x0], $0xffff;
	v13 =	vsel vm0, v17, v13;
	v17 =	vor.u32 v3, v18;
	v9 =	vsel vm0, v15, v9  }
0x32: {  	s28 =	simm.s32 $0x18;
	v24 =	vld.idx.msk [tilespmem:v11+s11+$0x0], $0xffff;
	v18 =	vor.u32 v4, v19;
	v13 =	vshll.u32 v13, $0x3;
	v9 =	vshll.u32 v9, $0x3  }
0x33: {  	v7 =	vld.idx.msk [tilespmem:v7+s3+$0x0], $0xffff;
	v25 =	vor.u32 v2, v9;
	v9 =	vor.u32 v2, v10;
	v10 =	vmov s28  }
0x34: {  	v16 =	vor.u32 v1, v16;
	v10 =	vshrl.u32 v10, $0x3;
	v11 =	vsel vm0, v21, v12;
	v12 =	vld.idx.msk [tilespmem:v8+s3+$0x0], $0xffff  }
0x35: {  	s31 =	simm.s32 $0x1E;
	v13 =	vor.u32 v2, v13;
	v10 =	vshll.u32 v10, v0;
	v21 =	vld.idx.msk [tilespmem:v20+s10+$0x0], $0xffff;
	v22 =	vsel vm0, v22, v14  }
0x36: {  	s30 =	simm.s32 $0x1C;
	v14 =	vmov s31;
	v20 =	vld.idx.msk [tilespmem:v20+s11+$0x0], $0xffff;
	v10 =	vadd.s32 v6, v10;
	v8 =	vshll.u32 v11, $0x3  }
0x37: {  	s29 =	simm.s32 $0x1A;
	v27 =	vld.idx.msk [tilespmem:v17+s10+$0x0], $0xffff;
	v11 =	vmov s30;
	v14 =	vshrl.u32 v14, $0x3;
	v30 =	vbroadcast v10, $0x0  }
0x38: {  	v28 =	vld.idx.msk [tilespmem:v17+s11+$0x0], $0xffff;
	v26 =	vor.u32 v2, v8;
	v8 =	vmov s29;
	v14 =	vshll.u32 v14, v0  }
0x39: {  	v17 =	vld.idx.msk [tilespmem:v16+s10+$0x0], $0xffff;
	v11 =	vshrl.u32 v11, $0x3;
	v8 =	vshrl.u32 v8, $0x3;
	v14 =	vadd.s32 v6, v14  }
0x3a: {  	v13 =	vld.idx.msk [tilespmem:v13+s3+$0x0], $0xffff;
	v11 =	vshll.u32 v11, v0;
	v8 =	vshll.u32 v8, v0;
	v14 =	vbroadcast v14, $0x0  }
0x3b: {  	s15 =	simm.s32 $0x16820;
	v22 =	vshll.u32 v22, $0x3;
	v15 =	vadd.s32 v6, v11;
	v11 =	vld.idx.msk [tilespmem:v18+s10+$0x0], $0xffff;
	v8 =	vadd.s32 v6, v8  }
0x3c: {  	[tilespmem:s15+$0x10] =	vst v7;
	v29 =	vbroadcast v15, $0x0;
	v15 =	vld.idx.msk [tilespmem:v18+s11+$0x0], $0xffff;
	v20 =	vsel vm0, v21, v20;
	v19 =	vor.u32 v5, v14  }
0x3d: {  	v18 =	vld.idx.msk [tilespmem:v16+s11+$0x0], $0xffff;
	[tilespmem:s15+$0xFFFFFFF0] =	vst v12;
	v21 =	vsel vm0, v27, v28;
	v8 =	vbroadcast v8, $0x0;
	v7 =	vshll.u32 v20, $0x3  }
0x3e: {  	v12 =	vld.idx.msk [tilespmem:v9+s3+$0x0], $0xffff;
	v9 =	vor.u32 v2, v22;
	v20 =	vor.u32 v2, v7;
	v7 =	vsel vm0, v23, v24  }
0x3f: {  	s16 =	simm.s32 $0x16860;
	v10 =	vor.u32 v4, v29;
	v16 =	vld.idx.msk [tilespmem:v26+s3+$0x0], $0xffff;
	v14 =	vor.u32 v3, v8;
	v7 =	vshll.u32 v7, $0x3  }
0x40: {  	s18 =	simm.s32 $0x20;
	s17 =	simm.s32 $0xC;
	v21 =	vshll.u32 v21, $0x3;
	[tilespmem:s16+$0x10] =	vst v13;
	v13 =	vld.idx.msk [tilespmem:v25+s3+$0x0], $0xffff;
	v8 =	vor.u32 v1, v30;
	v7 =	vor.u32 v2, v7  }
.LBB2_3:
0x41: {  	v22 =	vmov s18;
	s19 =	sadd.s32 $0x2, s18;
	s20 =	sadd.s32 $0x4, s18;
	s21 =	sadd.s32 $0x6, s18;
	v23 =	vld.idx.msk [tilespmem:v19+s10+$0x0], $0xffff;
	v21 =	vor.u32 v2, v21;
	v24 =	vsel vm0, v11, v15  }
0x42: {  	s17 =	sadd.s32 $0x4, s17;
	v27 =	vmovc v17;
	v11 =	vmov s19;
	v15 =	vmov s20;
	v28 =	vmov s21;
	v26 =	vld.idx.msk [tilespmem:v19+s11+$0x0], $0xffff  }
0x43: {  	p0 =	slt.u32 s17, $0x3C;
	v25 =	vmovc v18;
	v11 =	vshrl.u32 v11, $0x3;
	v15 =	vshrl.u32 v15, $0x3;
	v17 =	vshrl.u32 v28, $0x3;
	v20 =	vld.idx.msk [tilespmem:v20+s3+$0x0], $0xffff  }
0x44: {  	v18 =	vshrl.u32 v22, $0x3;
	v11 =	vshll.u32 v11, v0;
	v17 =	vshll.u32 v17, v0;
	v22 =	vld.idx.msk [tilespmem:v14+s10+$0x0], $0xffff;
	[tilespmem:s16+$0xFFFFFFF0] =	vst v16  }
0x45: {  	v16 =	vshll.u32 v18, v0;
	v15 =	vshll.u32 v15, v0;
	v17 =	vadd.s32 v6, v17;
	v28 =	vld.idx.msk [tilespmem:v14+s11+$0x0], $0xffff  }
0x46: {  	v14 =	vadd.s32 v6, v11;
	v15 =	vadd.s32 v6, v15;
	v17 =	vbroadcast v17, $0x0;
	v11 =	vld.idx.msk [tilespmem:v10+s10+$0x0], $0xffff;
	[tilespmem:s15+$0x0] =	vst v12  }
0x47: {  	v12 =	vadd.s32 v6, v16;
	v14 =	vbroadcast v14, $0x0;
	v16 =	vbroadcast v15, $0x0;
	v15 =	vld.idx.msk [tilespmem:v10+s11+$0x0], $0xffff;
	[tilespmem:s15+$0xFFFFFFE0] =	vst v13;
	s15 =	smov.u32 s16  }
.Ltmp0:
0x48: {  	v12 =	vbroadcast v12, $0x0;
	v13 =	vsel vm0, v23, v26;
	s16 =	sadd.s32 $0x40, s16;
	v19 =	vor.u32 v5, v17;
	v17 =	vld.idx.msk [tilespmem:v8+s10+$0x0], $0xffff;
	(pc) =	sbr.rel @p0 .LBB2_3-.Ltmp0, $4  }
0x49: {  	v14 =	vor.u32 v3, v14;
	v10 =	vor.u32 v4, v16;
	v13 =	vshll.u32 v13, $0x3;
	v18 =	vld.idx.msk [tilespmem:v8+s11+$0x0], $0xffff;
	[tilespmem:s16+$0x10] =	vst v20  }
0x4a: {  	v8 =	vor.u32 v1, v12;
	v20 =	vor.u32 v2, v13;
	v12 =	vsel vm0, v27, v25;
	v16 =	vld.idx.msk [tilespmem:v21+s3+$0x0], $0xffff  }
0x4b: {  	v23 =	vshll.u32 v24, $0x3;
	v13 =	vsel vm0, v22, v28;
	v22 =	vshll.u32 v12, $0x3;
	v12 =	vld.idx.msk [tilespmem:v9+s3+$0x0], $0xffff  }
0x4c: {  	s18 =	sadd.s32 $0x8, s18;
	v21 =	vshll.u32 v13, $0x3;
	v9 =	vor.u32 v2, v23;
	v13 =	vld.idx.msk [tilespmem:v7+s3+$0x0], $0xffff;
	v7 =	vor.u32 v2, v22  }
0x4d: {  	_ =	sdelay $0x3  }
0x4e: {  	v6 =	vld.idx.msk [tilespmem:v19+s10+$0x0], $0xffff  }
0x4f: {  	v55 =	vld.idx.msk [tilespmem:v19+s11+$0x0], $0xffff  }
0x50: {  	v22 =	vld.idx.msk [tilespmem:v14+s10+$0x0], $0xffff  }
0x51: {  	v56 =	vld.idx.msk [tilespmem:v14+s11+$0x0], $0xffff  }
0x52: {  	v23 =	vld.idx.msk [tilespmem:v10+s10+$0x0], $0xffff  }
0x53: {  	v57 =	vld.idx.msk [tilespmem:v10+s11+$0x0], $0xffff  }
0x54: {  	v24 =	vld.idx.msk [tilespmem:v8+s10+$0x0], $0xffff  }
0x55: {  	v58 =	vld.idx.msk [tilespmem:v8+s11+$0x0], $0xffff;
	v6 =	vsel vm0, v6, v55  }
0x56: {  	v21 =	vor.u32 v2, v21;
	v11 =	vsel vm0, v11, v15;
	v6 =	vshll.u32 v6, $0x3  }
0x57: {  	v59 =	vsel vm0, v17, v18;
	v11 =	vshll.u32 v11, $0x3;
	v6 =	vor.u32 v2, v6  }
0x58: {  	v60 =	vld.idx.msk [tilespmem:v20+s3+$0x0], $0xffff;
	v15 =	vshll.u32 v59, $0x3;
	v11 =	vor.u32 v2, v11;
	v14 =	vsel vm0, v22, v56  }
0x59: {  	v9 =	vld.idx.msk [tilespmem:v9+s3+$0x0], $0xffff;
	v15 =	vor.u32 v2, v15;
	v10 =	vsel vm0, v23, v57;
	v14 =	vshll.u32 v14, $0x3  }
0x5a: {  	v7 =	vld.idx.msk [tilespmem:v7+s3+$0x0], $0xffff;
	[tilespmem:s16+$0xFFFFFFF0] =	vst v16;
	v8 =	vsel vm0, v24, v58;
	v10 =	vshll.u32 v10, $0x3;
	v14 =	vor.u32 v2, v14  }
0x5b: {  	[tilespmem:s15+$0x0] =	vst v12;
	v61 =	vld.idx.msk [tilespmem:v21+s3+$0x0], $0xffff;
	v8 =	vshll.u32 v8, $0x3;
	v10 =	vor.u32 v2, v10  }
0x5c: {  	s29 =	sadd.s32 $0x40, s16;
	[tilespmem:s15+$0xFFFFFFE0] =	vst v13;
	v8 =	vor.u32 v2, v8;
	v6 =	vld.idx.msk [tilespmem:v6+s3+$0x0], $0xffff  }
0x5d: {  	[tilespmem:s29+$0x10] =	vst v60;
	v11 =	vld.idx.msk [tilespmem:v11+s3+$0x0], $0xffff  }
0x5e: {  	[tilespmem:s16+$0x0] =	vst v9;
	v62 =	vld.idx.msk [tilespmem:v15+s3+$0x0], $0xffff  }
0x5f: {  	[tilespmem:s16+$0xFFFFFFE0] =	vst v7;
	v63 =	vld.idx.msk [tilespmem:v14+s3+$0x0], $0xffff  }
0x60: {  	s30 =	sadd.s32 $0x40, s29;
	[tilespmem:s29+$0xFFFFFFF0] =	vst v61;
	v7 =	vld.idx.msk [tilespmem:v10+s3+$0x0], $0xffff  }
0x61: {  	[tilespmem:s30+$0x10] =	vst v6;
	v6 =	vld.idx.msk [tilespmem:v8+s3+$0x0], $0xffff  }
0x62: {  	[tilespmem:s29+$0x0] =	vst v11  }
0x63: {  	s31 =	sshll.u32 s14, $0xA;
	[tilespmem:s29+$0xFFFFFFE0] =	vst v62  }
0x64: {  	s14 =	sadd.s32 $0x1, s14;
	s15 =	sadd.s32 s7, s31;
	[tilespmem:s30+$0xFFFFFFF0] =	vst v63  }
0x65: {  	p0 =	sne.s32 s14, $0x28;
	s15 =	sshrl.u32 s15, $0x3;
	[tilespmem:s30+$0x0] =	vst v7  }
.Ltmp1:
0x66: {  	s15 =	sadd.s32 s2, s15;
	[tilespmem:s30+$0xFFFFFFE0] =	vst v6;
	(pc) =	sbr.rel @p0 .LBB2_2-.Ltmp1, $4  }
0x67: {  	[hbm4b:s15+s3] =	stream.linear.scatter [tilespmem:s12], [sflag:$0x1], $0x400, $0x38;
	[tilespmem:$0x16C00] =	vst v63  }
0x68: {  	_ =	swait.ge [sflag:s9], $0x400  }
0x69: {  	[sflag:s9] =	ssyncset.done $0x0  }
0x6a: {  	[sflag:s9] =	ssyncadd.s32 $0xFFFFFC00  }
0x6b: {  	s13 =	sadd.s32 $0x1, s13  }
0x6c: {  	p0 =	sne.s32 s13, s8  }
.Ltmp2:
0x6d: {  	_ = 	snop;
	(pc) =	sbr.rel @p0 .LBB2_1-.Ltmp2, $1  }
0x6e: {  	_ =	sdelay $0x3  }
0x6f: {  	_ =	sfence.sel $0x180000  }
0x70: {  	[bflag:$0x0] =	sbarrier.arrive $0xFFFF  }
0x71: {  	p0 =	sne.s32 s1, $0x0;
	_ =	strace $0x90000050  }
0x72: {  	s0 =	sadd.s32 @!p0 $0x100000, s0;
	[bflag:$0x2] =	sbarrier.arrive $0xFFFF  }
0x73: {  	[sflag:s0] =	ssyncadd.tile.s32 @!p0 $0x1;
	_ =	shalt  }
.Lfunc_end2:
_tile_overlayer_lowered:
.L_overlay_start_2:
0x74: {  	(tag) =	ssettag $0x2  }
0x75: {  	s0 =	rddreg [dreg:$0x0];
	s2 =	stileid.u32  }
0x76: {  	s1 =	rddreg [dreg:$0x1];
	p0 =	sne.s32 s2, $0x0  }
0x77: {  	s3 =	rddreg [dreg:$0x2];
	[bflag:$0x3] =	sbarrier.arrive $0xFFFF;
	s2 =	simm.s32 @!p0 $0x1C01  }
0x78: {  	[timem:s3], [sflag:s2] =	dma.local @!p0 [hbm:s0], s1  }
0x79: {  	s0 =	simm.s32 @!p0 $0x1  }
0x7a: {  	_ =	swait.ge @!p0 [sflag:s0], s1  }
0x7b: {  	s1 =	ssub.s32 @!p0 $0x0, s1;
	[sflag:s0] =	ssyncset.done @!p0 $0x0  }
0x7c: {  	[sflag:s0] =	ssyncadd.s32 @!p0 s1  }
0x7d: {  	[bflag:$0x3] =	sbarrier.arrive $0xFFFF  }
0x7e: {  	_ =	shalt  }

</sc_bundles>
